<compile_context>
chip_gen: v7x
topology: tpu7x:2x2x1
jax: 0.10.2.dev20260603
libtpu: 0.0.44.dev20260713+nightly
codegen_flags: <defaults>
</compile_context>

<pallas_src>
import functools

import jax
import jax.numpy as jnp
from jax import lax
from jax.experimental import pallas as pl
from jax.experimental.pallas import tpu as pltpu
from jax.experimental.pallas import tpu_sc as plsc

N = 1_000_000
B = 2048
PN = 1 << 20
PAD_NODES = PN - N
R = 8192
C = 512
RB = 512
NPR = 128
CLIP = 27.631021115928547



def _dense_body(p_ref, t_ref, tb_ref, f_ref, a_ref, err_ref, bs_ref, ms_ref,
                acc_ref):
    i = pl.program_id(0)
    p = p_ref[...]
    t = t_ref[...]
    f = f_ref[...].astype(jnp.float32)
    d = p - t
    err = f * d * d
    sel = (lax.broadcasted_iota(jnp.int32, (C, NPR), 0) // 4
           == lax.broadcasted_iota(jnp.int32, (C, NPR), 1)).astype(jnp.float32)
    err_ref[...] = lax.dot_general(err, sel, (((1,), (0,)), ((), ())),
                                   precision=lax.Precision.HIGHEST,
                                   preferred_element_type=jnp.float32)
    a = a_ref[...].astype(jnp.float32)
    tb = tb_ref[...]
    sp_abs = jnp.log(1.0 + jnp.exp(-jnp.abs(p)))
    sp_pos = jnp.maximum(p, 0.0) + sp_abs
    sp_neg = sp_pos - p
    bce = jnp.where(tb, jnp.minimum(sp_neg, CLIP), jnp.minimum(sp_pos, CLIP))
    bs = jnp.sum(bce * a)
    ms = jnp.sum(a)

    @pl.when(i == 0)
    def _zero():
        acc_ref[0] = 0.0
        acc_ref[1] = 0.0

    acc_ref[0] += bs
    acc_ref[1] += ms

    @pl.when(i == pl.num_programs(0) - 1)
    def _emit():
        bs_ref[...] = jnp.full((8, 128), acc_ref[0], jnp.float32)
        ms_ref[...] = jnp.full((8, 128), acc_ref[1], jnp.float32)


def _dense_call(p4, t4, tb4, f4, a4):
    grid = R // RB
    in_spec = pl.BlockSpec((RB, C), lambda i: (i, 0))
    return pl.pallas_call(
        _dense_body,
        grid=(grid,),
        in_specs=[in_spec] * 5,
        out_specs=[
            pl.BlockSpec((RB, NPR), lambda i: (i, 0)),
            pl.BlockSpec((8, 128), lambda i: (0, 0)),
            pl.BlockSpec((8, 128), lambda i: (0, 0)),
        ],
        out_shape=[
            jax.ShapeDtypeStruct((R, NPR), jnp.float32),
            jax.ShapeDtypeStruct((8, 128), jnp.float32),
            jax.ShapeDtypeStruct((8, 128), jnp.float32),
        ],
        scratch_shapes=[pltpu.SMEM((2,), jnp.float32)],
    )(p4, t4, tb4, f4, a4)



SC_TILES = 16
NPT = PN // SC_TILES
PZ = 8192
NPIECES = NPT // PZ
BPT = B // SC_TILES
ACCW = 17
AW = B * ACCW
FW = BPT * ACCW


def _seg_body(err_hbm, ids_hbm, zeros_hbm, initc_hbm, sb_hbm, mb_hbm,
              out_hbm, ebuf, ibuf, acc, cnt, sh, fin_a, fin_c,
              tmp_a, tmp_c, outb, sbv, mbv):
    wid = lax.axis_index("s")
    base = wid * NPT
    lane = lax.iota(jnp.int32, 16)
    ones = jnp.ones((16,), jnp.float32)

    pltpu.sync_copy(zeros_hbm, acc)

    @pl.when(wid == 0)
    def _init0():
        pltpu.sync_copy(initc_hbm, cnt)

    @pl.when(wid != 0)
    def _initn():
        pltpu.sync_copy(zeros_hbm, cnt)

    pltpu.sync_copy(sb_hbm, sbv)
    pltpu.sync_copy(mb_hbm, mbv)

    for pc in range(NPIECES):
        off = base + pc * PZ
        pltpu.sync_copy(err_hbm.at[pl.ds(off, PZ)], ebuf)
        pltpu.sync_copy(ids_hbm.at[pl.ds(off, PZ)], ibuf)

        def _step(v, carry):
            ev = ebuf[pl.ds(v * 16, 16)]
            iv = ibuf[pl.ds(v * 16, 16)]
            ix = iv * ACCW + lane
            plsc.addupdate_scatter(acc, [ix], ev)
            plsc.addupdate_scatter(cnt, [ix], ones)
            return carry

        lax.fori_loop(0, PZ // 16, _step, 0)

    off0 = wid * FW

    def _merge(src, fin, tmp):
        pltpu.sync_copy(src, sh.at[wid])
        plsc.subcore_barrier()
        pltpu.sync_copy(sh.at[0, pl.ds(off0, FW)], fin)
        for s in range(1, SC_TILES):
            pltpu.sync_copy(sh.at[s, pl.ds(off0, FW)], tmp)

            @plsc.parallel_loop(0, FW // 16, 1, unroll=4)
            def _addv(v):
                sl = pl.ds(v * 16, 16)
                fin[sl] = fin[sl] + tmp[sl]
        plsc.subcore_barrier()

    _merge(acc, fin_a, tmp_a)
    _merge(cnt, fin_c, tmp_c)

    sbce = sbv[...] / jnp.maximum(mbv[...], 1.0)
    for g in range(BPT // 16):
        rows = (g * 16 + lane) * ACCW
        sv = jnp.zeros((16,), jnp.float32)
        cv = jnp.zeros((16,), jnp.float32)
        for c in range(16):
            sv = sv + plsc.load_gather(fin_a, [rows + c])
            cv = cv + plsc.load_gather(fin_c, [rows + c])
        outb[pl.ds(g * 16, 16)] = sv / jnp.maximum(cv, 1.0) * (1.0 / 3.0) + sbce
    pltpu.sync_copy(outb, out_hbm.at[pl.ds(wid * BPT, BPT)])


def _seg_call(err_lin, ids_pad, zeros1d, initc1d, sb16, mb16):
    mesh = plsc.VectorSubcoreMesh(core_axis_name="c", subcore_axis_name="s",
                                  num_cores=1, num_subcores=SC_TILES)
    f = functools.partial(
        pl.kernel,
        out_type=jax.ShapeDtypeStruct((B,), jnp.float32),
        mesh=mesh,
        scratch_types=[
            pltpu.VMEM((PZ,), jnp.float32),
            pltpu.VMEM((PZ,), jnp.int32),
            pltpu.VMEM((AW,), jnp.float32),
            pltpu.VMEM((AW,), jnp.float32),
            pltpu.VMEM_SHARED((SC_TILES, AW), jnp.float32),
            pltpu.VMEM((FW,), jnp.float32),
            pltpu.VMEM((FW,), jnp.float32),
            pltpu.VMEM((FW,), jnp.float32),
            pltpu.VMEM((FW,), jnp.float32),
            pltpu.VMEM((BPT,), jnp.float32),
            pltpu.VMEM((16,), jnp.float32),
            pltpu.VMEM((16,), jnp.float32),
        ],
        compiler_params=pltpu.CompilerParams(use_tc_tiling_on_sc=False,
                                             needs_layout_passes=False),
    )(_seg_body)
    return f(err_lin, ids_pad, zeros1d, initc1d, sb16, mb16)




def _pack(x, dtype):
    xp = jnp.pad(x.astype(dtype), ((0, PAD_NODES), (0, 1)))
    return xp.reshape(R, C)


def kernel(pred_eps, true_eps, signs, free_mask, abs_mask, segment_ids):
    onef = (segment_ids[0] * 0 + 1).astype(jnp.float32)
    oneb = segment_ids[0] * 0 + 1 > 0
    p4 = _pack(pred_eps, jnp.float32) * onef
    t4 = _pack(true_eps, jnp.float32) * onef
    tb4 = jnp.logical_and(_pack(signs > 0, jnp.bool_), oneb)
    f4 = jnp.logical_and(_pack(free_mask, jnp.bool_), oneb)
    a4 = jnp.logical_and(_pack(abs_mask, jnp.bool_), oneb)

    err2d, bs2d, ms2d = _dense_call(p4, t4, tb4, f4, a4)
    err_lin = err2d.reshape(PN) * onef

    ids_pad = jnp.concatenate(
        [segment_ids.astype(jnp.int32), jnp.zeros((PAD_NODES,), jnp.int32)])
    zeros1d = jnp.zeros((AW,), jnp.float32)
    initc1d = zeros1d.at[0].set(-float(PAD_NODES))
    sb16 = jnp.broadcast_to(bs2d[0, 0], (16,))
    mb16 = jnp.broadcast_to(ms2d[0, 0], (16,))

    return _seg_call(err_lin, ids_pad, zeros1d, initc1d, sb16, mb16)

# --- scband reference (transcript-rebuilt; emitter-appended) ---
"""Pipeline reference for scband-en-equivariant-diffusion-model-58463094833588 (READ-ONLY COPY).

The authoritative reference and input builder live on the scoring server;
editing this copy changes nothing except your own understanding.
"""

import jax, jax.numpy as jnp
import numpy as np

N = 1_000_000
B = 2048

def setup_inputs(seed: int = 0) -> dict:
    key = jax.random.key(seed)
    ks = jax.random.split(key, 6)
    pred_eps = jax.random.normal(ks[0], (N, 3), dtype=jnp.float32)
    true_eps = jax.random.normal(ks[1], (N, 3), dtype=jnp.float32)
    signs = jax.random.bernoulli(ks[2], 0.5, (N, 3)).astype(jnp.float32) * 2.0 - 1.0
    free_mask = jax.random.bernoulli(ks[3], 0.5, (N, 3))
    abs_mask = jnp.logical_and(jnp.logical_not(free_mask), jax.random.bernoulli(ks[4], 0.5, (N, 3)))
    segment_ids = jnp.sort(jax.random.randint(ks[5], (N,), 0, B))
    return {
        'pred_eps': pred_eps,
        'true_eps': true_eps,
        'signs': signs,
        'free_mask': free_mask,
        'abs_mask': abs_mask,
        'segment_ids': segment_ids,
    }


def reference(pred_eps, true_eps, signs, free_mask, abs_mask, segment_ids):
    # noise_error with reduction='mean' (the segment-reduce core of the E(n) diffusion loss).
    # G.ndata['error'] = where(free_mask, (pred_eps - true_eps)^2, 0)
    err = jnp.where(free_mask, (pred_eps - true_eps) ** 2, 0.0)
    # dgl.mean_nodes(G, 'error') -> per-graph mean over nodes, shape [B, 3]
    seg_sum = jax.ops.segment_sum(err, segment_ids, num_segments=B)
    counts = jax.ops.segment_sum(jnp.ones((err.shape[0],), dtype=err.dtype), segment_ids, num_segments=B)
    mean_nodes = seg_sum / jnp.maximum(counts, 1.0)[:, None]
    # .mean(dim=-1) -> shape [B]
    error = mean_nodes.mean(axis=-1)
    # sign BCE over entries selected by abs_mask, reduction='mean'
    p = jax.nn.sigmoid(pred_eps)
    t01 = (signs + 1.0) / 2.0
    eps_c = 1e-12
    bce = -(t01 * jnp.log(jnp.clip(p, eps_c, 1.0)) + (1.0 - t01) * jnp.log(jnp.clip(1.0 - p, eps_c, 1.0)))
    m = abs_mask.astype(pred_eps.dtype)
    sign_bce = jnp.sum(bce * m) / jnp.maximum(jnp.sum(m), 1.0)
    return error + sign_bce

if __name__ == "__main__":
    import jax
    _d = setup_inputs()
    print(jax.jit(kernel)(*tuple(_d.values())))

</pallas_src>

<mosaic_0001>
#map = affine_map<(d0, d1) -> (0)>
module attributes {stable_mosaic.version = 14 : i64} {
  func.func @_seg_body(%arg0: i32, %arg1: i32, %arg2: memref<1048576xf32, #tpu.memory_space<hbm>>, %arg3: memref<1048576xi32, #tpu.memory_space<hbm>>, %arg4: memref<34816xf32, #tpu.memory_space<hbm>>, %arg5: memref<34816xf32, #tpu.memory_space<hbm>>, %arg6: memref<16xf32, #tpu.memory_space<hbm>>, %arg7: memref<16xf32, #tpu.memory_space<hbm>>, %arg8: memref<2048xf32, #tpu.memory_space<hbm>>, %arg9: memref<8192xf32, #tpu.memory_space<vmem>>, %arg10: memref<8192xi32, #tpu.memory_space<vmem>>, %arg11: memref<34816xf32, #tpu.memory_space<vmem>>, %arg12: memref<34816xf32, #tpu.memory_space<vmem>>, %arg13: memref<16x34816xf32, #tpu.memory_space<vmem_shared>>, %arg14: memref<2176xf32, #tpu.memory_space<vmem>>, %arg15: memref<2176xf32, #tpu.memory_space<vmem>>, %arg16: memref<2176xf32, #tpu.memory_space<vmem>>, %arg17: memref<2176xf32, #tpu.memory_space<vmem>>, %arg18: memref<128xf32, #tpu.memory_space<vmem>>, %arg19: memref<16xf32, #tpu.memory_space<vmem>>, %arg20: memref<16xf32, #tpu.memory_space<vmem>>) attributes {dimension_semantics = [#tpu.dimension_semantics<core_parallel>, #tpu.dimension_semantics<subcore_parallel>], iteration_bounds = array<i64: 1, 16>, scalar_prefetch = 0 : i64, scratch_operands = 12 : i64, tpu.core_type = #tpu.core_type<sc_vector_subcore>, window_params = [{transform_indices = #map}, {transform_indices = #map}, {transform_indices = #map}, {transform_indices = #map}, {transform_indices = #map}, {transform_indices = #map}, {transform_indices = #map}]} {
    %mul3A = arith.constant 65536 : i32
    %mul3A_0 = arith.muli %arg1, %mul3A : i32
    %iota3A = tpu.iota {dimensions = array<i32: 0>} : vector<16xi32>
    %broadcast_in_dim3A = arith.constant 1.000000e+00 : f32
    %broadcast_in_dim3A_1 = vector.broadcast %broadcast_in_dim3A : f32 to vector<16xf32>
    "tpu.region"() ({
      %run_scoped3A_1640 = tpu.sem_alloc : memref<!tpu.dma_semaphore, #tpu.memory_space<semaphore_mem>>
      tpu.enqueue_dma source(%arg4 : memref<34816xf32, #tpu.memory_space<hbm>>) target(%arg11 : memref<34816xf32, #tpu.memory_space<vmem>>) target_semaphore(%run_scoped3A_1640 : memref<!tpu.dma_semaphore, #tpu.memory_space<semaphore_mem>>)
      tpu.wait_dma2 semaphore(%run_scoped3A_1640 : memref<!tpu.dma_semaphore, #tpu.memory_space<semaphore_mem>>) src(%arg4 : memref<34816xf32, #tpu.memory_space<hbm>>) dst(%arg11 : memref<34816xf32, #tpu.memory_space<vmem>>)
      tpu.yield
    }) : () -> ()
    %eq3A = arith.constant 0 : i32
    %eq3A_2 = arith.cmpi eq, %arg1, %eq3A : i32
    %convert_element_type3A = arith.extui %eq3A_2 : i1 to i32
    %cond3A = arith.constant 0 : i32
    %cond3A_3 = arith.cmpi ne, %convert_element_type3A, %cond3A : i32
    scf.if %cond3A_3 {
      "tpu.region"() ({
        %run_scoped3A_1640 = tpu.sem_alloc : memref<!tpu.dma_semaphore, #tpu.memory_space<semaphore_mem>>
        tpu.enqueue_dma source(%arg5 : memref<34816xf32, #tpu.memory_space<hbm>>) target(%arg12 : memref<34816xf32, #tpu.memory_space<vmem>>) target_semaphore(%run_scoped3A_1640 : memref<!tpu.dma_semaphore, #tpu.memory_space<semaphore_mem>>)
        tpu.wait_dma2 semaphore(%run_scoped3A_1640 : memref<!tpu.dma_semaphore, #tpu.memory_space<semaphore_mem>>) src(%arg5 : memref<34816xf32, #tpu.memory_space<hbm>>) dst(%arg12 : memref<34816xf32, #tpu.memory_space<vmem>>)
        tpu.yield
      }) : () -> ()
    } else {
    }
    %ne3A = arith.constant 0 : i32
    %ne3A_4 = arith.cmpi ne, %arg1, %ne3A : i32
    %convert_element_type3A_5 = arith.extui %ne3A_4 : i1 to i32
    %cond3A_6 = arith.constant 0 : i32
    %cond3A_7 = arith.cmpi ne, %convert_element_type3A_5, %cond3A_6 : i32
    scf.if %cond3A_7 {
      "tpu.region"() ({
        %run_scoped3A_1640 = tpu.sem_alloc : memref<!tpu.dma_semaphore, #tpu.memory_space<semaphore_mem>>
        tpu.enqueue_dma source(%arg4 : memref<34816xf32, #tpu.memory_space<hbm>>) target(%arg12 : memref<34816xf32, #tpu.memory_space<vmem>>) target_semaphore(%run_scoped3A_1640 : memref<!tpu.dma_semaphore, #tpu.memory_space<semaphore_mem>>)
        tpu.wait_dma2 semaphore(%run_scoped3A_1640 : memref<!tpu.dma_semaphore, #tpu.memory_space<semaphore_mem>>) src(%arg4 : memref<34816xf32, #tpu.memory_space<hbm>>) dst(%arg12 : memref<34816xf32, #tpu.memory_space<vmem>>)
        tpu.yield
      }) : () -> ()
    } else {
    }
    "tpu.region"() ({
      %run_scoped3A_1640 = tpu.sem_alloc : memref<!tpu.dma_semaphore, #tpu.memory_space<semaphore_mem>>
      tpu.enqueue_dma source(%arg6 : memref<16xf32, #tpu.memory_space<hbm>>) target(%arg19 : memref<16xf32, #tpu.memory_space<vmem>>) target_semaphore(%run_scoped3A_1640 : memref<!tpu.dma_semaphore, #tpu.memory_space<semaphore_mem>>)
      tpu.wait_dma2 semaphore(%run_scoped3A_1640 : memref<!tpu.dma_semaphore, #tpu.memory_space<semaphore_mem>>) src(%arg6 : memref<16xf32, #tpu.memory_space<hbm>>) dst(%arg19 : memref<16xf32, #tpu.memory_space<vmem>>)
      tpu.yield
    }) : () -> ()
    "tpu.region"() ({
      %run_scoped3A_1640 = tpu.sem_alloc : memref<!tpu.dma_semaphore, #tpu.memory_space<semaphore_mem>>
      tpu.enqueue_dma source(%arg7 : memref<16xf32, #tpu.memory_space<hbm>>) target(%arg20 : memref<16xf32, #tpu.memory_space<vmem>>) target_semaphore(%run_scoped3A_1640 : memref<!tpu.dma_semaphore, #tpu.memory_space<semaphore_mem>>)
      tpu.wait_dma2 semaphore(%run_scoped3A_1640 : memref<!tpu.dma_semaphore, #tpu.memory_space<semaphore_mem>>) src(%arg7 : memref<16xf32, #tpu.memory_space<hbm>>) dst(%arg20 : memref<16xf32, #tpu.memory_space<vmem>>)
      tpu.yield
    }) : () -> ()
    %add3A = arith.constant 0 : i32
    %add3A_8 = arith.addi %mul3A_0, %add3A : i32
    "tpu.region"() ({
      %run_scoped3A_1640 = tpu.sem_alloc : memref<!tpu.dma_semaphore, #tpu.memory_space<semaphore_mem>>
      %dma_start3A = tpu.memref_slice %arg2[%add3A_8] : memref<1048576xf32, #tpu.memory_space<hbm>> -> memref<8192xf32, #tpu.memory_space<hbm>>
      %dma_start3A_1641 = tpu.memref_slice %arg2[%add3A_8] : memref<1048576xf32, #tpu.memory_space<hbm>> -> memref<8192xf32, #tpu.memory_space<hbm>>
      tpu.enqueue_dma source(%dma_start3A_1641 : memref<8192xf32, #tpu.memory_space<hbm>>) target(%arg9 : memref<8192xf32, #tpu.memory_space<vmem>>) target_semaphore(%run_scoped3A_1640 : memref<!tpu.dma_semaphore, #tpu.memory_space<semaphore_mem>>)
      %dma_wait3A = tpu.memref_slice %arg2[%add3A_8] : memref<1048576xf32, #tpu.memory_space<hbm>> -> memref<8192xf32, #tpu.memory_space<hbm>>
      %dma_wait3A_1642 = tpu.memref_slice %arg2[%add3A_8] : memref<1048576xf32, #tpu.memory_space<hbm>> -> memref<8192xf32, #tpu.memory_space<hbm>>
      tpu.wait_dma2 semaphore(%run_scoped3A_1640 : memref<!tpu.dma_semaphore, #tpu.memory_space<semaphore_mem>>) src(%dma_wait3A_1642 : memref<8192xf32, #tpu.memory_space<hbm>>) dst(%arg9 : memref<8192xf32, #tpu.memory_space<vmem>>)
      tpu.yield
    }) : () -> ()
    "tpu.region"() ({
      %run_scoped3A_1640 = tpu.sem_alloc : memref<!tpu.dma_semaphore, #tpu.memory_space<semaphore_mem>>
      %dma_start3A = tpu.memref_slice %arg3[%add3A_8] : memref<1048576xi32, #tpu.memory_space<hbm>> -> memref<8192xi32, #tpu.memory_space<hbm>>
      %dma_start3A_1641 = tpu.memref_slice %arg3[%add3A_8] : memref<1048576xi32, #tpu.memory_space<hbm>> -> memref<8192xi32, #tpu.memory_space<hbm>>
      tpu.enqueue_dma source(%dma_start3A_1641 : memref<8192xi32, #tpu.memory_space<hbm>>) target(%arg10 : memref<8192xi32, #tpu.memory_space<vmem>>) target_semaphore(%run_scoped3A_1640 : memref<!tpu.dma_semaphore, #tpu.memory_space<semaphore_mem>>)
      %dma_wait3A = tpu.memref_slice %arg3[%add3A_8] : memref<1048576xi32, #tpu.memory_space<hbm>> -> memref<8192xi32, #tpu.memory_space<hbm>>
      %dma_wait3A_1642 = tpu.memref_slice %arg3[%add3A_8] : memref<1048576xi32, #tpu.memory_space<hbm>> -> memref<8192xi32, #tpu.memory_space<hbm>>
      tpu.wait_dma2 semaphore(%run_scoped3A_1640 : memref<!tpu.dma_semaphore, #tpu.memory_space<semaphore_mem>>) src(%dma_wait3A_1642 : memref<8192xi32, #tpu.memory_space<hbm>>) dst(%arg10 : memref<8192xi32, #tpu.memory_space<vmem>>)
      tpu.yield
    }) : () -> ()
    %scan3A = arith.constant 0 : i32
    %scan3A_9 = arith.constant 0 : i32
    %scan3A_10 = arith.constant 512 : i32
    %scan3A_11 = arith.addi %scan3A_9, %scan3A_10 : i32
    %scan3A_12 = arith.constant 1 : i32
    scf.for %scan3A_1640 = %scan3A_9 to %scan3A_11 step %scan3A_12  : i32 {
      %mul3A_1641 = arith.constant 16 : i32
      %mul3A_1642 = arith.muli %scan3A_1640, %mul3A_1641 : i32
      %get3A_1643 = arith.index_cast %mul3A_1642 : i32 to index
      %get3A_1644 = tpu.vector_load %arg9[%get3A_1643] {strides = array<i32>} : memref<8192xf32, #tpu.memory_space<vmem>>, vector<16xf32>,
      %mul3A_1645 = arith.constant 16 : i32
      %mul3A_1646 = arith.muli %scan3A_1640, %mul3A_1645 : i32
      %get3A_1647 = arith.index_cast %mul3A_1646 : i32 to index
      %get3A_1648 = tpu.vector_load %arg10[%get3A_1647] {strides = array<i32>} : memref<8192xi32, #tpu.memory_space<vmem>>, vector<16xi32>,
      %mul3A_1649 = arith.constant 17 : i32
      %mul3A_1650 = vector.broadcast %mul3A_1649 : i32 to vector<16xi32>
      %mul3A_1651 = arith.muli %get3A_1648, %mul3A_1650 : vector<16xi32>
      %add3A_1652 = arith.addi %mul3A_1651, %iota3A : vector<16xi32>
      tpu.vector_store_idx %arg11[%add3A_1652], %get3A_1644 {add = true} : memref<34816xf32, #tpu.memory_space<vmem>>[vector<16xi32>], vector<16xf32>,
      tpu.vector_store_idx %arg12[%add3A_1652], %broadcast_in_dim3A_1 {add = true} : memref<34816xf32, #tpu.memory_space<vmem>>[vector<16xi32>], vector<16xf32>,
    }
    %scan3A_13 = arith.constant 512 : i32
    %add3A_14 = arith.constant 8192 : i32
    %add3A_15 = arith.addi %mul3A_0, %add3A_14 : i32
    "tpu.region"() ({
      %run_scoped3A_1640 = tpu.sem_alloc : memref<!tpu.dma_semaphore, #tpu.memory_space<semaphore_mem>>
      %dma_start3A = tpu.memref_slice %arg2[%add3A_15] : memref<1048576xf32, #tpu.memory_space<hbm>> -> memref<8192xf32, #tpu.memory_space<hbm>>
      %dma_start3A_1641 = tpu.memref_slice %arg2[%add3A_15] : memref<1048576xf32, #tpu.memory_space<hbm>> -> memref<8192xf32, #tpu.memory_space<hbm>>
      tpu.enqueue_dma source(%dma_start3A_1641 : memref<8192xf32, #tpu.memory_space<hbm>>) target(%arg9 : memref<8192xf32, #tpu.memory_space<vmem>>) target_semaphore(%run_scoped3A_1640 : memref<!tpu.dma_semaphore, #tpu.memory_space<semaphore_mem>>)
      %dma_wait3A = tpu.memref_slice %arg2[%add3A_15] : memref<1048576xf32, #tpu.memory_space<hbm>> -> memref<8192xf32, #tpu.memory_space<hbm>>
      %dma_wait3A_1642 = tpu.memref_slice %arg2[%add3A_15] : memref<1048576xf32, #tpu.memory_space<hbm>> -> memref<8192xf32, #tpu.memory_space<hbm>>
      tpu.wait_dma2 semaphore(%run_scoped3A_1640 : memref<!tpu.dma_semaphore, #tpu.memory_space<semaphore_mem>>) src(%dma_wait3A_1642 : memref<8192xf32, #tpu.memory_space<hbm>>) dst(%arg9 : memref<8192xf32, #tpu.memory_space<vmem>>)
      tpu.yield
    }) : () -> ()
    "tpu.region"() ({
      %run_scoped3A_1640 = tpu.sem_alloc : memref<!tpu.dma_semaphore, #tpu.memory_space<semaphore_mem>>
      %dma_start3A = tpu.memref_slice %arg3[%add3A_15] : memref<1048576xi32, #tpu.memory_space<hbm>> -> memref<8192xi32, #tpu.memory_space<hbm>>
      %dma_start3A_1641 = tpu.memref_slice %arg3[%add3A_15] : memref<1048576xi32, #tpu.memory_space<hbm>> -> memref<8192xi32, #tpu.memory_space<hbm>>
      tpu.enqueue_dma source(%dma_start3A_1641 : memref<8192xi32, #tpu.memory_space<hbm>>) target(%arg10 : memref<8192xi32, #tpu.memory_space<vmem>>) target_semaphore(%run_scoped3A_1640 : memref<!tpu.dma_semaphore, #tpu.memory_space<semaphore_mem>>)
      %dma_wait3A = tpu.memref_slice %arg3[%add3A_15] : memref<1048576xi32, #tpu.memory_space<hbm>> -> memref<8192xi32, #tpu.memory_space<hbm>>
      %dma_wait3A_1642 = tpu.memref_slice %arg3[%add3A_15] : memref<1048576xi32, #tpu.memory_space<hbm>> -> memref<8192xi32, #tpu.memory_space<hbm>>
      tpu.wait_dma2 semaphore(%run_scoped3A_1640 : memref<!tpu.dma_semaphore, #tpu.memory_space<semaphore_mem>>) src(%dma_wait3A_1642 : memref<8192xi32, #tpu.memory_space<hbm>>) dst(%arg10 : memref<8192xi32, #tpu.memory_space<vmem>>)
      tpu.yield
    }) : () -> ()
    %scan3A_16 = arith.constant 0 : i32
    %scan3A_17 = arith.constant 0 : i32
    %scan3A_18 = arith.constant 512 : i32
    %scan3A_19 = arith.addi %scan3A_17, %scan3A_18 : i32
    %scan3A_20 = arith.constant 1 : i32
    scf.for %scan3A_1640 = %scan3A_17 to %scan3A_19 step %scan3A_20  : i32 {
      %mul3A_1641 = arith.constant 16 : i32
      %mul3A_1642 = arith.muli %scan3A_1640, %mul3A_1641 : i32
      %get3A_1643 = arith.index_cast %mul3A_1642 : i32 to index
      %get3A_1644 = tpu.vector_load %arg9[%get3A_1643] {strides = array<i32>} : memref<8192xf32, #tpu.memory_space<vmem>>, vector<16xf32>,
      %mul3A_1645 = arith.constant 16 : i32
      %mul3A_1646 = arith.muli %scan3A_1640, %mul3A_1645 : i32
      %get3A_1647 = arith.index_cast %mul3A_1646 : i32 to index
      %get3A_1648 = tpu.vector_load %arg10[%get3A_1647] {strides = array<i32>} : memref<8192xi32, #tpu.memory_space<vmem>>, vector<16xi32>,
      %mul3A_1649 = arith.constant 17 : i32
      %mul3A_1650 = vector.broadcast %mul3A_1649 : i32 to vector<16xi32>
      %mul3A_1651 = arith.muli %get3A_1648, %mul3A_1650 : vector<16xi32>
      %add3A_1652 = arith.addi %mul3A_1651, %iota3A : vector<16xi32>
      tpu.vector_store_idx %arg11[%add3A_1652], %get3A_1644 {add = true} : memref<34816xf32, #tpu.memory_space<vmem>>[vector<16xi32>], vector<16xf32>,
      tpu.vector_store_idx %arg12[%add3A_1652], %broadcast_in_dim3A_1 {add = true} : memref<34816xf32, #tpu.memory_space<vmem>>[vector<16xi32>], vector<16xf32>,
    }
    %scan3A_21 = arith.constant 512 : i32
    %add3A_22 = arith.constant 16384 : i32
    %add3A_23 = arith.addi %mul3A_0, %add3A_22 : i32
    "tpu.region"() ({
      %run_scoped3A_1640 = tpu.sem_alloc : memref<!tpu.dma_semaphore, #tpu.memory_space<semaphore_mem>>
      %dma_start3A = tpu.memref_slice %arg2[%add3A_23] : memref<1048576xf32, #tpu.memory_space<hbm>> -> memref<8192xf32, #tpu.memory_space<hbm>>
      %dma_start3A_1641 = tpu.memref_slice %arg2[%add3A_23] : memref<1048576xf32, #tpu.memory_space<hbm>> -> memref<8192xf32, #tpu.memory_space<hbm>>
      tpu.enqueue_dma source(%dma_start3A_1641 : memref<8192xf32, #tpu.memory_space<hbm>>) target(%arg9 : memref<8192xf32, #tpu.memory_space<vmem>>) target_semaphore(%run_scoped3A_1640 : memref<!tpu.dma_semaphore, #tpu.memory_space<semaphore_mem>>)
      %dma_wait3A = tpu.memref_slice %arg2[%add3A_23] : memref<1048576xf32, #tpu.memory_space<hbm>> -> memref<8192xf32, #tpu.memory_space<hbm>>
      %dma_wait3A_1642 = tpu.memref_slice %arg2[%add3A_23] : memref<1048576xf32, #tpu.memory_space<hbm>> -> memref<8192xf32, #tpu.memory_space<hbm>>
      tpu.wait_dma2 semaphore(%run_scoped3A_1640 : memref<!tpu.dma_semaphore, #tpu.memory_space<semaphore_mem>>) src(%dma_wait3A_1642 : memref<8192xf32, #tpu.memory_space<hbm>>) dst(%arg9 : memref<8192xf32, #tpu.memory_space<vmem>>)
      tpu.yield
    }) : () -> ()
    "tpu.region"() ({
      %run_scoped3A_1640 = tpu.sem_alloc : memref<!tpu.dma_semaphore, #tpu.memory_space<semaphore_mem>>
      %dma_start3A = tpu.memref_slice %arg3[%add3A_23] : memref<1048576xi32, #tpu.memory_space<hbm>> -> memref<8192xi32, #tpu.memory_space<hbm>>
      %dma_start3A_1641 = tpu.memref_slice %arg3[%add3A_23] : memref<1048576xi32, #tpu.memory_space<hbm>> -> memref<8192xi32, #tpu.memory_space<hbm>>
      tpu.enqueue_dma source(%dma_start3A_1641 : memref<8192xi32, #tpu.memory_space<hbm>>) target(%arg10 : memref<8192xi32, #tpu.memory_space<vmem>>) target_semaphore(%run_scoped3A_1640 : memref<!tpu.dma_semaphore, #tpu.memory_space<semaphore_mem>>)
      %dma_wait3A = tpu.memref_slice %arg3[%add3A_23] : memref<1048576xi32, #tpu.memory_space<hbm>> -> memref<8192xi32, #tpu.memory_space<hbm>>
      %dma_wait3A_1642 = tpu.memref_slice %arg3[%add3A_23] : memref<1048576xi32, #tpu.memory_space<hbm>> -> memref<8192xi32, #tpu.memory_space<hbm>>
      tpu.wait_dma2 semaphore(%run_scoped3A_1640 : memref<!tpu.dma_semaphore, #tpu.memory_space<semaphore_mem>>) src(%dma_wait3A_1642 : memref<8192xi32, #tpu.memory_space<hbm>>) dst(%arg10 : memref<8192xi32, #tpu.memory_space<vmem>>)
      tpu.yield
    }) : () -> ()
    %scan3A_24 = arith.constant 0 : i32
    %scan3A_25 = arith.constant 0 : i32
    %scan3A_26 = arith.constant 512 : i32
    %scan3A_27 = arith.addi %scan3A_25, %scan3A_26 : i32
    %scan3A_28 = arith.constant 1 : i32
    scf.for %scan3A_1640 = %scan3A_25 to %scan3A_27 step %scan3A_28  : i32 {
      %mul3A_1641 = arith.constant 16 : i32
      %mul3A_1642 = arith.muli %scan3A_1640, %mul3A_1641 : i32
      %get3A_1643 = arith.index_cast %mul3A_1642 : i32 to index
      %get3A_1644 = tpu.vector_load %arg9[%get3A_1643] {strides = array<i32>} : memref<8192xf32, #tpu.memory_space<vmem>>, vector<16xf32>,
      %mul3A_1645 = arith.constant 16 : i32
      %mul3A_1646 = arith.muli %scan3A_1640, %mul3A_1645 : i32
      %get3A_1647 = arith.index_cast %mul3A_1646 : i32 to index
      %get3A_1648 = tpu.vector_load %arg10[%get3A_1647] {strides = array<i32>} : memref<8192xi32, #tpu.memory_space<vmem>>, vector<16xi32>,
      %mul3A_1649 = arith.constant 17 : i32
      %mul3A_1650 = vector.broadcast %mul3A_1649 : i32 to vector<16xi32>
      %mul3A_1651 = arith.muli %get3A_1648, %mul3A_1650 : vector<16xi32>
      %add3A_1652 = arith.addi %mul3A_1651, %iota3A : vector<16xi32>
      tpu.vector_store_idx %arg11[%add3A_1652], %get3A_1644 {add = true} : memref<34816xf32, #tpu.memory_space<vmem>>[vector<16xi32>], vector<16xf32>,
      tpu.vector_store_idx %arg12[%add3A_1652], %broadcast_in_dim3A_1 {add = true} : memref<34816xf32, #tpu.memory_space<vmem>>[vector<16xi32>], vector<16xf32>,
    }
    %scan3A_29 = arith.constant 512 : i32
    %add3A_30 = arith.constant 24576 : i32
    %add3A_31 = arith.addi %mul3A_0, %add3A_30 : i32
    "tpu.region"() ({
      %run_scoped3A_1640 = tpu.sem_alloc : memref<!tpu.dma_semaphore, #tpu.memory_space<semaphore_mem>>
      %dma_start3A = tpu.memref_slice %arg2[%add3A_31] : memref<1048576xf32, #tpu.memory_space<hbm>> -> memref<8192xf32, #tpu.memory_space<hbm>>
      %dma_start3A_1641 = tpu.memref_slice %arg2[%add3A_31] : memref<1048576xf32, #tpu.memory_space<hbm>> -> memref<8192xf32, #tpu.memory_space<hbm>>
      tpu.enqueue_dma source(%dma_start3A_1641 : memref<8192xf32, #tpu.memory_space<hbm>>) target(%arg9 : memref<8192xf32, #tpu.memory_space<vmem>>) target_semaphore(%run_scoped3A_1640 : memref<!tpu.dma_semaphore, #tpu.memory_space<semaphore_mem>>)
      %dma_wait3A = tpu.memref_slice %arg2[%add3A_31] : memref<1048576xf32, #tpu.memory_space<hbm>> -> memref<8192xf32, #tpu.memory_space<hbm>>
      %dma_wait3A_1642 = tpu.memref_slice %arg2[%add3A_31] : memref<1048576xf32, #tpu.memory_space<hbm>> -> memref<8192xf32, #tpu.memory_space<hbm>>
      tpu.wait_dma2 semaphore(%run_scoped3A_1640 : memref<!tpu.dma_semaphore, #tpu.memory_space<semaphore_mem>>) src(%dma_wait3A_1642 : memref<8192xf32, #tpu.memory_space<hbm>>) dst(%arg9 : memref<8192xf32, #tpu.memory_space<vmem>>)
      tpu.yield
    }) : () -> ()
    "tpu.region"() ({
      %run_scoped3A_1640 = tpu.sem_alloc : memref<!tpu.dma_semaphore, #tpu.memory_space<semaphore_mem>>
      %dma_start3A = tpu.memref_slice %arg3[%add3A_31] : memref<1048576xi32, #tpu.memory_space<hbm>> -> memref<8192xi32, #tpu.memory_space<hbm>>
      %dma_start3A_1641 = tpu.memref_slice %arg3[%add3A_31] : memref<1048576xi32, #tpu.memory_space<hbm>> -> memref<8192xi32, #tpu.memory_space<hbm>>
      tpu.enqueue_dma source(%dma_start3A_1641 : memref<8192xi32, #tpu.memory_space<hbm>>) target(%arg10 : memref<8192xi32, #tpu.memory_space<vmem>>) target_semaphore(%run_scoped3A_1640 : memref<!tpu.dma_semaphore, #tpu.memory_space<semaphore_mem>>)
      %dma_wait3A = tpu.memref_slice %arg3[%add3A_31] : memref<1048576xi32, #tpu.memory_space<hbm>> -> memref<8192xi32, #tpu.memory_space<hbm>>
      %dma_wait3A_1642 = tpu.memref_slice %arg3[%add3A_31] : memref<1048576xi32, #tpu.memory_space<hbm>> -> memref<8192xi32, #tpu.memory_space<hbm>>
      tpu.wait_dma2 semaphore(%run_scoped3A_1640 : memref<!tpu.dma_semaphore, #tpu.memory_space<semaphore_mem>>) src(%dma_wait3A_1642 : memref<8192xi32, #tpu.memory_space<hbm>>) dst(%arg10 : memref<8192xi32, #tpu.memory_space<vmem>>)
      tpu.yield
    }) : () -> ()
    %scan3A_32 = arith.constant 0 : i32
    %scan3A_33 = arith.constant 0 : i32
    %scan3A_34 = arith.constant 512 : i32
    %scan3A_35 = arith.addi %scan3A_33, %scan3A_34 : i32
    %scan3A_36 = arith.constant 1 : i32
    scf.for %scan3A_1640 = %scan3A_33 to %scan3A_35 step %scan3A_36  : i32 {
      %mul3A_1641 = arith.constant 16 : i32
      %mul3A_1642 = arith.muli %scan3A_1640, %mul3A_1641 : i32
      %get3A_1643 = arith.index_cast %mul3A_1642 : i32 to index
      %get3A_1644 = tpu.vector_load %arg9[%get3A_1643] {strides = array<i32>} : memref<8192xf32, #tpu.memory_space<vmem>>, vector<16xf32>,
      %mul3A_1645 = arith.constant 16 : i32
      %mul3A_1646 = arith.muli %scan3A_1640, %mul3A_1645 : i32
      %get3A_1647 = arith.index_cast %mul3A_1646 : i32 to index
      %get3A_1648 = tpu.vector_load %arg10[%get3A_1647] {strides = array<i32>} : memref<8192xi32, #tpu.memory_space<vmem>>, vector<16xi32>,
      %mul3A_1649 = arith.constant 17 : i32
      %mul3A_1650 = vector.broadcast %mul3A_1649 : i32 to vector<16xi32>
      %mul3A_1651 = arith.muli %get3A_1648, %mul3A_1650 : vector<16xi32>
      %add3A_1652 = arith.addi %mul3A_1651, %iota3A : vector<16xi32>
      tpu.vector_store_idx %arg11[%add3A_1652], %get3A_1644 {add = true} : memref<34816xf32, #tpu.memory_space<vmem>>[vector<16xi32>], vector<16xf32>,
      tpu.vector_store_idx %arg12[%add3A_1652], %broadcast_in_dim3A_1 {add = true} : memref<34816xf32, #tpu.memory_space<vmem>>[vector<16xi32>], vector<16xf32>,
    }
    %scan3A_37 = arith.constant 512 : i32
    %add3A_38 = arith.constant 32768 : i32
    %add3A_39 = arith.addi %mul3A_0, %add3A_38 : i32
    "tpu.region"() ({
      %run_scoped3A_1640 = tpu.sem_alloc : memref<!tpu.dma_semaphore, #tpu.memory_space<semaphore_mem>>
      %dma_start3A = tpu.memref_slice %arg2[%add3A_39] : memref<1048576xf32, #tpu.memory_space<hbm>> -> memref<8192xf32, #tpu.memory_space<hbm>>
      %dma_start3A_1641 = tpu.memref_slice %arg2[%add3A_39] : memref<1048576xf32, #tpu.memory_space<hbm>> -> memref<8192xf32, #tpu.memory_space<hbm>>
      tpu.enqueue_dma source(%dma_start3A_1641 : memref<8192xf32, #tpu.memory_space<hbm>>) target(%arg9 : memref<8192xf32, #tpu.memory_space<vmem>>) target_semaphore(%run_scoped3A_1640 : memref<!tpu.dma_semaphore, #tpu.memory_space<semaphore_mem>>)
      %dma_wait3A = tpu.memref_slice %arg2[%add3A_39] : memref<1048576xf32, #tpu.memory_space<hbm>> -> memref<8192xf32, #tpu.memory_space<hbm>>
      %dma_wait3A_1642 = tpu.memref_slice %arg2[%add3A_39] : memref<1048576xf32, #tpu.memory_space<hbm>> -> memref<8192xf32, #tpu.memory_space<hbm>>
      tpu.wait_dma2 semaphore(%run_scoped3A_1640 : memref<!tpu.dma_semaphore, #tpu.memory_space<semaphore_mem>>) src(%dma_wait3A_1642 : memref<8192xf32, #tpu.memory_space<hbm>>) dst(%arg9 : memref<8192xf32, #tpu.memory_space<vmem>>)
      tpu.yield
    }) : () -> ()
    "tpu.region"() ({
      %run_scoped3A_1640 = tpu.sem_alloc : memref<!tpu.dma_semaphore, #tpu.memory_space<semaphore_mem>>
      %dma_start3A = tpu.memref_slice %arg3[%add3A_39] : memref<1048576xi32, #tpu.memory_space<hbm>> -> memref<8192xi32, #tpu.memory_space<hbm>>
      %dma_start3A_1641 = tpu.memref_slice %arg3[%add3A_39] : memref<1048576xi32, #tpu.memory_space<hbm>> -> memref<8192xi32, #tpu.memory_space<hbm>>
      tpu.enqueue_dma source(%dma_start3A_1641 : memref<8192xi32, #tpu.memory_space<hbm>>) target(%arg10 : memref<8192xi32, #tpu.memory_space<vmem>>) target_semaphore(%run_scoped3A_1640 : memref<!tpu.dma_semaphore, #tpu.memory_space<semaphore_mem>>)
      %dma_wait3A = tpu.memref_slice %arg3[%add3A_39] : memref<1048576xi32, #tpu.memory_space<hbm>> -> memref<8192xi32, #tpu.memory_space<hbm>>
      %dma_wait3A_1642 = tpu.memref_slice %arg3[%add3A_39] : memref<1048576xi32, #tpu.memory_space<hbm>> -> memref<8192xi32, #tpu.memory_space<hbm>>
      tpu.wait_dma2 semaphore(%run_scoped3A_1640 : memref<!tpu.dma_semaphore, #tpu.memory_space<semaphore_mem>>) src(%dma_wait3A_1642 : memref<8192xi32, #tpu.memory_space<hbm>>) dst(%arg10 : memref<8192xi32, #tpu.memory_space<vmem>>)
      tpu.yield
    }) : () -> ()
    %scan3A_40 = arith.constant 0 : i32
    %scan3A_41 = arith.constant 0 : i32
    %scan3A_42 = arith.constant 512 : i32
    %scan3A_43 = arith.addi %scan3A_41, %scan3A_42 : i32
    %scan3A_44 = arith.constant 1 : i32
    scf.for %scan3A_1640 = %scan3A_41 to %scan3A_43 step %scan3A_44  : i32 {
      %mul3A_1641 = arith.constant 16 : i32
      %mul3A_1642 = arith.muli %scan3A_1640, %mul3A_1641 : i32
      %get3A_1643 = arith.index_cast %mul3A_1642 : i32 to index
      %get3A_1644 = tpu.vector_load %arg9[%get3A_1643] {strides = array<i32>} : memref<8192xf32, #tpu.memory_space<vmem>>, vector<16xf32>,
      %mul3A_1645 = arith.constant 16 : i32
      %mul3A_1646 = arith.muli %scan3A_1640, %mul3A_1645 : i32
      %get3A_1647 = arith.index_cast %mul3A_1646 : i32 to index
      %get3A_1648 = tpu.vector_load %arg10[%get3A_1647] {strides = array<i32>} : memref<8192xi32, #tpu.memory_space<vmem>>, vector<16xi32>,
      %mul3A_1649 = arith.constant 17 : i32
      %mul3A_1650 = vector.broadcast %mul3A_1649 : i32 to vector<16xi32>
      %mul3A_1651 = arith.muli %get3A_1648, %mul3A_1650 : vector<16xi32>
      %add3A_1652 = arith.addi %mul3A_1651, %iota3A : vector<16xi32>
      tpu.vector_store_idx %arg11[%add3A_1652], %get3A_1644 {add = true} : memref<34816xf32, #tpu.memory_space<vmem>>[vector<16xi32>], vector<16xf32>,
      tpu.vector_store_idx %arg12[%add3A_1652], %broadcast_in_dim3A_1 {add = true} : memref<34816xf32, #tpu.memory_space<vmem>>[vector<16xi32>], vector<16xf32>,
    }
    %scan3A_45 = arith.constant 512 : i32
    %add3A_46 = arith.constant 40960 : i32
    %add3A_47 = arith.addi %mul3A_0, %add3A_46 : i32
    "tpu.region"() ({
      %run_scoped3A_1640 = tpu.sem_alloc : memref<!tpu.dma_semaphore, #tpu.memory_space<semaphore_mem>>
      %dma_start3A = tpu.memref_slice %arg2[%add3A_47] : memref<1048576xf32, #tpu.memory_space<hbm>> -> memref<8192xf32, #tpu.memory_space<hbm>>
      %dma_start3A_1641 = tpu.memref_slice %arg2[%add3A_47] : memref<1048576xf32, #tpu.memory_space<hbm>> -> memref<8192xf32, #tpu.memory_space<hbm>>
      tpu.enqueue_dma source(%dma_start3A_1641 : memref<8192xf32, #tpu.memory_space<hbm>>) target(%arg9 : memref<8192xf32, #tpu.memory_space<vmem>>) target_semaphore(%run_scoped3A_1640 : memref<!tpu.dma_semaphore, #tpu.memory_space<semaphore_mem>>)
      %dma_wait3A = tpu.memref_slice %arg2[%add3A_47] : memref<1048576xf32, #tpu.memory_space<hbm>> -> memref<8192xf32, #tpu.memory_space<hbm>>
      %dma_wait3A_1642 = tpu.memref_slice %arg2[%add3A_47] : memref<1048576xf32, #tpu.memory_space<hbm>> -> memref<8192xf32, #tpu.memory_space<hbm>>
      tpu.wait_dma2 semaphore(%run_scoped3A_1640 : memref<!tpu.dma_semaphore, #tpu.memory_space<semaphore_mem>>) src(%dma_wait3A_1642 : memref<8192xf32, #tpu.memory_space<hbm>>) dst(%arg9 : memref<8192xf32, #tpu.memory_space<vmem>>)
      tpu.yield
    }) : () -> ()
    "tpu.region"() ({
      %run_scoped3A_1640 = tpu.sem_alloc : memref<!tpu.dma_semaphore, #tpu.memory_space<semaphore_mem>>
      %dma_start3A = tpu.memref_slice %arg3[%add3A_47] : memref<1048576xi32, #tpu.memory_space<hbm>> -> memref<8192xi32, #tpu.memory_space<hbm>>
      %dma_start3A_1641 = tpu.memref_slice %arg3[%add3A_47] : memref<1048576xi32, #tpu.memory_space<hbm>> -> memref<8192xi32, #tpu.memory_space<hbm>>
      tpu.enqueue_dma source(%dma_start3A_1641 : memref<8192xi32, #tpu.memory_space<hbm>>) target(%arg10 : memref<8192xi32, #tpu.memory_space<vmem>>) target_semaphore(%run_scoped3A_1640 : memref<!tpu.dma_semaphore, #tpu.memory_space<semaphore_mem>>)
      %dma_wait3A = tpu.memref_slice %arg3[%add3A_47] : memref<1048576xi32, #tpu.memory_space<hbm>> -> memref<8192xi32, #tpu.memory_space<hbm>>
      %dma_wait3A_1642 = tpu.memref_slice %arg3[%add3A_47] : memref<1048576xi32, #tpu.memory_space<hbm>> -> memref<8192xi32, #tpu.memory_space<hbm>>
      tpu.wait_dma2 semaphore(%run_scoped3A_1640 : memref<!tpu.dma_semaphore, #tpu.memory_space<semaphore_mem>>) src(%dma_wait3A_1642 : memref<8192xi32, #tpu.memory_space<hbm>>) dst(%arg10 : memref<8192xi32, #tpu.memory_space<vmem>>)
      tpu.yield
    }) : () -> ()
    %scan3A_48 = arith.constant 0 : i32
    %scan3A_49 = arith.constant 0 : i32
    %scan3A_50 = arith.constant 512 : i32
    %scan3A_51 = arith.addi %scan3A_49, %scan3A_50 : i32
    %scan3A_52 = arith.constant 1 : i32
    scf.for %scan3A_1640 = %scan3A_49 to %scan3A_51 step %scan3A_52  : i32 {
      %mul3A_1641 = arith.constant 16 : i32
      %mul3A_1642 = arith.muli %scan3A_1640, %mul3A_1641 : i32
      %get3A_1643 = arith.index_cast %mul3A_1642 : i32 to index
      %get3A_1644 = tpu.vector_load %arg9[%get3A_1643] {strides = array<i32>} : memref<8192xf32, #tpu.memory_space<vmem>>, vector<16xf32>,
      %mul3A_1645 = arith.constant 16 : i32
      %mul3A_1646 = arith.muli %scan3A_1640, %mul3A_1645 : i32
      %get3A_1647 = arith.index_cast %mul3A_1646 : i32 to index
      %get3A_1648 = tpu.vector_load %arg10[%get3A_1647] {strides = array<i32>} : memref<8192xi32, #tpu.memory_space<vmem>>, vector<16xi32>,
      %mul3A_1649 = arith.constant 17 : i32
      %mul3A_1650 = vector.broadcast %mul3A_1649 : i32 to vector<16xi32>
      %mul3A_1651 = arith.muli %get3A_1648, %mul3A_1650 : vector<16xi32>
      %add3A_1652 = arith.addi %mul3A_1651, %iota3A : vector<16xi32>
      tpu.vector_store_idx %arg11[%add3A_1652], %get3A_1644 {add = true} : memref<34816xf32, #tpu.memory_space<vmem>>[vector<16xi32>], vector<16xf32>,
      tpu.vector_store_idx %arg12[%add3A_1652], %broadcast_in_dim3A_1 {add = true} : memref<34816xf32, #tpu.memory_space<vmem>>[vector<16xi32>], vector<16xf32>,
    }
    %scan3A_53 = arith.constant 512 : i32
    %add3A_54 = arith.constant 49152 : i32
    %add3A_55 = arith.addi %mul3A_0, %add3A_54 : i32
    "tpu.region"() ({
      %run_scoped3A_1640 = tpu.sem_alloc : memref<!tpu.dma_semaphore, #tpu.memory_space<semaphore_mem>>
      %dma_start3A = tpu.memref_slice %arg2[%add3A_55] : memref<1048576xf32, #tpu.memory_space<hbm>> -> memref<8192xf32, #tpu.memory_space<hbm>>
      %dma_start3A_1641 = tpu.memref_slice %arg2[%add3A_55] : memref<1048576xf32, #tpu.memory_space<hbm>> -> memref<8192xf32, #tpu.memory_space<hbm>>
      tpu.enqueue_dma source(%dma_start3A_1641 : memref<8192xf32, #tpu.memory_space<hbm>>) target(%arg9 : memref<8192xf32, #tpu.memory_space<vmem>>) target_semaphore(%run_scoped3A_1640 : memref<!tpu.dma_semaphore, #tpu.memory_space<semaphore_mem>>)
      %dma_wait3A = tpu.memref_slice %arg2[%add3A_55] : memref<1048576xf32, #tpu.memory_space<hbm>> -> memref<8192xf32, #tpu.memory_space<hbm>>
      %dma_wait3A_1642 = tpu.memref_slice %arg2[%add3A_55] : memref<1048576xf32, #tpu.memory_space<hbm>> -> memref<8192xf32, #tpu.memory_space<hbm>>
      tpu.wait_dma2 semaphore(%run_scoped3A_1640 : memref<!tpu.dma_semaphore, #tpu.memory_space<semaphore_mem>>) src(%dma_wait3A_1642 : memref<8192xf32, #tpu.memory_space<hbm>>) dst(%arg9 : memref<8192xf32, #tpu.memory_space<vmem>>)
      tpu.yield
    }) : () -> ()
    "tpu.region"() ({
      %run_scoped3A_1640 = tpu.sem_alloc : memref<!tpu.dma_semaphore, #tpu.memory_space<semaphore_mem>>
      %dma_start3A = tpu.memref_slice %arg3[%add3A_55] : memref<1048576xi32, #tpu.memory_space<hbm>> -> memref<8192xi32, #tpu.memory_space<hbm>>
      %dma_start3A_1641 = tpu.memref_slice %arg3[%add3A_55] : memref<1048576xi32, #tpu.memory_space<hbm>> -> memref<8192xi32, #tpu.memory_space<hbm>>
      tpu.enqueue_dma source(%dma_start3A_1641 : memref<8192xi32, #tpu.memory_space<hbm>>) target(%arg10 : memref<8192xi32, #tpu.memory_space<vmem>>) target_semaphore(%run_scoped3A_1640 : memref<!tpu.dma_semaphore, #tpu.memory_space<semaphore_mem>>)
      %dma_wait3A = tpu.memref_slice %arg3[%add3A_55] : memref<1048576xi32, #tpu.memory_space<hbm>> -> memref<8192xi32, #tpu.memory_space<hbm>>
      %dma_wait3A_1642 = tpu.memref_slice %arg3[%add3A_55] : memref<1048576xi32, #tpu.memory_space<hbm>> -> memref<8192xi32, #tpu.memory_space<hbm>>
      tpu.wait_dma2 semaphore(%run_scoped3A_1640 : memref<!tpu.dma_semaphore, #tpu.memory_space<semaphore_mem>>) src(%dma_wait3A_1642 : memref<8192xi32, #tpu.memory_space<hbm>>) dst(%arg10 : memref<8192xi32, #tpu.memory_space<vmem>>)
      tpu.yield
    }) : () -> ()
    %scan3A_56 = arith.constant 0 : i32
    %scan3A_57 = arith.constant 0 : i32
    %scan3A_58 = arith.constant 512 : i32
    %scan3A_59 = arith.addi %scan3A_57, %scan3A_58 : i32
    %scan3A_60 = arith.constant 1 : i32
    scf.for %scan3A_1640 = %scan3A_57 to %scan3A_59 step %scan3A_60  : i32 {
      %mul3A_1641 = arith.constant 16 : i32
      %mul3A_1642 = arith.muli %scan3A_1640, %mul3A_1641 : i32
      %get3A_1643 = arith.index_cast %mul3A_1642 : i32 to index
      %get3A_1644 = tpu.vector_load %arg9[%get3A_1643] {strides = array<i32>} : memref<8192xf32, #tpu.memory_space<vmem>>, vector<16xf32>,
      %mul3A_1645 = arith.constant 16 : i32
      %mul3A_1646 = arith.muli %scan3A_1640, %mul3A_1645 : i32
      %get3A_1647 = arith.index_cast %mul3A_1646 : i32 to index
      %get3A_1648 = tpu.vector_load %arg10[%get3A_1647] {strides = array<i32>} : memref<8192xi32, #tpu.memory_space<vmem>>, vector<16xi32>,
      %mul3A_1649 = arith.constant 17 : i32
      %mul3A_1650 = vector.broadcast %mul3A_1649 : i32 to vector<16xi32>
      %mul3A_1651 = arith.muli %get3A_1648, %mul3A_1650 : vector<16xi32>
      %add3A_1652 = arith.addi %mul3A_1651, %iota3A : vector<16xi32>
      tpu.vector_store_idx %arg11[%add3A_1652], %get3A_1644 {add = true} : memref<34816xf32, #tpu.memory_space<vmem>>[vector<16xi32>], vector<16xf32>,
      tpu.vector_store_idx %arg12[%add3A_1652], %broadcast_in_dim3A_1 {add = true} : memref<34816xf32, #tpu.memory_space<vmem>>[vector<16xi32>], vector<16xf32>,
    }
    %scan3A_61 = arith.constant 512 : i32
    %add3A_62 = arith.constant 57344 : i32
    %add3A_63 = arith.addi %mul3A_0, %add3A_62 : i32
    "tpu.region"() ({
      %run_scoped3A_1640 = tpu.sem_alloc : memref<!tpu.dma_semaphore, #tpu.memory_space<semaphore_mem>>
      %dma_start3A = tpu.memref_slice %arg2[%add3A_63] : memref<1048576xf32, #tpu.memory_space<hbm>> -> memref<8192xf32, #tpu.memory_space<hbm>>
      %dma_start3A_1641 = tpu.memref_slice %arg2[%add3A_63] : memref<1048576xf32, #tpu.memory_space<hbm>> -> memref<8192xf32, #tpu.memory_space<hbm>>
      tpu.enqueue_dma source(%dma_start3A_1641 : memref<8192xf32, #tpu.memory_space<hbm>>) target(%arg9 : memref<8192xf32, #tpu.memory_space<vmem>>) target_semaphore(%run_scoped3A_1640 : memref<!tpu.dma_semaphore, #tpu.memory_space<semaphore_mem>>)
      %dma_wait3A = tpu.memref_slice %arg2[%add3A_63] : memref<1048576xf32, #tpu.memory_space<hbm>> -> memref<8192xf32, #tpu.memory_space<hbm>>
      %dma_wait3A_1642 = tpu.memref_slice %arg2[%add3A_63] : memref<1048576xf32, #tpu.memory_space<hbm>> -> memref<8192xf32, #tpu.memory_space<hbm>>
      tpu.wait_dma2 semaphore(%run_scoped3A_1640 : memref<!tpu.dma_semaphore, #tpu.memory_space<semaphore_mem>>) src(%dma_wait3A_1642 : memref<8192xf32, #tpu.memory_space<hbm>>) dst(%arg9 : memref<8192xf32, #tpu.memory_space<vmem>>)
      tpu.yield
    }) : () -> ()
    "tpu.region"() ({
      %run_scoped3A_1640 = tpu.sem_alloc : memref<!tpu.dma_semaphore, #tpu.memory_space<semaphore_mem>>
      %dma_start3A = tpu.memref_slice %arg3[%add3A_63] : memref<1048576xi32, #tpu.memory_space<hbm>> -> memref<8192xi32, #tpu.memory_space<hbm>>
      %dma_start3A_1641 = tpu.memref_slice %arg3[%add3A_63] : memref<1048576xi32, #tpu.memory_space<hbm>> -> memref<8192xi32, #tpu.memory_space<hbm>>
      tpu.enqueue_dma source(%dma_start3A_1641 : memref<8192xi32, #tpu.memory_space<hbm>>) target(%arg10 : memref<8192xi32, #tpu.memory_space<vmem>>) target_semaphore(%run_scoped3A_1640 : memref<!tpu.dma_semaphore, #tpu.memory_space<semaphore_mem>>)
      %dma_wait3A = tpu.memref_slice %arg3[%add3A_63] : memref<1048576xi32, #tpu.memory_space<hbm>> -> memref<8192xi32, #tpu.memory_space<hbm>>
      %dma_wait3A_1642 = tpu.memref_slice %arg3[%add3A_63] : memref<1048576xi32, #tpu.memory_space<hbm>> -> memref<8192xi32, #tpu.memory_space<hbm>>
      tpu.wait_dma2 semaphore(%run_scoped3A_1640 : memref<!tpu.dma_semaphore, #tpu.memory_space<semaphore_mem>>) src(%dma_wait3A_1642 : memref<8192xi32, #tpu.memory_space<hbm>>) dst(%arg10 : memref<8192xi32, #tpu.memory_space<vmem>>)
      tpu.yield
    }) : () -> ()
    %scan3A_64 = arith.constant 0 : i32
    %scan3A_65 = arith.constant 0 : i32
    %scan3A_66 = arith.constant 512 : i32
    %scan3A_67 = arith.addi %scan3A_65, %scan3A_66 : i32
    %scan3A_68 = arith.constant 1 : i32
    scf.for %scan3A_1640 = %scan3A_65 to %scan3A_67 step %scan3A_68  : i32 {
      %mul3A_1641 = arith.constant 16 : i32
      %mul3A_1642 = arith.muli %scan3A_1640, %mul3A_1641 : i32
      %get3A_1643 = arith.index_cast %mul3A_1642 : i32 to index
      %get3A_1644 = tpu.vector_load %arg9[%get3A_1643] {strides = array<i32>} : memref<8192xf32, #tpu.memory_space<vmem>>, vector<16xf32>,
      %mul3A_1645 = arith.constant 16 : i32
      %mul3A_1646 = arith.muli %scan3A_1640, %mul3A_1645 : i32
      %get3A_1647 = arith.index_cast %mul3A_1646 : i32 to index
      %get3A_1648 = tpu.vector_load %arg10[%get3A_1647] {strides = array<i32>} : memref<8192xi32, #tpu.memory_space<vmem>>, vector<16xi32>,
      %mul3A_1649 = arith.constant 17 : i32
      %mul3A_1650 = vector.broadcast %mul3A_1649 : i32 to vector<16xi32>
      %mul3A_1651 = arith.muli %get3A_1648, %mul3A_1650 : vector<16xi32>
      %add3A_1652 = arith.addi %mul3A_1651, %iota3A : vector<16xi32>
      tpu.vector_store_idx %arg11[%add3A_1652], %get3A_1644 {add = true} : memref<34816xf32, #tpu.memory_space<vmem>>[vector<16xi32>], vector<16xf32>,
      tpu.vector_store_idx %arg12[%add3A_1652], %broadcast_in_dim3A_1 {add = true} : memref<34816xf32, #tpu.memory_space<vmem>>[vector<16xi32>], vector<16xf32>,
    }
    %scan3A_69 = arith.constant 512 : i32
    %mul3A_70 = arith.constant 2176 : i32
    %mul3A_71 = arith.muli %arg1, %mul3A_70 : i32
    "tpu.region"() ({
      %run_scoped3A_1640 = tpu.sem_alloc : memref<!tpu.dma_semaphore, #tpu.memory_space<semaphore_mem>>
      %dma_start3A = arith.constant 0 : i32
      %dma_start3A_1641 = tpu.memref_slice %arg13[%arg1, %dma_start3A] : memref<16x34816xf32, #tpu.memory_space<vmem_shared>> -> memref<1x34816xf32, #tpu.memory_space<vmem_shared>>
      %dma_start3A_1642 = tpu.memref_squeeze %dma_start3A_1641 : memref<1x34816xf32, #tpu.memory_space<vmem_shared>> -> memref<34816xf32, #tpu.memory_space<vmem_shared>>
      %dma_start3A_1643 = arith.constant 0 : i32
      %dma_start3A_1644 = tpu.memref_slice %arg13[%arg1, %dma_start3A_1643] : memref<16x34816xf32, #tpu.memory_space<vmem_shared>> -> memref<1x34816xf32, #tpu.memory_space<vmem_shared>>
      %dma_start3A_1645 = tpu.memref_squeeze %dma_start3A_1644 : memref<1x34816xf32, #tpu.memory_space<vmem_shared>> -> memref<34816xf32, #tpu.memory_space<vmem_shared>>
      tpu.enqueue_dma source(%arg11 : memref<34816xf32, #tpu.memory_space<vmem>>) target(%dma_start3A_1645 : memref<34816xf32, #tpu.memory_space<vmem_shared>>) target_semaphore(%run_scoped3A_1640 : memref<!tpu.dma_semaphore, #tpu.memory_space<semaphore_mem>>)
      %dma_wait3A = arith.constant 0 : i32
      %dma_wait3A_1646 = tpu.memref_slice %arg13[%arg1, %dma_wait3A] : memref<16x34816xf32, #tpu.memory_space<vmem_shared>> -> memref<1x34816xf32, #tpu.memory_space<vmem_shared>>
      %dma_wait3A_1647 = tpu.memref_squeeze %dma_wait3A_1646 : memref<1x34816xf32, #tpu.memory_space<vmem_shared>> -> memref<34816xf32, #tpu.memory_space<vmem_shared>>
      %dma_wait3A_1648 = arith.constant 0 : i32
      %dma_wait3A_1649 = tpu.memref_slice %arg13[%arg1, %dma_wait3A_1648] : memref<16x34816xf32, #tpu.memory_space<vmem_shared>> -> memref<1x34816xf32, #tpu.memory_space<vmem_shared>>
      %dma_wait3A_1650 = tpu.memref_squeeze %dma_wait3A_1649 : memref<1x34816xf32, #tpu.memory_space<vmem_shared>> -> memref<34816xf32, #tpu.memory_space<vmem_shared>>
      tpu.wait_dma2 semaphore(%run_scoped3A_1640 : memref<!tpu.dma_semaphore, #tpu.memory_space<semaphore_mem>>) src(%arg11 : memref<34816xf32, #tpu.memory_space<vmem>>) dst(%dma_wait3A_1650 : memref<34816xf32, #tpu.memory_space<vmem_shared>>)
      tpu.yield
    }) : () -> ()
    %barrier3A = arith.constant 0 : index
    tpu.barrier barrier_id(%barrier3A)
    %run_scoped3A = arith.constant 0 : i32
    "tpu.region"() ({
      %run_scoped3A_1640 = tpu.sem_alloc : memref<!tpu.dma_semaphore, #tpu.memory_space<semaphore_mem>>
      %dma_start3A = tpu.memref_slice %arg13[%run_scoped3A, %mul3A_71] : memref<16x34816xf32, #tpu.memory_space<vmem_shared>> -> memref<1x2176xf32, #tpu.memory_space<vmem_shared>>
      %dma_start3A_1641 = tpu.memref_squeeze %dma_start3A : memref<1x2176xf32, #tpu.memory_space<vmem_shared>> -> memref<2176xf32, #tpu.memory_space<vmem_shared>>
      %dma_start3A_1642 = tpu.memref_slice %arg13[%run_scoped3A, %mul3A_71] : memref<16x34816xf32, #tpu.memory_space<vmem_shared>> -> memref<1x2176xf32, #tpu.memory_space<vmem_shared>>
      %dma_start3A_1643 = tpu.memref_squeeze %dma_start3A_1642 : memref<1x2176xf32, #tpu.memory_space<vmem_shared>> -> memref<2176xf32, #tpu.memory_space<vmem_shared>>
      tpu.enqueue_dma source(%dma_start3A_1643 : memref<2176xf32, #tpu.memory_space<vmem_shared>>) target(%arg14 : memref<2176xf32, #tpu.memory_space<vmem>>) target_semaphore(%run_scoped3A_1640 : memref<!tpu.dma_semaphore, #tpu.memory_space<semaphore_mem>>)
      %dma_wait3A = tpu.memref_slice %arg13[%run_scoped3A, %mul3A_71] : memref<16x34816xf32, #tpu.memory_space<vmem_shared>> -> memref<1x2176xf32, #tpu.memory_space<vmem_shared>>
      %dma_wait3A_1644 = tpu.memref_squeeze %dma_wait3A : memref<1x2176xf32, #tpu.memory_space<vmem_shared>> -> memref<2176xf32, #tpu.memory_space<vmem_shared>>
      %dma_wait3A_1645 = tpu.memref_slice %arg13[%run_scoped3A, %mul3A_71] : memref<16x34816xf32, #tpu.memory_space<vmem_shared>> -> memref<1x2176xf32, #tpu.memory_space<vmem_shared>>
      %dma_wait3A_1646 = tpu.memref_squeeze %dma_wait3A_1645 : memref<1x2176xf32, #tpu.memory_space<vmem_shared>> -> memref<2176xf32, #tpu.memory_space<vmem_shared>>
      tpu.wait_dma2 semaphore(%run_scoped3A_1640 : memref<!tpu.dma_semaphore, #tpu.memory_space<semaphore_mem>>) src(%dma_wait3A_1646 : memref<2176xf32, #tpu.memory_space<vmem_shared>>) dst(%arg14 : memref<2176xf32, #tpu.memory_space<vmem>>)
      tpu.yield
    }) : () -> ()
    %run_scoped3A_72 = arith.constant 1 : i32
    "tpu.region"() ({
      %run_scoped3A_1640 = tpu.sem_alloc : memref<!tpu.dma_semaphore, #tpu.memory_space<semaphore_mem>>
      %dma_start3A = tpu.memref_slice %arg13[%run_scoped3A_72, %mul3A_71] : memref<16x34816xf32, #tpu.memory_space<vmem_shared>> -> memref<1x2176xf32, #tpu.memory_space<vmem_shared>>
      %dma_start3A_1641 = tpu.memref_squeeze %dma_start3A : memref<1x2176xf32, #tpu.memory_space<vmem_shared>> -> memref<2176xf32, #tpu.memory_space<vmem_shared>>
      %dma_start3A_1642 = tpu.memref_slice %arg13[%run_scoped3A_72, %mul3A_71] : memref<16x34816xf32, #tpu.memory_space<vmem_shared>> -> memref<1x2176xf32, #tpu.memory_space<vmem_shared>>
      %dma_start3A_1643 = tpu.memref_squeeze %dma_start3A_1642 : memref<1x2176xf32, #tpu.memory_space<vmem_shared>> -> memref<2176xf32, #tpu.memory_space<vmem_shared>>
      tpu.enqueue_dma source(%dma_start3A_1643 : memref<2176xf32, #tpu.memory_space<vmem_shared>>) target(%arg16 : memref<2176xf32, #tpu.memory_space<vmem>>) target_semaphore(%run_scoped3A_1640 : memref<!tpu.dma_semaphore, #tpu.memory_space<semaphore_mem>>)
      %dma_wait3A = tpu.memref_slice %arg13[%run_scoped3A_72, %mul3A_71] : memref<16x34816xf32, #tpu.memory_space<vmem_shared>> -> memref<1x2176xf32, #tpu.memory_space<vmem_shared>>
      %dma_wait3A_1644 = tpu.memref_squeeze %dma_wait3A : memref<1x2176xf32, #tpu.memory_space<vmem_shared>> -> memref<2176xf32, #tpu.memory_space<vmem_shared>>
      %dma_wait3A_1645 = tpu.memref_slice %arg13[%run_scoped3A_72, %mul3A_71] : memref<16x34816xf32, #tpu.memory_space<vmem_shared>> -> memref<1x2176xf32, #tpu.memory_space<vmem_shared>>
      %dma_wait3A_1646 = tpu.memref_squeeze %dma_wait3A_1645 : memref<1x2176xf32, #tpu.memory_space<vmem_shared>> -> memref<2176xf32, #tpu.memory_space<vmem_shared>>
      tpu.wait_dma2 semaphore(%run_scoped3A_1640 : memref<!tpu.dma_semaphore, #tpu.memory_space<semaphore_mem>>) src(%dma_wait3A_1646 : memref<2176xf32, #tpu.memory_space<vmem_shared>>) dst(%arg16 : memref<2176xf32, #tpu.memory_space<vmem>>)
      tpu.yield
    }) : () -> ()
    %parallel_loop3A = arith.constant 0 : i32
    %parallel_loop3A_73 = arith.constant 136 : i32
    %parallel_loop3A_74 = arith.constant 1 : i32
    scf.for %parallel_loop3A_1640 = %parallel_loop3A to %parallel_loop3A_73 step %parallel_loop3A_74  : i32 {
      %parallel_loop3A_1641 = arith.constant 16 : i32
      %parallel_loop3A_1642 = arith.muli %parallel_loop3A_1640, %parallel_loop3A_1641 : i32
      %parallel_loop3A_1643 = arith.index_cast %parallel_loop3A_1642 : i32 to index
      %parallel_loop3A_1644 = tpu.vector_load %arg14[%parallel_loop3A_1643] {strides = array<i32>} : memref<2176xf32, #tpu.memory_space<vmem>>, vector<16xf32>,
      %parallel_loop3A_1645 = arith.index_cast %parallel_loop3A_1642 : i32 to index
      %parallel_loop3A_1646 = tpu.vector_load %arg16[%parallel_loop3A_1645] {strides = array<i32>} : memref<2176xf32, #tpu.memory_space<vmem>>, vector<16xf32>,
      %parallel_loop3A_1647 = arith.addf %parallel_loop3A_1644, %parallel_loop3A_1646 : vector<16xf32>
      %parallel_loop3A_1648 = arith.index_cast %parallel_loop3A_1642 : i32 to index
      %parallel_loop3A_1649 = tpu.vector_load %arg14[%parallel_loop3A_1648] {strides = array<i32>} : memref<2176xf32, #tpu.memory_space<vmem>>, vector<16xf32>,
      tpu.vector_store %arg14[%parallel_loop3A_1648], %parallel_loop3A_1647 {strides = array<i32>} : memref<2176xf32, #tpu.memory_space<vmem>>, vector<16xf32>,
    } {sc.loop_unroll_factor = 4 : i64, sc.parallel_access}
    %run_scoped3A_75 = arith.constant 2 : i32
    "tpu.region"() ({
      %run_scoped3A_1640 = tpu.sem_alloc : memref<!tpu.dma_semaphore, #tpu.memory_space<semaphore_mem>>
      %dma_start3A = tpu.memref_slice %arg13[%run_scoped3A_75, %mul3A_71] : memref<16x34816xf32, #tpu.memory_space<vmem_shared>> -> memref<1x2176xf32, #tpu.memory_space<vmem_shared>>
      %dma_start3A_1641 = tpu.memref_squeeze %dma_start3A : memref<1x2176xf32, #tpu.memory_space<vmem_shared>> -> memref<2176xf32, #tpu.memory_space<vmem_shared>>
      %dma_start3A_1642 = tpu.memref_slice %arg13[%run_scoped3A_75, %mul3A_71] : memref<16x34816xf32, #tpu.memory_space<vmem_shared>> -> memref<1x2176xf32, #tpu.memory_space<vmem_shared>>
      %dma_start3A_1643 = tpu.memref_squeeze %dma_start3A_1642 : memref<1x2176xf32, #tpu.memory_space<vmem_shared>> -> memref<2176xf32, #tpu.memory_space<vmem_shared>>
      tpu.enqueue_dma source(%dma_start3A_1643 : memref<2176xf32, #tpu.memory_space<vmem_shared>>) target(%arg16 : memref<2176xf32, #tpu.memory_space<vmem>>) target_semaphore(%run_scoped3A_1640 : memref<!tpu.dma_semaphore, #tpu.memory_space<semaphore_mem>>)
      %dma_wait3A = tpu.memref_slice %arg13[%run_scoped3A_75, %mul3A_71] : memref<16x34816xf32, #tpu.memory_space<vmem_shared>> -> memref<1x2176xf32, #tpu.memory_space<vmem_shared>>
      %dma_wait3A_1644 = tpu.memref_squeeze %dma_wait3A : memref<1x2176xf32, #tpu.memory_space<vmem_shared>> -> memref<2176xf32, #tpu.memory_space<vmem_shared>>
      %dma_wait3A_1645 = tpu.memref_slice %arg13[%run_scoped3A_75, %mul3A_71] : memref<16x34816xf32, #tpu.memory_space<vmem_shared>> -> memref<1x2176xf32, #tpu.memory_space<vmem_shared>>
      %dma_wait3A_1646 = tpu.memref_squeeze %dma_wait3A_1645 : memref<1x2176xf32, #tpu.memory_space<vmem_shared>> -> memref<2176xf32, #tpu.memory_space<vmem_shared>>
      tpu.wait_dma2 semaphore(%run_scoped3A_1640 : memref<!tpu.dma_semaphore, #tpu.memory_space<semaphore_mem>>) src(%dma_wait3A_1646 : memref<2176xf32, #tpu.memory_space<vmem_shared>>) dst(%arg16 : memref<2176xf32, #tpu.memory_space<vmem>>)
      tpu.yield
    }) : () -> ()
    %parallel_loop3A_76 = arith.constant 0 : i32
    %parallel_loop3A_77 = arith.constant 136 : i32
    %parallel_loop3A_78 = arith.constant 1 : i32
    scf.for %parallel_loop3A_1640 = %parallel_loop3A_76 to %parallel_loop3A_77 step %parallel_loop3A_78  : i32 {
      %parallel_loop3A_1641 = arith.constant 16 : i32
      %parallel_loop3A_1642 = arith.muli %parallel_loop3A_1640, %parallel_loop3A_1641 : i32
      %parallel_loop3A_1643 = arith.index_cast %parallel_loop3A_1642 : i32 to index
      %parallel_loop3A_1644 = tpu.vector_load %arg14[%parallel_loop3A_1643] {strides = array<i32>} : memref<2176xf32, #tpu.memory_space<vmem>>, vector<16xf32>,
      %parallel_loop3A_1645 = arith.index_cast %parallel_loop3A_1642 : i32 to index
      %parallel_loop3A_1646 = tpu.vector_load %arg16[%parallel_loop3A_1645] {strides = array<i32>} : memref<2176xf32, #tpu.memory_space<vmem>>, vector<16xf32>,
      %parallel_loop3A_1647 = arith.addf %parallel_loop3A_1644, %parallel_loop3A_1646 : vector<16xf32>
      %parallel_loop3A_1648 = arith.index_cast %parallel_loop3A_1642 : i32 to index
      %parallel_loop3A_1649 = tpu.vector_load %arg14[%parallel_loop3A_1648] {strides = array<i32>} : memref<2176xf32, #tpu.memory_space<vmem>>, vector<16xf32>,
      tpu.vector_store %arg14[%parallel_loop3A_1648], %parallel_loop3A_1647 {strides = array<i32>} : memref<2176xf32, #tpu.memory_space<vmem>>, vector<16xf32>,
    } {sc.loop_unroll_factor = 4 : i64, sc.parallel_access}
    %run_scoped3A_79 = arith.constant 3 : i32
    "tpu.region"() ({
      %run_scoped3A_1640 = tpu.sem_alloc : memref<!tpu.dma_semaphore, #tpu.memory_space<semaphore_mem>>
      %dma_start3A = tpu.memref_slice %arg13[%run_scoped3A_79, %mul3A_71] : memref<16x34816xf32, #tpu.memory_space<vmem_shared>> -> memref<1x2176xf32, #tpu.memory_space<vmem_shared>>
      %dma_start3A_1641 = tpu.memref_squeeze %dma_start3A : memref<1x2176xf32, #tpu.memory_space<vmem_shared>> -> memref<2176xf32, #tpu.memory_space<vmem_shared>>
      %dma_start3A_1642 = tpu.memref_slice %arg13[%run_scoped3A_79, %mul3A_71] : memref<16x34816xf32, #tpu.memory_space<vmem_shared>> -> memref<1x2176xf32, #tpu.memory_space<vmem_shared>>
      %dma_start3A_1643 = tpu.memref_squeeze %dma_start3A_1642 : memref<1x2176xf32, #tpu.memory_space<vmem_shared>> -> memref<2176xf32, #tpu.memory_space<vmem_shared>>
      tpu.enqueue_dma source(%dma_start3A_1643 : memref<2176xf32, #tpu.memory_space<vmem_shared>>) target(%arg16 : memref<2176xf32, #tpu.memory_space<vmem>>) target_semaphore(%run_scoped3A_1640 : memref<!tpu.dma_semaphore, #tpu.memory_space<semaphore_mem>>)
      %dma_wait3A = tpu.memref_slice %arg13[%run_scoped3A_79, %mul3A_71] : memref<16x34816xf32, #tpu.memory_space<vmem_shared>> -> memref<1x2176xf32, #tpu.memory_space<vmem_shared>>
      %dma_wait3A_1644 = tpu.memref_squeeze %dma_wait3A : memref<1x2176xf32, #tpu.memory_space<vmem_shared>> -> memref<2176xf32, #tpu.memory_space<vmem_shared>>
      %dma_wait3A_1645 = tpu.memref_slice %arg13[%run_scoped3A_79, %mul3A_71] : memref<16x34816xf32, #tpu.memory_space<vmem_shared>> -> memref<1x2176xf32, #tpu.memory_space<vmem_shared>>
      %dma_wait3A_1646 = tpu.memref_squeeze %dma_wait3A_1645 : memref<1x2176xf32, #tpu.memory_space<vmem_shared>> -> memref<2176xf32, #tpu.memory_space<vmem_shared>>
      tpu.wait_dma2 semaphore(%run_scoped3A_1640 : memref<!tpu.dma_semaphore, #tpu.memory_space<semaphore_mem>>) src(%dma_wait3A_1646 : memref<2176xf32, #tpu.memory_space<vmem_shared>>) dst(%arg16 : memref<2176xf32, #tpu.memory_space<vmem>>)
      tpu.yield
    }) : () -> ()
    %parallel_loop3A_80 = arith.constant 0 : i32
    %parallel_loop3A_81 = arith.constant 136 : i32
    %parallel_loop3A_82 = arith.constant 1 : i32
    scf.for %parallel_loop3A_1640 = %parallel_loop3A_80 to %parallel_loop3A_81 step %parallel_loop3A_82  : i32 {
      %parallel_loop3A_1641 = arith.constant 16 : i32
      %parallel_loop3A_1642 = arith.muli %parallel_loop3A_1640, %parallel_loop3A_1641 : i32
      %parallel_loop3A_1643 = arith.index_cast %parallel_loop3A_1642 : i32 to index
      %parallel_loop3A_1644 = tpu.vector_load %arg14[%parallel_loop3A_1643] {strides = array<i32>} : memref<2176xf32, #tpu.memory_space<vmem>>, vector<16xf32>,
      %parallel_loop3A_1645 = arith.index_cast %parallel_loop3A_1642 : i32 to index
      %parallel_loop3A_1646 = tpu.vector_load %arg16[%parallel_loop3A_1645] {strides = array<i32>} : memref<2176xf32, #tpu.memory_space<vmem>>, vector<16xf32>,
      %parallel_loop3A_1647 = arith.addf %parallel_loop3A_1644, %parallel_loop3A_1646 : vector<16xf32>
      %parallel_loop3A_1648 = arith.index_cast %parallel_loop3A_1642 : i32 to index
      %parallel_loop3A_1649 = tpu.vector_load %arg14[%parallel_loop3A_1648] {strides = array<i32>} : memref<2176xf32, #tpu.memory_space<vmem>>, vector<16xf32>,
      tpu.vector_store %arg14[%parallel_loop3A_1648], %parallel_loop3A_1647 {strides = array<i32>} : memref<2176xf32, #tpu.memory_space<vmem>>, vector<16xf32>,
    } {sc.loop_unroll_factor = 4 : i64, sc.parallel_access}
    %run_scoped3A_83 = arith.constant 4 : i32
    "tpu.region"() ({
      %run_scoped3A_1640 = tpu.sem_alloc : memref<!tpu.dma_semaphore, #tpu.memory_space<semaphore_mem>>
      %dma_start3A = tpu.memref_slice %arg13[%run_scoped3A_83, %mul3A_71] : memref<16x34816xf32, #tpu.memory_space<vmem_shared>> -> memref<1x2176xf32, #tpu.memory_space<vmem_shared>>
      %dma_start3A_1641 = tpu.memref_squeeze %dma_start3A : memref<1x2176xf32, #tpu.memory_space<vmem_shared>> -> memref<2176xf32, #tpu.memory_space<vmem_shared>>
      %dma_start3A_1642 = tpu.memref_slice %arg13[%run_scoped3A_83, %mul3A_71] : memref<16x34816xf32, #tpu.memory_space<vmem_shared>> -> memref<1x2176xf32, #tpu.memory_space<vmem_shared>>
      %dma_start3A_1643 = tpu.memref_squeeze %dma_start3A_1642 : memref<1x2176xf32, #tpu.memory_space<vmem_shared>> -> memref<2176xf32, #tpu.memory_space<vmem_shared>>
      tpu.enqueue_dma source(%dma_start3A_1643 : memref<2176xf32, #tpu.memory_space<vmem_shared>>) target(%arg16 : memref<2176xf32, #tpu.memory_space<vmem>>) target_semaphore(%run_scoped3A_1640 : memref<!tpu.dma_semaphore, #tpu.memory_space<semaphore_mem>>)
      %dma_wait3A = tpu.memref_slice %arg13[%run_scoped3A_83, %mul3A_71] : memref<16x34816xf32, #tpu.memory_space<vmem_shared>> -> memref<1x2176xf32, #tpu.memory_space<vmem_shared>>
      %dma_wait3A_1644 = tpu.memref_squeeze %dma_wait3A : memref<1x2176xf32, #tpu.memory_space<vmem_shared>> -> memref<2176xf32, #tpu.memory_space<vmem_shared>>
      %dma_wait3A_1645 = tpu.memref_slice %arg13[%run_scoped3A_83, %mul3A_71] : memref<16x34816xf32, #tpu.memory_space<vmem_shared>> -> memref<1x2176xf32, #tpu.memory_space<vmem_shared>>
      %dma_wait3A_1646 = tpu.memref_squeeze %dma_wait3A_1645 : memref<1x2176xf32, #tpu.memory_space<vmem_shared>> -> memref<2176xf32, #tpu.memory_space<vmem_shared>>
      tpu.wait_dma2 semaphore(%run_scoped3A_1640 : memref<!tpu.dma_semaphore, #tpu.memory_space<semaphore_mem>>) src(%dma_wait3A_1646 : memref<2176xf32, #tpu.memory_space<vmem_shared>>) dst(%arg16 : memref<2176xf32, #tpu.memory_space<vmem>>)
      tpu.yield
    }) : () -> ()
    %parallel_loop3A_84 = arith.constant 0 : i32
    %parallel_loop3A_85 = arith.constant 136 : i32
    %parallel_loop3A_86 = arith.constant 1 : i32
    scf.for %parallel_loop3A_1640 = %parallel_loop3A_84 to %parallel_loop3A_85 step %parallel_loop3A_86  : i32 {
      %parallel_loop3A_1641 = arith.constant 16 : i32
      %parallel_loop3A_1642 = arith.muli %parallel_loop3A_1640, %parallel_loop3A_1641 : i32
      %parallel_loop3A_1643 = arith.index_cast %parallel_loop3A_1642 : i32 to index
      %parallel_loop3A_1644 = tpu.vector_load %arg14[%parallel_loop3A_1643] {strides = array<i32>} : memref<2176xf32, #tpu.memory_space<vmem>>, vector<16xf32>,
      %parallel_loop3A_1645 = arith.index_cast %parallel_loop3A_1642 : i32 to index
      %parallel_loop3A_1646 = tpu.vector_load %arg16[%parallel_loop3A_1645] {strides = array<i32>} : memref<2176xf32, #tpu.memory_space<vmem>>, vector<16xf32>,
      %parallel_loop3A_1647 = arith.addf %parallel_loop3A_1644, %parallel_loop3A_1646 : vector<16xf32>
      %parallel_loop3A_1648 = arith.index_cast %parallel_loop3A_1642 : i32 to index
      %parallel_loop3A_1649 = tpu.vector_load %arg14[%parallel_loop3A_1648] {strides = array<i32>} : memref<2176xf32, #tpu.memory_space<vmem>>, vector<16xf32>,
      tpu.vector_store %arg14[%parallel_loop3A_1648], %parallel_loop3A_1647 {strides = array<i32>} : memref<2176xf32, #tpu.memory_space<vmem>>, vector<16xf32>,
    } {sc.loop_unroll_factor = 4 : i64, sc.parallel_access}
    %run_scoped3A_87 = arith.constant 5 : i32
    "tpu.region"() ({
      %run_scoped3A_1640 = tpu.sem_alloc : memref<!tpu.dma_semaphore, #tpu.memory_space<semaphore_mem>>
      %dma_start3A = tpu.memref_slice %arg13[%run_scoped3A_87, %mul3A_71] : memref<16x34816xf32, #tpu.memory_space<vmem_shared>> -> memref<1x2176xf32, #tpu.memory_space<vmem_shared>>
      %dma_start3A_1641 = tpu.memref_squeeze %dma_start3A : memref<1x2176xf32, #tpu.memory_space<vmem_shared>> -> memref<2176xf32, #tpu.memory_space<vmem_shared>>
      %dma_start3A_1642 = tpu.memref_slice %arg13[%run_scoped3A_87, %mul3A_71] : memref<16x34816xf32, #tpu.memory_space<vmem_shared>> -> memref<1x2176xf32, #tpu.memory_space<vmem_shared>>
      %dma_start3A_1643 = tpu.memref_squeeze %dma_start3A_1642 : memref<1x2176xf32, #tpu.memory_space<vmem_shared>> -> memref<2176xf32, #tpu.memory_space<vmem_shared>>
      tpu.enqueue_dma source(%dma_start3A_1643 : memref<2176xf32, #tpu.memory_space<vmem_shared>>) target(%arg16 : memref<2176xf32, #tpu.memory_space<vmem>>) target_semaphore(%run_scoped3A_1640 : memref<!tpu.dma_semaphore, #tpu.memory_space<semaphore_mem>>)
      %dma_wait3A = tpu.memref_slice %arg13[%run_scoped3A_87, %mul3A_71] : memref<16x34816xf32, #tpu.memory_space<vmem_shared>> -> memref<1x2176xf32, #tpu.memory_space<vmem_shared>>
      %dma_wait3A_1644 = tpu.memref_squeeze %dma_wait3A : memref<1x2176xf32, #tpu.memory_space<vmem_shared>> -> memref<2176xf32, #tpu.memory_space<vmem_shared>>
      %dma_wait3A_1645 = tpu.memref_slice %arg13[%run_scoped3A_87, %mul3A_71] : memref<16x34816xf32, #tpu.memory_space<vmem_shared>> -> memref<1x2176xf32, #tpu.memory_space<vmem_shared>>
      %dma_wait3A_1646 = tpu.memref_squeeze %dma_wait3A_1645 : memref<1x2176xf32, #tpu.memory_space<vmem_shared>> -> memref<2176xf32, #tpu.memory_space<vmem_shared>>
      tpu.wait_dma2 semaphore(%run_scoped3A_1640 : memref<!tpu.dma_semaphore, #tpu.memory_space<semaphore_mem>>) src(%dma_wait3A_1646 : memref<2176xf32, #tpu.memory_space<vmem_shared>>) dst(%arg16 : memref<2176xf32, #tpu.memory_space<vmem>>)
      tpu.yield
    }) : () -> ()
    %parallel_loop3A_88 = arith.constant 0 : i32
    %parallel_loop3A_89 = arith.constant 136 : i32
    %parallel_loop3A_90 = arith.constant 1 : i32
    scf.for %parallel_loop3A_1640 = %parallel_loop3A_88 to %parallel_loop3A_89 step %parallel_loop3A_90  : i32 {
      %parallel_loop3A_1641 = arith.constant 16 : i32
      %parallel_loop3A_1642 = arith.muli %parallel_loop3A_1640, %parallel_loop3A_1641 : i32
      %parallel_loop3A_1643 = arith.index_cast %parallel_loop3A_1642 : i32 to index
      %parallel_loop3A_1644 = tpu.vector_load %arg14[%parallel_loop3A_1643] {strides = array<i32>} : memref<2176xf32, #tpu.memory_space<vmem>>, vector<16xf32>,
      %parallel_loop3A_1645 = arith.index_cast %parallel_loop3A_1642 : i32 to index
      %parallel_loop3A_1646 = tpu.vector_load %arg16[%parallel_loop3A_1645] {strides = array<i32>} : memref<2176xf32, #tpu.memory_space<vmem>>, vector<16xf32>,
      %parallel_loop3A_1647 = arith.addf %parallel_loop3A_1644, %parallel_loop3A_1646 : vector<16xf32>
      %parallel_loop3A_1648 = arith.index_cast %parallel_loop3A_1642 : i32 to index
      %parallel_loop3A_1649 = tpu.vector_load %arg14[%parallel_loop3A_1648] {strides = array<i32>} : memref<2176xf32, #tpu.memory_space<vmem>>, vector<16xf32>,
      tpu.vector_store %arg14[%parallel_loop3A_1648], %parallel_loop3A_1647 {strides = array<i32>} : memref<2176xf32, #tpu.memory_space<vmem>>, vector<16xf32>,
    } {sc.loop_unroll_factor = 4 : i64, sc.parallel_access}
    %run_scoped3A_91 = arith.constant 6 : i32
    "tpu.region"() ({
      %run_scoped3A_1640 = tpu.sem_alloc : memref<!tpu.dma_semaphore, #tpu.memory_space<semaphore_mem>>
      %dma_start3A = tpu.memref_slice %arg13[%run_scoped3A_91, %mul3A_71] : memref<16x34816xf32, #tpu.memory_space<vmem_shared>> -> memref<1x2176xf32, #tpu.memory_space<vmem_shared>>
      %dma_start3A_1641 = tpu.memref_squeeze %dma_start3A : memref<1x2176xf32, #tpu.memory_space<vmem_shared>> -> memref<2176xf32, #tpu.memory_space<vmem_shared>>
      %dma_start3A_1642 = tpu.memref_slice %arg13[%run_scoped3A_91, %mul3A_71] : memref<16x34816xf32, #tpu.memory_space<vmem_shared>> -> memref<1x2176xf32, #tpu.memory_space<vmem_shared>>
      %dma_start3A_1643 = tpu.memref_squeeze %dma_start3A_1642 : memref<1x2176xf32, #tpu.memory_space<vmem_shared>> -> memref<2176xf32, #tpu.memory_space<vmem_shared>>
      tpu.enqueue_dma source(%dma_start3A_1643 : memref<2176xf32, #tpu.memory_space<vmem_shared>>) target(%arg16 : memref<2176xf32, #tpu.memory_space<vmem>>) target_semaphore(%run_scoped3A_1640 : memref<!tpu.dma_semaphore, #tpu.memory_space<semaphore_mem>>)
      %dma_wait3A = tpu.memref_slice %arg13[%run_scoped3A_91, %mul3A_71] : memref<16x34816xf32, #tpu.memory_space<vmem_shared>> -> memref<1x2176xf32, #tpu.memory_space<vmem_shared>>
      %dma_wait3A_1644 = tpu.memref_squeeze %dma_wait3A : memref<1x2176xf32, #tpu.memory_space<vmem_shared>> -> memref<2176xf32, #tpu.memory_space<vmem_shared>>
      %dma_wait3A_1645 = tpu.memref_slice %arg13[%run_scoped3A_91, %mul3A_71] : memref<16x34816xf32, #tpu.memory_space<vmem_shared>> -> memref<1x2176xf32, #tpu.memory_space<vmem_shared>>
      %dma_wait3A_1646 = tpu.memref_squeeze %dma_wait3A_1645 : memref<1x2176xf32, #tpu.memory_space<vmem_shared>> -> memref<2176xf32, #tpu.memory_space<vmem_shared>>
      tpu.wait_dma2 semaphore(%run_scoped3A_1640 : memref<!tpu.dma_semaphore, #tpu.memory_space<semaphore_mem>>) src(%dma_wait3A_1646 : memref<2176xf32, #tpu.memory_space<vmem_shared>>) dst(%arg16 : memref<2176xf32, #tpu.memory_space<vmem>>)
      tpu.yield
    }) : () -> ()
    %parallel_loop3A_92 = arith.constant 0 : i32
    %parallel_loop3A_93 = arith.constant 136 : i32
    %parallel_loop3A_94 = arith.constant 1 : i32
    scf.for %parallel_loop3A_1640 = %parallel_loop3A_92 to %parallel_loop3A_93 step %parallel_loop3A_94  : i32 {
      %parallel_loop3A_1641 = arith.constant 16 : i32
      %parallel_loop3A_1642 = arith.muli %parallel_loop3A_1640, %parallel_loop3A_1641 : i32
      %parallel_loop3A_1643 = arith.index_cast %parallel_loop3A_1642 : i32 to index
      %parallel_loop3A_1644 = tpu.vector_load %arg14[%parallel_loop3A_1643] {strides = array<i32>} : memref<2176xf32, #tpu.memory_space<vmem>>, vector<16xf32>,
      %parallel_loop3A_1645 = arith.index_cast %parallel_loop3A_1642 : i32 to index
      %parallel_loop3A_1646 = tpu.vector_load %arg16[%parallel_loop3A_1645] {strides = array<i32>} : memref<2176xf32, #tpu.memory_space<vmem>>, vector<16xf32>,
      %parallel_loop3A_1647 = arith.addf %parallel_loop3A_1644, %parallel_loop3A_1646 : vector<16xf32>
      %parallel_loop3A_1648 = arith.index_cast %parallel_loop3A_1642 : i32 to index
      %parallel_loop3A_1649 = tpu.vector_load %arg14[%parallel_loop3A_1648] {strides = array<i32>} : memref<2176xf32, #tpu.memory_space<vmem>>, vector<16xf32>,
      tpu.vector_store %arg14[%parallel_loop3A_1648], %parallel_loop3A_1647 {strides = array<i32>} : memref<2176xf32, #tpu.memory_space<vmem>>, vector<16xf32>,
    } {sc.loop_unroll_factor = 4 : i64, sc.parallel_access}
    %run_scoped3A_95 = arith.constant 7 : i32
    "tpu.region"() ({
      %run_scoped3A_1640 = tpu.sem_alloc : memref<!tpu.dma_semaphore, #tpu.memory_space<semaphore_mem>>
      %dma_start3A = tpu.memref_slice %arg13[%run_scoped3A_95, %mul3A_71] : memref<16x34816xf32, #tpu.memory_space<vmem_shared>> -> memref<1x2176xf32, #tpu.memory_space<vmem_shared>>
      %dma_start3A_1641 = tpu.memref_squeeze %dma_start3A : memref<1x2176xf32, #tpu.memory_space<vmem_shared>> -> memref<2176xf32, #tpu.memory_space<vmem_shared>>
      %dma_start3A_1642 = tpu.memref_slice %arg13[%run_scoped3A_95, %mul3A_71] : memref<16x34816xf32, #tpu.memory_space<vmem_shared>> -> memref<1x2176xf32, #tpu.memory_space<vmem_shared>>
      %dma_start3A_1643 = tpu.memref_squeeze %dma_start3A_1642 : memref<1x2176xf32, #tpu.memory_space<vmem_shared>> -> memref<2176xf32, #tpu.memory_space<vmem_shared>>
      tpu.enqueue_dma source(%dma_start3A_1643 : memref<2176xf32, #tpu.memory_space<vmem_shared>>) target(%arg16 : memref<2176xf32, #tpu.memory_space<vmem>>) target_semaphore(%run_scoped3A_1640 : memref<!tpu.dma_semaphore, #tpu.memory_space<semaphore_mem>>)
      %dma_wait3A = tpu.memref_slice %arg13[%run_scoped3A_95, %mul3A_71] : memref<16x34816xf32, #tpu.memory_space<vmem_shared>> -> memref<1x2176xf32, #tpu.memory_space<vmem_shared>>
      %dma_wait3A_1644 = tpu.memref_squeeze %dma_wait3A : memref<1x2176xf32, #tpu.memory_space<vmem_shared>> -> memref<2176xf32, #tpu.memory_space<vmem_shared>>
      %dma_wait3A_1645 = tpu.memref_slice %arg13[%run_scoped3A_95, %mul3A_71] : memref<16x34816xf32, #tpu.memory_space<vmem_shared>> -> memref<1x2176xf32, #tpu.memory_space<vmem_shared>>
      %dma_wait3A_1646 = tpu.memref_squeeze %dma_wait3A_1645 : memref<1x2176xf32, #tpu.memory_space<vmem_shared>> -> memref<2176xf32, #tpu.memory_space<vmem_shared>>
      tpu.wait_dma2 semaphore(%run_scoped3A_1640 : memref<!tpu.dma_semaphore, #tpu.memory_space<semaphore_mem>>) src(%dma_wait3A_1646 : memref<2176xf32, #tpu.memory_space<vmem_shared>>) dst(%arg16 : memref<2176xf32, #tpu.memory_space<vmem>>)
      tpu.yield
    }) : () -> ()
    %parallel_loop3A_96 = arith.constant 0 : i32
    %parallel_loop3A_97 = arith.constant 136 : i32
    %parallel_loop3A_98 = arith.constant 1 : i32
    scf.for %parallel_loop3A_1640 = %parallel_loop3A_96 to %parallel_loop3A_97 step %parallel_loop3A_98  : i32 {
      %parallel_loop3A_1641 = arith.constant 16 : i32
      %parallel_loop3A_1642 = arith.muli %parallel_loop3A_1640, %parallel_loop3A_1641 : i32
      %parallel_loop3A_1643 = arith.index_cast %parallel_loop3A_1642 : i32 to index
      %parallel_loop3A_1644 = tpu.vector_load %arg14[%parallel_loop3A_1643] {strides = array<i32>} : memref<2176xf32, #tpu.memory_space<vmem>>, vector<16xf32>,
      %parallel_loop3A_1645 = arith.index_cast %parallel_loop3A_1642 : i32 to index
      %parallel_loop3A_1646 = tpu.vector_load %arg16[%parallel_loop3A_1645] {strides = array<i32>} : memref<2176xf32, #tpu.memory_space<vmem>>, vector<16xf32>,
      %parallel_loop3A_1647 = arith.addf %parallel_loop3A_1644, %parallel_loop3A_1646 : vector<16xf32>
      %parallel_loop3A_1648 = arith.index_cast %parallel_loop3A_1642 : i32 to index
      %parallel_loop3A_1649 = tpu.vector_load %arg14[%parallel_loop3A_1648] {strides = array<i32>} : memref<2176xf32, #tpu.memory_space<vmem>>, vector<16xf32>,
      tpu.vector_store %arg14[%parallel_loop3A_1648], %parallel_loop3A_1647 {strides = array<i32>} : memref<2176xf32, #tpu.memory_space<vmem>>, vector<16xf32>,
    } {sc.loop_unroll_factor = 4 : i64, sc.parallel_access}
    %run_scoped3A_99 = arith.constant 8 : i32
    "tpu.region"() ({
      %run_scoped3A_1640 = tpu.sem_alloc : memref<!tpu.dma_semaphore, #tpu.memory_space<semaphore_mem>>
      %dma_start3A = tpu.memref_slice %arg13[%run_scoped3A_99, %mul3A_71] : memref<16x34816xf32, #tpu.memory_space<vmem_shared>> -> memref<1x2176xf32, #tpu.memory_space<vmem_shared>>
      %dma_start3A_1641 = tpu.memref_squeeze %dma_start3A : memref<1x2176xf32, #tpu.memory_space<vmem_shared>> -> memref<2176xf32, #tpu.memory_space<vmem_shared>>
      %dma_start3A_1642 = tpu.memref_slice %arg13[%run_scoped3A_99, %mul3A_71] : memref<16x34816xf32, #tpu.memory_space<vmem_shared>> -> memref<1x2176xf32, #tpu.memory_space<vmem_shared>>
      %dma_start3A_1643 = tpu.memref_squeeze %dma_start3A_1642 : memref<1x2176xf32, #tpu.memory_space<vmem_shared>> -> memref<2176xf32, #tpu.memory_space<vmem_shared>>
      tpu.enqueue_dma source(%dma_start3A_1643 : memref<2176xf32, #tpu.memory_space<vmem_shared>>) target(%arg16 : memref<2176xf32, #tpu.memory_space<vmem>>) target_semaphore(%run_scoped3A_1640 : memref<!tpu.dma_semaphore, #tpu.memory_space<semaphore_mem>>)
      %dma_wait3A = tpu.memref_slice %arg13[%run_scoped3A_99, %mul3A_71] : memref<16x34816xf32, #tpu.memory_space<vmem_shared>> -> memref<1x2176xf32, #tpu.memory_space<vmem_shared>>
      %dma_wait3A_1644 = tpu.memref_squeeze %dma_wait3A : memref<1x2176xf32, #tpu.memory_space<vmem_shared>> -> memref<2176xf32, #tpu.memory_space<vmem_shared>>
      %dma_wait3A_1645 = tpu.memref_slice %arg13[%run_scoped3A_99, %mul3A_71] : memref<16x34816xf32, #tpu.memory_space<vmem_shared>> -> memref<1x2176xf32, #tpu.memory_space<vmem_shared>>
      %dma_wait3A_1646 = tpu.memref_squeeze %dma_wait3A_1645 : memref<1x2176xf32, #tpu.memory_space<vmem_shared>> -> memref<2176xf32, #tpu.memory_space<vmem_shared>>
      tpu.wait_dma2 semaphore(%run_scoped3A_1640 : memref<!tpu.dma_semaphore, #tpu.memory_space<semaphore_mem>>) src(%dma_wait3A_1646 : memref<2176xf32, #tpu.memory_space<vmem_shared>>) dst(%arg16 : memref<2176xf32, #tpu.memory_space<vmem>>)
      tpu.yield
    }) : () -> ()
    %parallel_loop3A_100 = arith.constant 0 : i32
    %parallel_loop3A_101 = arith.constant 136 : i32
    %parallel_loop3A_102 = arith.constant 1 : i32
    scf.for %parallel_loop3A_1640 = %parallel_loop3A_100 to %parallel_loop3A_101 step %parallel_loop3A_102  : i32 {
      %parallel_loop3A_1641 = arith.constant 16 : i32
      %parallel_loop3A_1642 = arith.muli %parallel_loop3A_1640, %parallel_loop3A_1641 : i32
      %parallel_loop3A_1643 = arith.index_cast %parallel_loop3A_1642 : i32 to index
      %parallel_loop3A_1644 = tpu.vector_load %arg14[%parallel_loop3A_1643] {strides = array<i32>} : memref<2176xf32, #tpu.memory_space<vmem>>, vector<16xf32>,
      %parallel_loop3A_1645 = arith.index_cast %parallel_loop3A_1642 : i32 to index
      %parallel_loop3A_1646 = tpu.vector_load %arg16[%parallel_loop3A_1645] {strides = array<i32>} : memref<2176xf32, #tpu.memory_space<vmem>>, vector<16xf32>,
      %parallel_loop3A_1647 = arith.addf %parallel_loop3A_1644, %parallel_loop3A_1646 : vector<16xf32>
      %parallel_loop3A_1648 = arith.index_cast %parallel_loop3A_1642 : i32 to index
      %parallel_loop3A_1649 = tpu.vector_load %arg14[%parallel_loop3A_1648] {strides = array<i32>} : memref<2176xf32, #tpu.memory_space<vmem>>, vector<16xf32>,
      tpu.vector_store %arg14[%parallel_loop3A_1648], %parallel_loop3A_1647 {strides = array<i32>} : memref<2176xf32, #tpu.memory_space<vmem>>, vector<16xf32>,
    } {sc.loop_unroll_factor = 4 : i64, sc.parallel_access}
    %run_scoped3A_103 = arith.constant 9 : i32
    "tpu.region"() ({
      %run_scoped3A_1640 = tpu.sem_alloc : memref<!tpu.dma_semaphore, #tpu.memory_space<semaphore_mem>>
      %dma_start3A = tpu.memref_slice %arg13[%run_scoped3A_103, %mul3A_71] : memref<16x34816xf32, #tpu.memory_space<vmem_shared>> -> memref<1x2176xf32, #tpu.memory_space<vmem_shared>>
      %dma_start3A_1641 = tpu.memref_squeeze %dma_start3A : memref<1x2176xf32, #tpu.memory_space<vmem_shared>> -> memref<2176xf32, #tpu.memory_space<vmem_shared>>
      %dma_start3A_1642 = tpu.memref_slice %arg13[%run_scoped3A_103, %mul3A_71] : memref<16x34816xf32, #tpu.memory_space<vmem_shared>> -> memref<1x2176xf32, #tpu.memory_space<vmem_shared>>
      %dma_start3A_1643 = tpu.memref_squeeze %dma_start3A_1642 : memref<1x2176xf32, #tpu.memory_space<vmem_shared>> -> memref<2176xf32, #tpu.memory_space<vmem_shared>>
      tpu.enqueue_dma source(%dma_start3A_1643 : memref<2176xf32, #tpu.memory_space<vmem_shared>>) target(%arg16 : memref<2176xf32, #tpu.memory_space<vmem>>) target_semaphore(%run_scoped3A_1640 : memref<!tpu.dma_semaphore, #tpu.memory_space<semaphore_mem>>)
      %dma_wait3A = tpu.memref_slice %arg13[%run_scoped3A_103, %mul3A_71] : memref<16x34816xf32, #tpu.memory_space<vmem_shared>> -> memref<1x2176xf32, #tpu.memory_space<vmem_shared>>
      %dma_wait3A_1644 = tpu.memref_squeeze %dma_wait3A : memref<1x2176xf32, #tpu.memory_space<vmem_shared>> -> memref<2176xf32, #tpu.memory_space<vmem_shared>>
      %dma_wait3A_1645 = tpu.memref_slice %arg13[%run_scoped3A_103, %mul3A_71] : memref<16x34816xf32, #tpu.memory_space<vmem_shared>> -> memref<1x2176xf32, #tpu.memory_space<vmem_shared>>
      %dma_wait3A_1646 = tpu.memref_squeeze %dma_wait3A_1645 : memref<1x2176xf32, #tpu.memory_space<vmem_shared>> -> memref<2176xf32, #tpu.memory_space<vmem_shared>>
      tpu.wait_dma2 semaphore(%run_scoped3A_1640 : memref<!tpu.dma_semaphore, #tpu.memory_space<semaphore_mem>>) src(%dma_wait3A_1646 : memref<2176xf32, #tpu.memory_space<vmem_shared>>) dst(%arg16 : memref<2176xf32, #tpu.memory_space<vmem>>)
      tpu.yield
    }) : () -> ()
    %parallel_loop3A_104 = arith.constant 0 : i32
    %parallel_loop3A_105 = arith.constant 136 : i32
    %parallel_loop3A_106 = arith.constant 1 : i32
    scf.for %parallel_loop3A_1640 = %parallel_loop3A_104 to %parallel_loop3A_105 step %parallel_loop3A_106  : i32 {
      %parallel_loop3A_1641 = arith.constant 16 : i32
      %parallel_loop3A_1642 = arith.muli %parallel_loop3A_1640, %parallel_loop3A_1641 : i32
      %parallel_loop3A_1643 = arith.index_cast %parallel_loop3A_1642 : i32 to index
      %parallel_loop3A_1644 = tpu.vector_load %arg14[%parallel_loop3A_1643] {strides = array<i32>} : memref<2176xf32, #tpu.memory_space<vmem>>, vector<16xf32>,
      %parallel_loop3A_1645 = arith.index_cast %parallel_loop3A_1642 : i32 to index
      %parallel_loop3A_1646 = tpu.vector_load %arg16[%parallel_loop3A_1645] {strides = array<i32>} : memref<2176xf32, #tpu.memory_space<vmem>>, vector<16xf32>,
      %parallel_loop3A_1647 = arith.addf %parallel_loop3A_1644, %parallel_loop3A_1646 : vector<16xf32>
      %parallel_loop3A_1648 = arith.index_cast %parallel_loop3A_1642 : i32 to index
      %parallel_loop3A_1649 = tpu.vector_load %arg14[%parallel_loop3A_1648] {strides = array<i32>} : memref<2176xf32, #tpu.memory_space<vmem>>, vector<16xf32>,
      tpu.vector_store %arg14[%parallel_loop3A_1648], %parallel_loop3A_1647 {strides = array<i32>} : memref<2176xf32, #tpu.memory_space<vmem>>, vector<16xf32>,
    } {sc.loop_unroll_factor = 4 : i64, sc.parallel_access}
    %run_scoped3A_107 = arith.constant 10 : i32
    "tpu.region"() ({
      %run_scoped3A_1640 = tpu.sem_alloc : memref<!tpu.dma_semaphore, #tpu.memory_space<semaphore_mem>>
      %dma_start3A = tpu.memref_slice %arg13[%run_scoped3A_107, %mul3A_71] : memref<16x34816xf32, #tpu.memory_space<vmem_shared>> -> memref<1x2176xf32, #tpu.memory_space<vmem_shared>>
      %dma_start3A_1641 = tpu.memref_squeeze %dma_start3A : memref<1x2176xf32, #tpu.memory_space<vmem_shared>> -> memref<2176xf32, #tpu.memory_space<vmem_shared>>
      %dma_start3A_1642 = tpu.memref_slice %arg13[%run_scoped3A_107, %mul3A_71] : memref<16x34816xf32, #tpu.memory_space<vmem_shared>> -> memref<1x2176xf32, #tpu.memory_space<vmem_shared>>
      %dma_start3A_1643 = tpu.memref_squeeze %dma_start3A_1642 : memref<1x2176xf32, #tpu.memory_space<vmem_shared>> -> memref<2176xf32, #tpu.memory_space<vmem_shared>>
      tpu.enqueue_dma source(%dma_start3A_1643 : memref<2176xf32, #tpu.memory_space<vmem_shared>>) target(%arg16 : memref<2176xf32, #tpu.memory_space<vmem>>) target_semaphore(%run_scoped3A_1640 : memref<!tpu.dma_semaphore, #tpu.memory_space<semaphore_mem>>)
      %dma_wait3A = tpu.memref_slice %arg13[%run_scoped3A_107, %mul3A_71] : memref<16x34816xf32, #tpu.memory_space<vmem_shared>> -> memref<1x2176xf32, #tpu.memory_space<vmem_shared>>
      %dma_wait3A_1644 = tpu.memref_squeeze %dma_wait3A : memref<1x2176xf32, #tpu.memory_space<vmem_shared>> -> memref<2176xf32, #tpu.memory_space<vmem_shared>>
      %dma_wait3A_1645 = tpu.memref_slice %arg13[%run_scoped3A_107, %mul3A_71] : memref<16x34816xf32, #tpu.memory_space<vmem_shared>> -> memref<1x2176xf32, #tpu.memory_space<vmem_shared>>
      %dma_wait3A_1646 = tpu.memref_squeeze %dma_wait3A_1645 : memref<1x2176xf32, #tpu.memory_space<vmem_shared>> -> memref<2176xf32, #tpu.memory_space<vmem_shared>>
      tpu.wait_dma2 semaphore(%run_scoped3A_1640 : memref<!tpu.dma_semaphore, #tpu.memory_space<semaphore_mem>>) src(%dma_wait3A_1646 : memref<2176xf32, #tpu.memory_space<vmem_shared>>) dst(%arg16 : memref<2176xf32, #tpu.memory_space<vmem>>)
      tpu.yield
    }) : () -> ()
    %parallel_loop3A_108 = arith.constant 0 : i32
    %parallel_loop3A_109 = arith.constant 136 : i32
    %parallel_loop3A_110 = arith.constant 1 : i32
    scf.for %parallel_loop3A_1640 = %parallel_loop3A_108 to %parallel_loop3A_109 step %parallel_loop3A_110  : i32 {
      %parallel_loop3A_1641 = arith.constant 16 : i32
      %parallel_loop3A_1642 = arith.muli %parallel_loop3A_1640, %parallel_loop3A_1641 : i32
      %parallel_loop3A_1643 = arith.index_cast %parallel_loop3A_1642 : i32 to index
      %parallel_loop3A_1644 = tpu.vector_load %arg14[%parallel_loop3A_1643] {strides = array<i32>} : memref<2176xf32, #tpu.memory_space<vmem>>, vector<16xf32>,
      %parallel_loop3A_1645 = arith.index_cast %parallel_loop3A_1642 : i32 to index
      %parallel_loop3A_1646 = tpu.vector_load %arg16[%parallel_loop3A_1645] {strides = array<i32>} : memref<2176xf32, #tpu.memory_space<vmem>>, vector<16xf32>,
      %parallel_loop3A_1647 = arith.addf %parallel_loop3A_1644, %parallel_loop3A_1646 : vector<16xf32>
      %parallel_loop3A_1648 = arith.index_cast %parallel_loop3A_1642 : i32 to index
      %parallel_loop3A_1649 = tpu.vector_load %arg14[%parallel_loop3A_1648] {strides = array<i32>} : memref<2176xf32, #tpu.memory_space<vmem>>, vector<16xf32>,
      tpu.vector_store %arg14[%parallel_loop3A_1648], %parallel_loop3A_1647 {strides = array<i32>} : memref<2176xf32, #tpu.memory_space<vmem>>, vector<16xf32>,
    } {sc.loop_unroll_factor = 4 : i64, sc.parallel_access}
    %run_scoped3A_111 = arith.constant 11 : i32
    "tpu.region"() ({
      %run_scoped3A_1640 = tpu.sem_alloc : memref<!tpu.dma_semaphore, #tpu.memory_space<semaphore_mem>>
      %dma_start3A = tpu.memref_slice %arg13[%run_scoped3A_111, %mul3A_71] : memref<16x34816xf32, #tpu.memory_space<vmem_shared>> -> memref<1x2176xf32, #tpu.memory_space<vmem_shared>>
      %dma_start3A_1641 = tpu.memref_squeeze %dma_start3A : memref<1x2176xf32, #tpu.memory_space<vmem_shared>> -> memref<2176xf32, #tpu.memory_space<vmem_shared>>
      %dma_start3A_1642 = tpu.memref_slice %arg13[%run_scoped3A_111, %mul3A_71] : memref<16x34816xf32, #tpu.memory_space<vmem_shared>> -> memref<1x2176xf32, #tpu.memory_space<vmem_shared>>
      %dma_start3A_1643 = tpu.memref_squeeze %dma_start3A_1642 : memref<1x2176xf32, #tpu.memory_space<vmem_shared>> -> memref<2176xf32, #tpu.memory_space<vmem_shared>>
      tpu.enqueue_dma source(%dma_start3A_1643 : memref<2176xf32, #tpu.memory_space<vmem_shared>>) target(%arg16 : memref<2176xf32, #tpu.memory_space<vmem>>) target_semaphore(%run_scoped3A_1640 : memref<!tpu.dma_semaphore, #tpu.memory_space<semaphore_mem>>)
      %dma_wait3A = tpu.memref_slice %arg13[%run_scoped3A_111, %mul3A_71] : memref<16x34816xf32, #tpu.memory_space<vmem_shared>> -> memref<1x2176xf32, #tpu.memory_space<vmem_shared>>
      %dma_wait3A_1644 = tpu.memref_squeeze %dma_wait3A : memref<1x2176xf32, #tpu.memory_space<vmem_shared>> -> memref<2176xf32, #tpu.memory_space<vmem_shared>>
      %dma_wait3A_1645 = tpu.memref_slice %arg13[%run_scoped3A_111, %mul3A_71] : memref<16x34816xf32, #tpu.memory_space<vmem_shared>> -> memref<1x2176xf32, #tpu.memory_space<vmem_shared>>
      %dma_wait3A_1646 = tpu.memref_squeeze %dma_wait3A_1645 : memref<1x2176xf32, #tpu.memory_space<vmem_shared>> -> memref<2176xf32, #tpu.memory_space<vmem_shared>>
      tpu.wait_dma2 semaphore(%run_scoped3A_1640 : memref<!tpu.dma_semaphore, #tpu.memory_space<semaphore_mem>>) src(%dma_wait3A_1646 : memref<2176xf32, #tpu.memory_space<vmem_shared>>) dst(%arg16 : memref<2176xf32, #tpu.memory_space<vmem>>)
      tpu.yield
    }) : () -> ()
    %parallel_loop3A_112 = arith.constant 0 : i32
    %parallel_loop3A_113 = arith.constant 136 : i32
    %parallel_loop3A_114 = arith.constant 1 : i32
    scf.for %parallel_loop3A_1640 = %parallel_loop3A_112 to %parallel_loop3A_113 step %parallel_loop3A_114  : i32 {
      %parallel_loop3A_1641 = arith.constant 16 : i32
      %parallel_loop3A_1642 = arith.muli %parallel_loop3A_1640, %parallel_loop3A_1641 : i32
      %parallel_loop3A_1643 = arith.index_cast %parallel_loop3A_1642 : i32 to index
      %parallel_loop3A_1644 = tpu.vector_load %arg14[%parallel_loop3A_1643] {strides = array<i32>} : memref<2176xf32, #tpu.memory_space<vmem>>, vector<16xf32>,
      %parallel_loop3A_1645 = arith.index_cast %parallel_loop3A_1642 : i32 to index
      %parallel_loop3A_1646 = tpu.vector_load %arg16[%parallel_loop3A_1645] {strides = array<i32>} : memref<2176xf32, #tpu.memory_space<vmem>>, vector<16xf32>,
      %parallel_loop3A_1647 = arith.addf %parallel_loop3A_1644, %parallel_loop3A_1646 : vector<16xf32>
      %parallel_loop3A_1648 = arith.index_cast %parallel_loop3A_1642 : i32 to index
      %parallel_loop3A_1649 = tpu.vector_load %arg14[%parallel_loop3A_1648] {strides = array<i32>} : memref<2176xf32, #tpu.memory_space<vmem>>, vector<16xf32>,
      tpu.vector_store %arg14[%parallel_loop3A_1648], %parallel_loop3A_1647 {strides = array<i32>} : memref<2176xf32, #tpu.memory_space<vmem>>, vector<16xf32>,
    } {sc.loop_unroll_factor = 4 : i64, sc.parallel_access}
    %run_scoped3A_115 = arith.constant 12 : i32
    "tpu.region"() ({
      %run_scoped3A_1640 = tpu.sem_alloc : memref<!tpu.dma_semaphore, #tpu.memory_space<semaphore_mem>>
      %dma_start3A = tpu.memref_slice %arg13[%run_scoped3A_115, %mul3A_71] : memref<16x34816xf32, #tpu.memory_space<vmem_shared>> -> memref<1x2176xf32, #tpu.memory_space<vmem_shared>>
      %dma_start3A_1641 = tpu.memref_squeeze %dma_start3A : memref<1x2176xf32, #tpu.memory_space<vmem_shared>> -> memref<2176xf32, #tpu.memory_space<vmem_shared>>
      %dma_start3A_1642 = tpu.memref_slice %arg13[%run_scoped3A_115, %mul3A_71] : memref<16x34816xf32, #tpu.memory_space<vmem_shared>> -> memref<1x2176xf32, #tpu.memory_space<vmem_shared>>
      %dma_start3A_1643 = tpu.memref_squeeze %dma_start3A_1642 : memref<1x2176xf32, #tpu.memory_space<vmem_shared>> -> memref<2176xf32, #tpu.memory_space<vmem_shared>>
      tpu.enqueue_dma source(%dma_start3A_1643 : memref<2176xf32, #tpu.memory_space<vmem_shared>>) target(%arg16 : memref<2176xf32, #tpu.memory_space<vmem>>) target_semaphore(%run_scoped3A_1640 : memref<!tpu.dma_semaphore, #tpu.memory_space<semaphore_mem>>)
      %dma_wait3A = tpu.memref_slice %arg13[%run_scoped3A_115, %mul3A_71] : memref<16x34816xf32, #tpu.memory_space<vmem_shared>> -> memref<1x2176xf32, #tpu.memory_space<vmem_shared>>
      %dma_wait3A_1644 = tpu.memref_squeeze %dma_wait3A : memref<1x2176xf32, #tpu.memory_space<vmem_shared>> -> memref<2176xf32, #tpu.memory_space<vmem_shared>>
      %dma_wait3A_1645 = tpu.memref_slice %arg13[%run_scoped3A_115, %mul3A_71] : memref<16x34816xf32, #tpu.memory_space<vmem_shared>> -> memref<1x2176xf32, #tpu.memory_space<vmem_shared>>
      %dma_wait3A_1646 = tpu.memref_squeeze %dma_wait3A_1645 : memref<1x2176xf32, #tpu.memory_space<vmem_shared>> -> memref<2176xf32, #tpu.memory_space<vmem_shared>>
      tpu.wait_dma2 semaphore(%run_scoped3A_1640 : memref<!tpu.dma_semaphore, #tpu.memory_space<semaphore_mem>>) src(%dma_wait3A_1646 : memref<2176xf32, #tpu.memory_space<vmem_shared>>) dst(%arg16 : memref<2176xf32, #tpu.memory_space<vmem>>)
      tpu.yield
    }) : () -> ()
    %parallel_loop3A_116 = arith.constant 0 : i32
    %parallel_loop3A_117 = arith.constant 136 : i32
    %parallel_loop3A_118 = arith.constant 1 : i32
    scf.for %parallel_loop3A_1640 = %parallel_loop3A_116 to %parallel_loop3A_117 step %parallel_loop3A_118  : i32 {
      %parallel_loop3A_1641 = arith.constant 16 : i32
      %parallel_loop3A_1642 = arith.muli %parallel_loop3A_1640, %parallel_loop3A_1641 : i32
      %parallel_loop3A_1643 = arith.index_cast %parallel_loop3A_1642 : i32 to index
      %parallel_loop3A_1644 = tpu.vector_load %arg14[%parallel_loop3A_1643] {strides = array<i32>} : memref<2176xf32, #tpu.memory_space<vmem>>, vector<16xf32>,
      %parallel_loop3A_1645 = arith.index_cast %parallel_loop3A_1642 : i32 to index
      %parallel_loop3A_1646 = tpu.vector_load %arg16[%parallel_loop3A_1645] {strides = array<i32>} : memref<2176xf32, #tpu.memory_space<vmem>>, vector<16xf32>,
      %parallel_loop3A_1647 = arith.addf %parallel_loop3A_1644, %parallel_loop3A_1646 : vector<16xf32>
      %parallel_loop3A_1648 = arith.index_cast %parallel_loop3A_1642 : i32 to index
      %parallel_loop3A_1649 = tpu.vector_load %arg14[%parallel_loop3A_1648] {strides = array<i32>} : memref<2176xf32, #tpu.memory_space<vmem>>, vector<16xf32>,
      tpu.vector_store %arg14[%parallel_loop3A_1648], %parallel_loop3A_1647 {strides = array<i32>} : memref<2176xf32, #tpu.memory_space<vmem>>, vector<16xf32>,
    } {sc.loop_unroll_factor = 4 : i64, sc.parallel_access}
    %run_scoped3A_119 = arith.constant 13 : i32
    "tpu.region"() ({
      %run_scoped3A_1640 = tpu.sem_alloc : memref<!tpu.dma_semaphore, #tpu.memory_space<semaphore_mem>>
      %dma_start3A = tpu.memref_slice %arg13[%run_scoped3A_119, %mul3A_71] : memref<16x34816xf32, #tpu.memory_space<vmem_shared>> -> memref<1x2176xf32, #tpu.memory_space<vmem_shared>>
      %dma_start3A_1641 = tpu.memref_squeeze %dma_start3A : memref<1x2176xf32, #tpu.memory_space<vmem_shared>> -> memref<2176xf32, #tpu.memory_space<vmem_shared>>
      %dma_start3A_1642 = tpu.memref_slice %arg13[%run_scoped3A_119, %mul3A_71] : memref<16x34816xf32, #tpu.memory_space<vmem_shared>> -> memref<1x2176xf32, #tpu.memory_space<vmem_shared>>
      %dma_start3A_1643 = tpu.memref_squeeze %dma_start3A_1642 : memref<1x2176xf32, #tpu.memory_space<vmem_shared>> -> memref<2176xf32, #tpu.memory_space<vmem_shared>>
      tpu.enqueue_dma source(%dma_start3A_1643 : memref<2176xf32, #tpu.memory_space<vmem_shared>>) target(%arg16 : memref<2176xf32, #tpu.memory_space<vmem>>) target_semaphore(%run_scoped3A_1640 : memref<!tpu.dma_semaphore, #tpu.memory_space<semaphore_mem>>)
      %dma_wait3A = tpu.memref_slice %arg13[%run_scoped3A_119, %mul3A_71] : memref<16x34816xf32, #tpu.memory_space<vmem_shared>> -> memref<1x2176xf32, #tpu.memory_space<vmem_shared>>
      %dma_wait3A_1644 = tpu.memref_squeeze %dma_wait3A : memref<1x2176xf32, #tpu.memory_space<vmem_shared>> -> memref<2176xf32, #tpu.memory_space<vmem_shared>>
      %dma_wait3A_1645 = tpu.memref_slice %arg13[%run_scoped3A_119, %mul3A_71] : memref<16x34816xf32, #tpu.memory_space<vmem_shared>> -> memref<1x2176xf32, #tpu.memory_space<vmem_shared>>
      %dma_wait3A_1646 = tpu.memref_squeeze %dma_wait3A_1645 : memref<1x2176xf32, #tpu.memory_space<vmem_shared>> -> memref<2176xf32, #tpu.memory_space<vmem_shared>>
      tpu.wait_dma2 semaphore(%run_scoped3A_1640 : memref<!tpu.dma_semaphore, #tpu.memory_space<semaphore_mem>>) src(%dma_wait3A_1646 : memref<2176xf32, #tpu.memory_space<vmem_shared>>) dst(%arg16 : memref<2176xf32, #tpu.memory_space<vmem>>)
      tpu.yield
    }) : () -> ()
    %parallel_loop3A_120 = arith.constant 0 : i32
    %parallel_loop3A_121 = arith.constant 136 : i32
    %parallel_loop3A_122 = arith.constant 1 : i32
    scf.for %parallel_loop3A_1640 = %parallel_loop3A_120 to %parallel_loop3A_121 step %parallel_loop3A_122  : i32 {
      %parallel_loop3A_1641 = arith.constant 16 : i32
      %parallel_loop3A_1642 = arith.muli %parallel_loop3A_1640, %parallel_loop3A_1641 : i32
      %parallel_loop3A_1643 = arith.index_cast %parallel_loop3A_1642 : i32 to index
      %parallel_loop3A_1644 = tpu.vector_load %arg14[%parallel_loop3A_1643] {strides = array<i32>} : memref<2176xf32, #tpu.memory_space<vmem>>, vector<16xf32>,
      %parallel_loop3A_1645 = arith.index_cast %parallel_loop3A_1642 : i32 to index
      %parallel_loop3A_1646 = tpu.vector_load %arg16[%parallel_loop3A_1645] {strides = array<i32>} : memref<2176xf32, #tpu.memory_space<vmem>>, vector<16xf32>,
      %parallel_loop3A_1647 = arith.addf %parallel_loop3A_1644, %parallel_loop3A_1646 : vector<16xf32>
      %parallel_loop3A_1648 = arith.index_cast %parallel_loop3A_1642 : i32 to index
      %parallel_loop3A_1649 = tpu.vector_load %arg14[%parallel_loop3A_1648] {strides = array<i32>} : memref<2176xf32, #tpu.memory_space<vmem>>, vector<16xf32>,
      tpu.vector_store %arg14[%parallel_loop3A_1648], %parallel_loop3A_1647 {strides = array<i32>} : memref<2176xf32, #tpu.memory_space<vmem>>, vector<16xf32>,
    } {sc.loop_unroll_factor = 4 : i64, sc.parallel_access}
    %run_scoped3A_123 = arith.constant 14 : i32
    "tpu.region"() ({
      %run_scoped3A_1640 = tpu.sem_alloc : memref<!tpu.dma_semaphore, #tpu.memory_space<semaphore_mem>>
      %dma_start3A = tpu.memref_slice %arg13[%run_scoped3A_123, %mul3A_71] : memref<16x34816xf32, #tpu.memory_space<vmem_shared>> -> memref<1x2176xf32, #tpu.memory_space<vmem_shared>>
      %dma_start3A_1641 = tpu.memref_squeeze %dma_start3A : memref<1x2176xf32, #tpu.memory_space<vmem_shared>> -> memref<2176xf32, #tpu.memory_space<vmem_shared>>
      %dma_start3A_1642 = tpu.memref_slice %arg13[%run_scoped3A_123, %mul3A_71] : memref<16x34816xf32, #tpu.memory_space<vmem_shared>> -> memref<1x2176xf32, #tpu.memory_space<vmem_shared>>
      %dma_start3A_1643 = tpu.memref_squeeze %dma_start3A_1642 : memref<1x2176xf32, #tpu.memory_space<vmem_shared>> -> memref<2176xf32, #tpu.memory_space<vmem_shared>>
      tpu.enqueue_dma source(%dma_start3A_1643 : memref<2176xf32, #tpu.memory_space<vmem_shared>>) target(%arg16 : memref<2176xf32, #tpu.memory_space<vmem>>) target_semaphore(%run_scoped3A_1640 : memref<!tpu.dma_semaphore, #tpu.memory_space<semaphore_mem>>)
      %dma_wait3A = tpu.memref_slice %arg13[%run_scoped3A_123, %mul3A_71] : memref<16x34816xf32, #tpu.memory_space<vmem_shared>> -> memref<1x2176xf32, #tpu.memory_space<vmem_shared>>
      %dma_wait3A_1644 = tpu.memref_squeeze %dma_wait3A : memref<1x2176xf32, #tpu.memory_space<vmem_shared>> -> memref<2176xf32, #tpu.memory_space<vmem_shared>>
      %dma_wait3A_1645 = tpu.memref_slice %arg13[%run_scoped3A_123, %mul3A_71] : memref<16x34816xf32, #tpu.memory_space<vmem_shared>> -> memref<1x2176xf32, #tpu.memory_space<vmem_shared>>
      %dma_wait3A_1646 = tpu.memref_squeeze %dma_wait3A_1645 : memref<1x2176xf32, #tpu.memory_space<vmem_shared>> -> memref<2176xf32, #tpu.memory_space<vmem_shared>>
      tpu.wait_dma2 semaphore(%run_scoped3A_1640 : memref<!tpu.dma_semaphore, #tpu.memory_space<semaphore_mem>>) src(%dma_wait3A_1646 : memref<2176xf32, #tpu.memory_space<vmem_shared>>) dst(%arg16 : memref<2176xf32, #tpu.memory_space<vmem>>)
      tpu.yield
    }) : () -> ()
    %parallel_loop3A_124 = arith.constant 0 : i32
    %parallel_loop3A_125 = arith.constant 136 : i32
    %parallel_loop3A_126 = arith.constant 1 : i32
    scf.for %parallel_loop3A_1640 = %parallel_loop3A_124 to %parallel_loop3A_125 step %parallel_loop3A_126  : i32 {
      %parallel_loop3A_1641 = arith.constant 16 : i32
      %parallel_loop3A_1642 = arith.muli %parallel_loop3A_1640, %parallel_loop3A_1641 : i32
      %parallel_loop3A_1643 = arith.index_cast %parallel_loop3A_1642 : i32 to index
      %parallel_loop3A_1644 = tpu.vector_load %arg14[%parallel_loop3A_1643] {strides = array<i32>} : memref<2176xf32, #tpu.memory_space<vmem>>, vector<16xf32>,
      %parallel_loop3A_1645 = arith.index_cast %parallel_loop3A_1642 : i32 to index
      %parallel_loop3A_1646 = tpu.vector_load %arg16[%parallel_loop3A_1645] {strides = array<i32>} : memref<2176xf32, #tpu.memory_space<vmem>>, vector<16xf32>,
      %parallel_loop3A_1647 = arith.addf %parallel_loop3A_1644, %parallel_loop3A_1646 : vector<16xf32>
      %parallel_loop3A_1648 = arith.index_cast %parallel_loop3A_1642 : i32 to index
      %parallel_loop3A_1649 = tpu.vector_load %arg14[%parallel_loop3A_1648] {strides = array<i32>} : memref<2176xf32, #tpu.memory_space<vmem>>, vector<16xf32>,
      tpu.vector_store %arg14[%parallel_loop3A_1648], %parallel_loop3A_1647 {strides = array<i32>} : memref<2176xf32, #tpu.memory_space<vmem>>, vector<16xf32>,
    } {sc.loop_unroll_factor = 4 : i64, sc.parallel_access}
    %run_scoped3A_127 = arith.constant 15 : i32
    "tpu.region"() ({
      %run_scoped3A_1640 = tpu.sem_alloc : memref<!tpu.dma_semaphore, #tpu.memory_space<semaphore_mem>>
      %dma_start3A = tpu.memref_slice %arg13[%run_scoped3A_127, %mul3A_71] : memref<16x34816xf32, #tpu.memory_space<vmem_shared>> -> memref<1x2176xf32, #tpu.memory_space<vmem_shared>>
      %dma_start3A_1641 = tpu.memref_squeeze %dma_start3A : memref<1x2176xf32, #tpu.memory_space<vmem_shared>> -> memref<2176xf32, #tpu.memory_space<vmem_shared>>
      %dma_start3A_1642 = tpu.memref_slice %arg13[%run_scoped3A_127, %mul3A_71] : memref<16x34816xf32, #tpu.memory_space<vmem_shared>> -> memref<1x2176xf32, #tpu.memory_space<vmem_shared>>
      %dma_start3A_1643 = tpu.memref_squeeze %dma_start3A_1642 : memref<1x2176xf32, #tpu.memory_space<vmem_shared>> -> memref<2176xf32, #tpu.memory_space<vmem_shared>>
      tpu.enqueue_dma source(%dma_start3A_1643 : memref<2176xf32, #tpu.memory_space<vmem_shared>>) target(%arg16 : memref<2176xf32, #tpu.memory_space<vmem>>) target_semaphore(%run_scoped3A_1640 : memref<!tpu.dma_semaphore, #tpu.memory_space<semaphore_mem>>)
      %dma_wait3A = tpu.memref_slice %arg13[%run_scoped3A_127, %mul3A_71] : memref<16x34816xf32, #tpu.memory_space<vmem_shared>> -> memref<1x2176xf32, #tpu.memory_space<vmem_shared>>
      %dma_wait3A_1644 = tpu.memref_squeeze %dma_wait3A : memref<1x2176xf32, #tpu.memory_space<vmem_shared>> -> memref<2176xf32, #tpu.memory_space<vmem_shared>>
      %dma_wait3A_1645 = tpu.memref_slice %arg13[%run_scoped3A_127, %mul3A_71] : memref<16x34816xf32, #tpu.memory_space<vmem_shared>> -> memref<1x2176xf32, #tpu.memory_space<vmem_shared>>
      %dma_wait3A_1646 = tpu.memref_squeeze %dma_wait3A_1645 : memref<1x2176xf32, #tpu.memory_space<vmem_shared>> -> memref<2176xf32, #tpu.memory_space<vmem_shared>>
      tpu.wait_dma2 semaphore(%run_scoped3A_1640 : memref<!tpu.dma_semaphore, #tpu.memory_space<semaphore_mem>>) src(%dma_wait3A_1646 : memref<2176xf32, #tpu.memory_space<vmem_shared>>) dst(%arg16 : memref<2176xf32, #tpu.memory_space<vmem>>)
      tpu.yield
    }) : () -> ()
    %parallel_loop3A_128 = arith.constant 0 : i32
    %parallel_loop3A_129 = arith.constant 136 : i32
    %parallel_loop3A_130 = arith.constant 1 : i32
    scf.for %parallel_loop3A_1640 = %parallel_loop3A_128 to %parallel_loop3A_129 step %parallel_loop3A_130  : i32 {
      %parallel_loop3A_1641 = arith.constant 16 : i32
      %parallel_loop3A_1642 = arith.muli %parallel_loop3A_1640, %parallel_loop3A_1641 : i32
      %parallel_loop3A_1643 = arith.index_cast %parallel_loop3A_1642 : i32 to index
      %parallel_loop3A_1644 = tpu.vector_load %arg14[%parallel_loop3A_1643] {strides = array<i32>} : memref<2176xf32, #tpu.memory_space<vmem>>, vector<16xf32>,
      %parallel_loop3A_1645 = arith.index_cast %parallel_loop3A_1642 : i32 to index
      %parallel_loop3A_1646 = tpu.vector_load %arg16[%parallel_loop3A_1645] {strides = array<i32>} : memref<2176xf32, #tpu.memory_space<vmem>>, vector<16xf32>,
      %parallel_loop3A_1647 = arith.addf %parallel_loop3A_1644, %parallel_loop3A_1646 : vector<16xf32>
      %parallel_loop3A_1648 = arith.index_cast %parallel_loop3A_1642 : i32 to index
      %parallel_loop3A_1649 = tpu.vector_load %arg14[%parallel_loop3A_1648] {strides = array<i32>} : memref<2176xf32, #tpu.memory_space<vmem>>, vector<16xf32>,
      tpu.vector_store %arg14[%parallel_loop3A_1648], %parallel_loop3A_1647 {strides = array<i32>} : memref<2176xf32, #tpu.memory_space<vmem>>, vector<16xf32>,
    } {sc.loop_unroll_factor = 4 : i64, sc.parallel_access}
    %barrier3A_131 = arith.constant 0 : index
    tpu.barrier barrier_id(%barrier3A_131)
    "tpu.region"() ({
      %run_scoped3A_1640 = tpu.sem_alloc : memref<!tpu.dma_semaphore, #tpu.memory_space<semaphore_mem>>
      %dma_start3A = arith.constant 0 : i32
      %dma_start3A_1641 = tpu.memref_slice %arg13[%arg1, %dma_start3A] : memref<16x34816xf32, #tpu.memory_space<vmem_shared>> -> memref<1x34816xf32, #tpu.memory_space<vmem_shared>>
      %dma_start3A_1642 = tpu.memref_squeeze %dma_start3A_1641 : memref<1x34816xf32, #tpu.memory_space<vmem_shared>> -> memref<34816xf32, #tpu.memory_space<vmem_shared>>
      %dma_start3A_1643 = arith.constant 0 : i32
      %dma_start3A_1644 = tpu.memref_slice %arg13[%arg1, %dma_start3A_1643] : memref<16x34816xf32, #tpu.memory_space<vmem_shared>> -> memref<1x34816xf32, #tpu.memory_space<vmem_shared>>
      %dma_start3A_1645 = tpu.memref_squeeze %dma_start3A_1644 : memref<1x34816xf32, #tpu.memory_space<vmem_shared>> -> memref<34816xf32, #tpu.memory_space<vmem_shared>>
      tpu.enqueue_dma source(%arg12 : memref<34816xf32, #tpu.memory_space<vmem>>) target(%dma_start3A_1645 : memref<34816xf32, #tpu.memory_space<vmem_shared>>) target_semaphore(%run_scoped3A_1640 : memref<!tpu.dma_semaphore, #tpu.memory_space<semaphore_mem>>)
      %dma_wait3A = arith.constant 0 : i32
      %dma_wait3A_1646 = tpu.memref_slice %arg13[%arg1, %dma_wait3A] : memref<16x34816xf32, #tpu.memory_space<vmem_shared>> -> memref<1x34816xf32, #tpu.memory_space<vmem_shared>>
      %dma_wait3A_1647 = tpu.memref_squeeze %dma_wait3A_1646 : memref<1x34816xf32, #tpu.memory_space<vmem_shared>> -> memref<34816xf32, #tpu.memory_space<vmem_shared>>
      %dma_wait3A_1648 = arith.constant 0 : i32
      %dma_wait3A_1649 = tpu.memref_slice %arg13[%arg1, %dma_wait3A_1648] : memref<16x34816xf32, #tpu.memory_space<vmem_shared>> -> memref<1x34816xf32, #tpu.memory_space<vmem_shared>>
      %dma_wait3A_1650 = tpu.memref_squeeze %dma_wait3A_1649 : memref<1x34816xf32, #tpu.memory_space<vmem_shared>> -> memref<34816xf32, #tpu.memory_space<vmem_shared>>
      tpu.wait_dma2 semaphore(%run_scoped3A_1640 : memref<!tpu.dma_semaphore, #tpu.memory_space<semaphore_mem>>) src(%arg12 : memref<34816xf32, #tpu.memory_space<vmem>>) dst(%dma_wait3A_1650 : memref<34816xf32, #tpu.memory_space<vmem_shared>>)
      tpu.yield
    }) : () -> ()
    %barrier3A_132 = arith.constant 0 : index
    tpu.barrier barrier_id(%barrier3A_132)
    %run_scoped3A_133 = arith.constant 0 : i32
    "tpu.region"() ({
      %run_scoped3A_1640 = tpu.sem_alloc : memref<!tpu.dma_semaphore, #tpu.memory_space<semaphore_mem>>
      %dma_start3A = tpu.memref_slice %arg13[%run_scoped3A_133, %mul3A_71] : memref<16x34816xf32, #tpu.memory_space<vmem_shared>> -> memref<1x2176xf32, #tpu.memory_space<vmem_shared>>
      %dma_start3A_1641 = tpu.memref_squeeze %dma_start3A : memref<1x2176xf32, #tpu.memory_space<vmem_shared>> -> memref<2176xf32, #tpu.memory_space<vmem_shared>>
      %dma_start3A_1642 = tpu.memref_slice %arg13[%run_scoped3A_133, %mul3A_71] : memref<16x34816xf32, #tpu.memory_space<vmem_shared>> -> memref<1x2176xf32, #tpu.memory_space<vmem_shared>>
      %dma_start3A_1643 = tpu.memref_squeeze %dma_start3A_1642 : memref<1x2176xf32, #tpu.memory_space<vmem_shared>> -> memref<2176xf32, #tpu.memory_space<vmem_shared>>
      tpu.enqueue_dma source(%dma_start3A_1643 : memref<2176xf32, #tpu.memory_space<vmem_shared>>) target(%arg15 : memref<2176xf32, #tpu.memory_space<vmem>>) target_semaphore(%run_scoped3A_1640 : memref<!tpu.dma_semaphore, #tpu.memory_space<semaphore_mem>>)
      %dma_wait3A = tpu.memref_slice %arg13[%run_scoped3A_133, %mul3A_71] : memref<16x34816xf32, #tpu.memory_space<vmem_shared>> -> memref<1x2176xf32, #tpu.memory_space<vmem_shared>>
      %dma_wait3A_1644 = tpu.memref_squeeze %dma_wait3A : memref<1x2176xf32, #tpu.memory_space<vmem_shared>> -> memref<2176xf32, #tpu.memory_space<vmem_shared>>
      %dma_wait3A_1645 = tpu.memref_slice %arg13[%run_scoped3A_133, %mul3A_71] : memref<16x34816xf32, #tpu.memory_space<vmem_shared>> -> memref<1x2176xf32, #tpu.memory_space<vmem_shared>>
      %dma_wait3A_1646 = tpu.memref_squeeze %dma_wait3A_1645 : memref<1x2176xf32, #tpu.memory_space<vmem_shared>> -> memref<2176xf32, #tpu.memory_space<vmem_shared>>
      tpu.wait_dma2 semaphore(%run_scoped3A_1640 : memref<!tpu.dma_semaphore, #tpu.memory_space<semaphore_mem>>) src(%dma_wait3A_1646 : memref<2176xf32, #tpu.memory_space<vmem_shared>>) dst(%arg15 : memref<2176xf32, #tpu.memory_space<vmem>>)
      tpu.yield
    }) : () -> ()
    %run_scoped3A_134 = arith.constant 1 : i32
    "tpu.region"() ({
      %run_scoped3A_1640 = tpu.sem_alloc : memref<!tpu.dma_semaphore, #tpu.memory_space<semaphore_mem>>
      %dma_start3A = tpu.memref_slice %arg13[%run_scoped3A_134, %mul3A_71] : memref<16x34816xf32, #tpu.memory_space<vmem_shared>> -> memref<1x2176xf32, #tpu.memory_space<vmem_shared>>
      %dma_start3A_1641 = tpu.memref_squeeze %dma_start3A : memref<1x2176xf32, #tpu.memory_space<vmem_shared>> -> memref<2176xf32, #tpu.memory_space<vmem_shared>>
      %dma_start3A_1642 = tpu.memref_slice %arg13[%run_scoped3A_134, %mul3A_71] : memref<16x34816xf32, #tpu.memory_space<vmem_shared>> -> memref<1x2176xf32, #tpu.memory_space<vmem_shared>>
      %dma_start3A_1643 = tpu.memref_squeeze %dma_start3A_1642 : memref<1x2176xf32, #tpu.memory_space<vmem_shared>> -> memref<2176xf32, #tpu.memory_space<vmem_shared>>
      tpu.enqueue_dma source(%dma_start3A_1643 : memref<2176xf32, #tpu.memory_space<vmem_shared>>) target(%arg17 : memref<2176xf32, #tpu.memory_space<vmem>>) target_semaphore(%run_scoped3A_1640 : memref<!tpu.dma_semaphore, #tpu.memory_space<semaphore_mem>>)
      %dma_wait3A = tpu.memref_slice %arg13[%run_scoped3A_134, %mul3A_71] : memref<16x34816xf32, #tpu.memory_space<vmem_shared>> -> memref<1x2176xf32, #tpu.memory_space<vmem_shared>>
      %dma_wait3A_1644 = tpu.memref_squeeze %dma_wait3A : memref<1x2176xf32, #tpu.memory_space<vmem_shared>> -> memref<2176xf32, #tpu.memory_space<vmem_shared>>
      %dma_wait3A_1645 = tpu.memref_slice %arg13[%run_scoped3A_134, %mul3A_71] : memref<16x34816xf32, #tpu.memory_space<vmem_shared>> -> memref<1x2176xf32, #tpu.memory_space<vmem_shared>>
      %dma_wait3A_1646 = tpu.memref_squeeze %dma_wait3A_1645 : memref<1x2176xf32, #tpu.memory_space<vmem_shared>> -> memref<2176xf32, #tpu.memory_space<vmem_shared>>
      tpu.wait_dma2 semaphore(%run_scoped3A_1640 : memref<!tpu.dma_semaphore, #tpu.memory_space<semaphore_mem>>) src(%dma_wait3A_1646 : memref<2176xf32, #tpu.memory_space<vmem_shared>>) dst(%arg17 : memref<2176xf32, #tpu.memory_space<vmem>>)
      tpu.yield
    }) : () -> ()
    %parallel_loop3A_135 = arith.constant 0 : i32
    %parallel_loop3A_136 = arith.constant 136 : i32
    %parallel_loop3A_137 = arith.constant 1 : i32
    scf.for %parallel_loop3A_1640 = %parallel_loop3A_135 to %parallel_loop3A_136 step %parallel_loop3A_137  : i32 {
      %parallel_loop3A_1641 = arith.constant 16 : i32
      %parallel_loop3A_1642 = arith.muli %parallel_loop3A_1640, %parallel_loop3A_1641 : i32
      %parallel_loop3A_1643 = arith.index_cast %parallel_loop3A_1642 : i32 to index
      %parallel_loop3A_1644 = tpu.vector_load %arg15[%parallel_loop3A_1643] {strides = array<i32>} : memref<2176xf32, #tpu.memory_space<vmem>>, vector<16xf32>,
      %parallel_loop3A_1645 = arith.index_cast %parallel_loop3A_1642 : i32 to index
      %parallel_loop3A_1646 = tpu.vector_load %arg17[%parallel_loop3A_1645] {strides = array<i32>} : memref<2176xf32, #tpu.memory_space<vmem>>, vector<16xf32>,
      %parallel_loop3A_1647 = arith.addf %parallel_loop3A_1644, %parallel_loop3A_1646 : vector<16xf32>
      %parallel_loop3A_1648 = arith.index_cast %parallel_loop3A_1642 : i32 to index
      %parallel_loop3A_1649 = tpu.vector_load %arg15[%parallel_loop3A_1648] {strides = array<i32>} : memref<2176xf32, #tpu.memory_space<vmem>>, vector<16xf32>,
      tpu.vector_store %arg15[%parallel_loop3A_1648], %parallel_loop3A_1647 {strides = array<i32>} : memref<2176xf32, #tpu.memory_space<vmem>>, vector<16xf32>,
    } {sc.loop_unroll_factor = 4 : i64, sc.parallel_access}
    %run_scoped3A_138 = arith.constant 2 : i32
    "tpu.region"() ({
      %run_scoped3A_1640 = tpu.sem_alloc : memref<!tpu.dma_semaphore, #tpu.memory_space<semaphore_mem>>
      %dma_start3A = tpu.memref_slice %arg13[%run_scoped3A_138, %mul3A_71] : memref<16x34816xf32, #tpu.memory_space<vmem_shared>> -> memref<1x2176xf32, #tpu.memory_space<vmem_shared>>
      %dma_start3A_1641 = tpu.memref_squeeze %dma_start3A : memref<1x2176xf32, #tpu.memory_space<vmem_shared>> -> memref<2176xf32, #tpu.memory_space<vmem_shared>>
      %dma_start3A_1642 = tpu.memref_slice %arg13[%run_scoped3A_138, %mul3A_71] : memref<16x34816xf32, #tpu.memory_space<vmem_shared>> -> memref<1x2176xf32, #tpu.memory_space<vmem_shared>>
      %dma_start3A_1643 = tpu.memref_squeeze %dma_start3A_1642 : memref<1x2176xf32, #tpu.memory_space<vmem_shared>> -> memref<2176xf32, #tpu.memory_space<vmem_shared>>
      tpu.enqueue_dma source(%dma_start3A_1643 : memref<2176xf32, #tpu.memory_space<vmem_shared>>) target(%arg17 : memref<2176xf32, #tpu.memory_space<vmem>>) target_semaphore(%run_scoped3A_1640 : memref<!tpu.dma_semaphore, #tpu.memory_space<semaphore_mem>>)
      %dma_wait3A = tpu.memref_slice %arg13[%run_scoped3A_138, %mul3A_71] : memref<16x34816xf32, #tpu.memory_space<vmem_shared>> -> memref<1x2176xf32, #tpu.memory_space<vmem_shared>>
      %dma_wait3A_1644 = tpu.memref_squeeze %dma_wait3A : memref<1x2176xf32, #tpu.memory_space<vmem_shared>> -> memref<2176xf32, #tpu.memory_space<vmem_shared>>
      %dma_wait3A_1645 = tpu.memref_slice %arg13[%run_scoped3A_138, %mul3A_71] : memref<16x34816xf32, #tpu.memory_space<vmem_shared>> -> memref<1x2176xf32, #tpu.memory_space<vmem_shared>>
      %dma_wait3A_1646 = tpu.memref_squeeze %dma_wait3A_1645 : memref<1x2176xf32, #tpu.memory_space<vmem_shared>> -> memref<2176xf32, #tpu.memory_space<vmem_shared>>
      tpu.wait_dma2 semaphore(%run_scoped3A_1640 : memref<!tpu.dma_semaphore, #tpu.memory_space<semaphore_mem>>) src(%dma_wait3A_1646 : memref<2176xf32, #tpu.memory_space<vmem_shared>>) dst(%arg17 : memref<2176xf32, #tpu.memory_space<vmem>>)
      tpu.yield
    }) : () -> ()
    %parallel_loop3A_139 = arith.constant 0 : i32
    %parallel_loop3A_140 = arith.constant 136 : i32
    %parallel_loop3A_141 = arith.constant 1 : i32
    scf.for %parallel_loop3A_1640 = %parallel_loop3A_139 to %parallel_loop3A_140 step %parallel_loop3A_141  : i32 {
      %parallel_loop3A_1641 = arith.constant 16 : i32
      %parallel_loop3A_1642 = arith.muli %parallel_loop3A_1640, %parallel_loop3A_1641 : i32
      %parallel_loop3A_1643 = arith.index_cast %parallel_loop3A_1642 : i32 to index
      %parallel_loop3A_1644 = tpu.vector_load %arg15[%parallel_loop3A_1643] {strides = array<i32>} : memref<2176xf32, #tpu.memory_space<vmem>>, vector<16xf32>,
      %parallel_loop3A_1645 = arith.index_cast %parallel_loop3A_1642 : i32 to index
      %parallel_loop3A_1646 = tpu.vector_load %arg17[%parallel_loop3A_1645] {strides = array<i32>} : memref<2176xf32, #tpu.memory_space<vmem>>, vector<16xf32>,
      %parallel_loop3A_1647 = arith.addf %parallel_loop3A_1644, %parallel_loop3A_1646 : vector<16xf32>
      %parallel_loop3A_1648 = arith.index_cast %parallel_loop3A_1642 : i32 to index
      %parallel_loop3A_1649 = tpu.vector_load %arg15[%parallel_loop3A_1648] {strides = array<i32>} : memref<2176xf32, #tpu.memory_space<vmem>>, vector<16xf32>,
      tpu.vector_store %arg15[%parallel_loop3A_1648], %parallel_loop3A_1647 {strides = array<i32>} : memref<2176xf32, #tpu.memory_space<vmem>>, vector<16xf32>,
    } {sc.loop_unroll_factor = 4 : i64, sc.parallel_access}
    %run_scoped3A_142 = arith.constant 3 : i32
    "tpu.region"() ({
      %run_scoped3A_1640 = tpu.sem_alloc : memref<!tpu.dma_semaphore, #tpu.memory_space<semaphore_mem>>
      %dma_start3A = tpu.memref_slice %arg13[%run_scoped3A_142, %mul3A_71] : memref<16x34816xf32, #tpu.memory_space<vmem_shared>> -> memref<1x2176xf32, #tpu.memory_space<vmem_shared>>
      %dma_start3A_1641 = tpu.memref_squeeze %dma_start3A : memref<1x2176xf32, #tpu.memory_space<vmem_shared>> -> memref<2176xf32, #tpu.memory_space<vmem_shared>>
      %dma_start3A_1642 = tpu.memref_slice %arg13[%run_scoped3A_142, %mul3A_71] : memref<16x34816xf32, #tpu.memory_space<vmem_shared>> -> memref<1x2176xf32, #tpu.memory_space<vmem_shared>>
      %dma_start3A_1643 = tpu.memref_squeeze %dma_start3A_1642 : memref<1x2176xf32, #tpu.memory_space<vmem_shared>> -> memref<2176xf32, #tpu.memory_space<vmem_shared>>
      tpu.enqueue_dma source(%dma_start3A_1643 : memref<2176xf32, #tpu.memory_space<vmem_shared>>) target(%arg17 : memref<2176xf32, #tpu.memory_space<vmem>>) target_semaphore(%run_scoped3A_1640 : memref<!tpu.dma_semaphore, #tpu.memory_space<semaphore_mem>>)
      %dma_wait3A = tpu.memref_slice %arg13[%run_scoped3A_142, %mul3A_71] : memref<16x34816xf32, #tpu.memory_space<vmem_shared>> -> memref<1x2176xf32, #tpu.memory_space<vmem_shared>>
      %dma_wait3A_1644 = tpu.memref_squeeze %dma_wait3A : memref<1x2176xf32, #tpu.memory_space<vmem_shared>> -> memref<2176xf32, #tpu.memory_space<vmem_shared>>
      %dma_wait3A_1645 = tpu.memref_slice %arg13[%run_scoped3A_142, %mul3A_71] : memref<16x34816xf32, #tpu.memory_space<vmem_shared>> -> memref<1x2176xf32, #tpu.memory_space<vmem_shared>>
      %dma_wait3A_1646 = tpu.memref_squeeze %dma_wait3A_1645 : memref<1x2176xf32, #tpu.memory_space<vmem_shared>> -> memref<2176xf32, #tpu.memory_space<vmem_shared>>
      tpu.wait_dma2 semaphore(%run_scoped3A_1640 : memref<!tpu.dma_semaphore, #tpu.memory_space<semaphore_mem>>) src(%dma_wait3A_1646 : memref<2176xf32, #tpu.memory_space<vmem_shared>>) dst(%arg17 : memref<2176xf32, #tpu.memory_space<vmem>>)
      tpu.yield
    }) : () -> ()
    %parallel_loop3A_143 = arith.constant 0 : i32
    %parallel_loop3A_144 = arith.constant 136 : i32
    %parallel_loop3A_145 = arith.constant 1 : i32
    scf.for %parallel_loop3A_1640 = %parallel_loop3A_143 to %parallel_loop3A_144 step %parallel_loop3A_145  : i32 {
      %parallel_loop3A_1641 = arith.constant 16 : i32
      %parallel_loop3A_1642 = arith.muli %parallel_loop3A_1640, %parallel_loop3A_1641 : i32
      %parallel_loop3A_1643 = arith.index_cast %parallel_loop3A_1642 : i32 to index
      %parallel_loop3A_1644 = tpu.vector_load %arg15[%parallel_loop3A_1643] {strides = array<i32>} : memref<2176xf32, #tpu.memory_space<vmem>>, vector<16xf32>,
      %parallel_loop3A_1645 = arith.index_cast %parallel_loop3A_1642 : i32 to index
      %parallel_loop3A_1646 = tpu.vector_load %arg17[%parallel_loop3A_1645] {strides = array<i32>} : memref<2176xf32, #tpu.memory_space<vmem>>, vector<16xf32>,
      %parallel_loop3A_1647 = arith.addf %parallel_loop3A_1644, %parallel_loop3A_1646 : vector<16xf32>
      %parallel_loop3A_1648 = arith.index_cast %parallel_loop3A_1642 : i32 to index
      %parallel_loop3A_1649 = tpu.vector_load %arg15[%parallel_loop3A_1648] {strides = array<i32>} : memref<2176xf32, #tpu.memory_space<vmem>>, vector<16xf32>,
      tpu.vector_store %arg15[%parallel_loop3A_1648], %parallel_loop3A_1647 {strides = array<i32>} : memref<2176xf32, #tpu.memory_space<vmem>>, vector<16xf32>,
    } {sc.loop_unroll_factor = 4 : i64, sc.parallel_access}
    %run_scoped3A_146 = arith.constant 4 : i32
    "tpu.region"() ({
      %run_scoped3A_1640 = tpu.sem_alloc : memref<!tpu.dma_semaphore, #tpu.memory_space<semaphore_mem>>
      %dma_start3A = tpu.memref_slice %arg13[%run_scoped3A_146, %mul3A_71] : memref<16x34816xf32, #tpu.memory_space<vmem_shared>> -> memref<1x2176xf32, #tpu.memory_space<vmem_shared>>
      %dma_start3A_1641 = tpu.memref_squeeze %dma_start3A : memref<1x2176xf32, #tpu.memory_space<vmem_shared>> -> memref<2176xf32, #tpu.memory_space<vmem_shared>>
      %dma_start3A_1642 = tpu.memref_slice %arg13[%run_scoped3A_146, %mul3A_71] : memref<16x34816xf32, #tpu.memory_space<vmem_shared>> -> memref<1x2176xf32, #tpu.memory_space<vmem_shared>>
      %dma_start3A_1643 = tpu.memref_squeeze %dma_start3A_1642 : memref<1x2176xf32, #tpu.memory_space<vmem_shared>> -> memref<2176xf32, #tpu.memory_space<vmem_shared>>
      tpu.enqueue_dma source(%dma_start3A_1643 : memref<2176xf32, #tpu.memory_space<vmem_shared>>) target(%arg17 : memref<2176xf32, #tpu.memory_space<vmem>>) target_semaphore(%run_scoped3A_1640 : memref<!tpu.dma_semaphore, #tpu.memory_space<semaphore_mem>>)
      %dma_wait3A = tpu.memref_slice %arg13[%run_scoped3A_146, %mul3A_71] : memref<16x34816xf32, #tpu.memory_space<vmem_shared>> -> memref<1x2176xf32, #tpu.memory_space<vmem_shared>>
      %dma_wait3A_1644 = tpu.memref_squeeze %dma_wait3A : memref<1x2176xf32, #tpu.memory_space<vmem_shared>> -> memref<2176xf32, #tpu.memory_space<vmem_shared>>
      %dma_wait3A_1645 = tpu.memref_slice %arg13[%run_scoped3A_146, %mul3A_71] : memref<16x34816xf32, #tpu.memory_space<vmem_shared>> -> memref<1x2176xf32, #tpu.memory_space<vmem_shared>>
      %dma_wait3A_1646 = tpu.memref_squeeze %dma_wait3A_1645 : memref<1x2176xf32, #tpu.memory_space<vmem_shared>> -> memref<2176xf32, #tpu.memory_space<vmem_shared>>
      tpu.wait_dma2 semaphore(%run_scoped3A_1640 : memref<!tpu.dma_semaphore, #tpu.memory_space<semaphore_mem>>) src(%dma_wait3A_1646 : memref<2176xf32, #tpu.memory_space<vmem_shared>>) dst(%arg17 : memref<2176xf32, #tpu.memory_space<vmem>>)
      tpu.yield
    }) : () -> ()
    %parallel_loop3A_147 = arith.constant 0 : i32
    %parallel_loop3A_148 = arith.constant 136 : i32
    %parallel_loop3A_149 = arith.constant 1 : i32
    scf.for %parallel_loop3A_1640 = %parallel_loop3A_147 to %parallel_loop3A_148 step %parallel_loop3A_149  : i32 {
      %parallel_loop3A_1641 = arith.constant 16 : i32
      %parallel_loop3A_1642 = arith.muli %parallel_loop3A_1640, %parallel_loop3A_1641 : i32
      %parallel_loop3A_1643 = arith.index_cast %parallel_loop3A_1642 : i32 to index
      %parallel_loop3A_1644 = tpu.vector_load %arg15[%parallel_loop3A_1643] {strides = array<i32>} : memref<2176xf32, #tpu.memory_space<vmem>>, vector<16xf32>,
      %parallel_loop3A_1645 = arith.index_cast %parallel_loop3A_1642 : i32 to index
      %parallel_loop3A_1646 = tpu.vector_load %arg17[%parallel_loop3A_1645] {strides = array<i32>} : memref<2176xf32, #tpu.memory_space<vmem>>, vector<16xf32>,
      %parallel_loop3A_1647 = arith.addf %parallel_loop3A_1644, %parallel_loop3A_1646 : vector<16xf32>
      %parallel_loop3A_1648 = arith.index_cast %parallel_loop3A_1642 : i32 to index
      %parallel_loop3A_1649 = tpu.vector_load %arg15[%parallel_loop3A_1648] {strides = array<i32>} : memref<2176xf32, #tpu.memory_space<vmem>>, vector<16xf32>,
      tpu.vector_store %arg15[%parallel_loop3A_1648], %parallel_loop3A_1647 {strides = array<i32>} : memref<2176xf32, #tpu.memory_space<vmem>>, vector<16xf32>,
    } {sc.loop_unroll_factor = 4 : i64, sc.parallel_access}
    %run_scoped3A_150 = arith.constant 5 : i32
    "tpu.region"() ({
      %run_scoped3A_1640 = tpu.sem_alloc : memref<!tpu.dma_semaphore, #tpu.memory_space<semaphore_mem>>
      %dma_start3A = tpu.memref_slice %arg13[%run_scoped3A_150, %mul3A_71] : memref<16x34816xf32, #tpu.memory_space<vmem_shared>> -> memref<1x2176xf32, #tpu.memory_space<vmem_shared>>
      %dma_start3A_1641 = tpu.memref_squeeze %dma_start3A : memref<1x2176xf32, #tpu.memory_space<vmem_shared>> -> memref<2176xf32, #tpu.memory_space<vmem_shared>>
      %dma_start3A_1642 = tpu.memref_slice %arg13[%run_scoped3A_150, %mul3A_71] : memref<16x34816xf32, #tpu.memory_space<vmem_shared>> -> memref<1x2176xf32, #tpu.memory_space<vmem_shared>>
      %dma_start3A_1643 = tpu.memref_squeeze %dma_start3A_1642 : memref<1x2176xf32, #tpu.memory_space<vmem_shared>> -> memref<2176xf32, #tpu.memory_space<vmem_shared>>
      tpu.enqueue_dma source(%dma_start3A_1643 : memref<2176xf32, #tpu.memory_space<vmem_shared>>) target(%arg17 : memref<2176xf32, #tpu.memory_space<vmem>>) target_semaphore(%run_scoped3A_1640 : memref<!tpu.dma_semaphore, #tpu.memory_space<semaphore_mem>>)
      %dma_wait3A = tpu.memref_slice %arg13[%run_scoped3A_150, %mul3A_71] : memref<16x34816xf32, #tpu.memory_space<vmem_shared>> -> memref<1x2176xf32, #tpu.memory_space<vmem_shared>>
      %dma_wait3A_1644 = tpu.memref_squeeze %dma_wait3A : memref<1x2176xf32, #tpu.memory_space<vmem_shared>> -> memref<2176xf32, #tpu.memory_space<vmem_shared>>
      %dma_wait3A_1645 = tpu.memref_slice %arg13[%run_scoped3A_150, %mul3A_71] : memref<16x34816xf32, #tpu.memory_space<vmem_shared>> -> memref<1x2176xf32, #tpu.memory_space<vmem_shared>>
      %dma_wait3A_1646 = tpu.memref_squeeze %dma_wait3A_1645 : memref<1x2176xf32, #tpu.memory_space<vmem_shared>> -> memref<2176xf32, #tpu.memory_space<vmem_shared>>
      tpu.wait_dma2 semaphore(%run_scoped3A_1640 : memref<!tpu.dma_semaphore, #tpu.memory_space<semaphore_mem>>) src(%dma_wait3A_1646 : memref<2176xf32, #tpu.memory_space<vmem_shared>>) dst(%arg17 : memref<2176xf32, #tpu.memory_space<vmem>>)
      tpu.yield
    }) : () -> ()
    %parallel_loop3A_151 = arith.constant 0 : i32
    %parallel_loop3A_152 = arith.constant 136 : i32
    %parallel_loop3A_153 = arith.constant 1 : i32
    scf.for %parallel_loop3A_1640 = %parallel_loop3A_151 to %parallel_loop3A_152 step %parallel_loop3A_153  : i32 {
      %parallel_loop3A_1641 = arith.constant 16 : i32
      %parallel_loop3A_1642 = arith.muli %parallel_loop3A_1640, %parallel_loop3A_1641 : i32
      %parallel_loop3A_1643 = arith.index_cast %parallel_loop3A_1642 : i32 to index
      %parallel_loop3A_1644 = tpu.vector_load %arg15[%parallel_loop3A_1643] {strides = array<i32>} : memref<2176xf32, #tpu.memory_space<vmem>>, vector<16xf32>,
      %parallel_loop3A_1645 = arith.index_cast %parallel_loop3A_1642 : i32 to index
      %parallel_loop3A_1646 = tpu.vector_load %arg17[%parallel_loop3A_1645] {strides = array<i32>} : memref<2176xf32, #tpu.memory_space<vmem>>, vector<16xf32>,
      %parallel_loop3A_1647 = arith.addf %parallel_loop3A_1644, %parallel_loop3A_1646 : vector<16xf32>
      %parallel_loop3A_1648 = arith.index_cast %parallel_loop3A_1642 : i32 to index
      %parallel_loop3A_1649 = tpu.vector_load %arg15[%parallel_loop3A_1648] {strides = array<i32>} : memref<2176xf32, #tpu.memory_space<vmem>>, vector<16xf32>,
      tpu.vector_store %arg15[%parallel_loop3A_1648], %parallel_loop3A_1647 {strides = array<i32>} : memref<2176xf32, #tpu.memory_space<vmem>>, vector<16xf32>,
    } {sc.loop_unroll_factor = 4 : i64, sc.parallel_access}
    %run_scoped3A_154 = arith.constant 6 : i32
    "tpu.region"() ({
      %run_scoped3A_1640 = tpu.sem_alloc : memref<!tpu.dma_semaphore, #tpu.memory_space<semaphore_mem>>
      %dma_start3A = tpu.memref_slice %arg13[%run_scoped3A_154, %mul3A_71] : memref<16x34816xf32, #tpu.memory_space<vmem_shared>> -> memref<1x2176xf32, #tpu.memory_space<vmem_shared>>
      %dma_start3A_1641 = tpu.memref_squeeze %dma_start3A : memref<1x2176xf32, #tpu.memory_space<vmem_shared>> -> memref<2176xf32, #tpu.memory_space<vmem_shared>>
      %dma_start3A_1642 = tpu.memref_slice %arg13[%run_scoped3A_154, %mul3A_71] : memref<16x34816xf32, #tpu.memory_space<vmem_shared>> -> memref<1x2176xf32, #tpu.memory_space<vmem_shared>>
      %dma_start3A_1643 = tpu.memref_squeeze %dma_start3A_1642 : memref<1x2176xf32, #tpu.memory_space<vmem_shared>> -> memref<2176xf32, #tpu.memory_space<vmem_shared>>
      tpu.enqueue_dma source(%dma_start3A_1643 : memref<2176xf32, #tpu.memory_space<vmem_shared>>) target(%arg17 : memref<2176xf32, #tpu.memory_space<vmem>>) target_semaphore(%run_scoped3A_1640 : memref<!tpu.dma_semaphore, #tpu.memory_space<semaphore_mem>>)
      %dma_wait3A = tpu.memref_slice %arg13[%run_scoped3A_154, %mul3A_71] : memref<16x34816xf32, #tpu.memory_space<vmem_shared>> -> memref<1x2176xf32, #tpu.memory_space<vmem_shared>>
      %dma_wait3A_1644 = tpu.memref_squeeze %dma_wait3A : memref<1x2176xf32, #tpu.memory_space<vmem_shared>> -> memref<2176xf32, #tpu.memory_space<vmem_shared>>
      %dma_wait3A_1645 = tpu.memref_slice %arg13[%run_scoped3A_154, %mul3A_71] : memref<16x34816xf32, #tpu.memory_space<vmem_shared>> -> memref<1x2176xf32, #tpu.memory_space<vmem_shared>>
      %dma_wait3A_1646 = tpu.memref_squeeze %dma_wait3A_1645 : memref<1x2176xf32, #tpu.memory_space<vmem_shared>> -> memref<2176xf32, #tpu.memory_space<vmem_shared>>
      tpu.wait_dma2 semaphore(%run_scoped3A_1640 : memref<!tpu.dma_semaphore, #tpu.memory_space<semaphore_mem>>) src(%dma_wait3A_1646 : memref<2176xf32, #tpu.memory_space<vmem_shared>>) dst(%arg17 : memref<2176xf32, #tpu.memory_space<vmem>>)
      tpu.yield
    }) : () -> ()
    %parallel_loop3A_155 = arith.constant 0 : i32
    %parallel_loop3A_156 = arith.constant 136 : i32
    %parallel_loop3A_157 = arith.constant 1 : i32
    scf.for %parallel_loop3A_1640 = %parallel_loop3A_155 to %parallel_loop3A_156 step %parallel_loop3A_157  : i32 {
      %parallel_loop3A_1641 = arith.constant 16 : i32
      %parallel_loop3A_1642 = arith.muli %parallel_loop3A_1640, %parallel_loop3A_1641 : i32
      %parallel_loop3A_1643 = arith.index_cast %parallel_loop3A_1642 : i32 to index
      %parallel_loop3A_1644 = tpu.vector_load %arg15[%parallel_loop3A_1643] {strides = array<i32>} : memref<2176xf32, #tpu.memory_space<vmem>>, vector<16xf32>,
      %parallel_loop3A_1645 = arith.index_cast %parallel_loop3A_1642 : i32 to index
      %parallel_loop3A_1646 = tpu.vector_load %arg17[%parallel_loop3A_1645] {strides = array<i32>} : memref<2176xf32, #tpu.memory_space<vmem>>, vector<16xf32>,
      %parallel_loop3A_1647 = arith.addf %parallel_loop3A_1644, %parallel_loop3A_1646 : vector<16xf32>
      %parallel_loop3A_1648 = arith.index_cast %parallel_loop3A_1642 : i32 to index
      %parallel_loop3A_1649 = tpu.vector_load %arg15[%parallel_loop3A_1648] {strides = array<i32>} : memref<2176xf32, #tpu.memory_space<vmem>>, vector<16xf32>,
      tpu.vector_store %arg15[%parallel_loop3A_1648], %parallel_loop3A_1647 {strides = array<i32>} : memref<2176xf32, #tpu.memory_space<vmem>>, vector<16xf32>,
    } {sc.loop_unroll_factor = 4 : i64, sc.parallel_access}
    %run_scoped3A_158 = arith.constant 7 : i32
    "tpu.region"() ({
      %run_scoped3A_1640 = tpu.sem_alloc : memref<!tpu.dma_semaphore, #tpu.memory_space<semaphore_mem>>
      %dma_start3A = tpu.memref_slice %arg13[%run_scoped3A_158, %mul3A_71] : memref<16x34816xf32, #tpu.memory_space<vmem_shared>> -> memref<1x2176xf32, #tpu.memory_space<vmem_shared>>
      %dma_start3A_1641 = tpu.memref_squeeze %dma_start3A : memref<1x2176xf32, #tpu.memory_space<vmem_shared>> -> memref<2176xf32, #tpu.memory_space<vmem_shared>>
      %dma_start3A_1642 = tpu.memref_slice %arg13[%run_scoped3A_158, %mul3A_71] : memref<16x34816xf32, #tpu.memory_space<vmem_shared>> -> memref<1x2176xf32, #tpu.memory_space<vmem_shared>>
      %dma_start3A_1643 = tpu.memref_squeeze %dma_start3A_1642 : memref<1x2176xf32, #tpu.memory_space<vmem_shared>> -> memref<2176xf32, #tpu.memory_space<vmem_shared>>
      tpu.enqueue_dma source(%dma_start3A_1643 : memref<2176xf32, #tpu.memory_space<vmem_shared>>) target(%arg17 : memref<2176xf32, #tpu.memory_space<vmem>>) target_semaphore(%run_scoped3A_1640 : memref<!tpu.dma_semaphore, #tpu.memory_space<semaphore_mem>>)
      %dma_wait3A = tpu.memref_slice %arg13[%run_scoped3A_158, %mul3A_71] : memref<16x34816xf32, #tpu.memory_space<vmem_shared>> -> memref<1x2176xf32, #tpu.memory_space<vmem_shared>>
      %dma_wait3A_1644 = tpu.memref_squeeze %dma_wait3A : memref<1x2176xf32, #tpu.memory_space<vmem_shared>> -> memref<2176xf32, #tpu.memory_space<vmem_shared>>
      %dma_wait3A_1645 = tpu.memref_slice %arg13[%run_scoped3A_158, %mul3A_71] : memref<16x34816xf32, #tpu.memory_space<vmem_shared>> -> memref<1x2176xf32, #tpu.memory_space<vmem_shared>>
      %dma_wait3A_1646 = tpu.memref_squeeze %dma_wait3A_1645 : memref<1x2176xf32, #tpu.memory_space<vmem_shared>> -> memref<2176xf32, #tpu.memory_space<vmem_shared>>
      tpu.wait_dma2 semaphore(%run_scoped3A_1640 : memref<!tpu.dma_semaphore, #tpu.memory_space<semaphore_mem>>) src(%dma_wait3A_1646 : memref<2176xf32, #tpu.memory_space<vmem_shared>>) dst(%arg17 : memref<2176xf32, #tpu.memory_space<vmem>>)
      tpu.yield
    }) : () -> ()
    %parallel_loop3A_159 = arith.constant 0 : i32
    %parallel_loop3A_160 = arith.constant 136 : i32
    %parallel_loop3A_161 = arith.constant 1 : i32
    scf.for %parallel_loop3A_1640 = %parallel_loop3A_159 to %parallel_loop3A_160 step %parallel_loop3A_161  : i32 {
      %parallel_loop3A_1641 = arith.constant 16 : i32
      %parallel_loop3A_1642 = arith.muli %parallel_loop3A_1640, %parallel_loop3A_1641 : i32
      %parallel_loop3A_1643 = arith.index_cast %parallel_loop3A_1642 : i32 to index
      %parallel_loop3A_1644 = tpu.vector_load %arg15[%parallel_loop3A_1643] {strides = array<i32>} : memref<2176xf32, #tpu.memory_space<vmem>>, vector<16xf32>,
      %parallel_loop3A_1645 = arith.index_cast %parallel_loop3A_1642 : i32 to index
      %parallel_loop3A_1646 = tpu.vector_load %arg17[%parallel_loop3A_1645] {strides = array<i32>} : memref<2176xf32, #tpu.memory_space<vmem>>, vector<16xf32>,
      %parallel_loop3A_1647 = arith.addf %parallel_loop3A_1644, %parallel_loop3A_1646 : vector<16xf32>
      %parallel_loop3A_1648 = arith.index_cast %parallel_loop3A_1642 : i32 to index
      %parallel_loop3A_1649 = tpu.vector_load %arg15[%parallel_loop3A_1648] {strides = array<i32>} : memref<2176xf32, #tpu.memory_space<vmem>>, vector<16xf32>,
      tpu.vector_store %arg15[%parallel_loop3A_1648], %parallel_loop3A_1647 {strides = array<i32>} : memref<2176xf32, #tpu.memory_space<vmem>>, vector<16xf32>,
    } {sc.loop_unroll_factor = 4 : i64, sc.parallel_access}
    %run_scoped3A_162 = arith.constant 8 : i32
    "tpu.region"() ({
      %run_scoped3A_1640 = tpu.sem_alloc : memref<!tpu.dma_semaphore, #tpu.memory_space<semaphore_mem>>
      %dma_start3A = tpu.memref_slice %arg13[%run_scoped3A_162, %mul3A_71] : memref<16x34816xf32, #tpu.memory_space<vmem_shared>> -> memref<1x2176xf32, #tpu.memory_space<vmem_shared>>
      %dma_start3A_1641 = tpu.memref_squeeze %dma_start3A : memref<1x2176xf32, #tpu.memory_space<vmem_shared>> -> memref<2176xf32, #tpu.memory_space<vmem_shared>>
      %dma_start3A_1642 = tpu.memref_slice %arg13[%run_scoped3A_162, %mul3A_71] : memref<16x34816xf32, #tpu.memory_space<vmem_shared>> -> memref<1x2176xf32, #tpu.memory_space<vmem_shared>>
      %dma_start3A_1643 = tpu.memref_squeeze %dma_start3A_1642 : memref<1x2176xf32, #tpu.memory_space<vmem_shared>> -> memref<2176xf32, #tpu.memory_space<vmem_shared>>
      tpu.enqueue_dma source(%dma_start3A_1643 : memref<2176xf32, #tpu.memory_space<vmem_shared>>) target(%arg17 : memref<2176xf32, #tpu.memory_space<vmem>>) target_semaphore(%run_scoped3A_1640 : memref<!tpu.dma_semaphore, #tpu.memory_space<semaphore_mem>>)
      %dma_wait3A = tpu.memref_slice %arg13[%run_scoped3A_162, %mul3A_71] : memref<16x34816xf32, #tpu.memory_space<vmem_shared>> -> memref<1x2176xf32, #tpu.memory_space<vmem_shared>>
      %dma_wait3A_1644 = tpu.memref_squeeze %dma_wait3A : memref<1x2176xf32, #tpu.memory_space<vmem_shared>> -> memref<2176xf32, #tpu.memory_space<vmem_shared>>
      %dma_wait3A_1645 = tpu.memref_slice %arg13[%run_scoped3A_162, %mul3A_71] : memref<16x34816xf32, #tpu.memory_space<vmem_shared>> -> memref<1x2176xf32, #tpu.memory_space<vmem_shared>>
      %dma_wait3A_1646 = tpu.memref_squeeze %dma_wait3A_1645 : memref<1x2176xf32, #tpu.memory_space<vmem_shared>> -> memref<2176xf32, #tpu.memory_space<vmem_shared>>
      tpu.wait_dma2 semaphore(%run_scoped3A_1640 : memref<!tpu.dma_semaphore, #tpu.memory_space<semaphore_mem>>) src(%dma_wait3A_1646 : memref<2176xf32, #tpu.memory_space<vmem_shared>>) dst(%arg17 : memref<2176xf32, #tpu.memory_space<vmem>>)
      tpu.yield
    }) : () -> ()
    %parallel_loop3A_163 = arith.constant 0 : i32
    %parallel_loop3A_164 = arith.constant 136 : i32
    %parallel_loop3A_165 = arith.constant 1 : i32
    scf.for %parallel_loop3A_1640 = %parallel_loop3A_163 to %parallel_loop3A_164 step %parallel_loop3A_165  : i32 {
      %parallel_loop3A_1641 = arith.constant 16 : i32
      %parallel_loop3A_1642 = arith.muli %parallel_loop3A_1640, %parallel_loop3A_1641 : i32
      %parallel_loop3A_1643 = arith.index_cast %parallel_loop3A_1642 : i32 to index
      %parallel_loop3A_1644 = tpu.vector_load %arg15[%parallel_loop3A_1643] {strides = array<i32>} : memref<2176xf32, #tpu.memory_space<vmem>>, vector<16xf32>,
      %parallel_loop3A_1645 = arith.index_cast %parallel_loop3A_1642 : i32 to index
      %parallel_loop3A_1646 = tpu.vector_load %arg17[%parallel_loop3A_1645] {strides = array<i32>} : memref<2176xf32, #tpu.memory_space<vmem>>, vector<16xf32>,
      %parallel_loop3A_1647 = arith.addf %parallel_loop3A_1644, %parallel_loop3A_1646 : vector<16xf32>
      %parallel_loop3A_1648 = arith.index_cast %parallel_loop3A_1642 : i32 to index
      %parallel_loop3A_1649 = tpu.vector_load %arg15[%parallel_loop3A_1648] {strides = array<i32>} : memref<2176xf32, #tpu.memory_space<vmem>>, vector<16xf32>,
      tpu.vector_store %arg15[%parallel_loop3A_1648], %parallel_loop3A_1647 {strides = array<i32>} : memref<2176xf32, #tpu.memory_space<vmem>>, vector<16xf32>,
    } {sc.loop_unroll_factor = 4 : i64, sc.parallel_access}
    %run_scoped3A_166 = arith.constant 9 : i32
    "tpu.region"() ({
      %run_scoped3A_1640 = tpu.sem_alloc : memref<!tpu.dma_semaphore, #tpu.memory_space<semaphore_mem>>
      %dma_start3A = tpu.memref_slice %arg13[%run_scoped3A_166, %mul3A_71] : memref<16x34816xf32, #tpu.memory_space<vmem_shared>> -> memref<1x2176xf32, #tpu.memory_space<vmem_shared>>
      %dma_start3A_1641 = tpu.memref_squeeze %dma_start3A : memref<1x2176xf32, #tpu.memory_space<vmem_shared>> -> memref<2176xf32, #tpu.memory_space<vmem_shared>>
      %dma_start3A_1642 = tpu.memref_slice %arg13[%run_scoped3A_166, %mul3A_71] : memref<16x34816xf32, #tpu.memory_space<vmem_shared>> -> memref<1x2176xf32, #tpu.memory_space<vmem_shared>>
      %dma_start3A_1643 = tpu.memref_squeeze %dma_start3A_1642 : memref<1x2176xf32, #tpu.memory_space<vmem_shared>> -> memref<2176xf32, #tpu.memory_space<vmem_shared>>
      tpu.enqueue_dma source(%dma_start3A_1643 : memref<2176xf32, #tpu.memory_space<vmem_shared>>) target(%arg17 : memref<2176xf32, #tpu.memory_space<vmem>>) target_semaphore(%run_scoped3A_1640 : memref<!tpu.dma_semaphore, #tpu.memory_space<semaphore_mem>>)
      %dma_wait3A = tpu.memref_slice %arg13[%run_scoped3A_166, %mul3A_71] : memref<16x34816xf32, #tpu.memory_space<vmem_shared>> -> memref<1x2176xf32, #tpu.memory_space<vmem_shared>>
      %dma_wait3A_1644 = tpu.memref_squeeze %dma_wait3A : memref<1x2176xf32, #tpu.memory_space<vmem_shared>> -> memref<2176xf32, #tpu.memory_space<vmem_shared>>
      %dma_wait3A_1645 = tpu.memref_slice %arg13[%run_scoped3A_166, %mul3A_71] : memref<16x34816xf32, #tpu.memory_space<vmem_shared>> -> memref<1x2176xf32, #tpu.memory_space<vmem_shared>>
      %dma_wait3A_1646 = tpu.memref_squeeze %dma_wait3A_1645 : memref<1x2176xf32, #tpu.memory_space<vmem_shared>> -> memref<2176xf32, #tpu.memory_space<vmem_shared>>
      tpu.wait_dma2 semaphore(%run_scoped3A_1640 : memref<!tpu.dma_semaphore, #tpu.memory_space<semaphore_mem>>) src(%dma_wait3A_1646 : memref<2176xf32, #tpu.memory_space<vmem_shared>>) dst(%arg17 : memref<2176xf32, #tpu.memory_space<vmem>>)
      tpu.yield
    }) : () -> ()
    %parallel_loop3A_167 = arith.constant 0 : i32
    %parallel_loop3A_168 = arith.constant 136 : i32
    %parallel_loop3A_169 = arith.constant 1 : i32
    scf.for %parallel_loop3A_1640 = %parallel_loop3A_167 to %parallel_loop3A_168 step %parallel_loop3A_169  : i32 {
      %parallel_loop3A_1641 = arith.constant 16 : i32
      %parallel_loop3A_1642 = arith.muli %parallel_loop3A_1640, %parallel_loop3A_1641 : i32
      %parallel_loop3A_1643 = arith.index_cast %parallel_loop3A_1642 : i32 to index
      %parallel_loop3A_1644 = tpu.vector_load %arg15[%parallel_loop3A_1643] {strides = array<i32>} : memref<2176xf32, #tpu.memory_space<vmem>>, vector<16xf32>,
      %parallel_loop3A_1645 = arith.index_cast %parallel_loop3A_1642 : i32 to index
      %parallel_loop3A_1646 = tpu.vector_load %arg17[%parallel_loop3A_1645] {strides = array<i32>} : memref<2176xf32, #tpu.memory_space<vmem>>, vector<16xf32>,
      %parallel_loop3A_1647 = arith.addf %parallel_loop3A_1644, %parallel_loop3A_1646 : vector<16xf32>
      %parallel_loop3A_1648 = arith.index_cast %parallel_loop3A_1642 : i32 to index
      %parallel_loop3A_1649 = tpu.vector_load %arg15[%parallel_loop3A_1648] {strides = array<i32>} : memref<2176xf32, #tpu.memory_space<vmem>>, vector<16xf32>,
      tpu.vector_store %arg15[%parallel_loop3A_1648], %parallel_loop3A_1647 {strides = array<i32>} : memref<2176xf32, #tpu.memory_space<vmem>>, vector<16xf32>,
    } {sc.loop_unroll_factor = 4 : i64, sc.parallel_access}
    %run_scoped3A_170 = arith.constant 10 : i32
    "tpu.region"() ({
      %run_scoped3A_1640 = tpu.sem_alloc : memref<!tpu.dma_semaphore, #tpu.memory_space<semaphore_mem>>
      %dma_start3A = tpu.memref_slice %arg13[%run_scoped3A_170, %mul3A_71] : memref<16x34816xf32, #tpu.memory_space<vmem_shared>> -> memref<1x2176xf32, #tpu.memory_space<vmem_shared>>
      %dma_start3A_1641 = tpu.memref_squeeze %dma_start3A : memref<1x2176xf32, #tpu.memory_space<vmem_shared>> -> memref<2176xf32, #tpu.memory_space<vmem_shared>>
      %dma_start3A_1642 = tpu.memref_slice %arg13[%run_scoped3A_170, %mul3A_71] : memref<16x34816xf32, #tpu.memory_space<vmem_shared>> -> memref<1x2176xf32, #tpu.memory_space<vmem_shared>>
      %dma_start3A_1643 = tpu.memref_squeeze %dma_start3A_1642 : memref<1x2176xf32, #tpu.memory_space<vmem_shared>> -> memref<2176xf32, #tpu.memory_space<vmem_shared>>
      tpu.enqueue_dma source(%dma_start3A_1643 : memref<2176xf32, #tpu.memory_space<vmem_shared>>) target(%arg17 : memref<2176xf32, #tpu.memory_space<vmem>>) target_semaphore(%run_scoped3A_1640 : memref<!tpu.dma_semaphore, #tpu.memory_space<semaphore_mem>>)
      %dma_wait3A = tpu.memref_slice %arg13[%run_scoped3A_170, %mul3A_71] : memref<16x34816xf32, #tpu.memory_space<vmem_shared>> -> memref<1x2176xf32, #tpu.memory_space<vmem_shared>>
      %dma_wait3A_1644 = tpu.memref_squeeze %dma_wait3A : memref<1x2176xf32, #tpu.memory_space<vmem_shared>> -> memref<2176xf32, #tpu.memory_space<vmem_shared>>
      %dma_wait3A_1645 = tpu.memref_slice %arg13[%run_scoped3A_170, %mul3A_71] : memref<16x34816xf32, #tpu.memory_space<vmem_shared>> -> memref<1x2176xf32, #tpu.memory_space<vmem_shared>>
      %dma_wait3A_1646 = tpu.memref_squeeze %dma_wait3A_1645 : memref<1x2176xf32, #tpu.memory_space<vmem_shared>> -> memref<2176xf32, #tpu.memory_space<vmem_shared>>
      tpu.wait_dma2 semaphore(%run_scoped3A_1640 : memref<!tpu.dma_semaphore, #tpu.memory_space<semaphore_mem>>) src(%dma_wait3A_1646 : memref<2176xf32, #tpu.memory_space<vmem_shared>>) dst(%arg17 : memref<2176xf32, #tpu.memory_space<vmem>>)
      tpu.yield
    }) : () -> ()
    %parallel_loop3A_171 = arith.constant 0 : i32
    %parallel_loop3A_172 = arith.constant 136 : i32
    %parallel_loop3A_173 = arith.constant 1 : i32
    scf.for %parallel_loop3A_1640 = %parallel_loop3A_171 to %parallel_loop3A_172 step %parallel_loop3A_173  : i32 {
      %parallel_loop3A_1641 = arith.constant 16 : i32
      %parallel_loop3A_1642 = arith.muli %parallel_loop3A_1640, %parallel_loop3A_1641 : i32
      %parallel_loop3A_1643 = arith.index_cast %parallel_loop3A_1642 : i32 to index
      %parallel_loop3A_1644 = tpu.vector_load %arg15[%parallel_loop3A_1643] {strides = array<i32>} : memref<2176xf32, #tpu.memory_space<vmem>>, vector<16xf32>,
      %parallel_loop3A_1645 = arith.index_cast %parallel_loop3A_1642 : i32 to index
      %parallel_loop3A_1646 = tpu.vector_load %arg17[%parallel_loop3A_1645] {strides = array<i32>} : memref<2176xf32, #tpu.memory_space<vmem>>, vector<16xf32>,
      %parallel_loop3A_1647 = arith.addf %parallel_loop3A_1644, %parallel_loop3A_1646 : vector<16xf32>
      %parallel_loop3A_1648 = arith.index_cast %parallel_loop3A_1642 : i32 to index
      %parallel_loop3A_1649 = tpu.vector_load %arg15[%parallel_loop3A_1648] {strides = array<i32>} : memref<2176xf32, #tpu.memory_space<vmem>>, vector<16xf32>,
      tpu.vector_store %arg15[%parallel_loop3A_1648], %parallel_loop3A_1647 {strides = array<i32>} : memref<2176xf32, #tpu.memory_space<vmem>>, vector<16xf32>,
    } {sc.loop_unroll_factor = 4 : i64, sc.parallel_access}
    %run_scoped3A_174 = arith.constant 11 : i32
    "tpu.region"() ({
      %run_scoped3A_1640 = tpu.sem_alloc : memref<!tpu.dma_semaphore, #tpu.memory_space<semaphore_mem>>
      %dma_start3A = tpu.memref_slice %arg13[%run_scoped3A_174, %mul3A_71] : memref<16x34816xf32, #tpu.memory_space<vmem_shared>> -> memref<1x2176xf32, #tpu.memory_space<vmem_shared>>
      %dma_start3A_1641 = tpu.memref_squeeze %dma_start3A : memref<1x2176xf32, #tpu.memory_space<vmem_shared>> -> memref<2176xf32, #tpu.memory_space<vmem_shared>>
      %dma_start3A_1642 = tpu.memref_slice %arg13[%run_scoped3A_174, %mul3A_71] : memref<16x34816xf32, #tpu.memory_space<vmem_shared>> -> memref<1x2176xf32, #tpu.memory_space<vmem_shared>>
      %dma_start3A_1643 = tpu.memref_squeeze %dma_start3A_1642 : memref<1x2176xf32, #tpu.memory_space<vmem_shared>> -> memref<2176xf32, #tpu.memory_space<vmem_shared>>
      tpu.enqueue_dma source(%dma_start3A_1643 : memref<2176xf32, #tpu.memory_space<vmem_shared>>) target(%arg17 : memref<2176xf32, #tpu.memory_space<vmem>>) target_semaphore(%run_scoped3A_1640 : memref<!tpu.dma_semaphore, #tpu.memory_space<semaphore_mem>>)
      %dma_wait3A = tpu.memref_slice %arg13[%run_scoped3A_174, %mul3A_71] : memref<16x34816xf32, #tpu.memory_space<vmem_shared>> -> memref<1x2176xf32, #tpu.memory_space<vmem_shared>>
      %dma_wait3A_1644 = tpu.memref_squeeze %dma_wait3A : memref<1x2176xf32, #tpu.memory_space<vmem_shared>> -> memref<2176xf32, #tpu.memory_space<vmem_shared>>
      %dma_wait3A_1645 = tpu.memref_slice %arg13[%run_scoped3A_174, %mul3A_71] : memref<16x34816xf32, #tpu.memory_space<vmem_shared>> -> memref<1x2176xf32, #tpu.memory_space<vmem_shared>>
      %dma_wait3A_1646 = tpu.memref_squeeze %dma_wait3A_1645 : memref<1x2176xf32, #tpu.memory_space<vmem_shared>> -> memref<2176xf32, #tpu.memory_space<vmem_shared>>
      tpu.wait_dma2 semaphore(%run_scoped3A_1640 : memref<!tpu.dma_semaphore, #tpu.memory_space<semaphore_mem>>) src(%dma_wait3A_1646 : memref<2176xf32, #tpu.memory_space<vmem_shared>>) dst(%arg17 : memref<2176xf32, #tpu.memory_space<vmem>>)
      tpu.yield
    }) : () -> ()
    %parallel_loop3A_175 = arith.constant 0 : i32
    %parallel_loop3A_176 = arith.constant 136 : i32
    %parallel_loop3A_177 = arith.constant 1 : i32
    scf.for %parallel_loop3A_1640 = %parallel_loop3A_175 to %parallel_loop3A_176 step %parallel_loop3A_177  : i32 {
      %parallel_loop3A_1641 = arith.constant 16 : i32
      %parallel_loop3A_1642 = arith.muli %parallel_loop3A_1640, %parallel_loop3A_1641 : i32
      %parallel_loop3A_1643 = arith.index_cast %parallel_loop3A_1642 : i32 to index
      %parallel_loop3A_1644 = tpu.vector_load %arg15[%parallel_loop3A_1643] {strides = array<i32>} : memref<2176xf32, #tpu.memory_space<vmem>>, vector<16xf32>,
      %parallel_loop3A_1645 = arith.index_cast %parallel_loop3A_1642 : i32 to index
      %parallel_loop3A_1646 = tpu.vector_load %arg17[%parallel_loop3A_1645] {strides = array<i32>} : memref<2176xf32, #tpu.memory_space<vmem>>, vector<16xf32>,
      %parallel_loop3A_1647 = arith.addf %parallel_loop3A_1644, %parallel_loop3A_1646 : vector<16xf32>
      %parallel_loop3A_1648 = arith.index_cast %parallel_loop3A_1642 : i32 to index
      %parallel_loop3A_1649 = tpu.vector_load %arg15[%parallel_loop3A_1648] {strides = array<i32>} : memref<2176xf32, #tpu.memory_space<vmem>>, vector<16xf32>,
      tpu.vector_store %arg15[%parallel_loop3A_1648], %parallel_loop3A_1647 {strides = array<i32>} : memref<2176xf32, #tpu.memory_space<vmem>>, vector<16xf32>,
    } {sc.loop_unroll_factor = 4 : i64, sc.parallel_access}
    %run_scoped3A_178 = arith.constant 12 : i32
    "tpu.region"() ({
      %run_scoped3A_1640 = tpu.sem_alloc : memref<!tpu.dma_semaphore, #tpu.memory_space<semaphore_mem>>
      %dma_start3A = tpu.memref_slice %arg13[%run_scoped3A_178, %mul3A_71] : memref<16x34816xf32, #tpu.memory_space<vmem_shared>> -> memref<1x2176xf32, #tpu.memory_space<vmem_shared>>
      %dma_start3A_1641 = tpu.memref_squeeze %dma_start3A : memref<1x2176xf32, #tpu.memory_space<vmem_shared>> -> memref<2176xf32, #tpu.memory_space<vmem_shared>>
      %dma_start3A_1642 = tpu.memref_slice %arg13[%run_scoped3A_178, %mul3A_71] : memref<16x34816xf32, #tpu.memory_space<vmem_shared>> -> memref<1x2176xf32, #tpu.memory_space<vmem_shared>>
      %dma_start3A_1643 = tpu.memref_squeeze %dma_start3A_1642 : memref<1x2176xf32, #tpu.memory_space<vmem_shared>> -> memref<2176xf32, #tpu.memory_space<vmem_shared>>
      tpu.enqueue_dma source(%dma_start3A_1643 : memref<2176xf32, #tpu.memory_space<vmem_shared>>) target(%arg17 : memref<2176xf32, #tpu.memory_space<vmem>>) target_semaphore(%run_scoped3A_1640 : memref<!tpu.dma_semaphore, #tpu.memory_space<semaphore_mem>>)
      %dma_wait3A = tpu.memref_slice %arg13[%run_scoped3A_178, %mul3A_71] : memref<16x34816xf32, #tpu.memory_space<vmem_shared>> -> memref<1x2176xf32, #tpu.memory_space<vmem_shared>>
      %dma_wait3A_1644 = tpu.memref_squeeze %dma_wait3A : memref<1x2176xf32, #tpu.memory_space<vmem_shared>> -> memref<2176xf32, #tpu.memory_space<vmem_shared>>
      %dma_wait3A_1645 = tpu.memref_slice %arg13[%run_scoped3A_178, %mul3A_71] : memref<16x34816xf32, #tpu.memory_space<vmem_shared>> -> memref<1x2176xf32, #tpu.memory_space<vmem_shared>>
      %dma_wait3A_1646 = tpu.memref_squeeze %dma_wait3A_1645 : memref<1x2176xf32, #tpu.memory_space<vmem_shared>> -> memref<2176xf32, #tpu.memory_space<vmem_shared>>
      tpu.wait_dma2 semaphore(%run_scoped3A_1640 : memref<!tpu.dma_semaphore, #tpu.memory_space<semaphore_mem>>) src(%dma_wait3A_1646 : memref<2176xf32, #tpu.memory_space<vmem_shared>>) dst(%arg17 : memref<2176xf32, #tpu.memory_space<vmem>>)
      tpu.yield
    }) : () -> ()
    %parallel_loop3A_179 = arith.constant 0 : i32
    %parallel_loop3A_180 = arith.constant 136 : i32
    %parallel_loop3A_181 = arith.constant 1 : i32
    scf.for %parallel_loop3A_1640 = %parallel_loop3A_179 to %parallel_loop3A_180 step %parallel_loop3A_181  : i32 {
      %parallel_loop3A_1641 = arith.constant 16 : i32
      %parallel_loop3A_1642 = arith.muli %parallel_loop3A_1640, %parallel_loop3A_1641 : i32
      %parallel_loop3A_1643 = arith.index_cast %parallel_loop3A_1642 : i32 to index
      %parallel_loop3A_1644 = tpu.vector_load %arg15[%parallel_loop3A_1643] {strides = array<i32>} : memref<2176xf32, #tpu.memory_space<vmem>>, vector<16xf32>,
      %parallel_loop3A_1645 = arith.index_cast %parallel_loop3A_1642 : i32 to index
      %parallel_loop3A_1646 = tpu.vector_load %arg17[%parallel_loop3A_1645] {strides = array<i32>} : memref<2176xf32, #tpu.memory_space<vmem>>, vector<16xf32>,
      %parallel_loop3A_1647 = arith.addf %parallel_loop3A_1644, %parallel_loop3A_1646 : vector<16xf32>
      %parallel_loop3A_1648 = arith.index_cast %parallel_loop3A_1642 : i32 to index
      %parallel_loop3A_1649 = tpu.vector_load %arg15[%parallel_loop3A_1648] {strides = array<i32>} : memref<2176xf32, #tpu.memory_space<vmem>>, vector<16xf32>,
      tpu.vector_store %arg15[%parallel_loop3A_1648], %parallel_loop3A_1647 {strides = array<i32>} : memref<2176xf32, #tpu.memory_space<vmem>>, vector<16xf32>,
    } {sc.loop_unroll_factor = 4 : i64, sc.parallel_access}
    %run_scoped3A_182 = arith.constant 13 : i32
    "tpu.region"() ({
      %run_scoped3A_1640 = tpu.sem_alloc : memref<!tpu.dma_semaphore, #tpu.memory_space<semaphore_mem>>
      %dma_start3A = tpu.memref_slice %arg13[%run_scoped3A_182, %mul3A_71] : memref<16x34816xf32, #tpu.memory_space<vmem_shared>> -> memref<1x2176xf32, #tpu.memory_space<vmem_shared>>
      %dma_start3A_1641 = tpu.memref_squeeze %dma_start3A : memref<1x2176xf32, #tpu.memory_space<vmem_shared>> -> memref<2176xf32, #tpu.memory_space<vmem_shared>>
      %dma_start3A_1642 = tpu.memref_slice %arg13[%run_scoped3A_182, %mul3A_71] : memref<16x34816xf32, #tpu.memory_space<vmem_shared>> -> memref<1x2176xf32, #tpu.memory_space<vmem_shared>>
      %dma_start3A_1643 = tpu.memref_squeeze %dma_start3A_1642 : memref<1x2176xf32, #tpu.memory_space<vmem_shared>> -> memref<2176xf32, #tpu.memory_space<vmem_shared>>
      tpu.enqueue_dma source(%dma_start3A_1643 : memref<2176xf32, #tpu.memory_space<vmem_shared>>) target(%arg17 : memref<2176xf32, #tpu.memory_space<vmem>>) target_semaphore(%run_scoped3A_1640 : memref<!tpu.dma_semaphore, #tpu.memory_space<semaphore_mem>>)
      %dma_wait3A = tpu.memref_slice %arg13[%run_scoped3A_182, %mul3A_71] : memref<16x34816xf32, #tpu.memory_space<vmem_shared>> -> memref<1x2176xf32, #tpu.memory_space<vmem_shared>>
      %dma_wait3A_1644 = tpu.memref_squeeze %dma_wait3A : memref<1x2176xf32, #tpu.memory_space<vmem_shared>> -> memref<2176xf32, #tpu.memory_space<vmem_shared>>
      %dma_wait3A_1645 = tpu.memref_slice %arg13[%run_scoped3A_182, %mul3A_71] : memref<16x34816xf32, #tpu.memory_space<vmem_shared>> -> memref<1x2176xf32, #tpu.memory_space<vmem_shared>>
      %dma_wait3A_1646 = tpu.memref_squeeze %dma_wait3A_1645 : memref<1x2176xf32, #tpu.memory_space<vmem_shared>> -> memref<2176xf32, #tpu.memory_space<vmem_shared>>
      tpu.wait_dma2 semaphore(%run_scoped3A_1640 : memref<!tpu.dma_semaphore, #tpu.memory_space<semaphore_mem>>) src(%dma_wait3A_1646 : memref<2176xf32, #tpu.memory_space<vmem_shared>>) dst(%arg17 : memref<2176xf32, #tpu.memory_space<vmem>>)
      tpu.yield
    }) : () -> ()
    %parallel_loop3A_183 = arith.constant 0 : i32
    %parallel_loop3A_184 = arith.constant 136 : i32
    %parallel_loop3A_185 = arith.constant 1 : i32
    scf.for %parallel_loop3A_1640 = %parallel_loop3A_183 to %parallel_loop3A_184 step %parallel_loop3A_185  : i32 {
      %parallel_loop3A_1641 = arith.constant 16 : i32
      %parallel_loop3A_1642 = arith.muli %parallel_loop3A_1640, %parallel_loop3A_1641 : i32
      %parallel_loop3A_1643 = arith.index_cast %parallel_loop3A_1642 : i32 to index
      %parallel_loop3A_1644 = tpu.vector_load %arg15[%parallel_loop3A_1643] {strides = array<i32>} : memref<2176xf32, #tpu.memory_space<vmem>>, vector<16xf32>,
      %parallel_loop3A_1645 = arith.index_cast %parallel_loop3A_1642 : i32 to index
      %parallel_loop3A_1646 = tpu.vector_load %arg17[%parallel_loop3A_1645] {strides = array<i32>} : memref<2176xf32, #tpu.memory_space<vmem>>, vector<16xf32>,
      %parallel_loop3A_1647 = arith.addf %parallel_loop3A_1644, %parallel_loop3A_1646 : vector<16xf32>
      %parallel_loop3A_1648 = arith.index_cast %parallel_loop3A_1642 : i32 to index
      %parallel_loop3A_1649 = tpu.vector_load %arg15[%parallel_loop3A_1648] {strides = array<i32>} : memref<2176xf32, #tpu.memory_space<vmem>>, vector<16xf32>,
      tpu.vector_store %arg15[%parallel_loop3A_1648], %parallel_loop3A_1647 {strides = array<i32>} : memref<2176xf32, #tpu.memory_space<vmem>>, vector<16xf32>,
    } {sc.loop_unroll_factor = 4 : i64, sc.parallel_access}
    %run_scoped3A_186 = arith.constant 14 : i32
    "tpu.region"() ({
      %run_scoped3A_1640 = tpu.sem_alloc : memref<!tpu.dma_semaphore, #tpu.memory_space<semaphore_mem>>
      %dma_start3A = tpu.memref_slice %arg13[%run_scoped3A_186, %mul3A_71] : memref<16x34816xf32, #tpu.memory_space<vmem_shared>> -> memref<1x2176xf32, #tpu.memory_space<vmem_shared>>
      %dma_start3A_1641 = tpu.memref_squeeze %dma_start3A : memref<1x2176xf32, #tpu.memory_space<vmem_shared>> -> memref<2176xf32, #tpu.memory_space<vmem_shared>>
      %dma_start3A_1642 = tpu.memref_slice %arg13[%run_scoped3A_186, %mul3A_71] : memref<16x34816xf32, #tpu.memory_space<vmem_shared>> -> memref<1x2176xf32, #tpu.memory_space<vmem_shared>>
      %dma_start3A_1643 = tpu.memref_squeeze %dma_start3A_1642 : memref<1x2176xf32, #tpu.memory_space<vmem_shared>> -> memref<2176xf32, #tpu.memory_space<vmem_shared>>
      tpu.enqueue_dma source(%dma_start3A_1643 : memref<2176xf32, #tpu.memory_space<vmem_shared>>) target(%arg17 : memref<2176xf32, #tpu.memory_space<vmem>>) target_semaphore(%run_scoped3A_1640 : memref<!tpu.dma_semaphore, #tpu.memory_space<semaphore_mem>>)
      %dma_wait3A = tpu.memref_slice %arg13[%run_scoped3A_186, %mul3A_71] : memref<16x34816xf32, #tpu.memory_space<vmem_shared>> -> memref<1x2176xf32, #tpu.memory_space<vmem_shared>>
      %dma_wait3A_1644 = tpu.memref_squeeze %dma_wait3A : memref<1x2176xf32, #tpu.memory_space<vmem_shared>> -> memref<2176xf32, #tpu.memory_space<vmem_shared>>
      %dma_wait3A_1645 = tpu.memref_slice %arg13[%run_scoped3A_186, %mul3A_71] : memref<16x34816xf32, #tpu.memory_space<vmem_shared>> -> memref<1x2176xf32, #tpu.memory_space<vmem_shared>>
      %dma_wait3A_1646 = tpu.memref_squeeze %dma_wait3A_1645 : memref<1x2176xf32, #tpu.memory_space<vmem_shared>> -> memref<2176xf32, #tpu.memory_space<vmem_shared>>
      tpu.wait_dma2 semaphore(%run_scoped3A_1640 : memref<!tpu.dma_semaphore, #tpu.memory_space<semaphore_mem>>) src(%dma_wait3A_1646 : memref<2176xf32, #tpu.memory_space<vmem_shared>>) dst(%arg17 : memref<2176xf32, #tpu.memory_space<vmem>>)
      tpu.yield
    }) : () -> ()
    %parallel_loop3A_187 = arith.constant 0 : i32
    %parallel_loop3A_188 = arith.constant 136 : i32
    %parallel_loop3A_189 = arith.constant 1 : i32
    scf.for %parallel_loop3A_1640 = %parallel_loop3A_187 to %parallel_loop3A_188 step %parallel_loop3A_189  : i32 {
      %parallel_loop3A_1641 = arith.constant 16 : i32
      %parallel_loop3A_1642 = arith.muli %parallel_loop3A_1640, %parallel_loop3A_1641 : i32
      %parallel_loop3A_1643 = arith.index_cast %parallel_loop3A_1642 : i32 to index
      %parallel_loop3A_1644 = tpu.vector_load %arg15[%parallel_loop3A_1643] {strides = array<i32>} : memref<2176xf32, #tpu.memory_space<vmem>>, vector<16xf32>,
      %parallel_loop3A_1645 = arith.index_cast %parallel_loop3A_1642 : i32 to index
      %parallel_loop3A_1646 = tpu.vector_load %arg17[%parallel_loop3A_1645] {strides = array<i32>} : memref<2176xf32, #tpu.memory_space<vmem>>, vector<16xf32>,
      %parallel_loop3A_1647 = arith.addf %parallel_loop3A_1644, %parallel_loop3A_1646 : vector<16xf32>
      %parallel_loop3A_1648 = arith.index_cast %parallel_loop3A_1642 : i32 to index
      %parallel_loop3A_1649 = tpu.vector_load %arg15[%parallel_loop3A_1648] {strides = array<i32>} : memref<2176xf32, #tpu.memory_space<vmem>>, vector<16xf32>,
      tpu.vector_store %arg15[%parallel_loop3A_1648], %parallel_loop3A_1647 {strides = array<i32>} : memref<2176xf32, #tpu.memory_space<vmem>>, vector<16xf32>,
    } {sc.loop_unroll_factor = 4 : i64, sc.parallel_access}
    %run_scoped3A_190 = arith.constant 15 : i32
    "tpu.region"() ({
      %run_scoped3A_1640 = tpu.sem_alloc : memref<!tpu.dma_semaphore, #tpu.memory_space<semaphore_mem>>
      %dma_start3A = tpu.memref_slice %arg13[%run_scoped3A_190, %mul3A_71] : memref<16x34816xf32, #tpu.memory_space<vmem_shared>> -> memref<1x2176xf32, #tpu.memory_space<vmem_shared>>
      %dma_start3A_1641 = tpu.memref_squeeze %dma_start3A : memref<1x2176xf32, #tpu.memory_space<vmem_shared>> -> memref<2176xf32, #tpu.memory_space<vmem_shared>>
      %dma_start3A_1642 = tpu.memref_slice %arg13[%run_scoped3A_190, %mul3A_71] : memref<16x34816xf32, #tpu.memory_space<vmem_shared>> -> memref<1x2176xf32, #tpu.memory_space<vmem_shared>>
      %dma_start3A_1643 = tpu.memref_squeeze %dma_start3A_1642 : memref<1x2176xf32, #tpu.memory_space<vmem_shared>> -> memref<2176xf32, #tpu.memory_space<vmem_shared>>
      tpu.enqueue_dma source(%dma_start3A_1643 : memref<2176xf32, #tpu.memory_space<vmem_shared>>) target(%arg17 : memref<2176xf32, #tpu.memory_space<vmem>>) target_semaphore(%run_scoped3A_1640 : memref<!tpu.dma_semaphore, #tpu.memory_space<semaphore_mem>>)
      %dma_wait3A = tpu.memref_slice %arg13[%run_scoped3A_190, %mul3A_71] : memref<16x34816xf32, #tpu.memory_space<vmem_shared>> -> memref<1x2176xf32, #tpu.memory_space<vmem_shared>>
      %dma_wait3A_1644 = tpu.memref_squeeze %dma_wait3A : memref<1x2176xf32, #tpu.memory_space<vmem_shared>> -> memref<2176xf32, #tpu.memory_space<vmem_shared>>
      %dma_wait3A_1645 = tpu.memref_slice %arg13[%run_scoped3A_190, %mul3A_71] : memref<16x34816xf32, #tpu.memory_space<vmem_shared>> -> memref<1x2176xf32, #tpu.memory_space<vmem_shared>>
      %dma_wait3A_1646 = tpu.memref_squeeze %dma_wait3A_1645 : memref<1x2176xf32, #tpu.memory_space<vmem_shared>> -> memref<2176xf32, #tpu.memory_space<vmem_shared>>
      tpu.wait_dma2 semaphore(%run_scoped3A_1640 : memref<!tpu.dma_semaphore, #tpu.memory_space<semaphore_mem>>) src(%dma_wait3A_1646 : memref<2176xf32, #tpu.memory_space<vmem_shared>>) dst(%arg17 : memref<2176xf32, #tpu.memory_space<vmem>>)
      tpu.yield
    }) : () -> ()
    %parallel_loop3A_191 = arith.constant 0 : i32
    %parallel_loop3A_192 = arith.constant 136 : i32
    %parallel_loop3A_193 = arith.constant 1 : i32
    scf.for %parallel_loop3A_1640 = %parallel_loop3A_191 to %parallel_loop3A_192 step %parallel_loop3A_193  : i32 {
      %parallel_loop3A_1641 = arith.constant 16 : i32
      %parallel_loop3A_1642 = arith.muli %parallel_loop3A_1640, %parallel_loop3A_1641 : i32
      %parallel_loop3A_1643 = arith.index_cast %parallel_loop3A_1642 : i32 to index
      %parallel_loop3A_1644 = tpu.vector_load %arg15[%parallel_loop3A_1643] {strides = array<i32>} : memref<2176xf32, #tpu.memory_space<vmem>>, vector<16xf32>,
      %parallel_loop3A_1645 = arith.index_cast %parallel_loop3A_1642 : i32 to index
      %parallel_loop3A_1646 = tpu.vector_load %arg17[%parallel_loop3A_1645] {strides = array<i32>} : memref<2176xf32, #tpu.memory_space<vmem>>, vector<16xf32>,
      %parallel_loop3A_1647 = arith.addf %parallel_loop3A_1644, %parallel_loop3A_1646 : vector<16xf32>
      %parallel_loop3A_1648 = arith.index_cast %parallel_loop3A_1642 : i32 to index
      %parallel_loop3A_1649 = tpu.vector_load %arg15[%parallel_loop3A_1648] {strides = array<i32>} : memref<2176xf32, #tpu.memory_space<vmem>>, vector<16xf32>,
      tpu.vector_store %arg15[%parallel_loop3A_1648], %parallel_loop3A_1647 {strides = array<i32>} : memref<2176xf32, #tpu.memory_space<vmem>>, vector<16xf32>,
    } {sc.loop_unroll_factor = 4 : i64, sc.parallel_access}
    %barrier3A_194 = arith.constant 0 : index
    tpu.barrier barrier_id(%barrier3A_194)
    %get3A = arith.constant 0 : index
    %get3A_195 = tpu.vector_load %arg19[%get3A] {strides = array<i32>} : memref<16xf32, #tpu.memory_space<vmem>>, vector<16xf32>,
    %get3A_196 = arith.constant 0 : index
    %get3A_197 = tpu.vector_load %arg20[%get3A_196] {strides = array<i32>} : memref<16xf32, #tpu.memory_space<vmem>>, vector<16xf32>,
    %max3A = arith.constant 1.000000e+00 : f32
    %max3A_198 = vector.broadcast %max3A : f32 to vector<16xf32>
    %max3A_199 = arith.maximumf %get3A_197, %max3A_198 : vector<16xf32>
    %div3A = arith.divf %get3A_195, %max3A_199 : vector<16xf32>
    %add3A_200 = arith.constant 0 : i32
    %add3A_201 = vector.broadcast %add3A_200 : i32 to vector<16xi32>
    %add3A_202 = arith.addi %add3A_201, %iota3A : vector<16xi32>
    %mul3A_203 = arith.constant 17 : i32
    %mul3A_204 = vector.broadcast %mul3A_203 : i32 to vector<16xi32>
    %mul3A_205 = arith.muli %add3A_202, %mul3A_204 : vector<16xi32>
    %broadcast_in_dim3A_206 = arith.constant 0.000000e+00 : f32
    %broadcast_in_dim3A_207 = vector.broadcast %broadcast_in_dim3A_206 : f32 to vector<16xf32>
    %broadcast_in_dim3A_208 = arith.constant 0.000000e+00 : f32
    %broadcast_in_dim3A_209 = vector.broadcast %broadcast_in_dim3A_208 : f32 to vector<16xf32>
    %add3A_210 = arith.constant 0 : i32
    %add3A_211 = vector.broadcast %add3A_210 : i32 to vector<16xi32>
    %add3A_212 = arith.addi %mul3A_205, %add3A_211 : vector<16xi32>
    %gather3A = tpu.vector_load_idx %arg14[%add3A_212] : memref<2176xf32, #tpu.memory_space<vmem>>[vector<16xi32>], vector<16xf32>,
    %add3A_213 = arith.addf %broadcast_in_dim3A_207, %gather3A : vector<16xf32>
    %add3A_214 = arith.constant 0 : i32
    %add3A_215 = vector.broadcast %add3A_214 : i32 to vector<16xi32>
    %add3A_216 = arith.addi %mul3A_205, %add3A_215 : vector<16xi32>
    %gather3A_217 = tpu.vector_load_idx %arg15[%add3A_216] : memref<2176xf32, #tpu.memory_space<vmem>>[vector<16xi32>], vector<16xf32>,
    %add3A_218 = arith.addf %broadcast_in_dim3A_209, %gather3A_217 : vector<16xf32>
    %add3A_219 = arith.constant 1 : i32
    %add3A_220 = vector.broadcast %add3A_219 : i32 to vector<16xi32>
    %add3A_221 = arith.addi %mul3A_205, %add3A_220 : vector<16xi32>
    %gather3A_222 = tpu.vector_load_idx %arg14[%add3A_221] : memref<2176xf32, #tpu.memory_space<vmem>>[vector<16xi32>], vector<16xf32>,
    %add3A_223 = arith.addf %add3A_213, %gather3A_222 : vector<16xf32>
    %add3A_224 = arith.constant 1 : i32
    %add3A_225 = vector.broadcast %add3A_224 : i32 to vector<16xi32>
    %add3A_226 = arith.addi %mul3A_205, %add3A_225 : vector<16xi32>
    %gather3A_227 = tpu.vector_load_idx %arg15[%add3A_226] : memref<2176xf32, #tpu.memory_space<vmem>>[vector<16xi32>], vector<16xf32>,
    %add3A_228 = arith.addf %add3A_218, %gather3A_227 : vector<16xf32>
    %add3A_229 = arith.constant 2 : i32
    %add3A_230 = vector.broadcast %add3A_229 : i32 to vector<16xi32>
    %add3A_231 = arith.addi %mul3A_205, %add3A_230 : vector<16xi32>
    %gather3A_232 = tpu.vector_load_idx %arg14[%add3A_231] : memref<2176xf32, #tpu.memory_space<vmem>>[vector<16xi32>], vector<16xf32>,
    %add3A_233 = arith.addf %add3A_223, %gather3A_232 : vector<16xf32>
    %add3A_234 = arith.constant 2 : i32
    %add3A_235 = vector.broadcast %add3A_234 : i32 to vector<16xi32>
    %add3A_236 = arith.addi %mul3A_205, %add3A_235 : vector<16xi32>
    %gather3A_237 = tpu.vector_load_idx %arg15[%add3A_236] : memref<2176xf32, #tpu.memory_space<vmem>>[vector<16xi32>], vector<16xf32>,
    %add3A_238 = arith.addf %add3A_228, %gather3A_237 : vector<16xf32>
    %add3A_239 = arith.constant 3 : i32
    %add3A_240 = vector.broadcast %add3A_239 : i32 to vector<16xi32>
    %add3A_241 = arith.addi %mul3A_205, %add3A_240 : vector<16xi32>
    %gather3A_242 = tpu.vector_load_idx %arg14[%add3A_241] : memref<2176xf32, #tpu.memory_space<vmem>>[vector<16xi32>], vector<16xf32>,
    %add3A_243 = arith.addf %add3A_233, %gather3A_242 : vector<16xf32>
    %add3A_244 = arith.constant 3 : i32
    %add3A_245 = vector.broadcast %add3A_244 : i32 to vector<16xi32>
    %add3A_246 = arith.addi %mul3A_205, %add3A_245 : vector<16xi32>
    %gather3A_247 = tpu.vector_load_idx %arg15[%add3A_246] : memref<2176xf32, #tpu.memory_space<vmem>>[vector<16xi32>], vector<16xf32>,
    %add3A_248 = arith.addf %add3A_238, %gather3A_247 : vector<16xf32>
    %add3A_249 = arith.constant 4 : i32
    %add3A_250 = vector.broadcast %add3A_249 : i32 to vector<16xi32>
    %add3A_251 = arith.addi %mul3A_205, %add3A_250 : vector<16xi32>
    %gather3A_252 = tpu.vector_load_idx %arg14[%add3A_251] : memref<2176xf32, #tpu.memory_space<vmem>>[vector<16xi32>], vector<16xf32>,
    %add3A_253 = arith.addf %add3A_243, %gather3A_252 : vector<16xf32>
    %add3A_254 = arith.constant 4 : i32
    %add3A_255 = vector.broadcast %add3A_254 : i32 to vector<16xi32>
    %add3A_256 = arith.addi %mul3A_205, %add3A_255 : vector<16xi32>
    %gather3A_257 = tpu.vector_load_idx %arg15[%add3A_256] : memref<2176xf32, #tpu.memory_space<vmem>>[vector<16xi32>], vector<16xf32>,
    %add3A_258 = arith.addf %add3A_248, %gather3A_257 : vector<16xf32>
    %add3A_259 = arith.constant 5 : i32
    %add3A_260 = vector.broadcast %add3A_259 : i32 to vector<16xi32>
    %add3A_261 = arith.addi %mul3A_205, %add3A_260 : vector<16xi32>
    %gather3A_262 = tpu.vector_load_idx %arg14[%add3A_261] : memref<2176xf32, #tpu.memory_space<vmem>>[vector<16xi32>], vector<16xf32>,
    %add3A_263 = arith.addf %add3A_253, %gather3A_262 : vector<16xf32>
    %add3A_264 = arith.constant 5 : i32
    %add3A_265 = vector.broadcast %add3A_264 : i32 to vector<16xi32>
    %add3A_266 = arith.addi %mul3A_205, %add3A_265 : vector<16xi32>
    %gather3A_267 = tpu.vector_load_idx %arg15[%add3A_266] : memref<2176xf32, #tpu.memory_space<vmem>>[vector<16xi32>], vector<16xf32>,
    %add3A_268 = arith.addf %add3A_258, %gather3A_267 : vector<16xf32>
    %add3A_269 = arith.constant 6 : i32
    %add3A_270 = vector.broadcast %add3A_269 : i32 to vector<16xi32>
    %add3A_271 = arith.addi %mul3A_205, %add3A_270 : vector<16xi32>
    %gather3A_272 = tpu.vector_load_idx %arg14[%add3A_271] : memref<2176xf32, #tpu.memory_space<vmem>>[vector<16xi32>], vector<16xf32>,
    %add3A_273 = arith.addf %add3A_263, %gather3A_272 : vector<16xf32>
    %add3A_274 = arith.constant 6 : i32
    %add3A_275 = vector.broadcast %add3A_274 : i32 to vector<16xi32>
    %add3A_276 = arith.addi %mul3A_205, %add3A_275 : vector<16xi32>
    %gather3A_277 = tpu.vector_load_idx %arg15[%add3A_276] : memref<2176xf32, #tpu.memory_space<vmem>>[vector<16xi32>], vector<16xf32>,
    %add3A_278 = arith.addf %add3A_268, %gather3A_277 : vector<16xf32>
    %add3A_279 = arith.constant 7 : i32
    %add3A_280 = vector.broadcast %add3A_279 : i32 to vector<16xi32>
    %add3A_281 = arith.addi %mul3A_205, %add3A_280 : vector<16xi32>
    %gather3A_282 = tpu.vector_load_idx %arg14[%add3A_281] : memref<2176xf32, #tpu.memory_space<vmem>>[vector<16xi32>], vector<16xf32>,
    %add3A_283 = arith.addf %add3A_273, %gather3A_282 : vector<16xf32>
    %add3A_284 = arith.constant 7 : i32
    %add3A_285 = vector.broadcast %add3A_284 : i32 to vector<16xi32>
    %add3A_286 = arith.addi %mul3A_205, %add3A_285 : vector<16xi32>
    %gather3A_287 = tpu.vector_load_idx %arg15[%add3A_286] : memref<2176xf32, #tpu.memory_space<vmem>>[vector<16xi32>], vector<16xf32>,
    %add3A_288 = arith.addf %add3A_278, %gather3A_287 : vector<16xf32>
    %add3A_289 = arith.constant 8 : i32
    %add3A_290 = vector.broadcast %add3A_289 : i32 to vector<16xi32>
    %add3A_291 = arith.addi %mul3A_205, %add3A_290 : vector<16xi32>
    %gather3A_292 = tpu.vector_load_idx %arg14[%add3A_291] : memref<2176xf32, #tpu.memory_space<vmem>>[vector<16xi32>], vector<16xf32>,
    %add3A_293 = arith.addf %add3A_283, %gather3A_292 : vector<16xf32>
    %add3A_294 = arith.constant 8 : i32
    %add3A_295 = vector.broadcast %add3A_294 : i32 to vector<16xi32>
    %add3A_296 = arith.addi %mul3A_205, %add3A_295 : vector<16xi32>
    %gather3A_297 = tpu.vector_load_idx %arg15[%add3A_296] : memref<2176xf32, #tpu.memory_space<vmem>>[vector<16xi32>], vector<16xf32>,
    %add3A_298 = arith.addf %add3A_288, %gather3A_297 : vector<16xf32>
    %add3A_299 = arith.constant 9 : i32
    %add3A_300 = vector.broadcast %add3A_299 : i32 to vector<16xi32>
    %add3A_301 = arith.addi %mul3A_205, %add3A_300 : vector<16xi32>
    %gather3A_302 = tpu.vector_load_idx %arg14[%add3A_301] : memref<2176xf32, #tpu.memory_space<vmem>>[vector<16xi32>], vector<16xf32>,
    %add3A_303 = arith.addf %add3A_293, %gather3A_302 : vector<16xf32>
    %add3A_304 = arith.constant 9 : i32
    %add3A_305 = vector.broadcast %add3A_304 : i32 to vector<16xi32>
    %add3A_306 = arith.addi %mul3A_205, %add3A_305 : vector<16xi32>
    %gather3A_307 = tpu.vector_load_idx %arg15[%add3A_306] : memref<2176xf32, #tpu.memory_space<vmem>>[vector<16xi32>], vector<16xf32>,
    %add3A_308 = arith.addf %add3A_298, %gather3A_307 : vector<16xf32>
    %add3A_309 = arith.constant 10 : i32
    %add3A_310 = vector.broadcast %add3A_309 : i32 to vector<16xi32>
    %add3A_311 = arith.addi %mul3A_205, %add3A_310 : vector<16xi32>
    %gather3A_312 = tpu.vector_load_idx %arg14[%add3A_311] : memref<2176xf32, #tpu.memory_space<vmem>>[vector<16xi32>], vector<16xf32>,
    %add3A_313 = arith.addf %add3A_303, %gather3A_312 : vector<16xf32>
    %add3A_314 = arith.constant 10 : i32
    %add3A_315 = vector.broadcast %add3A_314 : i32 to vector<16xi32>
    %add3A_316 = arith.addi %mul3A_205, %add3A_315 : vector<16xi32>
    %gather3A_317 = tpu.vector_load_idx %arg15[%add3A_316] : memref<2176xf32, #tpu.memory_space<vmem>>[vector<16xi32>], vector<16xf32>,
    %add3A_318 = arith.addf %add3A_308, %gather3A_317 : vector<16xf32>
    %add3A_319 = arith.constant 11 : i32
    %add3A_320 = vector.broadcast %add3A_319 : i32 to vector<16xi32>
    %add3A_321 = arith.addi %mul3A_205, %add3A_320 : vector<16xi32>
    %gather3A_322 = tpu.vector_load_idx %arg14[%add3A_321] : memref<2176xf32, #tpu.memory_space<vmem>>[vector<16xi32>], vector<16xf32>,
    %add3A_323 = arith.addf %add3A_313, %gather3A_322 : vector<16xf32>
    %add3A_324 = arith.constant 11 : i32
    %add3A_325 = vector.broadcast %add3A_324 : i32 to vector<16xi32>
    %add3A_326 = arith.addi %mul3A_205, %add3A_325 : vector<16xi32>
    %gather3A_327 = tpu.vector_load_idx %arg15[%add3A_326] : memref<2176xf32, #tpu.memory_space<vmem>>[vector<16xi32>], vector<16xf32>,
    %add3A_328 = arith.addf %add3A_318, %gather3A_327 : vector<16xf32>
    %add3A_329 = arith.constant 12 : i32
    %add3A_330 = vector.broadcast %add3A_329 : i32 to vector<16xi32>
    %add3A_331 = arith.addi %mul3A_205, %add3A_330 : vector<16xi32>
    %gather3A_332 = tpu.vector_load_idx %arg14[%add3A_331] : memref<2176xf32, #tpu.memory_space<vmem>>[vector<16xi32>], vector<16xf32>,
    %add3A_333 = arith.addf %add3A_323, %gather3A_332 : vector<16xf32>
    %add3A_334 = arith.constant 12 : i32
    %add3A_335 = vector.broadcast %add3A_334 : i32 to vector<16xi32>
    %add3A_336 = arith.addi %mul3A_205, %add3A_335 : vector<16xi32>
    %gather3A_337 = tpu.vector_load_idx %arg15[%add3A_336] : memref<2176xf32, #tpu.memory_space<vmem>>[vector<16xi32>], vector<16xf32>,
    %add3A_338 = arith.addf %add3A_328, %gather3A_337 : vector<16xf32>
    %add3A_339 = arith.constant 13 : i32
    %add3A_340 = vector.broadcast %add3A_339 : i32 to vector<16xi32>
    %add3A_341 = arith.addi %mul3A_205, %add3A_340 : vector<16xi32>
    %gather3A_342 = tpu.vector_load_idx %arg14[%add3A_341] : memref<2176xf32, #tpu.memory_space<vmem>>[vector<16xi32>], vector<16xf32>,
    %add3A_343 = arith.addf %add3A_333, %gather3A_342 : vector<16xf32>
    %add3A_344 = arith.constant 13 : i32
    %add3A_345 = vector.broadcast %add3A_344 : i32 to vector<16xi32>
    %add3A_346 = arith.addi %mul3A_205, %add3A_345 : vector<16xi32>
    %gather3A_347 = tpu.vector_load_idx %arg15[%add3A_346] : memref<2176xf32, #tpu.memory_space<vmem>>[vector<16xi32>], vector<16xf32>,
    %add3A_348 = arith.addf %add3A_338, %gather3A_347 : vector<16xf32>
    %add3A_349 = arith.constant 14 : i32
    %add3A_350 = vector.broadcast %add3A_349 : i32 to vector<16xi32>
    %add3A_351 = arith.addi %mul3A_205, %add3A_350 : vector<16xi32>
    %gather3A_352 = tpu.vector_load_idx %arg14[%add3A_351] : memref<2176xf32, #tpu.memory_space<vmem>>[vector<16xi32>], vector<16xf32>,
    %add3A_353 = arith.addf %add3A_343, %gather3A_352 : vector<16xf32>
    %add3A_354 = arith.constant 14 : i32
    %add3A_355 = vector.broadcast %add3A_354 : i32 to vector<16xi32>
    %add3A_356 = arith.addi %mul3A_205, %add3A_355 : vector<16xi32>
    %gather3A_357 = tpu.vector_load_idx %arg15[%add3A_356] : memref<2176xf32, #tpu.memory_space<vmem>>[vector<16xi32>], vector<16xf32>,
    %add3A_358 = arith.addf %add3A_348, %gather3A_357 : vector<16xf32>
    %add3A_359 = arith.constant 15 : i32
    %add3A_360 = vector.broadcast %add3A_359 : i32 to vector<16xi32>
    %add3A_361 = arith.addi %mul3A_205, %add3A_360 : vector<16xi32>
    %gather3A_362 = tpu.vector_load_idx %arg14[%add3A_361] : memref<2176xf32, #tpu.memory_space<vmem>>[vector<16xi32>], vector<16xf32>,
    %add3A_363 = arith.addf %add3A_353, %gather3A_362 : vector<16xf32>
    %add3A_364 = arith.constant 15 : i32
    %add3A_365 = vector.broadcast %add3A_364 : i32 to vector<16xi32>
    %add3A_366 = arith.addi %mul3A_205, %add3A_365 : vector<16xi32>
    %gather3A_367 = tpu.vector_load_idx %arg15[%add3A_366] : memref<2176xf32, #tpu.memory_space<vmem>>[vector<16xi32>], vector<16xf32>,
    %add3A_368 = arith.addf %add3A_358, %gather3A_367 : vector<16xf32>
    %max3A_369 = arith.constant 1.000000e+00 : f32
    %max3A_370 = vector.broadcast %max3A_369 : f32 to vector<16xf32>
    %max3A_371 = arith.maximumf %add3A_368, %max3A_370 : vector<16xf32>
    %div3A_372 = arith.divf %add3A_363, %max3A_371 : vector<16xf32>
    %mul3A_373 = arith.constant 0.333333343 : f32
    %mul3A_374 = vector.broadcast %mul3A_373 : f32 to vector<16xf32>
    %mul3A_375 = arith.mulf %div3A_372, %mul3A_374 : vector<16xf32>
    %add3A_376 = arith.addf %mul3A_375, %div3A : vector<16xf32>
    %swap3A = arith.constant 0 : index
    %swap3A_377 = tpu.vector_load %arg18[%swap3A] {strides = array<i32>} : memref<128xf32, #tpu.memory_space<vmem>>, vector<16xf32>,
    tpu.vector_store %arg18[%swap3A], %add3A_376 {strides = array<i32>} : memref<128xf32, #tpu.memory_space<vmem>>, vector<16xf32>,
    %add3A_378 = arith.constant 16 : i32
    %add3A_379 = vector.broadcast %add3A_378 : i32 to vector<16xi32>
    %add3A_380 = arith.addi %add3A_379, %iota3A : vector<16xi32>
    %mul3A_381 = arith.constant 17 : i32
    %mul3A_382 = vector.broadcast %mul3A_381 : i32 to vector<16xi32>
    %mul3A_383 = arith.muli %add3A_380, %mul3A_382 : vector<16xi32>
    %broadcast_in_dim3A_384 = arith.constant 0.000000e+00 : f32
    %broadcast_in_dim3A_385 = vector.broadcast %broadcast_in_dim3A_384 : f32 to vector<16xf32>
    %broadcast_in_dim3A_386 = arith.constant 0.000000e+00 : f32
    %broadcast_in_dim3A_387 = vector.broadcast %broadcast_in_dim3A_386 : f32 to vector<16xf32>
    %add3A_388 = arith.constant 0 : i32
    %add3A_389 = vector.broadcast %add3A_388 : i32 to vector<16xi32>
    %add3A_390 = arith.addi %mul3A_383, %add3A_389 : vector<16xi32>
    %gather3A_391 = tpu.vector_load_idx %arg14[%add3A_390] : memref<2176xf32, #tpu.memory_space<vmem>>[vector<16xi32>], vector<16xf32>,
    %add3A_392 = arith.addf %broadcast_in_dim3A_385, %gather3A_391 : vector<16xf32>
    %add3A_393 = arith.constant 0 : i32
    %add3A_394 = vector.broadcast %add3A_393 : i32 to vector<16xi32>
    %add3A_395 = arith.addi %mul3A_383, %add3A_394 : vector<16xi32>
    %gather3A_396 = tpu.vector_load_idx %arg15[%add3A_395] : memref<2176xf32, #tpu.memory_space<vmem>>[vector<16xi32>], vector<16xf32>,
    %add3A_397 = arith.addf %broadcast_in_dim3A_387, %gather3A_396 : vector<16xf32>
    %add3A_398 = arith.constant 1 : i32
    %add3A_399 = vector.broadcast %add3A_398 : i32 to vector<16xi32>
    %add3A_400 = arith.addi %mul3A_383, %add3A_399 : vector<16xi32>
    %gather3A_401 = tpu.vector_load_idx %arg14[%add3A_400] : memref<2176xf32, #tpu.memory_space<vmem>>[vector<16xi32>], vector<16xf32>,
    %add3A_402 = arith.addf %add3A_392, %gather3A_401 : vector<16xf32>
    %add3A_403 = arith.constant 1 : i32
    %add3A_404 = vector.broadcast %add3A_403 : i32 to vector<16xi32>
    %add3A_405 = arith.addi %mul3A_383, %add3A_404 : vector<16xi32>
    %gather3A_406 = tpu.vector_load_idx %arg15[%add3A_405] : memref<2176xf32, #tpu.memory_space<vmem>>[vector<16xi32>], vector<16xf32>,
    %add3A_407 = arith.addf %add3A_397, %gather3A_406 : vector<16xf32>
    %add3A_408 = arith.constant 2 : i32
    %add3A_409 = vector.broadcast %add3A_408 : i32 to vector<16xi32>
    %add3A_410 = arith.addi %mul3A_383, %add3A_409 : vector<16xi32>
    %gather3A_411 = tpu.vector_load_idx %arg14[%add3A_410] : memref<2176xf32, #tpu.memory_space<vmem>>[vector<16xi32>], vector<16xf32>,
    %add3A_412 = arith.addf %add3A_402, %gather3A_411 : vector<16xf32>
    %add3A_413 = arith.constant 2 : i32
    %add3A_414 = vector.broadcast %add3A_413 : i32 to vector<16xi32>
    %add3A_415 = arith.addi %mul3A_383, %add3A_414 : vector<16xi32>
    %gather3A_416 = tpu.vector_load_idx %arg15[%add3A_415] : memref<2176xf32, #tpu.memory_space<vmem>>[vector<16xi32>], vector<16xf32>,
    %add3A_417 = arith.addf %add3A_407, %gather3A_416 : vector<16xf32>
    %add3A_418 = arith.constant 3 : i32
    %add3A_419 = vector.broadcast %add3A_418 : i32 to vector<16xi32>
    %add3A_420 = arith.addi %mul3A_383, %add3A_419 : vector<16xi32>
    %gather3A_421 = tpu.vector_load_idx %arg14[%add3A_420] : memref<2176xf32, #tpu.memory_space<vmem>>[vector<16xi32>], vector<16xf32>,
    %add3A_422 = arith.addf %add3A_412, %gather3A_421 : vector<16xf32>
    %add3A_423 = arith.constant 3 : i32
    %add3A_424 = vector.broadcast %add3A_423 : i32 to vector<16xi32>
    %add3A_425 = arith.addi %mul3A_383, %add3A_424 : vector<16xi32>
    %gather3A_426 = tpu.vector_load_idx %arg15[%add3A_425] : memref<2176xf32, #tpu.memory_space<vmem>>[vector<16xi32>], vector<16xf32>,
    %add3A_427 = arith.addf %add3A_417, %gather3A_426 : vector<16xf32>
    %add3A_428 = arith.constant 4 : i32
    %add3A_429 = vector.broadcast %add3A_428 : i32 to vector<16xi32>
    %add3A_430 = arith.addi %mul3A_383, %add3A_429 : vector<16xi32>
    %gather3A_431 = tpu.vector_load_idx %arg14[%add3A_430] : memref<2176xf32, #tpu.memory_space<vmem>>[vector<16xi32>], vector<16xf32>,
    %add3A_432 = arith.addf %add3A_422, %gather3A_431 : vector<16xf32>
    %add3A_433 = arith.constant 4 : i32
    %add3A_434 = vector.broadcast %add3A_433 : i32 to vector<16xi32>
    %add3A_435 = arith.addi %mul3A_383, %add3A_434 : vector<16xi32>
    %gather3A_436 = tpu.vector_load_idx %arg15[%add3A_435] : memref<2176xf32, #tpu.memory_space<vmem>>[vector<16xi32>], vector<16xf32>,
    %add3A_437 = arith.addf %add3A_427, %gather3A_436 : vector<16xf32>
    %add3A_438 = arith.constant 5 : i32
    %add3A_439 = vector.broadcast %add3A_438 : i32 to vector<16xi32>
    %add3A_440 = arith.addi %mul3A_383, %add3A_439 : vector<16xi32>
    %gather3A_441 = tpu.vector_load_idx %arg14[%add3A_440] : memref<2176xf32, #tpu.memory_space<vmem>>[vector<16xi32>], vector<16xf32>,
    %add3A_442 = arith.addf %add3A_432, %gather3A_441 : vector<16xf32>
    %add3A_443 = arith.constant 5 : i32
    %add3A_444 = vector.broadcast %add3A_443 : i32 to vector<16xi32>
    %add3A_445 = arith.addi %mul3A_383, %add3A_444 : vector<16xi32>
    %gather3A_446 = tpu.vector_load_idx %arg15[%add3A_445] : memref<2176xf32, #tpu.memory_space<vmem>>[vector<16xi32>], vector<16xf32>,
    %add3A_447 = arith.addf %add3A_437, %gather3A_446 : vector<16xf32>
    %add3A_448 = arith.constant 6 : i32
    %add3A_449 = vector.broadcast %add3A_448 : i32 to vector<16xi32>
    %add3A_450 = arith.addi %mul3A_383, %add3A_449 : vector<16xi32>
    %gather3A_451 = tpu.vector_load_idx %arg14[%add3A_450] : memref<2176xf32, #tpu.memory_space<vmem>>[vector<16xi32>], vector<16xf32>,
    %add3A_452 = arith.addf %add3A_442, %gather3A_451 : vector<16xf32>
    %add3A_453 = arith.constant 6 : i32
    %add3A_454 = vector.broadcast %add3A_453 : i32 to vector<16xi32>
    %add3A_455 = arith.addi %mul3A_383, %add3A_454 : vector<16xi32>
    %gather3A_456 = tpu.vector_load_idx %arg15[%add3A_455] : memref<2176xf32, #tpu.memory_space<vmem>>[vector<16xi32>], vector<16xf32>,
    %add3A_457 = arith.addf %add3A_447, %gather3A_456 : vector<16xf32>
    %add3A_458 = arith.constant 7 : i32
    %add3A_459 = vector.broadcast %add3A_458 : i32 to vector<16xi32>
    %add3A_460 = arith.addi %mul3A_383, %add3A_459 : vector<16xi32>
    %gather3A_461 = tpu.vector_load_idx %arg14[%add3A_460] : memref<2176xf32, #tpu.memory_space<vmem>>[vector<16xi32>], vector<16xf32>,
    %add3A_462 = arith.addf %add3A_452, %gather3A_461 : vector<16xf32>
    %add3A_463 = arith.constant 7 : i32
    %add3A_464 = vector.broadcast %add3A_463 : i32 to vector<16xi32>
    %add3A_465 = arith.addi %mul3A_383, %add3A_464 : vector<16xi32>
    %gather3A_466 = tpu.vector_load_idx %arg15[%add3A_465] : memref<2176xf32, #tpu.memory_space<vmem>>[vector<16xi32>], vector<16xf32>,
    %add3A_467 = arith.addf %add3A_457, %gather3A_466 : vector<16xf32>
    %add3A_468 = arith.constant 8 : i32
    %add3A_469 = vector.broadcast %add3A_468 : i32 to vector<16xi32>
    %add3A_470 = arith.addi %mul3A_383, %add3A_469 : vector<16xi32>
    %gather3A_471 = tpu.vector_load_idx %arg14[%add3A_470] : memref<2176xf32, #tpu.memory_space<vmem>>[vector<16xi32>], vector<16xf32>,
    %add3A_472 = arith.addf %add3A_462, %gather3A_471 : vector<16xf32>
    %add3A_473 = arith.constant 8 : i32
    %add3A_474 = vector.broadcast %add3A_473 : i32 to vector<16xi32>
    %add3A_475 = arith.addi %mul3A_383, %add3A_474 : vector<16xi32>
    %gather3A_476 = tpu.vector_load_idx %arg15[%add3A_475] : memref<2176xf32, #tpu.memory_space<vmem>>[vector<16xi32>], vector<16xf32>,
    %add3A_477 = arith.addf %add3A_467, %gather3A_476 : vector<16xf32>
    %add3A_478 = arith.constant 9 : i32
    %add3A_479 = vector.broadcast %add3A_478 : i32 to vector<16xi32>
    %add3A_480 = arith.addi %mul3A_383, %add3A_479 : vector<16xi32>
    %gather3A_481 = tpu.vector_load_idx %arg14[%add3A_480] : memref<2176xf32, #tpu.memory_space<vmem>>[vector<16xi32>], vector<16xf32>,
    %add3A_482 = arith.addf %add3A_472, %gather3A_481 : vector<16xf32>
    %add3A_483 = arith.constant 9 : i32
    %add3A_484 = vector.broadcast %add3A_483 : i32 to vector<16xi32>
    %add3A_485 = arith.addi %mul3A_383, %add3A_484 : vector<16xi32>
    %gather3A_486 = tpu.vector_load_idx %arg15[%add3A_485] : memref<2176xf32, #tpu.memory_space<vmem>>[vector<16xi32>], vector<16xf32>,
    %add3A_487 = arith.addf %add3A_477, %gather3A_486 : vector<16xf32>
    %add3A_488 = arith.constant 10 : i32
    %add3A_489 = vector.broadcast %add3A_488 : i32 to vector<16xi32>
    %add3A_490 = arith.addi %mul3A_383, %add3A_489 : vector<16xi32>
    %gather3A_491 = tpu.vector_load_idx %arg14[%add3A_490] : memref<2176xf32, #tpu.memory_space<vmem>>[vector<16xi32>], vector<16xf32>,
    %add3A_492 = arith.addf %add3A_482, %gather3A_491 : vector<16xf32>
    %add3A_493 = arith.constant 10 : i32
    %add3A_494 = vector.broadcast %add3A_493 : i32 to vector<16xi32>
    %add3A_495 = arith.addi %mul3A_383, %add3A_494 : vector<16xi32>
    %gather3A_496 = tpu.vector_load_idx %arg15[%add3A_495] : memref<2176xf32, #tpu.memory_space<vmem>>[vector<16xi32>], vector<16xf32>,
    %add3A_497 = arith.addf %add3A_487, %gather3A_496 : vector<16xf32>
    %add3A_498 = arith.constant 11 : i32
    %add3A_499 = vector.broadcast %add3A_498 : i32 to vector<16xi32>
    %add3A_500 = arith.addi %mul3A_383, %add3A_499 : vector<16xi32>
    %gather3A_501 = tpu.vector_load_idx %arg14[%add3A_500] : memref<2176xf32, #tpu.memory_space<vmem>>[vector<16xi32>], vector<16xf32>,
    %add3A_502 = arith.addf %add3A_492, %gather3A_501 : vector<16xf32>
    %add3A_503 = arith.constant 11 : i32
    %add3A_504 = vector.broadcast %add3A_503 : i32 to vector<16xi32>
    %add3A_505 = arith.addi %mul3A_383, %add3A_504 : vector<16xi32>
    %gather3A_506 = tpu.vector_load_idx %arg15[%add3A_505] : memref<2176xf32, #tpu.memory_space<vmem>>[vector<16xi32>], vector<16xf32>,
    %add3A_507 = arith.addf %add3A_497, %gather3A_506 : vector<16xf32>
    %add3A_508 = arith.constant 12 : i32
    %add3A_509 = vector.broadcast %add3A_508 : i32 to vector<16xi32>
    %add3A_510 = arith.addi %mul3A_383, %add3A_509 : vector<16xi32>
    %gather3A_511 = tpu.vector_load_idx %arg14[%add3A_510] : memref<2176xf32, #tpu.memory_space<vmem>>[vector<16xi32>], vector<16xf32>,
    %add3A_512 = arith.addf %add3A_502, %gather3A_511 : vector<16xf32>
    %add3A_513 = arith.constant 12 : i32
    %add3A_514 = vector.broadcast %add3A_513 : i32 to vector<16xi32>
    %add3A_515 = arith.addi %mul3A_383, %add3A_514 : vector<16xi32>
    %gather3A_516 = tpu.vector_load_idx %arg15[%add3A_515] : memref<2176xf32, #tpu.memory_space<vmem>>[vector<16xi32>], vector<16xf32>,
    %add3A_517 = arith.addf %add3A_507, %gather3A_516 : vector<16xf32>
    %add3A_518 = arith.constant 13 : i32
    %add3A_519 = vector.broadcast %add3A_518 : i32 to vector<16xi32>
    %add3A_520 = arith.addi %mul3A_383, %add3A_519 : vector<16xi32>
    %gather3A_521 = tpu.vector_load_idx %arg14[%add3A_520] : memref<2176xf32, #tpu.memory_space<vmem>>[vector<16xi32>], vector<16xf32>,
    %add3A_522 = arith.addf %add3A_512, %gather3A_521 : vector<16xf32>
    %add3A_523 = arith.constant 13 : i32
    %add3A_524 = vector.broadcast %add3A_523 : i32 to vector<16xi32>
    %add3A_525 = arith.addi %mul3A_383, %add3A_524 : vector<16xi32>
    %gather3A_526 = tpu.vector_load_idx %arg15[%add3A_525] : memref<2176xf32, #tpu.memory_space<vmem>>[vector<16xi32>], vector<16xf32>,
    %add3A_527 = arith.addf %add3A_517, %gather3A_526 : vector<16xf32>
    %add3A_528 = arith.constant 14 : i32
    %add3A_529 = vector.broadcast %add3A_528 : i32 to vector<16xi32>
    %add3A_530 = arith.addi %mul3A_383, %add3A_529 : vector<16xi32>
    %gather3A_531 = tpu.vector_load_idx %arg14[%add3A_530] : memref<2176xf32, #tpu.memory_space<vmem>>[vector<16xi32>], vector<16xf32>,
    %add3A_532 = arith.addf %add3A_522, %gather3A_531 : vector<16xf32>
    %add3A_533 = arith.constant 14 : i32
    %add3A_534 = vector.broadcast %add3A_533 : i32 to vector<16xi32>
    %add3A_535 = arith.addi %mul3A_383, %add3A_534 : vector<16xi32>
    %gather3A_536 = tpu.vector_load_idx %arg15[%add3A_535] : memref<2176xf32, #tpu.memory_space<vmem>>[vector<16xi32>], vector<16xf32>,
    %add3A_537 = arith.addf %add3A_527, %gather3A_536 : vector<16xf32>
    %add3A_538 = arith.constant 15 : i32
    %add3A_539 = vector.broadcast %add3A_538 : i32 to vector<16xi32>
    %add3A_540 = arith.addi %mul3A_383, %add3A_539 : vector<16xi32>
    %gather3A_541 = tpu.vector_load_idx %arg14[%add3A_540] : memref<2176xf32, #tpu.memory_space<vmem>>[vector<16xi32>], vector<16xf32>,
    %add3A_542 = arith.addf %add3A_532, %gather3A_541 : vector<16xf32>
    %add3A_543 = arith.constant 15 : i32
    %add3A_544 = vector.broadcast %add3A_543 : i32 to vector<16xi32>
    %add3A_545 = arith.addi %mul3A_383, %add3A_544 : vector<16xi32>
    %gather3A_546 = tpu.vector_load_idx %arg15[%add3A_545] : memref<2176xf32, #tpu.memory_space<vmem>>[vector<16xi32>], vector<16xf32>,
    %add3A_547 = arith.addf %add3A_537, %gather3A_546 : vector<16xf32>
    %max3A_548 = arith.constant 1.000000e+00 : f32
    %max3A_549 = vector.broadcast %max3A_548 : f32 to vector<16xf32>
    %max3A_550 = arith.maximumf %add3A_547, %max3A_549 : vector<16xf32>
    %div3A_551 = arith.divf %add3A_542, %max3A_550 : vector<16xf32>
    %mul3A_552 = arith.constant 0.333333343 : f32
    %mul3A_553 = vector.broadcast %mul3A_552 : f32 to vector<16xf32>
    %mul3A_554 = arith.mulf %div3A_551, %mul3A_553 : vector<16xf32>
    %add3A_555 = arith.addf %mul3A_554, %div3A : vector<16xf32>
    %swap3A_556 = arith.constant 16 : index
    %swap3A_557 = tpu.vector_load %arg18[%swap3A_556] {strides = array<i32>} : memref<128xf32, #tpu.memory_space<vmem>>, vector<16xf32>,
    tpu.vector_store %arg18[%swap3A_556], %add3A_555 {strides = array<i32>} : memref<128xf32, #tpu.memory_space<vmem>>, vector<16xf32>,
    %add3A_558 = arith.constant 32 : i32
    %add3A_559 = vector.broadcast %add3A_558 : i32 to vector<16xi32>
    %add3A_560 = arith.addi %add3A_559, %iota3A : vector<16xi32>
    %mul3A_561 = arith.constant 17 : i32
    %mul3A_562 = vector.broadcast %mul3A_561 : i32 to vector<16xi32>
    %mul3A_563 = arith.muli %add3A_560, %mul3A_562 : vector<16xi32>
    %broadcast_in_dim3A_564 = arith.constant 0.000000e+00 : f32
    %broadcast_in_dim3A_565 = vector.broadcast %broadcast_in_dim3A_564 : f32 to vector<16xf32>
    %broadcast_in_dim3A_566 = arith.constant 0.000000e+00 : f32
    %broadcast_in_dim3A_567 = vector.broadcast %broadcast_in_dim3A_566 : f32 to vector<16xf32>
    %add3A_568 = arith.constant 0 : i32
    %add3A_569 = vector.broadcast %add3A_568 : i32 to vector<16xi32>
    %add3A_570 = arith.addi %mul3A_563, %add3A_569 : vector<16xi32>
    %gather3A_571 = tpu.vector_load_idx %arg14[%add3A_570] : memref<2176xf32, #tpu.memory_space<vmem>>[vector<16xi32>], vector<16xf32>,
    %add3A_572 = arith.addf %broadcast_in_dim3A_565, %gather3A_571 : vector<16xf32>
    %add3A_573 = arith.constant 0 : i32
    %add3A_574 = vector.broadcast %add3A_573 : i32 to vector<16xi32>
    %add3A_575 = arith.addi %mul3A_563, %add3A_574 : vector<16xi32>
    %gather3A_576 = tpu.vector_load_idx %arg15[%add3A_575] : memref<2176xf32, #tpu.memory_space<vmem>>[vector<16xi32>], vector<16xf32>,
    %add3A_577 = arith.addf %broadcast_in_dim3A_567, %gather3A_576 : vector<16xf32>
    %add3A_578 = arith.constant 1 : i32
    %add3A_579 = vector.broadcast %add3A_578 : i32 to vector<16xi32>
    %add3A_580 = arith.addi %mul3A_563, %add3A_579 : vector<16xi32>
    %gather3A_581 = tpu.vector_load_idx %arg14[%add3A_580] : memref<2176xf32, #tpu.memory_space<vmem>>[vector<16xi32>], vector<16xf32>,
    %add3A_582 = arith.addf %add3A_572, %gather3A_581 : vector<16xf32>
    %add3A_583 = arith.constant 1 : i32
    %add3A_584 = vector.broadcast %add3A_583 : i32 to vector<16xi32>
    %add3A_585 = arith.addi %mul3A_563, %add3A_584 : vector<16xi32>
    %gather3A_586 = tpu.vector_load_idx %arg15[%add3A_585] : memref<2176xf32, #tpu.memory_space<vmem>>[vector<16xi32>], vector<16xf32>,
    %add3A_587 = arith.addf %add3A_577, %gather3A_586 : vector<16xf32>
    %add3A_588 = arith.constant 2 : i32
    %add3A_589 = vector.broadcast %add3A_588 : i32 to vector<16xi32>
    %add3A_590 = arith.addi %mul3A_563, %add3A_589 : vector<16xi32>
    %gather3A_591 = tpu.vector_load_idx %arg14[%add3A_590] : memref<2176xf32, #tpu.memory_space<vmem>>[vector<16xi32>], vector<16xf32>,
    %add3A_592 = arith.addf %add3A_582, %gather3A_591 : vector<16xf32>
    %add3A_593 = arith.constant 2 : i32
    %add3A_594 = vector.broadcast %add3A_593 : i32 to vector<16xi32>
    %add3A_595 = arith.addi %mul3A_563, %add3A_594 : vector<16xi32>
    %gather3A_596 = tpu.vector_load_idx %arg15[%add3A_595] : memref<2176xf32, #tpu.memory_space<vmem>>[vector<16xi32>], vector<16xf32>,
    %add3A_597 = arith.addf %add3A_587, %gather3A_596 : vector<16xf32>
    %add3A_598 = arith.constant 3 : i32
    %add3A_599 = vector.broadcast %add3A_598 : i32 to vector<16xi32>
    %add3A_600 = arith.addi %mul3A_563, %add3A_599 : vector<16xi32>
    %gather3A_601 = tpu.vector_load_idx %arg14[%add3A_600] : memref<2176xf32, #tpu.memory_space<vmem>>[vector<16xi32>], vector<16xf32>,
    %add3A_602 = arith.addf %add3A_592, %gather3A_601 : vector<16xf32>
    %add3A_603 = arith.constant 3 : i32
    %add3A_604 = vector.broadcast %add3A_603 : i32 to vector<16xi32>
    %add3A_605 = arith.addi %mul3A_563, %add3A_604 : vector<16xi32>
    %gather3A_606 = tpu.vector_load_idx %arg15[%add3A_605] : memref<2176xf32, #tpu.memory_space<vmem>>[vector<16xi32>], vector<16xf32>,
    %add3A_607 = arith.addf %add3A_597, %gather3A_606 : vector<16xf32>
    %add3A_608 = arith.constant 4 : i32
    %add3A_609 = vector.broadcast %add3A_608 : i32 to vector<16xi32>
    %add3A_610 = arith.addi %mul3A_563, %add3A_609 : vector<16xi32>
    %gather3A_611 = tpu.vector_load_idx %arg14[%add3A_610] : memref<2176xf32, #tpu.memory_space<vmem>>[vector<16xi32>], vector<16xf32>,
    %add3A_612 = arith.addf %add3A_602, %gather3A_611 : vector<16xf32>
    %add3A_613 = arith.constant 4 : i32
    %add3A_614 = vector.broadcast %add3A_613 : i32 to vector<16xi32>
    %add3A_615 = arith.addi %mul3A_563, %add3A_614 : vector<16xi32>
    %gather3A_616 = tpu.vector_load_idx %arg15[%add3A_615] : memref<2176xf32, #tpu.memory_space<vmem>>[vector<16xi32>], vector<16xf32>,
    %add3A_617 = arith.addf %add3A_607, %gather3A_616 : vector<16xf32>
    %add3A_618 = arith.constant 5 : i32
    %add3A_619 = vector.broadcast %add3A_618 : i32 to vector<16xi32>
    %add3A_620 = arith.addi %mul3A_563, %add3A_619 : vector<16xi32>
    %gather3A_621 = tpu.vector_load_idx %arg14[%add3A_620] : memref<2176xf32, #tpu.memory_space<vmem>>[vector<16xi32>], vector<16xf32>,
    %add3A_622 = arith.addf %add3A_612, %gather3A_621 : vector<16xf32>
    %add3A_623 = arith.constant 5 : i32
    %add3A_624 = vector.broadcast %add3A_623 : i32 to vector<16xi32>
    %add3A_625 = arith.addi %mul3A_563, %add3A_624 : vector<16xi32>
    %gather3A_626 = tpu.vector_load_idx %arg15[%add3A_625] : memref<2176xf32, #tpu.memory_space<vmem>>[vector<16xi32>], vector<16xf32>,
    %add3A_627 = arith.addf %add3A_617, %gather3A_626 : vector<16xf32>
    %add3A_628 = arith.constant 6 : i32
    %add3A_629 = vector.broadcast %add3A_628 : i32 to vector<16xi32>
    %add3A_630 = arith.addi %mul3A_563, %add3A_629 : vector<16xi32>
    %gather3A_631 = tpu.vector_load_idx %arg14[%add3A_630] : memref<2176xf32, #tpu.memory_space<vmem>>[vector<16xi32>], vector<16xf32>,
    %add3A_632 = arith.addf %add3A_622, %gather3A_631 : vector<16xf32>
    %add3A_633 = arith.constant 6 : i32
    %add3A_634 = vector.broadcast %add3A_633 : i32 to vector<16xi32>
    %add3A_635 = arith.addi %mul3A_563, %add3A_634 : vector<16xi32>
    %gather3A_636 = tpu.vector_load_idx %arg15[%add3A_635] : memref<2176xf32, #tpu.memory_space<vmem>>[vector<16xi32>], vector<16xf32>,
    %add3A_637 = arith.addf %add3A_627, %gather3A_636 : vector<16xf32>
    %add3A_638 = arith.constant 7 : i32
    %add3A_639 = vector.broadcast %add3A_638 : i32 to vector<16xi32>
    %add3A_640 = arith.addi %mul3A_563, %add3A_639 : vector<16xi32>
    %gather3A_641 = tpu.vector_load_idx %arg14[%add3A_640] : memref<2176xf32, #tpu.memory_space<vmem>>[vector<16xi32>], vector<16xf32>,
    %add3A_642 = arith.addf %add3A_632, %gather3A_641 : vector<16xf32>
    %add3A_643 = arith.constant 7 : i32
    %add3A_644 = vector.broadcast %add3A_643 : i32 to vector<16xi32>
    %add3A_645 = arith.addi %mul3A_563, %add3A_644 : vector<16xi32>
    %gather3A_646 = tpu.vector_load_idx %arg15[%add3A_645] : memref<2176xf32, #tpu.memory_space<vmem>>[vector<16xi32>], vector<16xf32>,
    %add3A_647 = arith.addf %add3A_637, %gather3A_646 : vector<16xf32>
    %add3A_648 = arith.constant 8 : i32
    %add3A_649 = vector.broadcast %add3A_648 : i32 to vector<16xi32>
    %add3A_650 = arith.addi %mul3A_563, %add3A_649 : vector<16xi32>
    %gather3A_651 = tpu.vector_load_idx %arg14[%add3A_650] : memref<2176xf32, #tpu.memory_space<vmem>>[vector<16xi32>], vector<16xf32>,
    %add3A_652 = arith.addf %add3A_642, %gather3A_651 : vector<16xf32>
    %add3A_653 = arith.constant 8 : i32
    %add3A_654 = vector.broadcast %add3A_653 : i32 to vector<16xi32>
    %add3A_655 = arith.addi %mul3A_563, %add3A_654 : vector<16xi32>
    %gather3A_656 = tpu.vector_load_idx %arg15[%add3A_655] : memref<2176xf32, #tpu.memory_space<vmem>>[vector<16xi32>], vector<16xf32>,
    %add3A_657 = arith.addf %add3A_647, %gather3A_656 : vector<16xf32>
    %add3A_658 = arith.constant 9 : i32
    %add3A_659 = vector.broadcast %add3A_658 : i32 to vector<16xi32>
    %add3A_660 = arith.addi %mul3A_563, %add3A_659 : vector<16xi32>
    %gather3A_661 = tpu.vector_load_idx %arg14[%add3A_660] : memref<2176xf32, #tpu.memory_space<vmem>>[vector<16xi32>], vector<16xf32>,
    %add3A_662 = arith.addf %add3A_652, %gather3A_661 : vector<16xf32>
    %add3A_663 = arith.constant 9 : i32
    %add3A_664 = vector.broadcast %add3A_663 : i32 to vector<16xi32>
    %add3A_665 = arith.addi %mul3A_563, %add3A_664 : vector<16xi32>
    %gather3A_666 = tpu.vector_load_idx %arg15[%add3A_665] : memref<2176xf32, #tpu.memory_space<vmem>>[vector<16xi32>], vector<16xf32>,
    %add3A_667 = arith.addf %add3A_657, %gather3A_666 : vector<16xf32>
    %add3A_668 = arith.constant 10 : i32
    %add3A_669 = vector.broadcast %add3A_668 : i32 to vector<16xi32>
    %add3A_670 = arith.addi %mul3A_563, %add3A_669 : vector<16xi32>
    %gather3A_671 = tpu.vector_load_idx %arg14[%add3A_670] : memref<2176xf32, #tpu.memory_space<vmem>>[vector<16xi32>], vector<16xf32>,
    %add3A_672 = arith.addf %add3A_662, %gather3A_671 : vector<16xf32>
    %add3A_673 = arith.constant 10 : i32
    %add3A_674 = vector.broadcast %add3A_673 : i32 to vector<16xi32>
    %add3A_675 = arith.addi %mul3A_563, %add3A_674 : vector<16xi32>
    %gather3A_676 = tpu.vector_load_idx %arg15[%add3A_675] : memref<2176xf32, #tpu.memory_space<vmem>>[vector<16xi32>], vector<16xf32>,
    %add3A_677 = arith.addf %add3A_667, %gather3A_676 : vector<16xf32>
    %add3A_678 = arith.constant 11 : i32
    %add3A_679 = vector.broadcast %add3A_678 : i32 to vector<16xi32>
    %add3A_680 = arith.addi %mul3A_563, %add3A_679 : vector<16xi32>
    %gather3A_681 = tpu.vector_load_idx %arg14[%add3A_680] : memref<2176xf32, #tpu.memory_space<vmem>>[vector<16xi32>], vector<16xf32>,
    %add3A_682 = arith.addf %add3A_672, %gather3A_681 : vector<16xf32>
    %add3A_683 = arith.constant 11 : i32
    %add3A_684 = vector.broadcast %add3A_683 : i32 to vector<16xi32>
    %add3A_685 = arith.addi %mul3A_563, %add3A_684 : vector<16xi32>
    %gather3A_686 = tpu.vector_load_idx %arg15[%add3A_685] : memref<2176xf32, #tpu.memory_space<vmem>>[vector<16xi32>], vector<16xf32>,
    %add3A_687 = arith.addf %add3A_677, %gather3A_686 : vector<16xf32>
    %add3A_688 = arith.constant 12 : i32
    %add3A_689 = vector.broadcast %add3A_688 : i32 to vector<16xi32>
    %add3A_690 = arith.addi %mul3A_563, %add3A_689 : vector<16xi32>
    %gather3A_691 = tpu.vector_load_idx %arg14[%add3A_690] : memref<2176xf32, #tpu.memory_space<vmem>>[vector<16xi32>], vector<16xf32>,
    %add3A_692 = arith.addf %add3A_682, %gather3A_691 : vector<16xf32>
    %add3A_693 = arith.constant 12 : i32
    %add3A_694 = vector.broadcast %add3A_693 : i32 to vector<16xi32>
    %add3A_695 = arith.addi %mul3A_563, %add3A_694 : vector<16xi32>
    %gather3A_696 = tpu.vector_load_idx %arg15[%add3A_695] : memref<2176xf32, #tpu.memory_space<vmem>>[vector<16xi32>], vector<16xf32>,
    %add3A_697 = arith.addf %add3A_687, %gather3A_696 : vector<16xf32>
    %add3A_698 = arith.constant 13 : i32
    %add3A_699 = vector.broadcast %add3A_698 : i32 to vector<16xi32>
    %add3A_700 = arith.addi %mul3A_563, %add3A_699 : vector<16xi32>
    %gather3A_701 = tpu.vector_load_idx %arg14[%add3A_700] : memref<2176xf32, #tpu.memory_space<vmem>>[vector<16xi32>], vector<16xf32>,
    %add3A_702 = arith.addf %add3A_692, %gather3A_701 : vector<16xf32>
    %add3A_703 = arith.constant 13 : i32
    %add3A_704 = vector.broadcast %add3A_703 : i32 to vector<16xi32>
    %add3A_705 = arith.addi %mul3A_563, %add3A_704 : vector<16xi32>
    %gather3A_706 = tpu.vector_load_idx %arg15[%add3A_705] : memref<2176xf32, #tpu.memory_space<vmem>>[vector<16xi32>], vector<16xf32>,
    %add3A_707 = arith.addf %add3A_697, %gather3A_706 : vector<16xf32>
    %add3A_708 = arith.constant 14 : i32
    %add3A_709 = vector.broadcast %add3A_708 : i32 to vector<16xi32>
    %add3A_710 = arith.addi %mul3A_563, %add3A_709 : vector<16xi32>
    %gather3A_711 = tpu.vector_load_idx %arg14[%add3A_710] : memref<2176xf32, #tpu.memory_space<vmem>>[vector<16xi32>], vector<16xf32>,
    %add3A_712 = arith.addf %add3A_702, %gather3A_711 : vector<16xf32>
    %add3A_713 = arith.constant 14 : i32
    %add3A_714 = vector.broadcast %add3A_713 : i32 to vector<16xi32>
    %add3A_715 = arith.addi %mul3A_563, %add3A_714 : vector<16xi32>
    %gather3A_716 = tpu.vector_load_idx %arg15[%add3A_715] : memref<2176xf32, #tpu.memory_space<vmem>>[vector<16xi32>], vector<16xf32>,
    %add3A_717 = arith.addf %add3A_707, %gather3A_716 : vector<16xf32>
    %add3A_718 = arith.constant 15 : i32
    %add3A_719 = vector.broadcast %add3A_718 : i32 to vector<16xi32>
    %add3A_720 = arith.addi %mul3A_563, %add3A_719 : vector<16xi32>
    %gather3A_721 = tpu.vector_load_idx %arg14[%add3A_720] : memref<2176xf32, #tpu.memory_space<vmem>>[vector<16xi32>], vector<16xf32>,
    %add3A_722 = arith.addf %add3A_712, %gather3A_721 : vector<16xf32>
    %add3A_723 = arith.constant 15 : i32
    %add3A_724 = vector.broadcast %add3A_723 : i32 to vector<16xi32>
    %add3A_725 = arith.addi %mul3A_563, %add3A_724 : vector<16xi32>
    %gather3A_726 = tpu.vector_load_idx %arg15[%add3A_725] : memref<2176xf32, #tpu.memory_space<vmem>>[vector<16xi32>], vector<16xf32>,
    %add3A_727 = arith.addf %add3A_717, %gather3A_726 : vector<16xf32>
    %max3A_728 = arith.constant 1.000000e+00 : f32
    %max3A_729 = vector.broadcast %max3A_728 : f32 to vector<16xf32>
    %max3A_730 = arith.maximumf %add3A_727, %max3A_729 : vector<16xf32>
    %div3A_731 = arith.divf %add3A_722, %max3A_730 : vector<16xf32>
    %mul3A_732 = arith.constant 0.333333343 : f32
    %mul3A_733 = vector.broadcast %mul3A_732 : f32 to vector<16xf32>
    %mul3A_734 = arith.mulf %div3A_731, %mul3A_733 : vector<16xf32>
    %add3A_735 = arith.addf %mul3A_734, %div3A : vector<16xf32>
    %swap3A_736 = arith.constant 32 : index
    %swap3A_737 = tpu.vector_load %arg18[%swap3A_736] {strides = array<i32>} : memref<128xf32, #tpu.memory_space<vmem>>, vector<16xf32>,
    tpu.vector_store %arg18[%swap3A_736], %add3A_735 {strides = array<i32>} : memref<128xf32, #tpu.memory_space<vmem>>, vector<16xf32>,
    %add3A_738 = arith.constant 48 : i32
    %add3A_739 = vector.broadcast %add3A_738 : i32 to vector<16xi32>
    %add3A_740 = arith.addi %add3A_739, %iota3A : vector<16xi32>
    %mul3A_741 = arith.constant 17 : i32
    %mul3A_742 = vector.broadcast %mul3A_741 : i32 to vector<16xi32>
    %mul3A_743 = arith.muli %add3A_740, %mul3A_742 : vector<16xi32>
    %broadcast_in_dim3A_744 = arith.constant 0.000000e+00 : f32
    %broadcast_in_dim3A_745 = vector.broadcast %broadcast_in_dim3A_744 : f32 to vector<16xf32>
    %broadcast_in_dim3A_746 = arith.constant 0.000000e+00 : f32
    %broadcast_in_dim3A_747 = vector.broadcast %broadcast_in_dim3A_746 : f32 to vector<16xf32>
    %add3A_748 = arith.constant 0 : i32
    %add3A_749 = vector.broadcast %add3A_748 : i32 to vector<16xi32>
    %add3A_750 = arith.addi %mul3A_743, %add3A_749 : vector<16xi32>
    %gather3A_751 = tpu.vector_load_idx %arg14[%add3A_750] : memref<2176xf32, #tpu.memory_space<vmem>>[vector<16xi32>], vector<16xf32>,
    %add3A_752 = arith.addf %broadcast_in_dim3A_745, %gather3A_751 : vector<16xf32>
    %add3A_753 = arith.constant 0 : i32
    %add3A_754 = vector.broadcast %add3A_753 : i32 to vector<16xi32>
    %add3A_755 = arith.addi %mul3A_743, %add3A_754 : vector<16xi32>
    %gather3A_756 = tpu.vector_load_idx %arg15[%add3A_755] : memref<2176xf32, #tpu.memory_space<vmem>>[vector<16xi32>], vector<16xf32>,
    %add3A_757 = arith.addf %broadcast_in_dim3A_747, %gather3A_756 : vector<16xf32>
    %add3A_758 = arith.constant 1 : i32
    %add3A_759 = vector.broadcast %add3A_758 : i32 to vector<16xi32>
    %add3A_760 = arith.addi %mul3A_743, %add3A_759 : vector<16xi32>
    %gather3A_761 = tpu.vector_load_idx %arg14[%add3A_760] : memref<2176xf32, #tpu.memory_space<vmem>>[vector<16xi32>], vector<16xf32>,
    %add3A_762 = arith.addf %add3A_752, %gather3A_761 : vector<16xf32>
    %add3A_763 = arith.constant 1 : i32
    %add3A_764 = vector.broadcast %add3A_763 : i32 to vector<16xi32>
    %add3A_765 = arith.addi %mul3A_743, %add3A_764 : vector<16xi32>
    %gather3A_766 = tpu.vector_load_idx %arg15[%add3A_765] : memref<2176xf32, #tpu.memory_space<vmem>>[vector<16xi32>], vector<16xf32>,
    %add3A_767 = arith.addf %add3A_757, %gather3A_766 : vector<16xf32>
    %add3A_768 = arith.constant 2 : i32
    %add3A_769 = vector.broadcast %add3A_768 : i32 to vector<16xi32>
    %add3A_770 = arith.addi %mul3A_743, %add3A_769 : vector<16xi32>
    %gather3A_771 = tpu.vector_load_idx %arg14[%add3A_770] : memref<2176xf32, #tpu.memory_space<vmem>>[vector<16xi32>], vector<16xf32>,
    %add3A_772 = arith.addf %add3A_762, %gather3A_771 : vector<16xf32>
    %add3A_773 = arith.constant 2 : i32
    %add3A_774 = vector.broadcast %add3A_773 : i32 to vector<16xi32>
    %add3A_775 = arith.addi %mul3A_743, %add3A_774 : vector<16xi32>
    %gather3A_776 = tpu.vector_load_idx %arg15[%add3A_775] : memref<2176xf32, #tpu.memory_space<vmem>>[vector<16xi32>], vector<16xf32>,
    %add3A_777 = arith.addf %add3A_767, %gather3A_776 : vector<16xf32>
    %add3A_778 = arith.constant 3 : i32
    %add3A_779 = vector.broadcast %add3A_778 : i32 to vector<16xi32>
    %add3A_780 = arith.addi %mul3A_743, %add3A_779 : vector<16xi32>
    %gather3A_781 = tpu.vector_load_idx %arg14[%add3A_780] : memref<2176xf32, #tpu.memory_space<vmem>>[vector<16xi32>], vector<16xf32>,
    %add3A_782 = arith.addf %add3A_772, %gather3A_781 : vector<16xf32>
    %add3A_783 = arith.constant 3 : i32
    %add3A_784 = vector.broadcast %add3A_783 : i32 to vector<16xi32>
    %add3A_785 = arith.addi %mul3A_743, %add3A_784 : vector<16xi32>
    %gather3A_786 = tpu.vector_load_idx %arg15[%add3A_785] : memref<2176xf32, #tpu.memory_space<vmem>>[vector<16xi32>], vector<16xf32>,
    %add3A_787 = arith.addf %add3A_777, %gather3A_786 : vector<16xf32>
    %add3A_788 = arith.constant 4 : i32
    %add3A_789 = vector.broadcast %add3A_788 : i32 to vector<16xi32>
    %add3A_790 = arith.addi %mul3A_743, %add3A_789 : vector<16xi32>
    %gather3A_791 = tpu.vector_load_idx %arg14[%add3A_790] : memref<2176xf32, #tpu.memory_space<vmem>>[vector<16xi32>], vector<16xf32>,
    %add3A_792 = arith.addf %add3A_782, %gather3A_791 : vector<16xf32>
    %add3A_793 = arith.constant 4 : i32
    %add3A_794 = vector.broadcast %add3A_793 : i32 to vector<16xi32>
    %add3A_795 = arith.addi %mul3A_743, %add3A_794 : vector<16xi32>
    %gather3A_796 = tpu.vector_load_idx %arg15[%add3A_795] : memref<2176xf32, #tpu.memory_space<vmem>>[vector<16xi32>], vector<16xf32>,
    %add3A_797 = arith.addf %add3A_787, %gather3A_796 : vector<16xf32>
    %add3A_798 = arith.constant 5 : i32
    %add3A_799 = vector.broadcast %add3A_798 : i32 to vector<16xi32>
    %add3A_800 = arith.addi %mul3A_743, %add3A_799 : vector<16xi32>
    %gather3A_801 = tpu.vector_load_idx %arg14[%add3A_800] : memref<2176xf32, #tpu.memory_space<vmem>>[vector<16xi32>], vector<16xf32>,
    %add3A_802 = arith.addf %add3A_792, %gather3A_801 : vector<16xf32>
    %add3A_803 = arith.constant 5 : i32
    %add3A_804 = vector.broadcast %add3A_803 : i32 to vector<16xi32>
    %add3A_805 = arith.addi %mul3A_743, %add3A_804 : vector<16xi32>
    %gather3A_806 = tpu.vector_load_idx %arg15[%add3A_805] : memref<2176xf32, #tpu.memory_space<vmem>>[vector<16xi32>], vector<16xf32>,
    %add3A_807 = arith.addf %add3A_797, %gather3A_806 : vector<16xf32>
    %add3A_808 = arith.constant 6 : i32
    %add3A_809 = vector.broadcast %add3A_808 : i32 to vector<16xi32>
    %add3A_810 = arith.addi %mul3A_743, %add3A_809 : vector<16xi32>
    %gather3A_811 = tpu.vector_load_idx %arg14[%add3A_810] : memref<2176xf32, #tpu.memory_space<vmem>>[vector<16xi32>], vector<16xf32>,
    %add3A_812 = arith.addf %add3A_802, %gather3A_811 : vector<16xf32>
    %add3A_813 = arith.constant 6 : i32
    %add3A_814 = vector.broadcast %add3A_813 : i32 to vector<16xi32>
    %add3A_815 = arith.addi %mul3A_743, %add3A_814 : vector<16xi32>
    %gather3A_816 = tpu.vector_load_idx %arg15[%add3A_815] : memref<2176xf32, #tpu.memory_space<vmem>>[vector<16xi32>], vector<16xf32>,
    %add3A_817 = arith.addf %add3A_807, %gather3A_816 : vector<16xf32>
    %add3A_818 = arith.constant 7 : i32
    %add3A_819 = vector.broadcast %add3A_818 : i32 to vector<16xi32>
    %add3A_820 = arith.addi %mul3A_743, %add3A_819 : vector<16xi32>
    %gather3A_821 = tpu.vector_load_idx %arg14[%add3A_820] : memref<2176xf32, #tpu.memory_space<vmem>>[vector<16xi32>], vector<16xf32>,
    %add3A_822 = arith.addf %add3A_812, %gather3A_821 : vector<16xf32>
    %add3A_823 = arith.constant 7 : i32
    %add3A_824 = vector.broadcast %add3A_823 : i32 to vector<16xi32>
    %add3A_825 = arith.addi %mul3A_743, %add3A_824 : vector<16xi32>
    %gather3A_826 = tpu.vector_load_idx %arg15[%add3A_825] : memref<2176xf32, #tpu.memory_space<vmem>>[vector<16xi32>], vector<16xf32>,
    %add3A_827 = arith.addf %add3A_817, %gather3A_826 : vector<16xf32>
    %add3A_828 = arith.constant 8 : i32
    %add3A_829 = vector.broadcast %add3A_828 : i32 to vector<16xi32>
    %add3A_830 = arith.addi %mul3A_743, %add3A_829 : vector<16xi32>
    %gather3A_831 = tpu.vector_load_idx %arg14[%add3A_830] : memref<2176xf32, #tpu.memory_space<vmem>>[vector<16xi32>], vector<16xf32>,
    %add3A_832 = arith.addf %add3A_822, %gather3A_831 : vector<16xf32>
    %add3A_833 = arith.constant 8 : i32
    %add3A_834 = vector.broadcast %add3A_833 : i32 to vector<16xi32>
    %add3A_835 = arith.addi %mul3A_743, %add3A_834 : vector<16xi32>
    %gather3A_836 = tpu.vector_load_idx %arg15[%add3A_835] : memref<2176xf32, #tpu.memory_space<vmem>>[vector<16xi32>], vector<16xf32>,
    %add3A_837 = arith.addf %add3A_827, %gather3A_836 : vector<16xf32>
    %add3A_838 = arith.constant 9 : i32
    %add3A_839 = vector.broadcast %add3A_838 : i32 to vector<16xi32>
    %add3A_840 = arith.addi %mul3A_743, %add3A_839 : vector<16xi32>
    %gather3A_841 = tpu.vector_load_idx %arg14[%add3A_840] : memref<2176xf32, #tpu.memory_space<vmem>>[vector<16xi32>], vector<16xf32>,
    %add3A_842 = arith.addf %add3A_832, %gather3A_841 : vector<16xf32>
    %add3A_843 = arith.constant 9 : i32
    %add3A_844 = vector.broadcast %add3A_843 : i32 to vector<16xi32>
    %add3A_845 = arith.addi %mul3A_743, %add3A_844 : vector<16xi32>
    %gather3A_846 = tpu.vector_load_idx %arg15[%add3A_845] : memref<2176xf32, #tpu.memory_space<vmem>>[vector<16xi32>], vector<16xf32>,
    %add3A_847 = arith.addf %add3A_837, %gather3A_846 : vector<16xf32>
    %add3A_848 = arith.constant 10 : i32
    %add3A_849 = vector.broadcast %add3A_848 : i32 to vector<16xi32>
    %add3A_850 = arith.addi %mul3A_743, %add3A_849 : vector<16xi32>
    %gather3A_851 = tpu.vector_load_idx %arg14[%add3A_850] : memref<2176xf32, #tpu.memory_space<vmem>>[vector<16xi32>], vector<16xf32>,
    %add3A_852 = arith.addf %add3A_842, %gather3A_851 : vector<16xf32>
    %add3A_853 = arith.constant 10 : i32
    %add3A_854 = vector.broadcast %add3A_853 : i32 to vector<16xi32>
    %add3A_855 = arith.addi %mul3A_743, %add3A_854 : vector<16xi32>
    %gather3A_856 = tpu.vector_load_idx %arg15[%add3A_855] : memref<2176xf32, #tpu.memory_space<vmem>>[vector<16xi32>], vector<16xf32>,
    %add3A_857 = arith.addf %add3A_847, %gather3A_856 : vector<16xf32>
    %add3A_858 = arith.constant 11 : i32
    %add3A_859 = vector.broadcast %add3A_858 : i32 to vector<16xi32>
    %add3A_860 = arith.addi %mul3A_743, %add3A_859 : vector<16xi32>
    %gather3A_861 = tpu.vector_load_idx %arg14[%add3A_860] : memref<2176xf32, #tpu.memory_space<vmem>>[vector<16xi32>], vector<16xf32>,
    %add3A_862 = arith.addf %add3A_852, %gather3A_861 : vector<16xf32>
    %add3A_863 = arith.constant 11 : i32
    %add3A_864 = vector.broadcast %add3A_863 : i32 to vector<16xi32>
    %add3A_865 = arith.addi %mul3A_743, %add3A_864 : vector<16xi32>
    %gather3A_866 = tpu.vector_load_idx %arg15[%add3A_865] : memref<2176xf32, #tpu.memory_space<vmem>>[vector<16xi32>], vector<16xf32>,
    %add3A_867 = arith.addf %add3A_857, %gather3A_866 : vector<16xf32>
    %add3A_868 = arith.constant 12 : i32
    %add3A_869 = vector.broadcast %add3A_868 : i32 to vector<16xi32>
    %add3A_870 = arith.addi %mul3A_743, %add3A_869 : vector<16xi32>
    %gather3A_871 = tpu.vector_load_idx %arg14[%add3A_870] : memref<2176xf32, #tpu.memory_space<vmem>>[vector<16xi32>], vector<16xf32>,
    %add3A_872 = arith.addf %add3A_862, %gather3A_871 : vector<16xf32>
    %add3A_873 = arith.constant 12 : i32
    %add3A_874 = vector.broadcast %add3A_873 : i32 to vector<16xi32>
    %add3A_875 = arith.addi %mul3A_743, %add3A_874 : vector<16xi32>
    %gather3A_876 = tpu.vector_load_idx %arg15[%add3A_875] : memref<2176xf32, #tpu.memory_space<vmem>>[vector<16xi32>], vector<16xf32>,
    %add3A_877 = arith.addf %add3A_867, %gather3A_876 : vector<16xf32>
    %add3A_878 = arith.constant 13 : i32
    %add3A_879 = vector.broadcast %add3A_878 : i32 to vector<16xi32>
    %add3A_880 = arith.addi %mul3A_743, %add3A_879 : vector<16xi32>
    %gather3A_881 = tpu.vector_load_idx %arg14[%add3A_880] : memref<2176xf32, #tpu.memory_space<vmem>>[vector<16xi32>], vector<16xf32>,
    %add3A_882 = arith.addf %add3A_872, %gather3A_881 : vector<16xf32>
    %add3A_883 = arith.constant 13 : i32
    %add3A_884 = vector.broadcast %add3A_883 : i32 to vector<16xi32>
    %add3A_885 = arith.addi %mul3A_743, %add3A_884 : vector<16xi32>
    %gather3A_886 = tpu.vector_load_idx %arg15[%add3A_885] : memref<2176xf32, #tpu.memory_space<vmem>>[vector<16xi32>], vector<16xf32>,
    %add3A_887 = arith.addf %add3A_877, %gather3A_886 : vector<16xf32>
    %add3A_888 = arith.constant 14 : i32
    %add3A_889 = vector.broadcast %add3A_888 : i32 to vector<16xi32>
    %add3A_890 = arith.addi %mul3A_743, %add3A_889 : vector<16xi32>
    %gather3A_891 = tpu.vector_load_idx %arg14[%add3A_890] : memref<2176xf32, #tpu.memory_space<vmem>>[vector<16xi32>], vector<16xf32>,
    %add3A_892 = arith.addf %add3A_882, %gather3A_891 : vector<16xf32>
    %add3A_893 = arith.constant 14 : i32
    %add3A_894 = vector.broadcast %add3A_893 : i32 to vector<16xi32>
    %add3A_895 = arith.addi %mul3A_743, %add3A_894 : vector<16xi32>
    %gather3A_896 = tpu.vector_load_idx %arg15[%add3A_895] : memref<2176xf32, #tpu.memory_space<vmem>>[vector<16xi32>], vector<16xf32>,
    %add3A_897 = arith.addf %add3A_887, %gather3A_896 : vector<16xf32>
    %add3A_898 = arith.constant 15 : i32
    %add3A_899 = vector.broadcast %add3A_898 : i32 to vector<16xi32>
    %add3A_900 = arith.addi %mul3A_743, %add3A_899 : vector<16xi32>
    %gather3A_901 = tpu.vector_load_idx %arg14[%add3A_900] : memref<2176xf32, #tpu.memory_space<vmem>>[vector<16xi32>], vector<16xf32>,
    %add3A_902 = arith.addf %add3A_892, %gather3A_901 : vector<16xf32>
    %add3A_903 = arith.constant 15 : i32
    %add3A_904 = vector.broadcast %add3A_903 : i32 to vector<16xi32>
    %add3A_905 = arith.addi %mul3A_743, %add3A_904 : vector<16xi32>
    %gather3A_906 = tpu.vector_load_idx %arg15[%add3A_905] : memref<2176xf32, #tpu.memory_space<vmem>>[vector<16xi32>], vector<16xf32>,
    %add3A_907 = arith.addf %add3A_897, %gather3A_906 : vector<16xf32>
    %max3A_908 = arith.constant 1.000000e+00 : f32
    %max3A_909 = vector.broadcast %max3A_908 : f32 to vector<16xf32>
    %max3A_910 = arith.maximumf %add3A_907, %max3A_909 : vector<16xf32>
    %div3A_911 = arith.divf %add3A_902, %max3A_910 : vector<16xf32>
    %mul3A_912 = arith.constant 0.333333343 : f32
    %mul3A_913 = vector.broadcast %mul3A_912 : f32 to vector<16xf32>
    %mul3A_914 = arith.mulf %div3A_911, %mul3A_913 : vector<16xf32>
    %add3A_915 = arith.addf %mul3A_914, %div3A : vector<16xf32>
    %swap3A_916 = arith.constant 48 : index
    %swap3A_917 = tpu.vector_load %arg18[%swap3A_916] {strides = array<i32>} : memref<128xf32, #tpu.memory_space<vmem>>, vector<16xf32>,
    tpu.vector_store %arg18[%swap3A_916], %add3A_915 {strides = array<i32>} : memref<128xf32, #tpu.memory_space<vmem>>, vector<16xf32>,
    %add3A_918 = arith.constant 64 : i32
    %add3A_919 = vector.broadcast %add3A_918 : i32 to vector<16xi32>
    %add3A_920 = arith.addi %add3A_919, %iota3A : vector<16xi32>
    %mul3A_921 = arith.constant 17 : i32
    %mul3A_922 = vector.broadcast %mul3A_921 : i32 to vector<16xi32>
    %mul3A_923 = arith.muli %add3A_920, %mul3A_922 : vector<16xi32>
    %broadcast_in_dim3A_924 = arith.constant 0.000000e+00 : f32
    %broadcast_in_dim3A_925 = vector.broadcast %broadcast_in_dim3A_924 : f32 to vector<16xf32>
    %broadcast_in_dim3A_926 = arith.constant 0.000000e+00 : f32
    %broadcast_in_dim3A_927 = vector.broadcast %broadcast_in_dim3A_926 : f32 to vector<16xf32>
    %add3A_928 = arith.constant 0 : i32
    %add3A_929 = vector.broadcast %add3A_928 : i32 to vector<16xi32>
    %add3A_930 = arith.addi %mul3A_923, %add3A_929 : vector<16xi32>
    %gather3A_931 = tpu.vector_load_idx %arg14[%add3A_930] : memref<2176xf32, #tpu.memory_space<vmem>>[vector<16xi32>], vector<16xf32>,
    %add3A_932 = arith.addf %broadcast_in_dim3A_925, %gather3A_931 : vector<16xf32>
    %add3A_933 = arith.constant 0 : i32
    %add3A_934 = vector.broadcast %add3A_933 : i32 to vector<16xi32>
    %add3A_935 = arith.addi %mul3A_923, %add3A_934 : vector<16xi32>
    %gather3A_936 = tpu.vector_load_idx %arg15[%add3A_935] : memref<2176xf32, #tpu.memory_space<vmem>>[vector<16xi32>], vector<16xf32>,
    %add3A_937 = arith.addf %broadcast_in_dim3A_927, %gather3A_936 : vector<16xf32>
    %add3A_938 = arith.constant 1 : i32
    %add3A_939 = vector.broadcast %add3A_938 : i32 to vector<16xi32>
    %add3A_940 = arith.addi %mul3A_923, %add3A_939 : vector<16xi32>
    %gather3A_941 = tpu.vector_load_idx %arg14[%add3A_940] : memref<2176xf32, #tpu.memory_space<vmem>>[vector<16xi32>], vector<16xf32>,
    %add3A_942 = arith.addf %add3A_932, %gather3A_941 : vector<16xf32>
    %add3A_943 = arith.constant 1 : i32
    %add3A_944 = vector.broadcast %add3A_943 : i32 to vector<16xi32>
    %add3A_945 = arith.addi %mul3A_923, %add3A_944 : vector<16xi32>
    %gather3A_946 = tpu.vector_load_idx %arg15[%add3A_945] : memref<2176xf32, #tpu.memory_space<vmem>>[vector<16xi32>], vector<16xf32>,
    %add3A_947 = arith.addf %add3A_937, %gather3A_946 : vector<16xf32>
    %add3A_948 = arith.constant 2 : i32
    %add3A_949 = vector.broadcast %add3A_948 : i32 to vector<16xi32>
    %add3A_950 = arith.addi %mul3A_923, %add3A_949 : vector<16xi32>
    %gather3A_951 = tpu.vector_load_idx %arg14[%add3A_950] : memref<2176xf32, #tpu.memory_space<vmem>>[vector<16xi32>], vector<16xf32>,
    %add3A_952 = arith.addf %add3A_942, %gather3A_951 : vector<16xf32>
    %add3A_953 = arith.constant 2 : i32
    %add3A_954 = vector.broadcast %add3A_953 : i32 to vector<16xi32>
    %add3A_955 = arith.addi %mul3A_923, %add3A_954 : vector<16xi32>
    %gather3A_956 = tpu.vector_load_idx %arg15[%add3A_955] : memref<2176xf32, #tpu.memory_space<vmem>>[vector<16xi32>], vector<16xf32>,
    %add3A_957 = arith.addf %add3A_947, %gather3A_956 : vector<16xf32>
    %add3A_958 = arith.constant 3 : i32
    %add3A_959 = vector.broadcast %add3A_958 : i32 to vector<16xi32>
    %add3A_960 = arith.addi %mul3A_923, %add3A_959 : vector<16xi32>
    %gather3A_961 = tpu.vector_load_idx %arg14[%add3A_960] : memref<2176xf32, #tpu.memory_space<vmem>>[vector<16xi32>], vector<16xf32>,
    %add3A_962 = arith.addf %add3A_952, %gather3A_961 : vector<16xf32>
    %add3A_963 = arith.constant 3 : i32
    %add3A_964 = vector.broadcast %add3A_963 : i32 to vector<16xi32>
    %add3A_965 = arith.addi %mul3A_923, %add3A_964 : vector<16xi32>
    %gather3A_966 = tpu.vector_load_idx %arg15[%add3A_965] : memref<2176xf32, #tpu.memory_space<vmem>>[vector<16xi32>], vector<16xf32>,
    %add3A_967 = arith.addf %add3A_957, %gather3A_966 : vector<16xf32>
    %add3A_968 = arith.constant 4 : i32
    %add3A_969 = vector.broadcast %add3A_968 : i32 to vector<16xi32>
    %add3A_970 = arith.addi %mul3A_923, %add3A_969 : vector<16xi32>
    %gather3A_971 = tpu.vector_load_idx %arg14[%add3A_970] : memref<2176xf32, #tpu.memory_space<vmem>>[vector<16xi32>], vector<16xf32>,
    %add3A_972 = arith.addf %add3A_962, %gather3A_971 : vector<16xf32>
    %add3A_973 = arith.constant 4 : i32
    %add3A_974 = vector.broadcast %add3A_973 : i32 to vector<16xi32>
    %add3A_975 = arith.addi %mul3A_923, %add3A_974 : vector<16xi32>
    %gather3A_976 = tpu.vector_load_idx %arg15[%add3A_975] : memref<2176xf32, #tpu.memory_space<vmem>>[vector<16xi32>], vector<16xf32>,
    %add3A_977 = arith.addf %add3A_967, %gather3A_976 : vector<16xf32>
    %add3A_978 = arith.constant 5 : i32
    %add3A_979 = vector.broadcast %add3A_978 : i32 to vector<16xi32>
    %add3A_980 = arith.addi %mul3A_923, %add3A_979 : vector<16xi32>
    %gather3A_981 = tpu.vector_load_idx %arg14[%add3A_980] : memref<2176xf32, #tpu.memory_space<vmem>>[vector<16xi32>], vector<16xf32>,
    %add3A_982 = arith.addf %add3A_972, %gather3A_981 : vector<16xf32>
    %add3A_983 = arith.constant 5 : i32
    %add3A_984 = vector.broadcast %add3A_983 : i32 to vector<16xi32>
    %add3A_985 = arith.addi %mul3A_923, %add3A_984 : vector<16xi32>
    %gather3A_986 = tpu.vector_load_idx %arg15[%add3A_985] : memref<2176xf32, #tpu.memory_space<vmem>>[vector<16xi32>], vector<16xf32>,
    %add3A_987 = arith.addf %add3A_977, %gather3A_986 : vector<16xf32>
    %add3A_988 = arith.constant 6 : i32
    %add3A_989 = vector.broadcast %add3A_988 : i32 to vector<16xi32>
    %add3A_990 = arith.addi %mul3A_923, %add3A_989 : vector<16xi32>
    %gather3A_991 = tpu.vector_load_idx %arg14[%add3A_990] : memref<2176xf32, #tpu.memory_space<vmem>>[vector<16xi32>], vector<16xf32>,
    %add3A_992 = arith.addf %add3A_982, %gather3A_991 : vector<16xf32>
    %add3A_993 = arith.constant 6 : i32
    %add3A_994 = vector.broadcast %add3A_993 : i32 to vector<16xi32>
    %add3A_995 = arith.addi %mul3A_923, %add3A_994 : vector<16xi32>
    %gather3A_996 = tpu.vector_load_idx %arg15[%add3A_995] : memref<2176xf32, #tpu.memory_space<vmem>>[vector<16xi32>], vector<16xf32>,
    %add3A_997 = arith.addf %add3A_987, %gather3A_996 : vector<16xf32>
    %add3A_998 = arith.constant 7 : i32
    %add3A_999 = vector.broadcast %add3A_998 : i32 to vector<16xi32>
    %add3A_1000 = arith.addi %mul3A_923, %add3A_999 : vector<16xi32>
    %gather3A_1001 = tpu.vector_load_idx %arg14[%add3A_1000] : memref<2176xf32, #tpu.memory_space<vmem>>[vector<16xi32>], vector<16xf32>,
    %add3A_1002 = arith.addf %add3A_992, %gather3A_1001 : vector<16xf32>
    %add3A_1003 = arith.constant 7 : i32
    %add3A_1004 = vector.broadcast %add3A_1003 : i32 to vector<16xi32>
    %add3A_1005 = arith.addi %mul3A_923, %add3A_1004 : vector<16xi32>
    %gather3A_1006 = tpu.vector_load_idx %arg15[%add3A_1005] : memref<2176xf32, #tpu.memory_space<vmem>>[vector<16xi32>], vector<16xf32>,
    %add3A_1007 = arith.addf %add3A_997, %gather3A_1006 : vector<16xf32>
    %add3A_1008 = arith.constant 8 : i32
    %add3A_1009 = vector.broadcast %add3A_1008 : i32 to vector<16xi32>
    %add3A_1010 = arith.addi %mul3A_923, %add3A_1009 : vector<16xi32>
    %gather3A_1011 = tpu.vector_load_idx %arg14[%add3A_1010] : memref<2176xf32, #tpu.memory_space<vmem>>[vector<16xi32>], vector<16xf32>,
    %add3A_1012 = arith.addf %add3A_1002, %gather3A_1011 : vector<16xf32>
    %add3A_1013 = arith.constant 8 : i32
    %add3A_1014 = vector.broadcast %add3A_1013 : i32 to vector<16xi32>
    %add3A_1015 = arith.addi %mul3A_923, %add3A_1014 : vector<16xi32>
    %gather3A_1016 = tpu.vector_load_idx %arg15[%add3A_1015] : memref<2176xf32, #tpu.memory_space<vmem>>[vector<16xi32>], vector<16xf32>,
    %add3A_1017 = arith.addf %add3A_1007, %gather3A_1016 : vector<16xf32>
    %add3A_1018 = arith.constant 9 : i32
    %add3A_1019 = vector.broadcast %add3A_1018 : i32 to vector<16xi32>
    %add3A_1020 = arith.addi %mul3A_923, %add3A_1019 : vector<16xi32>
    %gather3A_1021 = tpu.vector_load_idx %arg14[%add3A_1020] : memref<2176xf32, #tpu.memory_space<vmem>>[vector<16xi32>], vector<16xf32>,
    %add3A_1022 = arith.addf %add3A_1012, %gather3A_1021 : vector<16xf32>
    %add3A_1023 = arith.constant 9 : i32
    %add3A_1024 = vector.broadcast %add3A_1023 : i32 to vector<16xi32>
    %add3A_1025 = arith.addi %mul3A_923, %add3A_1024 : vector<16xi32>
    %gather3A_1026 = tpu.vector_load_idx %arg15[%add3A_1025] : memref<2176xf32, #tpu.memory_space<vmem>>[vector<16xi32>], vector<16xf32>,
    %add3A_1027 = arith.addf %add3A_1017, %gather3A_1026 : vector<16xf32>
    %add3A_1028 = arith.constant 10 : i32
    %add3A_1029 = vector.broadcast %add3A_1028 : i32 to vector<16xi32>
    %add3A_1030 = arith.addi %mul3A_923, %add3A_1029 : vector<16xi32>
    %gather3A_1031 = tpu.vector_load_idx %arg14[%add3A_1030] : memref<2176xf32, #tpu.memory_space<vmem>>[vector<16xi32>], vector<16xf32>,
    %add3A_1032 = arith.addf %add3A_1022, %gather3A_1031 : vector<16xf32>
    %add3A_1033 = arith.constant 10 : i32
    %add3A_1034 = vector.broadcast %add3A_1033 : i32 to vector<16xi32>
    %add3A_1035 = arith.addi %mul3A_923, %add3A_1034 : vector<16xi32>
    %gather3A_1036 = tpu.vector_load_idx %arg15[%add3A_1035] : memref<2176xf32, #tpu.memory_space<vmem>>[vector<16xi32>], vector<16xf32>,
    %add3A_1037 = arith.addf %add3A_1027, %gather3A_1036 : vector<16xf32>
    %add3A_1038 = arith.constant 11 : i32
    %add3A_1039 = vector.broadcast %add3A_1038 : i32 to vector<16xi32>
    %add3A_1040 = arith.addi %mul3A_923, %add3A_1039 : vector<16xi32>
    %gather3A_1041 = tpu.vector_load_idx %arg14[%add3A_1040] : memref<2176xf32, #tpu.memory_space<vmem>>[vector<16xi32>], vector<16xf32>,
    %add3A_1042 = arith.addf %add3A_1032, %gather3A_1041 : vector<16xf32>
    %add3A_1043 = arith.constant 11 : i32
    %add3A_1044 = vector.broadcast %add3A_1043 : i32 to vector<16xi32>
    %add3A_1045 = arith.addi %mul3A_923, %add3A_1044 : vector<16xi32>
    %gather3A_1046 = tpu.vector_load_idx %arg15[%add3A_1045] : memref<2176xf32, #tpu.memory_space<vmem>>[vector<16xi32>], vector<16xf32>,
    %add3A_1047 = arith.addf %add3A_1037, %gather3A_1046 : vector<16xf32>
    %add3A_1048 = arith.constant 12 : i32
    %add3A_1049 = vector.broadcast %add3A_1048 : i32 to vector<16xi32>
    %add3A_1050 = arith.addi %mul3A_923, %add3A_1049 : vector<16xi32>
    %gather3A_1051 = tpu.vector_load_idx %arg14[%add3A_1050] : memref<2176xf32, #tpu.memory_space<vmem>>[vector<16xi32>], vector<16xf32>,
    %add3A_1052 = arith.addf %add3A_1042, %gather3A_1051 : vector<16xf32>
    %add3A_1053 = arith.constant 12 : i32
    %add3A_1054 = vector.broadcast %add3A_1053 : i32 to vector<16xi32>
    %add3A_1055 = arith.addi %mul3A_923, %add3A_1054 : vector<16xi32>
    %gather3A_1056 = tpu.vector_load_idx %arg15[%add3A_1055] : memref<2176xf32, #tpu.memory_space<vmem>>[vector<16xi32>], vector<16xf32>,
    %add3A_1057 = arith.addf %add3A_1047, %gather3A_1056 : vector<16xf32>
    %add3A_1058 = arith.constant 13 : i32
    %add3A_1059 = vector.broadcast %add3A_1058 : i32 to vector<16xi32>
    %add3A_1060 = arith.addi %mul3A_923, %add3A_1059 : vector<16xi32>
    %gather3A_1061 = tpu.vector_load_idx %arg14[%add3A_1060] : memref<2176xf32, #tpu.memory_space<vmem>>[vector<16xi32>], vector<16xf32>,
    %add3A_1062 = arith.addf %add3A_1052, %gather3A_1061 : vector<16xf32>
    %add3A_1063 = arith.constant 13 : i32
    %add3A_1064 = vector.broadcast %add3A_1063 : i32 to vector<16xi32>
    %add3A_1065 = arith.addi %mul3A_923, %add3A_1064 : vector<16xi32>
    %gather3A_1066 = tpu.vector_load_idx %arg15[%add3A_1065] : memref<2176xf32, #tpu.memory_space<vmem>>[vector<16xi32>], vector<16xf32>,
    %add3A_1067 = arith.addf %add3A_1057, %gather3A_1066 : vector<16xf32>
    %add3A_1068 = arith.constant 14 : i32
    %add3A_1069 = vector.broadcast %add3A_1068 : i32 to vector<16xi32>
    %add3A_1070 = arith.addi %mul3A_923, %add3A_1069 : vector<16xi32>
    %gather3A_1071 = tpu.vector_load_idx %arg14[%add3A_1070] : memref<2176xf32, #tpu.memory_space<vmem>>[vector<16xi32>], vector<16xf32>,
    %add3A_1072 = arith.addf %add3A_1062, %gather3A_1071 : vector<16xf32>
    %add3A_1073 = arith.constant 14 : i32
    %add3A_1074 = vector.broadcast %add3A_1073 : i32 to vector<16xi32>
    %add3A_1075 = arith.addi %mul3A_923, %add3A_1074 : vector<16xi32>
    %gather3A_1076 = tpu.vector_load_idx %arg15[%add3A_1075] : memref<2176xf32, #tpu.memory_space<vmem>>[vector<16xi32>], vector<16xf32>,
    %add3A_1077 = arith.addf %add3A_1067, %gather3A_1076 : vector<16xf32>
    %add3A_1078 = arith.constant 15 : i32
    %add3A_1079 = vector.broadcast %add3A_1078 : i32 to vector<16xi32>
    %add3A_1080 = arith.addi %mul3A_923, %add3A_1079 : vector<16xi32>
    %gather3A_1081 = tpu.vector_load_idx %arg14[%add3A_1080] : memref<2176xf32, #tpu.memory_space<vmem>>[vector<16xi32>], vector<16xf32>,
    %add3A_1082 = arith.addf %add3A_1072, %gather3A_1081 : vector<16xf32>
    %add3A_1083 = arith.constant 15 : i32
    %add3A_1084 = vector.broadcast %add3A_1083 : i32 to vector<16xi32>
    %add3A_1085 = arith.addi %mul3A_923, %add3A_1084 : vector<16xi32>
    %gather3A_1086 = tpu.vector_load_idx %arg15[%add3A_1085] : memref<2176xf32, #tpu.memory_space<vmem>>[vector<16xi32>], vector<16xf32>,
    %add3A_1087 = arith.addf %add3A_1077, %gather3A_1086 : vector<16xf32>
    %max3A_1088 = arith.constant 1.000000e+00 : f32
    %max3A_1089 = vector.broadcast %max3A_1088 : f32 to vector<16xf32>
    %max3A_1090 = arith.maximumf %add3A_1087, %max3A_1089 : vector<16xf32>
    %div3A_1091 = arith.divf %add3A_1082, %max3A_1090 : vector<16xf32>
    %mul3A_1092 = arith.constant 0.333333343 : f32
    %mul3A_1093 = vector.broadcast %mul3A_1092 : f32 to vector<16xf32>
    %mul3A_1094 = arith.mulf %div3A_1091, %mul3A_1093 : vector<16xf32>
    %add3A_1095 = arith.addf %mul3A_1094, %div3A : vector<16xf32>
    %swap3A_1096 = arith.constant 64 : index
    %swap3A_1097 = tpu.vector_load %arg18[%swap3A_1096] {strides = array<i32>} : memref<128xf32, #tpu.memory_space<vmem>>, vector<16xf32>,
    tpu.vector_store %arg18[%swap3A_1096], %add3A_1095 {strides = array<i32>} : memref<128xf32, #tpu.memory_space<vmem>>, vector<16xf32>,
    %add3A_1098 = arith.constant 80 : i32
    %add3A_1099 = vector.broadcast %add3A_1098 : i32 to vector<16xi32>
    %add3A_1100 = arith.addi %add3A_1099, %iota3A : vector<16xi32>
    %mul3A_1101 = arith.constant 17 : i32
    %mul3A_1102 = vector.broadcast %mul3A_1101 : i32 to vector<16xi32>
    %mul3A_1103 = arith.muli %add3A_1100, %mul3A_1102 : vector<16xi32>
    %broadcast_in_dim3A_1104 = arith.constant 0.000000e+00 : f32
    %broadcast_in_dim3A_1105 = vector.broadcast %broadcast_in_dim3A_1104 : f32 to vector<16xf32>
    %broadcast_in_dim3A_1106 = arith.constant 0.000000e+00 : f32
    %broadcast_in_dim3A_1107 = vector.broadcast %broadcast_in_dim3A_1106 : f32 to vector<16xf32>
    %add3A_1108 = arith.constant 0 : i32
    %add3A_1109 = vector.broadcast %add3A_1108 : i32 to vector<16xi32>
    %add3A_1110 = arith.addi %mul3A_1103, %add3A_1109 : vector<16xi32>
    %gather3A_1111 = tpu.vector_load_idx %arg14[%add3A_1110] : memref<2176xf32, #tpu.memory_space<vmem>>[vector<16xi32>], vector<16xf32>,
    %add3A_1112 = arith.addf %broadcast_in_dim3A_1105, %gather3A_1111 : vector<16xf32>
    %add3A_1113 = arith.constant 0 : i32
    %add3A_1114 = vector.broadcast %add3A_1113 : i32 to vector<16xi32>
    %add3A_1115 = arith.addi %mul3A_1103, %add3A_1114 : vector<16xi32>
    %gather3A_1116 = tpu.vector_load_idx %arg15[%add3A_1115] : memref<2176xf32, #tpu.memory_space<vmem>>[vector<16xi32>], vector<16xf32>,
    %add3A_1117 = arith.addf %broadcast_in_dim3A_1107, %gather3A_1116 : vector<16xf32>
    %add3A_1118 = arith.constant 1 : i32
    %add3A_1119 = vector.broadcast %add3A_1118 : i32 to vector<16xi32>
    %add3A_1120 = arith.addi %mul3A_1103, %add3A_1119 : vector<16xi32>
    %gather3A_1121 = tpu.vector_load_idx %arg14[%add3A_1120] : memref<2176xf32, #tpu.memory_space<vmem>>[vector<16xi32>], vector<16xf32>,
    %add3A_1122 = arith.addf %add3A_1112, %gather3A_1121 : vector<16xf32>
    %add3A_1123 = arith.constant 1 : i32
    %add3A_1124 = vector.broadcast %add3A_1123 : i32 to vector<16xi32>
    %add3A_1125 = arith.addi %mul3A_1103, %add3A_1124 : vector<16xi32>
    %gather3A_1126 = tpu.vector_load_idx %arg15[%add3A_1125] : memref<2176xf32, #tpu.memory_space<vmem>>[vector<16xi32>], vector<16xf32>,
    %add3A_1127 = arith.addf %add3A_1117, %gather3A_1126 : vector<16xf32>
    %add3A_1128 = arith.constant 2 : i32
    %add3A_1129 = vector.broadcast %add3A_1128 : i32 to vector<16xi32>
    %add3A_1130 = arith.addi %mul3A_1103, %add3A_1129 : vector<16xi32>
    %gather3A_1131 = tpu.vector_load_idx %arg14[%add3A_1130] : memref<2176xf32, #tpu.memory_space<vmem>>[vector<16xi32>], vector<16xf32>,
    %add3A_1132 = arith.addf %add3A_1122, %gather3A_1131 : vector<16xf32>
    %add3A_1133 = arith.constant 2 : i32
    %add3A_1134 = vector.broadcast %add3A_1133 : i32 to vector<16xi32>
    %add3A_1135 = arith.addi %mul3A_1103, %add3A_1134 : vector<16xi32>
    %gather3A_1136 = tpu.vector_load_idx %arg15[%add3A_1135] : memref<2176xf32, #tpu.memory_space<vmem>>[vector<16xi32>], vector<16xf32>,
    %add3A_1137 = arith.addf %add3A_1127, %gather3A_1136 : vector<16xf32>
    %add3A_1138 = arith.constant 3 : i32
    %add3A_1139 = vector.broadcast %add3A_1138 : i32 to vector<16xi32>
    %add3A_1140 = arith.addi %mul3A_1103, %add3A_1139 : vector<16xi32>
    %gather3A_1141 = tpu.vector_load_idx %arg14[%add3A_1140] : memref<2176xf32, #tpu.memory_space<vmem>>[vector<16xi32>], vector<16xf32>,
    %add3A_1142 = arith.addf %add3A_1132, %gather3A_1141 : vector<16xf32>
    %add3A_1143 = arith.constant 3 : i32
    %add3A_1144 = vector.broadcast %add3A_1143 : i32 to vector<16xi32>
    %add3A_1145 = arith.addi %mul3A_1103, %add3A_1144 : vector<16xi32>
    %gather3A_1146 = tpu.vector_load_idx %arg15[%add3A_1145] : memref<2176xf32, #tpu.memory_space<vmem>>[vector<16xi32>], vector<16xf32>,
    %add3A_1147 = arith.addf %add3A_1137, %gather3A_1146 : vector<16xf32>
    %add3A_1148 = arith.constant 4 : i32
    %add3A_1149 = vector.broadcast %add3A_1148 : i32 to vector<16xi32>
    %add3A_1150 = arith.addi %mul3A_1103, %add3A_1149 : vector<16xi32>
    %gather3A_1151 = tpu.vector_load_idx %arg14[%add3A_1150] : memref<2176xf32, #tpu.memory_space<vmem>>[vector<16xi32>], vector<16xf32>,
    %add3A_1152 = arith.addf %add3A_1142, %gather3A_1151 : vector<16xf32>
    %add3A_1153 = arith.constant 4 : i32
    %add3A_1154 = vector.broadcast %add3A_1153 : i32 to vector<16xi32>
    %add3A_1155 = arith.addi %mul3A_1103, %add3A_1154 : vector<16xi32>
    %gather3A_1156 = tpu.vector_load_idx %arg15[%add3A_1155] : memref<2176xf32, #tpu.memory_space<vmem>>[vector<16xi32>], vector<16xf32>,
    %add3A_1157 = arith.addf %add3A_1147, %gather3A_1156 : vector<16xf32>
    %add3A_1158 = arith.constant 5 : i32
    %add3A_1159 = vector.broadcast %add3A_1158 : i32 to vector<16xi32>
    %add3A_1160 = arith.addi %mul3A_1103, %add3A_1159 : vector<16xi32>
    %gather3A_1161 = tpu.vector_load_idx %arg14[%add3A_1160] : memref<2176xf32, #tpu.memory_space<vmem>>[vector<16xi32>], vector<16xf32>,
    %add3A_1162 = arith.addf %add3A_1152, %gather3A_1161 : vector<16xf32>
    %add3A_1163 = arith.constant 5 : i32
    %add3A_1164 = vector.broadcast %add3A_1163 : i32 to vector<16xi32>
    %add3A_1165 = arith.addi %mul3A_1103, %add3A_1164 : vector<16xi32>
    %gather3A_1166 = tpu.vector_load_idx %arg15[%add3A_1165] : memref<2176xf32, #tpu.memory_space<vmem>>[vector<16xi32>], vector<16xf32>,
    %add3A_1167 = arith.addf %add3A_1157, %gather3A_1166 : vector<16xf32>
    %add3A_1168 = arith.constant 6 : i32
    %add3A_1169 = vector.broadcast %add3A_1168 : i32 to vector<16xi32>
    %add3A_1170 = arith.addi %mul3A_1103, %add3A_1169 : vector<16xi32>
    %gather3A_1171 = tpu.vector_load_idx %arg14[%add3A_1170] : memref<2176xf32, #tpu.memory_space<vmem>>[vector<16xi32>], vector<16xf32>,
    %add3A_1172 = arith.addf %add3A_1162, %gather3A_1171 : vector<16xf32>
    %add3A_1173 = arith.constant 6 : i32
    %add3A_1174 = vector.broadcast %add3A_1173 : i32 to vector<16xi32>
    %add3A_1175 = arith.addi %mul3A_1103, %add3A_1174 : vector<16xi32>
    %gather3A_1176 = tpu.vector_load_idx %arg15[%add3A_1175] : memref<2176xf32, #tpu.memory_space<vmem>>[vector<16xi32>], vector<16xf32>,
    %add3A_1177 = arith.addf %add3A_1167, %gather3A_1176 : vector<16xf32>
    %add3A_1178 = arith.constant 7 : i32
    %add3A_1179 = vector.broadcast %add3A_1178 : i32 to vector<16xi32>
    %add3A_1180 = arith.addi %mul3A_1103, %add3A_1179 : vector<16xi32>
    %gather3A_1181 = tpu.vector_load_idx %arg14[%add3A_1180] : memref<2176xf32, #tpu.memory_space<vmem>>[vector<16xi32>], vector<16xf32>,
    %add3A_1182 = arith.addf %add3A_1172, %gather3A_1181 : vector<16xf32>
    %add3A_1183 = arith.constant 7 : i32
    %add3A_1184 = vector.broadcast %add3A_1183 : i32 to vector<16xi32>
    %add3A_1185 = arith.addi %mul3A_1103, %add3A_1184 : vector<16xi32>
    %gather3A_1186 = tpu.vector_load_idx %arg15[%add3A_1185] : memref<2176xf32, #tpu.memory_space<vmem>>[vector<16xi32>], vector<16xf32>,
    %add3A_1187 = arith.addf %add3A_1177, %gather3A_1186 : vector<16xf32>
    %add3A_1188 = arith.constant 8 : i32
    %add3A_1189 = vector.broadcast %add3A_1188 : i32 to vector<16xi32>
    %add3A_1190 = arith.addi %mul3A_1103, %add3A_1189 : vector<16xi32>
    %gather3A_1191 = tpu.vector_load_idx %arg14[%add3A_1190] : memref<2176xf32, #tpu.memory_space<vmem>>[vector<16xi32>], vector<16xf32>,
    %add3A_1192 = arith.addf %add3A_1182, %gather3A_1191 : vector<16xf32>
    %add3A_1193 = arith.constant 8 : i32
    %add3A_1194 = vector.broadcast %add3A_1193 : i32 to vector<16xi32>
    %add3A_1195 = arith.addi %mul3A_1103, %add3A_1194 : vector<16xi32>
    %gather3A_1196 = tpu.vector_load_idx %arg15[%add3A_1195] : memref<2176xf32, #tpu.memory_space<vmem>>[vector<16xi32>], vector<16xf32>,
    %add3A_1197 = arith.addf %add3A_1187, %gather3A_1196 : vector<16xf32>
    %add3A_1198 = arith.constant 9 : i32
    %add3A_1199 = vector.broadcast %add3A_1198 : i32 to vector<16xi32>
    %add3A_1200 = arith.addi %mul3A_1103, %add3A_1199 : vector<16xi32>
    %gather3A_1201 = tpu.vector_load_idx %arg14[%add3A_1200] : memref<2176xf32, #tpu.memory_space<vmem>>[vector<16xi32>], vector<16xf32>,
    %add3A_1202 = arith.addf %add3A_1192, %gather3A_1201 : vector<16xf32>
    %add3A_1203 = arith.constant 9 : i32
    %add3A_1204 = vector.broadcast %add3A_1203 : i32 to vector<16xi32>
    %add3A_1205 = arith.addi %mul3A_1103, %add3A_1204 : vector<16xi32>
    %gather3A_1206 = tpu.vector_load_idx %arg15[%add3A_1205] : memref<2176xf32, #tpu.memory_space<vmem>>[vector<16xi32>], vector<16xf32>,
    %add3A_1207 = arith.addf %add3A_1197, %gather3A_1206 : vector<16xf32>
    %add3A_1208 = arith.constant 10 : i32
    %add3A_1209 = vector.broadcast %add3A_1208 : i32 to vector<16xi32>
    %add3A_1210 = arith.addi %mul3A_1103, %add3A_1209 : vector<16xi32>
    %gather3A_1211 = tpu.vector_load_idx %arg14[%add3A_1210] : memref<2176xf32, #tpu.memory_space<vmem>>[vector<16xi32>], vector<16xf32>,
    %add3A_1212 = arith.addf %add3A_1202, %gather3A_1211 : vector<16xf32>
    %add3A_1213 = arith.constant 10 : i32
    %add3A_1214 = vector.broadcast %add3A_1213 : i32 to vector<16xi32>
    %add3A_1215 = arith.addi %mul3A_1103, %add3A_1214 : vector<16xi32>
    %gather3A_1216 = tpu.vector_load_idx %arg15[%add3A_1215] : memref<2176xf32, #tpu.memory_space<vmem>>[vector<16xi32>], vector<16xf32>,
    %add3A_1217 = arith.addf %add3A_1207, %gather3A_1216 : vector<16xf32>
    %add3A_1218 = arith.constant 11 : i32
    %add3A_1219 = vector.broadcast %add3A_1218 : i32 to vector<16xi32>
    %add3A_1220 = arith.addi %mul3A_1103, %add3A_1219 : vector<16xi32>
    %gather3A_1221 = tpu.vector_load_idx %arg14[%add3A_1220] : memref<2176xf32, #tpu.memory_space<vmem>>[vector<16xi32>], vector<16xf32>,
    %add3A_1222 = arith.addf %add3A_1212, %gather3A_1221 : vector<16xf32>
    %add3A_1223 = arith.constant 11 : i32
    %add3A_1224 = vector.broadcast %add3A_1223 : i32 to vector<16xi32>
    %add3A_1225 = arith.addi %mul3A_1103, %add3A_1224 : vector<16xi32>
    %gather3A_1226 = tpu.vector_load_idx %arg15[%add3A_1225] : memref<2176xf32, #tpu.memory_space<vmem>>[vector<16xi32>], vector<16xf32>,
    %add3A_1227 = arith.addf %add3A_1217, %gather3A_1226 : vector<16xf32>
    %add3A_1228 = arith.constant 12 : i32
    %add3A_1229 = vector.broadcast %add3A_1228 : i32 to vector<16xi32>
    %add3A_1230 = arith.addi %mul3A_1103, %add3A_1229 : vector<16xi32>
    %gather3A_1231 = tpu.vector_load_idx %arg14[%add3A_1230] : memref<2176xf32, #tpu.memory_space<vmem>>[vector<16xi32>], vector<16xf32>,
    %add3A_1232 = arith.addf %add3A_1222, %gather3A_1231 : vector<16xf32>
    %add3A_1233 = arith.constant 12 : i32
    %add3A_1234 = vector.broadcast %add3A_1233 : i32 to vector<16xi32>
    %add3A_1235 = arith.addi %mul3A_1103, %add3A_1234 : vector<16xi32>
    %gather3A_1236 = tpu.vector_load_idx %arg15[%add3A_1235] : memref<2176xf32, #tpu.memory_space<vmem>>[vector<16xi32>], vector<16xf32>,
    %add3A_1237 = arith.addf %add3A_1227, %gather3A_1236 : vector<16xf32>
    %add3A_1238 = arith.constant 13 : i32
    %add3A_1239 = vector.broadcast %add3A_1238 : i32 to vector<16xi32>
    %add3A_1240 = arith.addi %mul3A_1103, %add3A_1239 : vector<16xi32>
    %gather3A_1241 = tpu.vector_load_idx %arg14[%add3A_1240] : memref<2176xf32, #tpu.memory_space<vmem>>[vector<16xi32>], vector<16xf32>,
    %add3A_1242 = arith.addf %add3A_1232, %gather3A_1241 : vector<16xf32>
    %add3A_1243 = arith.constant 13 : i32
    %add3A_1244 = vector.broadcast %add3A_1243 : i32 to vector<16xi32>
    %add3A_1245 = arith.addi %mul3A_1103, %add3A_1244 : vector<16xi32>
    %gather3A_1246 = tpu.vector_load_idx %arg15[%add3A_1245] : memref<2176xf32, #tpu.memory_space<vmem>>[vector<16xi32>], vector<16xf32>,
    %add3A_1247 = arith.addf %add3A_1237, %gather3A_1246 : vector<16xf32>
    %add3A_1248 = arith.constant 14 : i32
    %add3A_1249 = vector.broadcast %add3A_1248 : i32 to vector<16xi32>
    %add3A_1250 = arith.addi %mul3A_1103, %add3A_1249 : vector<16xi32>
    %gather3A_1251 = tpu.vector_load_idx %arg14[%add3A_1250] : memref<2176xf32, #tpu.memory_space<vmem>>[vector<16xi32>], vector<16xf32>,
    %add3A_1252 = arith.addf %add3A_1242, %gather3A_1251 : vector<16xf32>
    %add3A_1253 = arith.constant 14 : i32
    %add3A_1254 = vector.broadcast %add3A_1253 : i32 to vector<16xi32>
    %add3A_1255 = arith.addi %mul3A_1103, %add3A_1254 : vector<16xi32>
    %gather3A_1256 = tpu.vector_load_idx %arg15[%add3A_1255] : memref<2176xf32, #tpu.memory_space<vmem>>[vector<16xi32>], vector<16xf32>,
    %add3A_1257 = arith.addf %add3A_1247, %gather3A_1256 : vector<16xf32>
    %add3A_1258 = arith.constant 15 : i32
    %add3A_1259 = vector.broadcast %add3A_1258 : i32 to vector<16xi32>
    %add3A_1260 = arith.addi %mul3A_1103, %add3A_1259 : vector<16xi32>
    %gather3A_1261 = tpu.vector_load_idx %arg14[%add3A_1260] : memref<2176xf32, #tpu.memory_space<vmem>>[vector<16xi32>], vector<16xf32>,
    %add3A_1262 = arith.addf %add3A_1252, %gather3A_1261 : vector<16xf32>
    %add3A_1263 = arith.constant 15 : i32
    %add3A_1264 = vector.broadcast %add3A_1263 : i32 to vector<16xi32>
    %add3A_1265 = arith.addi %mul3A_1103, %add3A_1264 : vector<16xi32>
    %gather3A_1266 = tpu.vector_load_idx %arg15[%add3A_1265] : memref<2176xf32, #tpu.memory_space<vmem>>[vector<16xi32>], vector<16xf32>,
    %add3A_1267 = arith.addf %add3A_1257, %gather3A_1266 : vector<16xf32>
    %max3A_1268 = arith.constant 1.000000e+00 : f32
    %max3A_1269 = vector.broadcast %max3A_1268 : f32 to vector<16xf32>
    %max3A_1270 = arith.maximumf %add3A_1267, %max3A_1269 : vector<16xf32>
    %div3A_1271 = arith.divf %add3A_1262, %max3A_1270 : vector<16xf32>
    %mul3A_1272 = arith.constant 0.333333343 : f32
    %mul3A_1273 = vector.broadcast %mul3A_1272 : f32 to vector<16xf32>
    %mul3A_1274 = arith.mulf %div3A_1271, %mul3A_1273 : vector<16xf32>
    %add3A_1275 = arith.addf %mul3A_1274, %div3A : vector<16xf32>
    %swap3A_1276 = arith.constant 80 : index
    %swap3A_1277 = tpu.vector_load %arg18[%swap3A_1276] {strides = array<i32>} : memref<128xf32, #tpu.memory_space<vmem>>, vector<16xf32>,
    tpu.vector_store %arg18[%swap3A_1276], %add3A_1275 {strides = array<i32>} : memref<128xf32, #tpu.memory_space<vmem>>, vector<16xf32>,
    %add3A_1278 = arith.constant 96 : i32
    %add3A_1279 = vector.broadcast %add3A_1278 : i32 to vector<16xi32>
    %add3A_1280 = arith.addi %add3A_1279, %iota3A : vector<16xi32>
    %mul3A_1281 = arith.constant 17 : i32
    %mul3A_1282 = vector.broadcast %mul3A_1281 : i32 to vector<16xi32>
    %mul3A_1283 = arith.muli %add3A_1280, %mul3A_1282 : vector<16xi32>
    %broadcast_in_dim3A_1284 = arith.constant 0.000000e+00 : f32
    %broadcast_in_dim3A_1285 = vector.broadcast %broadcast_in_dim3A_1284 : f32 to vector<16xf32>
    %broadcast_in_dim3A_1286 = arith.constant 0.000000e+00 : f32
    %broadcast_in_dim3A_1287 = vector.broadcast %broadcast_in_dim3A_1286 : f32 to vector<16xf32>
    %add3A_1288 = arith.constant 0 : i32
    %add3A_1289 = vector.broadcast %add3A_1288 : i32 to vector<16xi32>
    %add3A_1290 = arith.addi %mul3A_1283, %add3A_1289 : vector<16xi32>
    %gather3A_1291 = tpu.vector_load_idx %arg14[%add3A_1290] : memref<2176xf32, #tpu.memory_space<vmem>>[vector<16xi32>], vector<16xf32>,
    %add3A_1292 = arith.addf %broadcast_in_dim3A_1285, %gather3A_1291 : vector<16xf32>
    %add3A_1293 = arith.constant 0 : i32
    %add3A_1294 = vector.broadcast %add3A_1293 : i32 to vector<16xi32>
    %add3A_1295 = arith.addi %mul3A_1283, %add3A_1294 : vector<16xi32>
    %gather3A_1296 = tpu.vector_load_idx %arg15[%add3A_1295] : memref<2176xf32, #tpu.memory_space<vmem>>[vector<16xi32>], vector<16xf32>,
    %add3A_1297 = arith.addf %broadcast_in_dim3A_1287, %gather3A_1296 : vector<16xf32>
    %add3A_1298 = arith.constant 1 : i32
    %add3A_1299 = vector.broadcast %add3A_1298 : i32 to vector<16xi32>
    %add3A_1300 = arith.addi %mul3A_1283, %add3A_1299 : vector<16xi32>
    %gather3A_1301 = tpu.vector_load_idx %arg14[%add3A_1300] : memref<2176xf32, #tpu.memory_space<vmem>>[vector<16xi32>], vector<16xf32>,
    %add3A_1302 = arith.addf %add3A_1292, %gather3A_1301 : vector<16xf32>
    %add3A_1303 = arith.constant 1 : i32
    %add3A_1304 = vector.broadcast %add3A_1303 : i32 to vector<16xi32>
    %add3A_1305 = arith.addi %mul3A_1283, %add3A_1304 : vector<16xi32>
    %gather3A_1306 = tpu.vector_load_idx %arg15[%add3A_1305] : memref<2176xf32, #tpu.memory_space<vmem>>[vector<16xi32>], vector<16xf32>,
    %add3A_1307 = arith.addf %add3A_1297, %gather3A_1306 : vector<16xf32>
    %add3A_1308 = arith.constant 2 : i32
    %add3A_1309 = vector.broadcast %add3A_1308 : i32 to vector<16xi32>
    %add3A_1310 = arith.addi %mul3A_1283, %add3A_1309 : vector<16xi32>
    %gather3A_1311 = tpu.vector_load_idx %arg14[%add3A_1310] : memref<2176xf32, #tpu.memory_space<vmem>>[vector<16xi32>], vector<16xf32>,
    %add3A_1312 = arith.addf %add3A_1302, %gather3A_1311 : vector<16xf32>
    %add3A_1313 = arith.constant 2 : i32
    %add3A_1314 = vector.broadcast %add3A_1313 : i32 to vector<16xi32>
    %add3A_1315 = arith.addi %mul3A_1283, %add3A_1314 : vector<16xi32>
    %gather3A_1316 = tpu.vector_load_idx %arg15[%add3A_1315] : memref<2176xf32, #tpu.memory_space<vmem>>[vector<16xi32>], vector<16xf32>,
    %add3A_1317 = arith.addf %add3A_1307, %gather3A_1316 : vector<16xf32>
    %add3A_1318 = arith.constant 3 : i32
    %add3A_1319 = vector.broadcast %add3A_1318 : i32 to vector<16xi32>
    %add3A_1320 = arith.addi %mul3A_1283, %add3A_1319 : vector<16xi32>
    %gather3A_1321 = tpu.vector_load_idx %arg14[%add3A_1320] : memref<2176xf32, #tpu.memory_space<vmem>>[vector<16xi32>], vector<16xf32>,
    %add3A_1322 = arith.addf %add3A_1312, %gather3A_1321 : vector<16xf32>
    %add3A_1323 = arith.constant 3 : i32
    %add3A_1324 = vector.broadcast %add3A_1323 : i32 to vector<16xi32>
    %add3A_1325 = arith.addi %mul3A_1283, %add3A_1324 : vector<16xi32>
    %gather3A_1326 = tpu.vector_load_idx %arg15[%add3A_1325] : memref<2176xf32, #tpu.memory_space<vmem>>[vector<16xi32>], vector<16xf32>,
    %add3A_1327 = arith.addf %add3A_1317, %gather3A_1326 : vector<16xf32>
    %add3A_1328 = arith.constant 4 : i32
    %add3A_1329 = vector.broadcast %add3A_1328 : i32 to vector<16xi32>
    %add3A_1330 = arith.addi %mul3A_1283, %add3A_1329 : vector<16xi32>
    %gather3A_1331 = tpu.vector_load_idx %arg14[%add3A_1330] : memref<2176xf32, #tpu.memory_space<vmem>>[vector<16xi32>], vector<16xf32>,
    %add3A_1332 = arith.addf %add3A_1322, %gather3A_1331 : vector<16xf32>
    %add3A_1333 = arith.constant 4 : i32
    %add3A_1334 = vector.broadcast %add3A_1333 : i32 to vector<16xi32>
    %add3A_1335 = arith.addi %mul3A_1283, %add3A_1334 : vector<16xi32>
    %gather3A_1336 = tpu.vector_load_idx %arg15[%add3A_1335] : memref<2176xf32, #tpu.memory_space<vmem>>[vector<16xi32>], vector<16xf32>,
    %add3A_1337 = arith.addf %add3A_1327, %gather3A_1336 : vector<16xf32>
    %add3A_1338 = arith.constant 5 : i32
    %add3A_1339 = vector.broadcast %add3A_1338 : i32 to vector<16xi32>
    %add3A_1340 = arith.addi %mul3A_1283, %add3A_1339 : vector<16xi32>
    %gather3A_1341 = tpu.vector_load_idx %arg14[%add3A_1340] : memref<2176xf32, #tpu.memory_space<vmem>>[vector<16xi32>], vector<16xf32>,
    %add3A_1342 = arith.addf %add3A_1332, %gather3A_1341 : vector<16xf32>
    %add3A_1343 = arith.constant 5 : i32
    %add3A_1344 = vector.broadcast %add3A_1343 : i32 to vector<16xi32>
    %add3A_1345 = arith.addi %mul3A_1283, %add3A_1344 : vector<16xi32>
    %gather3A_1346 = tpu.vector_load_idx %arg15[%add3A_1345] : memref<2176xf32, #tpu.memory_space<vmem>>[vector<16xi32>], vector<16xf32>,
    %add3A_1347 = arith.addf %add3A_1337, %gather3A_1346 : vector<16xf32>
    %add3A_1348 = arith.constant 6 : i32
    %add3A_1349 = vector.broadcast %add3A_1348 : i32 to vector<16xi32>
    %add3A_1350 = arith.addi %mul3A_1283, %add3A_1349 : vector<16xi32>
    %gather3A_1351 = tpu.vector_load_idx %arg14[%add3A_1350] : memref<2176xf32, #tpu.memory_space<vmem>>[vector<16xi32>], vector<16xf32>,
    %add3A_1352 = arith.addf %add3A_1342, %gather3A_1351 : vector<16xf32>
    %add3A_1353 = arith.constant 6 : i32
    %add3A_1354 = vector.broadcast %add3A_1353 : i32 to vector<16xi32>
    %add3A_1355 = arith.addi %mul3A_1283, %add3A_1354 : vector<16xi32>
    %gather3A_1356 = tpu.vector_load_idx %arg15[%add3A_1355] : memref<2176xf32, #tpu.memory_space<vmem>>[vector<16xi32>], vector<16xf32>,
    %add3A_1357 = arith.addf %add3A_1347, %gather3A_1356 : vector<16xf32>
    %add3A_1358 = arith.constant 7 : i32
    %add3A_1359 = vector.broadcast %add3A_1358 : i32 to vector<16xi32>
    %add3A_1360 = arith.addi %mul3A_1283, %add3A_1359 : vector<16xi32>
    %gather3A_1361 = tpu.vector_load_idx %arg14[%add3A_1360] : memref<2176xf32, #tpu.memory_space<vmem>>[vector<16xi32>], vector<16xf32>,
    %add3A_1362 = arith.addf %add3A_1352, %gather3A_1361 : vector<16xf32>
    %add3A_1363 = arith.constant 7 : i32
    %add3A_1364 = vector.broadcast %add3A_1363 : i32 to vector<16xi32>
    %add3A_1365 = arith.addi %mul3A_1283, %add3A_1364 : vector<16xi32>
    %gather3A_1366 = tpu.vector_load_idx %arg15[%add3A_1365] : memref<2176xf32, #tpu.memory_space<vmem>>[vector<16xi32>], vector<16xf32>,
    %add3A_1367 = arith.addf %add3A_1357, %gather3A_1366 : vector<16xf32>
    %add3A_1368 = arith.constant 8 : i32
    %add3A_1369 = vector.broadcast %add3A_1368 : i32 to vector<16xi32>
    %add3A_1370 = arith.addi %mul3A_1283, %add3A_1369 : vector<16xi32>
    %gather3A_1371 = tpu.vector_load_idx %arg14[%add3A_1370] : memref<2176xf32, #tpu.memory_space<vmem>>[vector<16xi32>], vector<16xf32>,
    %add3A_1372 = arith.addf %add3A_1362, %gather3A_1371 : vector<16xf32>
    %add3A_1373 = arith.constant 8 : i32
    %add3A_1374 = vector.broadcast %add3A_1373 : i32 to vector<16xi32>
    %add3A_1375 = arith.addi %mul3A_1283, %add3A_1374 : vector<16xi32>
    %gather3A_1376 = tpu.vector_load_idx %arg15[%add3A_1375] : memref<2176xf32, #tpu.memory_space<vmem>>[vector<16xi32>], vector<16xf32>,
    %add3A_1377 = arith.addf %add3A_1367, %gather3A_1376 : vector<16xf32>
    %add3A_1378 = arith.constant 9 : i32
    %add3A_1379 = vector.broadcast %add3A_1378 : i32 to vector<16xi32>
    %add3A_1380 = arith.addi %mul3A_1283, %add3A_1379 : vector<16xi32>
    %gather3A_1381 = tpu.vector_load_idx %arg14[%add3A_1380] : memref<2176xf32, #tpu.memory_space<vmem>>[vector<16xi32>], vector<16xf32>,
    %add3A_1382 = arith.addf %add3A_1372, %gather3A_1381 : vector<16xf32>
    %add3A_1383 = arith.constant 9 : i32
    %add3A_1384 = vector.broadcast %add3A_1383 : i32 to vector<16xi32>
    %add3A_1385 = arith.addi %mul3A_1283, %add3A_1384 : vector<16xi32>
    %gather3A_1386 = tpu.vector_load_idx %arg15[%add3A_1385] : memref<2176xf32, #tpu.memory_space<vmem>>[vector<16xi32>], vector<16xf32>,
    %add3A_1387 = arith.addf %add3A_1377, %gather3A_1386 : vector<16xf32>
    %add3A_1388 = arith.constant 10 : i32
    %add3A_1389 = vector.broadcast %add3A_1388 : i32 to vector<16xi32>
    %add3A_1390 = arith.addi %mul3A_1283, %add3A_1389 : vector<16xi32>
    %gather3A_1391 = tpu.vector_load_idx %arg14[%add3A_1390] : memref<2176xf32, #tpu.memory_space<vmem>>[vector<16xi32>], vector<16xf32>,
    %add3A_1392 = arith.addf %add3A_1382, %gather3A_1391 : vector<16xf32>
    %add3A_1393 = arith.constant 10 : i32
    %add3A_1394 = vector.broadcast %add3A_1393 : i32 to vector<16xi32>
    %add3A_1395 = arith.addi %mul3A_1283, %add3A_1394 : vector<16xi32>
    %gather3A_1396 = tpu.vector_load_idx %arg15[%add3A_1395] : memref<2176xf32, #tpu.memory_space<vmem>>[vector<16xi32>], vector<16xf32>,
    %add3A_1397 = arith.addf %add3A_1387, %gather3A_1396 : vector<16xf32>
    %add3A_1398 = arith.constant 11 : i32
    %add3A_1399 = vector.broadcast %add3A_1398 : i32 to vector<16xi32>
    %add3A_1400 = arith.addi %mul3A_1283, %add3A_1399 : vector<16xi32>
    %gather3A_1401 = tpu.vector_load_idx %arg14[%add3A_1400] : memref<2176xf32, #tpu.memory_space<vmem>>[vector<16xi32>], vector<16xf32>,
    %add3A_1402 = arith.addf %add3A_1392, %gather3A_1401 : vector<16xf32>
    %add3A_1403 = arith.constant 11 : i32
    %add3A_1404 = vector.broadcast %add3A_1403 : i32 to vector<16xi32>
    %add3A_1405 = arith.addi %mul3A_1283, %add3A_1404 : vector<16xi32>
    %gather3A_1406 = tpu.vector_load_idx %arg15[%add3A_1405] : memref<2176xf32, #tpu.memory_space<vmem>>[vector<16xi32>], vector<16xf32>,
    %add3A_1407 = arith.addf %add3A_1397, %gather3A_1406 : vector<16xf32>
    %add3A_1408 = arith.constant 12 : i32
    %add3A_1409 = vector.broadcast %add3A_1408 : i32 to vector<16xi32>
    %add3A_1410 = arith.addi %mul3A_1283, %add3A_1409 : vector<16xi32>
    %gather3A_1411 = tpu.vector_load_idx %arg14[%add3A_1410] : memref<2176xf32, #tpu.memory_space<vmem>>[vector<16xi32>], vector<16xf32>,
    %add3A_1412 = arith.addf %add3A_1402, %gather3A_1411 : vector<16xf32>
    %add3A_1413 = arith.constant 12 : i32
    %add3A_1414 = vector.broadcast %add3A_1413 : i32 to vector<16xi32>
    %add3A_1415 = arith.addi %mul3A_1283, %add3A_1414 : vector<16xi32>
    %gather3A_1416 = tpu.vector_load_idx %arg15[%add3A_1415] : memref<2176xf32, #tpu.memory_space<vmem>>[vector<16xi32>], vector<16xf32>,
    %add3A_1417 = arith.addf %add3A_1407, %gather3A_1416 : vector<16xf32>
    %add3A_1418 = arith.constant 13 : i32
    %add3A_1419 = vector.broadcast %add3A_1418 : i32 to vector<16xi32>
    %add3A_1420 = arith.addi %mul3A_1283, %add3A_1419 : vector<16xi32>
    %gather3A_1421 = tpu.vector_load_idx %arg14[%add3A_1420] : memref<2176xf32, #tpu.memory_space<vmem>>[vector<16xi32>], vector<16xf32>,
    %add3A_1422 = arith.addf %add3A_1412, %gather3A_1421 : vector<16xf32>
    %add3A_1423 = arith.constant 13 : i32
    %add3A_1424 = vector.broadcast %add3A_1423 : i32 to vector<16xi32>
    %add3A_1425 = arith.addi %mul3A_1283, %add3A_1424 : vector<16xi32>
    %gather3A_1426 = tpu.vector_load_idx %arg15[%add3A_1425] : memref<2176xf32, #tpu.memory_space<vmem>>[vector<16xi32>], vector<16xf32>,
    %add3A_1427 = arith.addf %add3A_1417, %gather3A_1426 : vector<16xf32>
    %add3A_1428 = arith.constant 14 : i32
    %add3A_1429 = vector.broadcast %add3A_1428 : i32 to vector<16xi32>
    %add3A_1430 = arith.addi %mul3A_1283, %add3A_1429 : vector<16xi32>
    %gather3A_1431 = tpu.vector_load_idx %arg14[%add3A_1430] : memref<2176xf32, #tpu.memory_space<vmem>>[vector<16xi32>], vector<16xf32>,
    %add3A_1432 = arith.addf %add3A_1422, %gather3A_1431 : vector<16xf32>
    %add3A_1433 = arith.constant 14 : i32
    %add3A_1434 = vector.broadcast %add3A_1433 : i32 to vector<16xi32>
    %add3A_1435 = arith.addi %mul3A_1283, %add3A_1434 : vector<16xi32>
    %gather3A_1436 = tpu.vector_load_idx %arg15[%add3A_1435] : memref<2176xf32, #tpu.memory_space<vmem>>[vector<16xi32>], vector<16xf32>,
    %add3A_1437 = arith.addf %add3A_1427, %gather3A_1436 : vector<16xf32>
    %add3A_1438 = arith.constant 15 : i32
    %add3A_1439 = vector.broadcast %add3A_1438 : i32 to vector<16xi32>
    %add3A_1440 = arith.addi %mul3A_1283, %add3A_1439 : vector<16xi32>
    %gather3A_1441 = tpu.vector_load_idx %arg14[%add3A_1440] : memref<2176xf32, #tpu.memory_space<vmem>>[vector<16xi32>], vector<16xf32>,
    %add3A_1442 = arith.addf %add3A_1432, %gather3A_1441 : vector<16xf32>
    %add3A_1443 = arith.constant 15 : i32
    %add3A_1444 = vector.broadcast %add3A_1443 : i32 to vector<16xi32>
    %add3A_1445 = arith.addi %mul3A_1283, %add3A_1444 : vector<16xi32>
    %gather3A_1446 = tpu.vector_load_idx %arg15[%add3A_1445] : memref<2176xf32, #tpu.memory_space<vmem>>[vector<16xi32>], vector<16xf32>,
    %add3A_1447 = arith.addf %add3A_1437, %gather3A_1446 : vector<16xf32>
    %max3A_1448 = arith.constant 1.000000e+00 : f32
    %max3A_1449 = vector.broadcast %max3A_1448 : f32 to vector<16xf32>
    %max3A_1450 = arith.maximumf %add3A_1447, %max3A_1449 : vector<16xf32>
    %div3A_1451 = arith.divf %add3A_1442, %max3A_1450 : vector<16xf32>
    %mul3A_1452 = arith.constant 0.333333343 : f32
    %mul3A_1453 = vector.broadcast %mul3A_1452 : f32 to vector<16xf32>
    %mul3A_1454 = arith.mulf %div3A_1451, %mul3A_1453 : vector<16xf32>
    %add3A_1455 = arith.addf %mul3A_1454, %div3A : vector<16xf32>
    %swap3A_1456 = arith.constant 96 : index
    %swap3A_1457 = tpu.vector_load %arg18[%swap3A_1456] {strides = array<i32>} : memref<128xf32, #tpu.memory_space<vmem>>, vector<16xf32>,
    tpu.vector_store %arg18[%swap3A_1456], %add3A_1455 {strides = array<i32>} : memref<128xf32, #tpu.memory_space<vmem>>, vector<16xf32>,
    %add3A_1458 = arith.constant 112 : i32
    %add3A_1459 = vector.broadcast %add3A_1458 : i32 to vector<16xi32>
    %add3A_1460 = arith.addi %add3A_1459, %iota3A : vector<16xi32>
    %mul3A_1461 = arith.constant 17 : i32
    %mul3A_1462 = vector.broadcast %mul3A_1461 : i32 to vector<16xi32>
    %mul3A_1463 = arith.muli %add3A_1460, %mul3A_1462 : vector<16xi32>
    %broadcast_in_dim3A_1464 = arith.constant 0.000000e+00 : f32
    %broadcast_in_dim3A_1465 = vector.broadcast %broadcast_in_dim3A_1464 : f32 to vector<16xf32>
    %broadcast_in_dim3A_1466 = arith.constant 0.000000e+00 : f32
    %broadcast_in_dim3A_1467 = vector.broadcast %broadcast_in_dim3A_1466 : f32 to vector<16xf32>
    %add3A_1468 = arith.constant 0 : i32
    %add3A_1469 = vector.broadcast %add3A_1468 : i32 to vector<16xi32>
    %add3A_1470 = arith.addi %mul3A_1463, %add3A_1469 : vector<16xi32>
    %gather3A_1471 = tpu.vector_load_idx %arg14[%add3A_1470] : memref<2176xf32, #tpu.memory_space<vmem>>[vector<16xi32>], vector<16xf32>,
    %add3A_1472 = arith.addf %broadcast_in_dim3A_1465, %gather3A_1471 : vector<16xf32>
    %add3A_1473 = arith.constant 0 : i32
    %add3A_1474 = vector.broadcast %add3A_1473 : i32 to vector<16xi32>
    %add3A_1475 = arith.addi %mul3A_1463, %add3A_1474 : vector<16xi32>
    %gather3A_1476 = tpu.vector_load_idx %arg15[%add3A_1475] : memref<2176xf32, #tpu.memory_space<vmem>>[vector<16xi32>], vector<16xf32>,
    %add3A_1477 = arith.addf %broadcast_in_dim3A_1467, %gather3A_1476 : vector<16xf32>
    %add3A_1478 = arith.constant 1 : i32
    %add3A_1479 = vector.broadcast %add3A_1478 : i32 to vector<16xi32>
    %add3A_1480 = arith.addi %mul3A_1463, %add3A_1479 : vector<16xi32>
    %gather3A_1481 = tpu.vector_load_idx %arg14[%add3A_1480] : memref<2176xf32, #tpu.memory_space<vmem>>[vector<16xi32>], vector<16xf32>,
    %add3A_1482 = arith.addf %add3A_1472, %gather3A_1481 : vector<16xf32>
    %add3A_1483 = arith.constant 1 : i32
    %add3A_1484 = vector.broadcast %add3A_1483 : i32 to vector<16xi32>
    %add3A_1485 = arith.addi %mul3A_1463, %add3A_1484 : vector<16xi32>
    %gather3A_1486 = tpu.vector_load_idx %arg15[%add3A_1485] : memref<2176xf32, #tpu.memory_space<vmem>>[vector<16xi32>], vector<16xf32>,
    %add3A_1487 = arith.addf %add3A_1477, %gather3A_1486 : vector<16xf32>
    %add3A_1488 = arith.constant 2 : i32
    %add3A_1489 = vector.broadcast %add3A_1488 : i32 to vector<16xi32>
    %add3A_1490 = arith.addi %mul3A_1463, %add3A_1489 : vector<16xi32>
    %gather3A_1491 = tpu.vector_load_idx %arg14[%add3A_1490] : memref<2176xf32, #tpu.memory_space<vmem>>[vector<16xi32>], vector<16xf32>,
    %add3A_1492 = arith.addf %add3A_1482, %gather3A_1491 : vector<16xf32>
    %add3A_1493 = arith.constant 2 : i32
    %add3A_1494 = vector.broadcast %add3A_1493 : i32 to vector<16xi32>
    %add3A_1495 = arith.addi %mul3A_1463, %add3A_1494 : vector<16xi32>
    %gather3A_1496 = tpu.vector_load_idx %arg15[%add3A_1495] : memref<2176xf32, #tpu.memory_space<vmem>>[vector<16xi32>], vector<16xf32>,
    %add3A_1497 = arith.addf %add3A_1487, %gather3A_1496 : vector<16xf32>
    %add3A_1498 = arith.constant 3 : i32
    %add3A_1499 = vector.broadcast %add3A_1498 : i32 to vector<16xi32>
    %add3A_1500 = arith.addi %mul3A_1463, %add3A_1499 : vector<16xi32>
    %gather3A_1501 = tpu.vector_load_idx %arg14[%add3A_1500] : memref<2176xf32, #tpu.memory_space<vmem>>[vector<16xi32>], vector<16xf32>,
    %add3A_1502 = arith.addf %add3A_1492, %gather3A_1501 : vector<16xf32>
    %add3A_1503 = arith.constant 3 : i32
    %add3A_1504 = vector.broadcast %add3A_1503 : i32 to vector<16xi32>
    %add3A_1505 = arith.addi %mul3A_1463, %add3A_1504 : vector<16xi32>
    %gather3A_1506 = tpu.vector_load_idx %arg15[%add3A_1505] : memref<2176xf32, #tpu.memory_space<vmem>>[vector<16xi32>], vector<16xf32>,
    %add3A_1507 = arith.addf %add3A_1497, %gather3A_1506 : vector<16xf32>
    %add3A_1508 = arith.constant 4 : i32
    %add3A_1509 = vector.broadcast %add3A_1508 : i32 to vector<16xi32>
    %add3A_1510 = arith.addi %mul3A_1463, %add3A_1509 : vector<16xi32>
    %gather3A_1511 = tpu.vector_load_idx %arg14[%add3A_1510] : memref<2176xf32, #tpu.memory_space<vmem>>[vector<16xi32>], vector<16xf32>,
    %add3A_1512 = arith.addf %add3A_1502, %gather3A_1511 : vector<16xf32>
    %add3A_1513 = arith.constant 4 : i32
    %add3A_1514 = vector.broadcast %add3A_1513 : i32 to vector<16xi32>
    %add3A_1515 = arith.addi %mul3A_1463, %add3A_1514 : vector<16xi32>
    %gather3A_1516 = tpu.vector_load_idx %arg15[%add3A_1515] : memref<2176xf32, #tpu.memory_space<vmem>>[vector<16xi32>], vector<16xf32>,
    %add3A_1517 = arith.addf %add3A_1507, %gather3A_1516 : vector<16xf32>
    %add3A_1518 = arith.constant 5 : i32
    %add3A_1519 = vector.broadcast %add3A_1518 : i32 to vector<16xi32>
    %add3A_1520 = arith.addi %mul3A_1463, %add3A_1519 : vector<16xi32>
    %gather3A_1521 = tpu.vector_load_idx %arg14[%add3A_1520] : memref<2176xf32, #tpu.memory_space<vmem>>[vector<16xi32>], vector<16xf32>,
    %add3A_1522 = arith.addf %add3A_1512, %gather3A_1521 : vector<16xf32>
    %add3A_1523 = arith.constant 5 : i32
    %add3A_1524 = vector.broadcast %add3A_1523 : i32 to vector<16xi32>
    %add3A_1525 = arith.addi %mul3A_1463, %add3A_1524 : vector<16xi32>
    %gather3A_1526 = tpu.vector_load_idx %arg15[%add3A_1525] : memref<2176xf32, #tpu.memory_space<vmem>>[vector<16xi32>], vector<16xf32>,
    %add3A_1527 = arith.addf %add3A_1517, %gather3A_1526 : vector<16xf32>
    %add3A_1528 = arith.constant 6 : i32
    %add3A_1529 = vector.broadcast %add3A_1528 : i32 to vector<16xi32>
    %add3A_1530 = arith.addi %mul3A_1463, %add3A_1529 : vector<16xi32>
    %gather3A_1531 = tpu.vector_load_idx %arg14[%add3A_1530] : memref<2176xf32, #tpu.memory_space<vmem>>[vector<16xi32>], vector<16xf32>,
    %add3A_1532 = arith.addf %add3A_1522, %gather3A_1531 : vector<16xf32>
    %add3A_1533 = arith.constant 6 : i32
    %add3A_1534 = vector.broadcast %add3A_1533 : i32 to vector<16xi32>
    %add3A_1535 = arith.addi %mul3A_1463, %add3A_1534 : vector<16xi32>
    %gather3A_1536 = tpu.vector_load_idx %arg15[%add3A_1535] : memref<2176xf32, #tpu.memory_space<vmem>>[vector<16xi32>], vector<16xf32>,
    %add3A_1537 = arith.addf %add3A_1527, %gather3A_1536 : vector<16xf32>
    %add3A_1538 = arith.constant 7 : i32
    %add3A_1539 = vector.broadcast %add3A_1538 : i32 to vector<16xi32>
    %add3A_1540 = arith.addi %mul3A_1463, %add3A_1539 : vector<16xi32>
    %gather3A_1541 = tpu.vector_load_idx %arg14[%add3A_1540] : memref<2176xf32, #tpu.memory_space<vmem>>[vector<16xi32>], vector<16xf32>,
    %add3A_1542 = arith.addf %add3A_1532, %gather3A_1541 : vector<16xf32>
    %add3A_1543 = arith.constant 7 : i32
    %add3A_1544 = vector.broadcast %add3A_1543 : i32 to vector<16xi32>
    %add3A_1545 = arith.addi %mul3A_1463, %add3A_1544 : vector<16xi32>
    %gather3A_1546 = tpu.vector_load_idx %arg15[%add3A_1545] : memref<2176xf32, #tpu.memory_space<vmem>>[vector<16xi32>], vector<16xf32>,
    %add3A_1547 = arith.addf %add3A_1537, %gather3A_1546 : vector<16xf32>
    %add3A_1548 = arith.constant 8 : i32
    %add3A_1549 = vector.broadcast %add3A_1548 : i32 to vector<16xi32>
    %add3A_1550 = arith.addi %mul3A_1463, %add3A_1549 : vector<16xi32>
    %gather3A_1551 = tpu.vector_load_idx %arg14[%add3A_1550] : memref<2176xf32, #tpu.memory_space<vmem>>[vector<16xi32>], vector<16xf32>,
    %add3A_1552 = arith.addf %add3A_1542, %gather3A_1551 : vector<16xf32>
    %add3A_1553 = arith.constant 8 : i32
    %add3A_1554 = vector.broadcast %add3A_1553 : i32 to vector<16xi32>
    %add3A_1555 = arith.addi %mul3A_1463, %add3A_1554 : vector<16xi32>
    %gather3A_1556 = tpu.vector_load_idx %arg15[%add3A_1555] : memref<2176xf32, #tpu.memory_space<vmem>>[vector<16xi32>], vector<16xf32>,
    %add3A_1557 = arith.addf %add3A_1547, %gather3A_1556 : vector<16xf32>
    %add3A_1558 = arith.constant 9 : i32
    %add3A_1559 = vector.broadcast %add3A_1558 : i32 to vector<16xi32>
    %add3A_1560 = arith.addi %mul3A_1463, %add3A_1559 : vector<16xi32>
    %gather3A_1561 = tpu.vector_load_idx %arg14[%add3A_1560] : memref<2176xf32, #tpu.memory_space<vmem>>[vector<16xi32>], vector<16xf32>,
    %add3A_1562 = arith.addf %add3A_1552, %gather3A_1561 : vector<16xf32>
    %add3A_1563 = arith.constant 9 : i32
    %add3A_1564 = vector.broadcast %add3A_1563 : i32 to vector<16xi32>
    %add3A_1565 = arith.addi %mul3A_1463, %add3A_1564 : vector<16xi32>
    %gather3A_1566 = tpu.vector_load_idx %arg15[%add3A_1565] : memref<2176xf32, #tpu.memory_space<vmem>>[vector<16xi32>], vector<16xf32>,
    %add3A_1567 = arith.addf %add3A_1557, %gather3A_1566 : vector<16xf32>
    %add3A_1568 = arith.constant 10 : i32
    %add3A_1569 = vector.broadcast %add3A_1568 : i32 to vector<16xi32>
    %add3A_1570 = arith.addi %mul3A_1463, %add3A_1569 : vector<16xi32>
    %gather3A_1571 = tpu.vector_load_idx %arg14[%add3A_1570] : memref<2176xf32, #tpu.memory_space<vmem>>[vector<16xi32>], vector<16xf32>,
    %add3A_1572 = arith.addf %add3A_1562, %gather3A_1571 : vector<16xf32>
    %add3A_1573 = arith.constant 10 : i32
    %add3A_1574 = vector.broadcast %add3A_1573 : i32 to vector<16xi32>
    %add3A_1575 = arith.addi %mul3A_1463, %add3A_1574 : vector<16xi32>
    %gather3A_1576 = tpu.vector_load_idx %arg15[%add3A_1575] : memref<2176xf32, #tpu.memory_space<vmem>>[vector<16xi32>], vector<16xf32>,
    %add3A_1577 = arith.addf %add3A_1567, %gather3A_1576 : vector<16xf32>
    %add3A_1578 = arith.constant 11 : i32
    %add3A_1579 = vector.broadcast %add3A_1578 : i32 to vector<16xi32>
    %add3A_1580 = arith.addi %mul3A_1463, %add3A_1579 : vector<16xi32>
    %gather3A_1581 = tpu.vector_load_idx %arg14[%add3A_1580] : memref<2176xf32, #tpu.memory_space<vmem>>[vector<16xi32>], vector<16xf32>,
    %add3A_1582 = arith.addf %add3A_1572, %gather3A_1581 : vector<16xf32>
    %add3A_1583 = arith.constant 11 : i32
    %add3A_1584 = vector.broadcast %add3A_1583 : i32 to vector<16xi32>
    %add3A_1585 = arith.addi %mul3A_1463, %add3A_1584 : vector<16xi32>
    %gather3A_1586 = tpu.vector_load_idx %arg15[%add3A_1585] : memref<2176xf32, #tpu.memory_space<vmem>>[vector<16xi32>], vector<16xf32>,
    %add3A_1587 = arith.addf %add3A_1577, %gather3A_1586 : vector<16xf32>
    %add3A_1588 = arith.constant 12 : i32
    %add3A_1589 = vector.broadcast %add3A_1588 : i32 to vector<16xi32>
    %add3A_1590 = arith.addi %mul3A_1463, %add3A_1589 : vector<16xi32>
    %gather3A_1591 = tpu.vector_load_idx %arg14[%add3A_1590] : memref<2176xf32, #tpu.memory_space<vmem>>[vector<16xi32>], vector<16xf32>,
    %add3A_1592 = arith.addf %add3A_1582, %gather3A_1591 : vector<16xf32>
    %add3A_1593 = arith.constant 12 : i32
    %add3A_1594 = vector.broadcast %add3A_1593 : i32 to vector<16xi32>
    %add3A_1595 = arith.addi %mul3A_1463, %add3A_1594 : vector<16xi32>
    %gather3A_1596 = tpu.vector_load_idx %arg15[%add3A_1595] : memref<2176xf32, #tpu.memory_space<vmem>>[vector<16xi32>], vector<16xf32>,
    %add3A_1597 = arith.addf %add3A_1587, %gather3A_1596 : vector<16xf32>
    %add3A_1598 = arith.constant 13 : i32
    %add3A_1599 = vector.broadcast %add3A_1598 : i32 to vector<16xi32>
    %add3A_1600 = arith.addi %mul3A_1463, %add3A_1599 : vector<16xi32>
    %gather3A_1601 = tpu.vector_load_idx %arg14[%add3A_1600] : memref<2176xf32, #tpu.memory_space<vmem>>[vector<16xi32>], vector<16xf32>,
    %add3A_1602 = arith.addf %add3A_1592, %gather3A_1601 : vector<16xf32>
    %add3A_1603 = arith.constant 13 : i32
    %add3A_1604 = vector.broadcast %add3A_1603 : i32 to vector<16xi32>
    %add3A_1605 = arith.addi %mul3A_1463, %add3A_1604 : vector<16xi32>
    %gather3A_1606 = tpu.vector_load_idx %arg15[%add3A_1605] : memref<2176xf32, #tpu.memory_space<vmem>>[vector<16xi32>], vector<16xf32>,
    %add3A_1607 = arith.addf %add3A_1597, %gather3A_1606 : vector<16xf32>
    %add3A_1608 = arith.constant 14 : i32
    %add3A_1609 = vector.broadcast %add3A_1608 : i32 to vector<16xi32>
    %add3A_1610 = arith.addi %mul3A_1463, %add3A_1609 : vector<16xi32>
    %gather3A_1611 = tpu.vector_load_idx %arg14[%add3A_1610] : memref<2176xf32, #tpu.memory_space<vmem>>[vector<16xi32>], vector<16xf32>,
    %add3A_1612 = arith.addf %add3A_1602, %gather3A_1611 : vector<16xf32>
    %add3A_1613 = arith.constant 14 : i32
    %add3A_1614 = vector.broadcast %add3A_1613 : i32 to vector<16xi32>
    %add3A_1615 = arith.addi %mul3A_1463, %add3A_1614 : vector<16xi32>
    %gather3A_1616 = tpu.vector_load_idx %arg15[%add3A_1615] : memref<2176xf32, #tpu.memory_space<vmem>>[vector<16xi32>], vector<16xf32>,
    %add3A_1617 = arith.addf %add3A_1607, %gather3A_1616 : vector<16xf32>
    %add3A_1618 = arith.constant 15 : i32
    %add3A_1619 = vector.broadcast %add3A_1618 : i32 to vector<16xi32>
    %add3A_1620 = arith.addi %mul3A_1463, %add3A_1619 : vector<16xi32>
    %gather3A_1621 = tpu.vector_load_idx %arg14[%add3A_1620] : memref<2176xf32, #tpu.memory_space<vmem>>[vector<16xi32>], vector<16xf32>,
    %add3A_1622 = arith.addf %add3A_1612, %gather3A_1621 : vector<16xf32>
    %add3A_1623 = arith.constant 15 : i32
    %add3A_1624 = vector.broadcast %add3A_1623 : i32 to vector<16xi32>
    %add3A_1625 = arith.addi %mul3A_1463, %add3A_1624 : vector<16xi32>
    %gather3A_1626 = tpu.vector_load_idx %arg15[%add3A_1625] : memref<2176xf32, #tpu.memory_space<vmem>>[vector<16xi32>], vector<16xf32>,
    %add3A_1627 = arith.addf %add3A_1617, %gather3A_1626 : vector<16xf32>
    %max3A_1628 = arith.constant 1.000000e+00 : f32
    %max3A_1629 = vector.broadcast %max3A_1628 : f32 to vector<16xf32>
    %max3A_1630 = arith.maximumf %add3A_1627, %max3A_1629 : vector<16xf32>
    %div3A_1631 = arith.divf %add3A_1622, %max3A_1630 : vector<16xf32>
    %mul3A_1632 = arith.constant 0.333333343 : f32
    %mul3A_1633 = vector.broadcast %mul3A_1632 : f32 to vector<16xf32>
    %mul3A_1634 = arith.mulf %div3A_1631, %mul3A_1633 : vector<16xf32>
    %add3A_1635 = arith.addf %mul3A_1634, %div3A : vector<16xf32>
    %swap3A_1636 = arith.constant 112 : index
    %swap3A_1637 = tpu.vector_load %arg18[%swap3A_1636] {strides = array<i32>} : memref<128xf32, #tpu.memory_space<vmem>>, vector<16xf32>,
    tpu.vector_store %arg18[%swap3A_1636], %add3A_1635 {strides = array<i32>} : memref<128xf32, #tpu.memory_space<vmem>>, vector<16xf32>,
    %mul3A_1638 = arith.constant 128 : i32
    %mul3A_1639 = arith.muli %arg1, %mul3A_1638 : i32
    "tpu.region"() ({
      %run_scoped3A_1640 = tpu.sem_alloc : memref<!tpu.dma_semaphore, #tpu.memory_space<semaphore_mem>>
      %dma_start3A = tpu.memref_slice %arg8[%mul3A_1639] : memref<2048xf32, #tpu.memory_space<hbm>> -> memref<128xf32, #tpu.memory_space<hbm>>
      %dma_start3A_1641 = tpu.memref_slice %arg8[%mul3A_1639] : memref<2048xf32, #tpu.memory_space<hbm>> -> memref<128xf32, #tpu.memory_space<hbm>>
      tpu.enqueue_dma source(%arg18 : memref<128xf32, #tpu.memory_space<vmem>>) target(%dma_start3A_1641 : memref<128xf32, #tpu.memory_space<hbm>>) target_semaphore(%run_scoped3A_1640 : memref<!tpu.dma_semaphore, #tpu.memory_space<semaphore_mem>>)
      %dma_wait3A = tpu.memref_slice %arg8[%mul3A_1639] : memref<2048xf32, #tpu.memory_space<hbm>> -> memref<128xf32, #tpu.memory_space<hbm>>
      %dma_wait3A_1642 = tpu.memref_slice %arg8[%mul3A_1639] : memref<2048xf32, #tpu.memory_space<hbm>> -> memref<128xf32, #tpu.memory_space<hbm>>
      tpu.wait_dma2 semaphore(%run_scoped3A_1640 : memref<!tpu.dma_semaphore, #tpu.memory_space<semaphore_mem>>) src(%arg18 : memref<128xf32, #tpu.memory_space<vmem>>) dst(%dma_wait3A_1642 : memref<128xf32, #tpu.memory_space<hbm>>)
      tpu.yield
    }) : () -> ()
    return
  }
}

module attributes {stable_mosaic.version = 14 : i64} {
  func.func @_dense_body(%arg0: i32, %arg1: memref<512x512xf32, #tpu.memory_space<vmem>>, %arg2: memref<512x512xf32, #tpu.memory_space<vmem>>, %arg3: memref<512x512xi32, #tpu.memory_space<vmem>>, %arg4: memref<512x512xi32, #tpu.memory_space<vmem>>, %arg5: memref<512x512xi32, #tpu.memory_space<vmem>>, %arg6: memref<512x128xf32, #tpu.memory_space<vmem>>, %arg7: memref<8x128xf32, #tpu.memory_space<vmem>>, %arg8: memref<8x128xf32, #tpu.memory_space<vmem>>, %arg9: memref<2xf32, #tpu.memory_space<smem>>) attributes {dimension_semantics = [#tpu.dimension_semantics<arbitrary>], iteration_bounds = array<i64: 16>, scalar_prefetch = 0 : i64, scratch_operands = 1 : i64, tpu.core_type = #tpu.core_type<tc>, window_params = [{transform_indices = @transform_0, window_bounds = array<i64: 512, 512>}, {transform_indices = @transform_1, window_bounds = array<i64: 512, 512>}, {transform_indices = @transform_2, window_bounds = array<i64: 512, 512>}, {transform_indices = @transform_3, window_bounds = array<i64: 512, 512>}, {transform_indices = @transform_4, window_bounds = array<i64: 512, 512>}, {transform_indices = @transform_5, window_bounds = array<i64: 512, 128>}, {pipeline_mode = #tpu.pipeline_mode<synchronous>, transform_indices = @transform_6, window_bounds = array<i64: 8, 128>}, {pipeline_mode = #tpu.pipeline_mode<synchronous>, transform_indices = @transform_7, window_bounds = array<i64: 8, 128>}]} {
    %get3A = arith.constant 0 : index
    %get3A_0 = arith.constant 0 : index
    %get3A_1 = vector.load %arg1[%get3A, %get3A_0] : memref<512x512xf32, #tpu.memory_space<vmem>>, vector<512x512xf32>
    %get3A_2 = arith.constant 0 : index
    %get3A_3 = arith.constant 0 : index
    %get3A_4 = vector.load %arg2[%get3A_2, %get3A_3] : memref<512x512xf32, #tpu.memory_space<vmem>>, vector<512x512xf32>
    %get3A_5 = arith.constant 0 : index
    %get3A_6 = arith.constant 0 : index
    %get3A_7 = vector.load %arg4[%get3A_5, %get3A_6] : memref<512x512xi32, #tpu.memory_space<vmem>>, vector<512x512xi32>
    %get3A_8 = arith.constant dense<0> : vector<512x512xi32>
    %get3A_9 = arith.cmpi ne, %get3A_7, %get3A_8 : vector<512x512xi32>
    %convert_element_type3A = arith.extui %get3A_9 : vector<512x512xi1> to vector<512x512xi32>
    %convert_element_type3A_10 = arith.sitofp %convert_element_type3A : vector<512x512xi32> to vector<512x512xf32>
    %sub3A = arith.subf %get3A_1, %get3A_4 : vector<512x512xf32>
    %mul3A = arith.mulf %convert_element_type3A_10, %sub3A : vector<512x512xf32>
    %mul3A_11 = arith.mulf %mul3A, %sub3A : vector<512x512xf32>
    %iota3A = tpu.iota {dimensions = array<i32: 0>} : vector<512x128xi32>
    %jit3A = arith.constant 4 : i32
    %div3A = vector.broadcast %jit3A : i32 to vector<512x128xi32>
    %div3A_12 = arith.divsi %iota3A, %div3A : vector<512x128xi32>
    %sign3A = arith.constant 0 : i32
    %sign3A_13 = vector.broadcast %sign3A : i32 to vector<512x128xi32>
    %sign3A_14 = arith.cmpi sgt, %iota3A, %sign3A_13 : vector<512x128xi32>
    %sign3A_15 = arith.extui %sign3A_14 : vector<512x128xi1> to vector<512x128xi32>
    %sign3A_16 = arith.constant 0 : i32
    %sign3A_17 = vector.broadcast %sign3A_16 : i32 to vector<512x128xi32>
    %sign3A_18 = arith.cmpi slt, %iota3A, %sign3A_17 : vector<512x128xi32>
    %sign3A_19 = arith.extui %sign3A_18 : vector<512x128xi1> to vector<512x128xi32>
    %sign3A_20 = arith.subi %sign3A_15, %sign3A_19 : vector<512x128xi32>
    %sign3A_21 = arith.constant 0 : i32
    %sign3A_22 = arith.cmpi sgt, %jit3A, %sign3A_21 : i32
    %sign3A_23 = arith.extui %sign3A_22 : i1 to i32
    %sign3A_24 = arith.constant 0 : i32
    %sign3A_25 = arith.cmpi slt, %jit3A, %sign3A_24 : i32
    %sign3A_26 = arith.extui %sign3A_25 : i1 to i32
    %sign3A_27 = arith.subi %sign3A_23, %sign3A_26 : i32
    %ne3A = vector.broadcast %sign3A_27 : i32 to vector<512x128xi32>
    %ne3A_28 = arith.cmpi ne, %sign3A_20, %ne3A : vector<512x128xi32>
    %rem3A = vector.broadcast %jit3A : i32 to vector<512x128xi32>
    %rem3A_29 = arith.remsi %iota3A, %rem3A : vector<512x128xi32>
    %ne3A_30 = arith.constant 0 : i32
    %ne3A_31 = vector.broadcast %ne3A_30 : i32 to vector<512x128xi32>
    %ne3A_32 = arith.cmpi ne, %rem3A_29, %ne3A_31 : vector<512x128xi32>
    %and3A = arith.andi %ne3A_28, %ne3A_32 : vector<512x128xi1>
    %sub3A_33 = arith.constant 1 : i32
    %sub3A_34 = vector.broadcast %sub3A_33 : i32 to vector<512x128xi32>
    %sub3A_35 = arith.subi %div3A_12, %sub3A_34 : vector<512x128xi32>
    %select_n3A = arith.select %and3A, %sub3A_35, %div3A_12 : vector<512x128xi1>, vector<512x128xi32>
    %iota3A_36 = tpu.iota {dimensions = array<i32: 1>} : vector<512x128xi32>
    %eq3A = arith.cmpi eq, %select_n3A, %iota3A_36 : vector<512x128xi32>
    %convert_element_type3A_37 = arith.extui %eq3A : vector<512x128xi1> to vector<512x128xi32>
    %convert_element_type3A_38 = arith.sitofp %convert_element_type3A_37 : vector<512x128xi32> to vector<512x128xf32>
    %dot_general3A = arith.constant dense<0.000000e+00> : vector<512x128xf32>
    %dot_general3A_39 = tpu.matmul %mul3A_11, %convert_element_type3A_38, %dot_general3A {dimension_numbers = #tpu.dot_dimension_numbers<[1], [0], [0], [1], [0, 0, 1, 1], [], []>, precision = #tpu.contract_precision<fp32>, transpose_lhs_hint = false} : vector<512x512xf32>, vector<512x128xf32>, vector<512x128xf32> -> vector<512x128xf32>
    %swap3A = arith.constant 0 : index
    %swap3A_40 = arith.constant 0 : index
    %swap3A_41 = vector.load %arg6[%swap3A, %swap3A_40] : memref<512x128xf32, #tpu.memory_space<vmem>>, vector<512x128xf32>
    tpu.vector_store %arg6[%swap3A, %swap3A_40], %dot_general3A_39 {strides = array<i32>} : memref<512x128xf32, #tpu.memory_space<vmem>>, vector<512x128xf32>,
    %get3A_42 = arith.constant 0 : index
    %get3A_43 = arith.constant 0 : index
    %get3A_44 = vector.load %arg5[%get3A_42, %get3A_43] : memref<512x512xi32, #tpu.memory_space<vmem>>, vector<512x512xi32>
    %get3A_45 = arith.constant dense<0> : vector<512x512xi32>
    %get3A_46 = arith.cmpi ne, %get3A_44, %get3A_45 : vector<512x512xi32>
    %convert_element_type3A_47 = arith.extui %get3A_46 : vector<512x512xi1> to vector<512x512xi32>
    %convert_element_type3A_48 = arith.sitofp %convert_element_type3A_47 : vector<512x512xi32> to vector<512x512xf32>
    %get3A_49 = arith.constant 0 : index
    %get3A_50 = arith.constant 0 : index
    %get3A_51 = vector.load %arg3[%get3A_49, %get3A_50] : memref<512x512xi32, #tpu.memory_space<vmem>>, vector<512x512xi32>
    %get3A_52 = arith.constant dense<0> : vector<512x512xi32>
    %get3A_53 = arith.cmpi ne, %get3A_51, %get3A_52 : vector<512x512xi32>
    %abs3A = math.absf %get3A_1 : vector<512x512xf32>
    %neg3A = arith.constant 0.000000e+00 : f32
    %neg3A_54 = vector.broadcast %neg3A : f32 to vector<512x512xf32>
    %neg3A_55 = arith.subf %neg3A_54, %abs3A : vector<512x512xf32>
    %exp3A = math.exp %neg3A_55 : vector<512x512xf32>
    %add3A = arith.constant 1.000000e+00 : f32
    %add3A_56 = vector.broadcast %add3A : f32 to vector<512x512xf32>
    %add3A_57 = arith.addf %add3A_56, %exp3A : vector<512x512xf32>
    %log3A = math.log %add3A_57 : vector<512x512xf32>
    %max3A = arith.constant 0.000000e+00 : f32
    %max3A_58 = vector.broadcast %max3A : f32 to vector<512x512xf32>
    %max3A_59 = arith.maximumf %get3A_1, %max3A_58 : vector<512x512xf32>
    %add3A_60 = arith.addf %max3A_59, %log3A : vector<512x512xf32>
    %sub3A_61 = arith.subf %add3A_60, %get3A_1 : vector<512x512xf32>
    %min3A = arith.constant 27.6310215 : f32
    %min3A_62 = vector.broadcast %min3A : f32 to vector<512x512xf32>
    %min3A_63 = arith.minimumf %sub3A_61, %min3A_62 : vector<512x512xf32>
    %min3A_64 = arith.constant 27.6310215 : f32
    %min3A_65 = vector.broadcast %min3A_64 : f32 to vector<512x512xf32>
    %min3A_66 = arith.minimumf %add3A_60, %min3A_65 : vector<512x512xf32>
    %select_n3A_67 = arith.select %get3A_53, %min3A_63, %min3A_66 : vector<512x512xi1>, vector<512x512xf32>
    %mul3A_68 = arith.mulf %select_n3A_67, %convert_element_type3A_48 : vector<512x512xf32>
    %reduce_sum3A = vector.shape_cast %mul3A_68 : vector<512x512xf32> to vector<1x512x512xf32>
    %reduce_sum3A_69 = arith.constant dense<0.000000e+00> : vector<1xf32>
    %reduce_sum3A_70 = vector.multi_reduction <add>, %reduce_sum3A, %reduce_sum3A_69 [1, 2] : vector<1x512x512xf32> to vector<1xf32>
    %reduce_sum3A_71 = vector.shape_cast %reduce_sum3A_70 : vector<1xf32> to vector<1x1x1xf32>
    %reduce_sum3A_72 = vector.extract %reduce_sum3A_71[0, 0, 0] : f32 from vector<1x1x1xf32>
    %reduce_sum3A_73 = vector.shape_cast %convert_element_type3A_48 : vector<512x512xf32> to vector<1x512x512xf32>
    %reduce_sum3A_74 = arith.constant dense<0.000000e+00> : vector<1xf32>
    %reduce_sum3A_75 = vector.multi_reduction <add>, %reduce_sum3A_73, %reduce_sum3A_74 [1, 2] : vector<1x512x512xf32> to vector<1xf32>
    %reduce_sum3A_76 = vector.shape_cast %reduce_sum3A_75 : vector<1xf32> to vector<1x1x1xf32>
    %reduce_sum3A_77 = vector.extract %reduce_sum3A_76[0, 0, 0] : f32 from vector<1x1x1xf32>
    %eq3A_78 = arith.constant 0 : i32
    %eq3A_79 = arith.cmpi eq, %arg0, %eq3A_78 : i32
    %convert_element_type3A_80 = arith.extui %eq3A_79 : i1 to i32
    %cond3A = arith.constant 0 : i32
    %cond3A_81 = arith.cmpi ne, %convert_element_type3A_80, %cond3A : i32
    scf.if %cond3A_81 {
      %swap3A_97 = arith.constant 0.000000e+00 : f32
      %swap3A_98 = arith.constant 0 : index
      %swap3A_99 = memref.load %arg9[%swap3A_98] : memref<2xf32, #tpu.memory_space<smem>>
      memref.store %swap3A_97, %arg9[%swap3A_98] : memref<2xf32, #tpu.memory_space<smem>>
      %swap3A_100 = arith.constant 0.000000e+00 : f32
      %swap3A_101 = arith.constant 1 : index
      %swap3A_102 = memref.load %arg9[%swap3A_101] : memref<2xf32, #tpu.memory_space<smem>>
      memref.store %swap3A_100, %arg9[%swap3A_101] : memref<2xf32, #tpu.memory_space<smem>>
    } else {
    }
    %get3A_82 = arith.constant 0 : index
    %get3A_83 = memref.load %arg9[%get3A_82] : memref<2xf32, #tpu.memory_space<smem>>
    %add3A_84 = arith.addf %get3A_83, %reduce_sum3A_72 : f32
    %swap3A_85 = arith.constant 0 : index
    %swap3A_86 = memref.load %arg9[%swap3A_85] : memref<2xf32, #tpu.memory_space<smem>>
    memref.store %add3A_84, %arg9[%swap3A_85] : memref<2xf32, #tpu.memory_space<smem>>
    %get3A_87 = arith.constant 1 : index
    %get3A_88 = memref.load %arg9[%get3A_87] : memref<2xf32, #tpu.memory_space<smem>>
    %add3A_89 = arith.addf %get3A_88, %reduce_sum3A_77 : f32
    %swap3A_90 = arith.constant 1 : index
    %swap3A_91 = memref.load %arg9[%swap3A_90] : memref<2xf32, #tpu.memory_space<smem>>
    memref.store %add3A_89, %arg9[%swap3A_90] : memref<2xf32, #tpu.memory_space<smem>>
    %eq3A_92 = arith.constant 15 : i32
    %eq3A_93 = arith.cmpi eq, %arg0, %eq3A_92 : i32
    %convert_element_type3A_94 = arith.extui %eq3A_93 : i1 to i32
    %cond3A_95 = arith.constant 0 : i32
    %cond3A_96 = arith.cmpi ne, %convert_element_type3A_94, %cond3A_95 : i32
    scf.if %cond3A_96 {
      %get3A_97 = arith.constant 0 : index
      %get3A_98 = memref.load %arg9[%get3A_97] : memref<2xf32, #tpu.memory_space<smem>>
      %broadcast_in_dim3A = vector.broadcast %get3A_98 : f32 to vector<8x128xf32>
      %swap3A_99 = arith.constant 0 : index
      %swap3A_100 = arith.constant 0 : index
      %swap3A_101 = vector.load %arg7[%swap3A_99, %swap3A_100] : memref<8x128xf32, #tpu.memory_space<vmem>>, vector<8x128xf32>
      tpu.vector_store %arg7[%swap3A_99, %swap3A_100], %broadcast_in_dim3A {strides = array<i32>} : memref<8x128xf32, #tpu.memory_space<vmem>>, vector<8x128xf32>,
      %get3A_102 = arith.constant 1 : index
      %get3A_103 = memref.load %arg9[%get3A_102] : memref<2xf32, #tpu.memory_space<smem>>
      %broadcast_in_dim3A_104 = vector.broadcast %get3A_103 : f32 to vector<8x128xf32>
      %swap3A_105 = arith.constant 0 : index
      %swap3A_106 = arith.constant 0 : index
      %swap3A_107 = vector.load %arg8[%swap3A_105, %swap3A_106] : memref<8x128xf32, #tpu.memory_space<vmem>>, vector<8x128xf32>
      tpu.vector_store %arg8[%swap3A_105, %swap3A_106], %broadcast_in_dim3A_104 {strides = array<i32>} : memref<8x128xf32, #tpu.memory_space<vmem>>, vector<8x128xf32>,
    } else {
    }
    return
  }
  func.func @transform_0(%arg0: i32) -> (i32, i32) {
    %c0_i32 = arith.constant 0 : i32
    %c0_i32_0 = arith.constant 0 : i32
    return %arg0, %c0_i32 : i32, i32
  }
  func.func @transform_1(%arg0: i32) -> (i32, i32) {
    %c0_i32 = arith.constant 0 : i32
    %c0_i32_0 = arith.constant 0 : i32
    return %arg0, %c0_i32 : i32, i32
  }
  func.func @transform_2(%arg0: i32) -> (i32, i32) {
    %c0_i32 = arith.constant 0 : i32
    %c0_i32_0 = arith.constant 0 : i32
    return %arg0, %c0_i32 : i32, i32
  }
  func.func @transform_3(%arg0: i32) -> (i32, i32) {
    %c0_i32 = arith.constant 0 : i32
    %c0_i32_0 = arith.constant 0 : i32
    return %arg0, %c0_i32 : i32, i32
  }
  func.func @transform_4(%arg0: i32) -> (i32, i32) {
    %c0_i32 = arith.constant 0 : i32
    %c0_i32_0 = arith.constant 0 : i32
    return %arg0, %c0_i32 : i32, i32
  }
  func.func @transform_5(%arg0: i32) -> (i32, i32) {
    %c0_i32 = arith.constant 0 : i32
    %c0_i32_0 = arith.constant 0 : i32
    return %arg0, %c0_i32 : i32, i32
  }
  func.func @transform_6(%arg0: i32) -> (i32, i32) {
    %c0_i32 = arith.constant 0 : i32
    %c0_i32_0 = arith.constant 0 : i32
    %c0_i32_1 = arith.constant 0 : i32
    return %c0_i32, %c0_i32_0 : i32, i32
  }
  func.func @transform_7(%arg0: i32) -> (i32, i32) {
    %c0_i32 = arith.constant 0 : i32
    %c0_i32_0 = arith.constant 0 : i32
    %c0_i32_1 = arith.constant 0 : i32
    return %c0_i32, %c0_i32_0 : i32, i32
  }
}

</mosaic_0001>

<sc_bundles>
// kernel: kernel.4.cloned.1.call-start
scs
__scs_entry_jumppad:
0x0: {  	(pc) =	sbr.rel $0x88, $3  }
0x1: {  	(tag) =	ssettag $0x0;
	lr =	simm.s32 $0x1  }
0x2: {  	[smem:$0x3F9B] =	sst lr;
	_ =	strace $0xD0000000  }
0x3: {  	_ = 	snop  }
0x4: {  	_ = 	snop  }
0x5: {  	_ = 	snop  }
0x6: {  	_ = 	snop  }
0x7: {  	_ = 	snop  }
__scs_overlays_trampoline_lowered:
0x8: {  	[smem:$0x3FAA] =	sst s0  }
0x9: {  	[smem:$0x3FAB] =	sst s1  }
0xa: {  	[smem:$0x3FAC] =	sst s2  }
0xb: {  	[smem:$0x3FAD] =	sst s3  }
0xc: {  	[smem:$0x3FAE] =	sst s4  }
0xd: {  	[smem:$0x3FAF] =	sst s5  }
0xe: {  	[smem:$0x3FB0] =	sst s6  }
0xf: {  	[smem:$0x3FB1] =	sst s7  }
0x10: {  	[smem:$0x3FB2] =	sst s8  }
0x11: {  	[smem:$0x3FB3] =	sst s9;
	s0 =	simm.s32 @!p0 $0x0  }
0x12: {  	s1 =	sld [smem:$0x3F99];
	s0 =	simm.s32 @p0 $0x1  }
0x13: {  	[smem:$0x3FB4] =	sst s0;
	s0 =	simm.s32 @!p1 $0x0  }
0x14: {  	s2 =	sld [smem:$0x3F98];
	s0 =	simm.s32 @p1 $0x1  }
0x15: {  	[smem:$0x3FB5] =	sst s0;
	s0 =	simm.s32 @!p2 $0x0  }
0x16: {  	s3 =	sld [smem:$0x3FDB];
	s0 =	simm.s32 @p2 $0x1  }
0x17: {  	s4 =	simm.s32 $0x1BF5;
	[smem:$0x3FB7] =	sst s0  }
0x18: {  	s0 =	sld [smem:$0x3F9A];
	_ =	swait.ge [sflag:s4], $0x0  }
0x19: {  	s7 =	sld [smem:$0x3F9B]  }
0x1a: {  	s8 =	sadd.s32 $0xFFFFE003, lr  }
0x1b: {  	s9 =	sadd.s32 $0xFFFFFEF7, lr;
	s5 =	simm.s32 $0xFFFFFFFF;
	p2 =	slt.u32 s8, $0xFFFFF086  }
0x1c: {  	p1 =	slt.u32 s9, $0xF7A;
	s5 =	simm.s32 @!p2 $0x0  }
0x1d: {  	s5 =	simm.s32 @p1 $0x1;
	p0 =	seq.s32 s7, s2  }
0x1e: {  	s7 =	smul.u32 @!p0 $0xF7A, s2;
	p2 =	seq.s32 @!p0 s5, $0x0  }
0x1f: {  	s9 =	smul.u32 $0xF7A, s1;
	s8 =	simm.s32 @!p0 $0x1BF5;
	p2 =	por !p2, p0  }
0x20: {  	[sflag:s8] =	ssyncset.s32 @!p0 $0xFFFFF086;
	s6 =	sadd.s32 @!p0 s3, s7;
	s7 =	simm.s32 @!p0 $0x108  }
0x21: {  	s3 =	sadd.s32 s3, s9;
	s6 =	sadd.s32 @!p0 $0x88, s6;
	s7 =	simm.s32 @p2 $0x1082  }
0x22: {  	[simem:s7], [sflag:s8] =	dma.local @!p0 [hbm:s6], $0xF7A  }
0x23: {  	s9 =	sor.u32 $0xD0000000, s2;
	s6 =	simm.s32 $0x108;
	_ =	swait.ge @!p0 [sflag:s8], $0x0  }
0x24: {  	s3 =	sadd.s32 $0x88, s3;
	s6 =	simm.s32 @!p1 $0x1082;
	[sflag:s4] =	ssyncset.s32 $0xFFFFF086  }
0x25: {  	[simem:s6], [sflag:s4] =	dma.local [hbm:s3], $0xF7A  }
0x26: {  	[smem:$0x3F9B] =	sst s1;
	(tag) =	ssettag s2;
	_ =	strace s9  }
0x27: {  	s1 =	sld [smem:$0x3FAB]  }
0x28: {  	s2 =	sld [smem:$0x3FAC]  }
0x29: {  	s4 =	sld [smem:$0x3FAE]  }
0x2a: {  	p0 =	seq.s32 s5, $0x0;
	s5 =	sld [smem:$0x3FAF]  }
0x2b: {  	s6 =	sld [smem:$0x3FB0]  }
0x2c: {  	s7 =	sld [smem:$0x3FB1]  }
0x2d: {  	s3 =	simm.s32 $0x108;
	s8 =	sld [smem:$0x3FB2]  }
0x2e: {  	s3 =	simm.s32 @!p0 $0x1082;
	s9 =	sld [smem:$0x3FB3]  }
0x2f: {  	lr =	sadd.s32 s0, s3;
	s0 =	sld [smem:$0x3FAA]  }
0x30: {  	s3 =	sld [smem:$0x3FAD]  }
0x31: {  	[smem:$0x3FB6] =	sst s10  }
0x32: {  	s10 =	sld [smem:$0x3FB4];
	_ =	sdelay $0x3  }
0x33: {  	p0 =	seq.s32 s10, $0x1;
	s10 =	sld [smem:$0x3FB6];
	_ =	sdelay $0x3  }
0x34: {  	[smem:$0x3FB6] =	sst s10  }
0x35: {  	s10 =	sld [smem:$0x3FB5];
	_ =	sdelay $0x3  }
0x36: {  	p1 =	seq.s32 s10, $0x1;
	s10 =	sld [smem:$0x3FB6];
	_ =	sdelay $0x3  }
0x37: {  	[smem:$0x3FB6] =	sst s10  }
0x38: {  	s10 =	sld [smem:$0x3FB7]  }
0x39: {  	_ = 	snop;
	(pc) =	sbr.ind lr, $3  }
0x3a: {  	_ = 	snop  }
0x3b: {  	_ = 	snop  }
0x3c: {  	p2 =	seq.s32 s10, $0x1;
	s10 =	sld [smem:$0x3FB6]  }
0x3d: {  	_ =	shalt  }
0x3e: {  	_ =	shalt  }
0x3f: {  	_ =	shalt  }
0x40: {  	_ =	shalt  }
0x41: {  	_ =	shalt  }
0x42: {  	_ =	shalt  }
0x43: {  	_ =	shalt  }
0x44: {  	_ =	shalt  }
0x45: {  	_ =	shalt  }
0x46: {  	_ =	shalt  }
0x47: {  	_ =	shalt  }
0x48: {  	_ =	shalt  }
0x49: {  	_ =	shalt  }
0x4a: {  	_ =	shalt  }
0x4b: {  	_ =	shalt  }
0x4c: {  	_ =	shalt  }
0x4d: {  	_ =	shalt  }
0x4e: {  	_ =	shalt  }
0x4f: {  	_ =	shalt  }
0x50: {  	_ =	shalt  }
0x51: {  	_ =	shalt  }
0x52: {  	_ =	shalt  }
0x53: {  	_ =	shalt  }
0x54: {  	_ =	shalt  }
0x55: {  	_ =	shalt  }
0x56: {  	_ =	shalt  }
0x57: {  	_ =	shalt  }
0x58: {  	_ =	shalt  }
0x59: {  	_ =	shalt  }
0x5a: {  	_ =	shalt  }
0x5b: {  	_ =	shalt  }
0x5c: {  	_ =	shalt  }
0x5d: {  	_ =	shalt  }
0x5e: {  	_ =	shalt  }
0x5f: {  	_ =	shalt  }
0x60: {  	_ =	shalt  }
0x61: {  	_ =	shalt  }
0x62: {  	_ =	shalt  }
0x63: {  	_ =	shalt  }
0x64: {  	_ =	shalt  }
0x65: {  	_ =	shalt  }
0x66: {  	_ =	shalt  }
0x67: {  	_ =	shalt  }
0x68: {  	_ =	shalt  }
0x69: {  	_ =	shalt  }
0x6a: {  	_ =	shalt  }
0x6b: {  	_ =	shalt  }
0x6c: {  	_ =	shalt  }
0x6d: {  	_ =	shalt  }
0x6e: {  	_ =	shalt  }
0x6f: {  	_ =	shalt  }
0x70: {  	_ =	shalt  }
0x71: {  	_ =	shalt  }
0x72: {  	_ =	shalt  }
0x73: {  	_ =	shalt  }
0x74: {  	_ =	shalt  }
0x75: {  	_ =	shalt  }
0x76: {  	_ =	shalt  }
0x77: {  	_ =	shalt  }
0x78: {  	_ =	shalt  }
0x79: {  	_ =	shalt  }
0x7a: {  	_ =	shalt  }
0x7b: {  	_ =	shalt  }
0x7c: {  	_ =	shalt  }
0x7d: {  	_ =	shalt  }
0x7e: {  	_ =	shalt  }
0x7f: {  	_ =	shalt  }
0x80: {  	_ =	shalt  }
0x81: {  	_ =	shalt  }
0x82: {  	_ =	shalt  }
0x83: {  	_ =	shalt  }
0x84: {  	_ =	shalt  }
0x85: {  	_ =	shalt  }
0x86: {  	_ =	shalt  }
0x87: {  	_ =	shalt  }
.Lfunc_end0:
.L_simem_size_0:
called_computation_lowered:
.L_overlay_start_0:
0x88: {  	s0 =	sld [smem:$0x3FD9]  }
0x89: {  	s1 =	sld [smem:$0x3FFE];
	_ =	sdelay $0x3  }
0x8a: {  	s0 =	sadd.s32 s1, s0  }
0x8b: {  	[smem:$0x3FC2] =	sst s0  }
0x8c: {  	_ = 	snop  }
0x8d: {  	s0 =	sld [smem:$0x3FD0];
	(tm) =	ssettm $0x1  }
0x8e: {  	s16 =	sld [smem:$0x3FFB];
	_ =	sdelay $0x3  }
0x8f: {  	_ =	strace s16  }
0x90: {  	s1 =	sld [smem:$0x3FFC];
	_ =	sdelay $0x3  }
0x91: {  	_ =	strace s1  }
0x92: {  	s1 =	sld [smem:$0x3FFD];
	_ =	sdelay $0x3  }
0x93: {  	_ =	strace s1  }
0x94: {  	_ =	strace $0x8FFFFFFF  }
0x95: {  	s17 =	sld [smem:$0x3FDB];
	_ =	sdelay $0x1  }
0x96: {  	s2 =	simm.s32 $_scs_section_size  }
0x97: {  	s3 =	simm.s32 $_size__tile_overlayer_lowered;
	s4 =	simm.s32 $_tile_overlayer_lowered  }
0x98: {  	s20 =	simm.s32 $0x1BFF;
	s19 =	sshll.u32 s4, $0x1;
	s1 =	sadd.s32 s2, s17  }
0x99: {  	s5 =	simm.s32 $0x0;
	s18 =	sshll.u32 s3, $0x1;
	s3 =	sadd.s32 s19, s1  }
0x9a: {  	[timem:s5], [sflag:s20] =	dma.local [hbm:s3], s18  }
0x9b: {  	_ =	swait.ge [sflag:s20], s18  }
0x9c: {  	s2 =	ssub.s32 $0x0, s18;
	[sflag:s20] =	ssyncset.done $0x0  }
0x9d: {  	[sflag:s20] =	ssyncadd.s32 s2;
	_ =	sdelay $0x1  }
0x9e: {  	s21 =	simm.s32 $0x1B8B  }
0x9f: {  	_ =	swait.ge [sflag:s21], $0x1  }
0xa0: {  	[sflag:s21] =	ssyncset.done $0x0  }
0xa1: {  	s23 =	simm.s32 $0x1B8E;
	s22 =	sld [smem:$0x3FFE];
	[sflag:s21] =	ssyncadd.s32 $0xFFFFFFFF  }
0xa2: {  	s24 =	simm.s32 $execute0_lowered;
	[smem:$0x3FD2] =	sst s23  }
0xa3: {  	s3 =	sshll.u32 s24, $0x1;
	_ =	strace $0x80000046;
	[dreg:$0x1] =	wrdreg $0xFFFFFFFF  }
0xa4: {  	s25 =	simm.s32 $_size_execute0_lowered;
	s1 =	sadd.s32 s1, s3;
	[dreg:$0x0] =	wrdreg $0x0  }
0xa5: {  	s3 =	sshll.u32 s25, $0x1;
	[dreg:$0x2] =	wrdreg s1  }
0xa6: {  	[dreg:$0x3] =	wrdreg s3  }
0xa7: {  	[dreg:$0x4] =	wrdreg $0xC0  }
0xa8: {  	_ =	task [dreg:s5], $0x5FFFF  }
0xa9: {  	[dreg:$0x1] =	wrdreg $0xFFFFFFFF  }
0xaa: {  	[dreg:$0x0] =	wrdreg $0x60  }
0xab: {  	[dreg:$0x2] =	wrdreg s22  }
0xac: {  	[dreg:$0x3] =	wrdreg s0  }
0xad: {  	[dreg:$0x4] =	wrdreg $0x150000  }
0xae: {  	[dreg:$0x5] =	wrdreg $0x9  }
0xaf: {  	_ =	task.clear_ibuf [dreg:s5], $0x6FFFF;
	_ =	strace $0x90000046  }
0xb0: {  	s26 =	simm.s32 $0x9;
	_ =	strace $0x80000048  }
0xb1: {  	_ =	swait.ge [sflag:s26], $0x1  }
0xb2: {  	[sflag:s26] =	ssyncadd.s32 $0xFFFFFFFF  }
0xb3: {  	_ =	strace $0x90000048  }
0xb4: {  	_ =	sfence  }
0xb5: {  	s28 =	sld [smem:$0x0];
	_ =	sdelay $0x1  }
0xb6: {  	s29 =	srdreg.scid  }
0xb7: {  	s30 =	sshll.u32 s29, $0xD;
	s31 =	sshrl.u32 s29, $0x2  }
0xb8: {  	s2 =	sand.u32 $0x4000, s30;
	s1 =	sand.u32 $0x1, s29;
	s0 =	sadd.s32 s31, s28  }
0xb9: {  	s1 =	sor.u32 s2, s1;
	s0 =	sshll.u32 s0, $0x11  }
0xba: {  	s0 =	sor.u32 s0, s1  }
0xbb: {  	s0 =	sadd.s32 $0x8F2B, s0  }
0xbc: {  	[sflag:s0] =	ssyncadd.remote.s32 $0x1  }
0xbd: {  	_ =	sfence.sel $0xFFFF  }
0xbe: {  	[dreg:$0x0] =	wrdreg $0xFFFFFFFF;
	(pc) =	sbr.abs _section_cstart, $3  }
0xbf: {  	[dreg:$0x1] =	wrdreg $0xFFFFFFFF  }
0xc0: {  	_ =	task.clear_ibuf [dreg:s5], $0x2FFFF;
	_ =	strace $0x9FFFFFFF  }
0xc1: {  	(tm) =	ssettm $0x7FFFFFFF  }
tec
execute0_lowered:
.L_overlay_start_1:
0x0: {  	(tag) =	ssettag $0x1  }
0x1: {  	s0 =	rddreg [dreg:$0x0]  }
0x2: {  	s5 =	rddreg [dreg:$0x1]  }
0x3: {  	s7 =	rddreg [dreg:$0x2]  }
0x4: {  	s6 =	simm.s32 $0x0;
	s19 =	stileid.u32;
	s1 =	simm.s32 $0x4000  }
0x5: {  	s15 =	simm.s32 $0x1;
	s18 =	simm.s32 $0x1FA80;
	s20 =	simm.s32 $0x1FA90  }
0x6: {  	[smem:$0x7FF] =	sst s6;
	s8 =	sadd.s32 $0x1600, s0;
	s9 =	sadd.s32 $0x21800, s0  }
0x7: {  	s10 =	sadd.s32 $0x41A00, s0;
	s4 =	sadd.s32 $0x42C00, s0;
	s11 =	sadd.s32 $0x21600, s0  }
0x8: {  	s12 =	sadd.s32 $0x41800, s0;
	p0 =	seq.s32 s19, $0x0;
	s13 =	sshll.u32 s19, $0xD  }
0x9: {  	_ =	strace $0x80000047;
	s14 =	sadd.s32 s8, s13;
	s24 =	sor.u32 $0x400, s13  }
0xa: {  	s16 =	sadd.s32 s9, s13;
	s17 =	sor.u32 $0x800, s13;
	s25 =	sor.u32 $0xC00, s13  }
0xb: {  	[tilespmem:s1], [sflag:$0x1] =	stream.linear.gather [hbm4b:s10+s6], $0x8800, $0x38;
	[tilespmem:$0x1FAA0] =	vst v63  }
0xc: {  	s26 =	sor.u32 $0x1000, s13;
	s21 =	sor.u32 $0x1C00, s13;
	_ =	swait.ge [sflag:s15], $0x8800  }
0xd: {  	s3 =	sadd.s32 s8, s24;
	s2 =	sadd.s32 s9, s24;
	[sflag:s15] =	ssyncset.done $0x0  }
0xe: {  	s10 =	smov.u32 @p0 s4;
	s4 =	simm.s32 $0xC800;
	[sflag:s15] =	ssyncadd.s32 $0xFFFF7800  }
0xf: {  	[tilespmem:s4], [sflag:$0x1] =	stream.linear.gather [hbm4b:s10+s6], $0x8800, $0x38;
	[tilespmem:$0x1FAA0] =	vst v63  }
0x10: {  	s0 =	sadd.s32 s8, s17;
	s31 =	sadd.s32 s9, s17;
	_ =	swait.ge [sflag:s15], $0x8800  }
0x11: {  	s29 =	sadd.s32 s8, s25;
	s30 =	sadd.s32 s9, s25;
	[sflag:s15] =	ssyncset.done $0x0  }
0x12: {  	s28 =	sadd.s32 s8, s26;
	s26 =	sadd.s32 s9, s26;
	[sflag:s15] =	ssyncadd.s32 $0xFFFF7800  }
0x13: {  	[tilespmem:s18], [sflag:$0x1] =	stream.linear.gather [hbm4b:s11+s6], $0x10, $0x38;
	[tilespmem:$0x1FAA0] =	vst v63  }
0x14: {  	s11 =	sor.u32 $0x1400, s13;
	s18 =	sor.u32 $0x1800, s13;
	_ =	swait.ge [sflag:s15], $0x10  }
0x15: {  	s25 =	sadd.s32 s8, s11;
	s24 =	sadd.s32 s9, s11;
	[sflag:s15] =	ssyncset.done $0x0  }
0x16: {  	s23 =	sadd.s32 s8, s18;
	s11 =	smul.u32 $0x22000, s19;
	[sflag:s15] =	ssyncadd.s32 $0xFFFFFFF0  }
0x17: {  	[tilespmem:s20], [sflag:$0x1] =	stream.linear.gather [hbm4b:s12+s6], $0x10, $0x38;
	[tilespmem:$0x1FAA0] =	vst v63  }
0x18: {  	s22 =	sadd.s32 s9, s18;
	s8 =	sadd.s32 s8, s21;
	s12 =	smul.u32 $0x2200, s19  }
0x19: {  	s9 =	sadd.s32 s9, s21;
	_ =	swait.ge [sflag:s15], $0x10;
	[dreg:$0x8] =	wrdreg s8  }
0x1a: {  	[dreg:$0x7] =	wrdreg s9;
	[sflag:s15] =	ssyncset.done $0x0;
	s9 =	sshrl.u32 s12, $0x2  }
0x1b: {  	s8 =	sshrl.u32 s11, $0x2;
	[sflag:s15] =	ssyncadd.s32 $0xFFFFFFF0;
	s18 =	sadd.s32 s9, s7  }
0x1c: {  	[tilespmem:s6], [sflag:$0x1] =	stream.linear.gather [hbm4b:s14+s6], $0x2000, $0x38;
	[tilespmem:$0x1FAA0] =	vst v63  }
0x1d: {  	s13 =	simm.s32 $0x2000;
	s21 =	sadd.s32 s8, s7;
	s20 =	sadd.s32 $0x8800, s18  }
0x1e: {  	s14 =	sshll.u32 s19, $0x4;
	s8 =	sadd.s32 $0x19800, s18;
	s17 =	sadd.s32 $0x22000, s18  }
0x1f: {  	s19 =	sadd.s32 $0x33000, s18;
	s7 =	sadd.s32 $0x3B800, s18;
	_ =	swait.ge [sflag:s15], $0x2000  }
0x20: {  	s12 =	sadd.s32 $0x55000, s18;
	s11 =	sadd.s32 $0x5D800, s18;
	[sflag:s15] =	ssyncset.done $0x0  }
0x21: {  	s10 =	sadd.s32 $0x66000, s18;
	s9 =	sadd.s32 $0x6E800, s18;
	[sflag:s15] =	ssyncadd.s32 $0xFFFFE000  }
0x22: {  	[tilespmem:s13], [sflag:$0x1] =	stream.linear.gather [hbm4b:s16+s6], $0x2000, $0x38;
	[tilespmem:$0x1FAA0] =	vst v63  }
0x23: {  	s5 =	sadd.s32 s5, s14;
	s14 =	sadd.s32 $0x44000, s18;
	s16 =	sadd.s32 $0x11000, s18  }
0x24: {  	s13 =	sadd.s32 $0x4C800, s18;
	_ =	swait.ge [sflag:s15], $0x2000;
	[dreg:$0x4] =	wrdreg s5  }
0x25: {  	s6 =	simm.s32 $0x0;
	[dreg:$0x5] =	wrdreg s17;
	[sflag:s15] =	ssyncset.done $0x0  }
0x26: {  	s17 =	sadd.s32 $0x2A800, s18;
	[dreg:$0x6] =	wrdreg s19;
	[sflag:s15] =	ssyncadd.s32 $0xFFFFE000  }
0x27: {  	v1 =	vlaneseq.u32;
	v0 =	vimm.f32 $1.000000000e+00;
	s19 =	sadd.s32 $0x77000, s18;
	s5 =	simm.s32 $0x40;
	s15 =	sadd.s32 $0x7F800, s18;
	v2 =	vld [tilespmem:s6+$0x2000]  }
.LBB2_1:
0x28: {  	p0 =	sne.s32 s5, $0x7FC0;
	_ =	sdelay $0x3  }
0x29: {  	v2 =	vmul.u32 $0x11, v2;
	_ =	sdelay $0x1  }
0x2a: {  	v3 =	vld [tilespmem:s6+$0x0];
	v2 =	vadd.s32 v1, v2;
	_ =	sdelay $0x2  }
.Ltmp0:
0x2b: {  	(pc) =	sbr.rel @p0 .LBB2_1-.Ltmp0, $4  }
0x2c: {  	_ = 	snop  }
0x2d: {  	[tilespmem:v2+s1+$0x0] =	vst.idx.add.f32.msk $0xffff, v3  }
0x2e: {  	s6 =	sshra.s32 s5, $0x2;
	[tilespmem:v2+s4+$0x0] =	vst.idx.add.f32.msk $0xffff, v0  }
0x2f: {  	s5 =	sadd.s32 $0x40, s5;
	v2 =	vld [tilespmem:s6+$0x2000]  }
0x30: {  	_ =	sdelay $0x3  }
0x31: {  	v2 =	vmul.u32 $0x11, v2;
	_ =	sdelay $0x1  }
0x32: {  	v3 =	vld [tilespmem:s6+$0x0];
	v1 =	vadd.s32 v1, v2;
	_ =	sdelay $0x4  }
0x33: {  	[tilespmem:v1+s1+$0x0] =	vst.idx.add.f32.msk $0xffff, v3  }
0x34: {  	s5 =	simm.s32 $0x1;
	[tilespmem:v1+s4+$0x0] =	vst.idx.add.f32.msk $0xffff, v0;
	s4 =	simm.s32 $0x0  }
0x35: {  	[tilespmem:s4], [sflag:$0x1] =	stream.linear.gather [hbm4b:s3+s4], $0x2000, $0x38;
	[tilespmem:$0x1FAA0] =	vst v63  }
0x36: {  	_ =	swait.ge [sflag:s5], $0x2000  }
0x37: {  	[sflag:s5] =	ssyncset.done $0x0  }
0x38: {  	s6 =	simm.s32 $0x2000;
	[sflag:s5] =	ssyncadd.s32 $0xFFFFE000  }
0x39: {  	[tilespmem:s6], [sflag:$0x1] =	stream.linear.gather [hbm4b:s2+s4], $0x2000, $0x38;
	[tilespmem:$0x1FAA0] =	vst v63  }
0x3a: {  	_ =	swait.ge [sflag:s5], $0x2000  }
0x3b: {  	[sflag:s5] =	ssyncset.done $0x0  }
0x3c: {  	s4 =	simm.s32 $0x0;
	[sflag:s5] =	ssyncadd.s32 $0xFFFFE000  }
0x3d: {  	s1 =	simm.s32 $0x4000;
	v0 =	vlaneseq.u32;
	v1 =	vimm.f32 $1.000000000e+00;
	s3 =	simm.s32 $0x40;
	s2 =	simm.s32 $0xC800;
	v2 =	vld [tilespmem:s4+$0x2000]  }
.LBB2_3:
0x3e: {  	p0 =	sne.s32 s3, $0x7FC0;
	_ =	sdelay $0x3  }
0x3f: {  	v2 =	vmul.u32 $0x11, v2;
	_ =	sdelay $0x1  }
0x40: {  	v3 =	vld [tilespmem:s4+$0x0];
	v2 =	vadd.s32 v0, v2;
	_ =	sdelay $0x2  }
.Ltmp1:
0x41: {  	(pc) =	sbr.rel @p0 .LBB2_3-.Ltmp1, $4  }
0x42: {  	_ = 	snop  }
0x43: {  	[tilespmem:v2+s1+$0x0] =	vst.idx.add.f32.msk $0xffff, v3  }
0x44: {  	s4 =	sshra.s32 s3, $0x2;
	[tilespmem:v2+s2+$0x0] =	vst.idx.add.f32.msk $0xffff, v1  }
0x45: {  	s3 =	sadd.s32 $0x40, s3;
	v2 =	vld [tilespmem:s4+$0x2000]  }
0x46: {  	_ =	sdelay $0x3  }
0x47: {  	v2 =	vmul.u32 $0x11, v2;
	_ =	sdelay $0x1  }
0x48: {  	v3 =	vld [tilespmem:s4+$0x0];
	v0 =	vadd.s32 v0, v2;
	_ =	sdelay $0x4  }
0x49: {  	[tilespmem:v0+s1+$0x0] =	vst.idx.add.f32.msk $0xffff, v3  }
0x4a: {  	s4 =	simm.s32 $0x0;
	s5 =	simm.s32 $0x1;
	[tilespmem:v0+s2+$0x0] =	vst.idx.add.f32.msk $0xffff, v1  }
0x4b: {  	[tilespmem:s4], [sflag:$0x1] =	stream.linear.gather [hbm4b:s0+s4], $0x2000, $0x38;
	[tilespmem:$0x1FAA0] =	vst v63  }
0x4c: {  	_ =	swait.ge [sflag:s5], $0x2000  }
0x4d: {  	[sflag:s5] =	ssyncset.done $0x0  }
0x4e: {  	s6 =	simm.s32 $0x2000;
	[sflag:s5] =	ssyncadd.s32 $0xFFFFE000  }
0x4f: {  	[tilespmem:s6], [sflag:$0x1] =	stream.linear.gather [hbm4b:s31+s4], $0x2000, $0x38;
	[tilespmem:$0x1FAA0] =	vst v63  }
0x50: {  	_ =	swait.ge [sflag:s5], $0x2000  }
0x51: {  	s3 =	simm.s32 $0x0;
	[sflag:s5] =	ssyncset.done $0x0  }
0x52: {  	s1 =	simm.s32 $0xC800;
	s2 =	simm.s32 $0x40;
	[sflag:s5] =	ssyncadd.s32 $0xFFFFE000  }
0x53: {  	v0 =	vlaneseq.u32;
	v1 =	vimm.f32 $1.000000000e+00;
	s0 =	simm.s32 $0x4000;
	s6 =	smov.u32 s9;
	s5 =	smov.u32 s19;
	v2 =	vld [tilespmem:s3+$0x2000]  }
.LBB2_5:
0x54: {  	p0 =	sne.s32 s2, $0x7FC0;
	_ =	sdelay $0x3  }
0x55: {  	v2 =	vmul.u32 $0x11, v2;
	_ =	sdelay $0x1  }
0x56: {  	v3 =	vld [tilespmem:s3+$0x0];
	v2 =	vadd.s32 v0, v2;
	_ =	sdelay $0x2  }
.Ltmp2:
0x57: {  	(pc) =	sbr.rel @p0 .LBB2_5-.Ltmp2, $4  }
0x58: {  	_ = 	snop  }
0x59: {  	[tilespmem:v2+s0+$0x0] =	vst.idx.add.f32.msk $0xffff, v3  }
0x5a: {  	s3 =	sshra.s32 s2, $0x2;
	[tilespmem:v2+s1+$0x0] =	vst.idx.add.f32.msk $0xffff, v1  }
0x5b: {  	s2 =	sadd.s32 $0x40, s2;
	v2 =	vld [tilespmem:s3+$0x2000]  }
0x5c: {  	_ =	sdelay $0x3  }
0x5d: {  	v2 =	vmul.u32 $0x11, v2;
	_ =	sdelay $0x1  }
0x5e: {  	v3 =	vld [tilespmem:s3+$0x0];
	v0 =	vadd.s32 v0, v2;
	_ =	sdelay $0x4  }
0x5f: {  	[tilespmem:v0+s0+$0x0] =	vst.idx.add.f32.msk $0xffff, v3  }
0x60: {  	s19 =	simm.s32 $0x0;
	s31 =	simm.s32 $0x1;
	[tilespmem:v0+s1+$0x0] =	vst.idx.add.f32.msk $0xffff, v1  }
0x61: {  	[tilespmem:s19], [sflag:$0x1] =	stream.linear.gather [hbm4b:s29+s19], $0x2000, $0x38;
	[tilespmem:$0x1FAA0] =	vst v63  }
0x62: {  	_ =	swait.ge [sflag:s31], $0x2000  }
0x63: {  	[sflag:s31] =	ssyncset.done $0x0  }
0x64: {  	s2 =	simm.s32 $0x2000;
	[sflag:s31] =	ssyncadd.s32 $0xFFFFE000  }
0x65: {  	[tilespmem:s2], [sflag:$0x1] =	stream.linear.gather [hbm4b:s30+s19], $0x2000, $0x38;
	[tilespmem:$0x1FAA0] =	vst v63  }
0x66: {  	_ =	swait.ge [sflag:s31], $0x2000  }
0x67: {  	s3 =	simm.s32 $0x0;
	s4 =	smov.u32 s15;
	[sflag:s31] =	ssyncset.done $0x0  }
0x68: {  	s9 =	smov.u32 s10;
	s0 =	simm.s32 $0x4000;
	[sflag:s31] =	ssyncadd.s32 $0xFFFFE000  }
0x69: {  	v0 =	vlaneseq.u32;
	v1 =	vimm.f32 $1.000000000e+00;
	s1 =	simm.s32 $0xC800;
	s2 =	simm.s32 $0x40;
	s19 =	smov.u32 s20;
	v2 =	vld [tilespmem:s3+$0x2000]  }
.LBB2_7:
0x6a: {  	p0 =	sne.s32 s2, $0x7FC0;
	_ =	sdelay $0x3  }
0x6b: {  	v2 =	vmul.u32 $0x11, v2;
	_ =	sdelay $0x1  }
0x6c: {  	v3 =	vld [tilespmem:s3+$0x0];
	v2 =	vadd.s32 v0, v2;
	_ =	sdelay $0x2  }
.Ltmp3:
0x6d: {  	(pc) =	sbr.rel @p0 .LBB2_7-.Ltmp3, $4  }
0x6e: {  	_ = 	snop  }
0x6f: {  	[tilespmem:v2+s0+$0x0] =	vst.idx.add.f32.msk $0xffff, v3  }
0x70: {  	s3 =	sshra.s32 s2, $0x2;
	[tilespmem:v2+s1+$0x0] =	vst.idx.add.f32.msk $0xffff, v1  }
0x71: {  	s2 =	sadd.s32 $0x40, s2;
	v2 =	vld [tilespmem:s3+$0x2000]  }
0x72: {  	_ =	sdelay $0x3  }
0x73: {  	v2 =	vmul.u32 $0x11, v2;
	_ =	sdelay $0x1  }
0x74: {  	v3 =	vld [tilespmem:s3+$0x0];
	v0 =	vadd.s32 v0, v2;
	_ =	sdelay $0x4  }
0x75: {  	[tilespmem:v0+s0+$0x0] =	vst.idx.add.f32.msk $0xffff, v3  }
0x76: {  	s30 =	simm.s32 $0x0;
	s31 =	simm.s32 $0x1;
	[tilespmem:v0+s1+$0x0] =	vst.idx.add.f32.msk $0xffff, v1  }
0x77: {  	[tilespmem:s30], [sflag:$0x1] =	stream.linear.gather [hbm4b:s28+s30], $0x2000, $0x38;
	[tilespmem:$0x1FAA0] =	vst v63  }
0x78: {  	_ =	swait.ge [sflag:s31], $0x2000  }
0x79: {  	[sflag:s31] =	ssyncset.done $0x0  }
0x7a: {  	s2 =	simm.s32 $0x2000;
	[sflag:s31] =	ssyncadd.s32 $0xFFFFE000  }
0x7b: {  	[tilespmem:s2], [sflag:$0x1] =	stream.linear.gather [hbm4b:s26+s30], $0x2000, $0x38;
	[tilespmem:$0x1FAA0] =	vst v63  }
0x7c: {  	_ =	swait.ge [sflag:s31], $0x2000  }
0x7d: {  	s3 =	simm.s32 $0x0;
	[sflag:s31] =	ssyncset.done $0x0  }
0x7e: {  	s10 =	smov.u32 s11;
	s15 =	smov.u32 s17;
	[sflag:s31] =	ssyncadd.s32 $0xFFFFE000  }
0x7f: {  	s0 =	simm.s32 $0x4000;
	v0 =	vlaneseq.u32;
	v1 =	vimm.f32 $1.000000000e+00;
	s1 =	simm.s32 $0xC800;
	s2 =	simm.s32 $0x40;
	v2 =	vld [tilespmem:s3+$0x2000]  }
.LBB2_9:
0x80: {  	p0 =	sne.s32 s2, $0x7FC0;
	_ =	sdelay $0x3  }
0x81: {  	v2 =	vmul.u32 $0x11, v2;
	_ =	sdelay $0x1  }
0x82: {  	v3 =	vld [tilespmem:s3+$0x0];
	v2 =	vadd.s32 v0, v2;
	_ =	sdelay $0x2  }
.Ltmp4:
0x83: {  	(pc) =	sbr.rel @p0 .LBB2_9-.Ltmp4, $4  }
0x84: {  	_ = 	snop  }
0x85: {  	[tilespmem:v2+s0+$0x0] =	vst.idx.add.f32.msk $0xffff, v3  }
0x86: {  	s3 =	sshra.s32 s2, $0x2;
	[tilespmem:v2+s1+$0x0] =	vst.idx.add.f32.msk $0xffff, v1  }
0x87: {  	s2 =	sadd.s32 $0x40, s2;
	v2 =	vld [tilespmem:s3+$0x2000]  }
0x88: {  	_ =	sdelay $0x3  }
0x89: {  	v2 =	vmul.u32 $0x11, v2;
	_ =	sdelay $0x1  }
0x8a: {  	v3 =	vld [tilespmem:s3+$0x0];
	v0 =	vadd.s32 v0, v2;
	_ =	sdelay $0x4  }
0x8b: {  	[tilespmem:v0+s0+$0x0] =	vst.idx.add.f32.msk $0xffff, v3  }
0x8c: {  	s30 =	simm.s32 $0x0;
	s31 =	simm.s32 $0x1;
	[tilespmem:v0+s1+$0x0] =	vst.idx.add.f32.msk $0xffff, v1  }
0x8d: {  	[tilespmem:s30], [sflag:$0x1] =	stream.linear.gather [hbm4b:s25+s30], $0x2000, $0x38;
	[tilespmem:$0x1FAA0] =	vst v63  }
0x8e: {  	_ =	swait.ge [sflag:s31], $0x2000  }
0x8f: {  	[sflag:s31] =	ssyncset.done $0x0  }
0x90: {  	s2 =	simm.s32 $0x2000;
	[sflag:s31] =	ssyncadd.s32 $0xFFFFE000  }
0x91: {  	[tilespmem:s2], [sflag:$0x1] =	stream.linear.gather [hbm4b:s24+s30], $0x2000, $0x38;
	[tilespmem:$0x1FAA0] =	vst v63  }
0x92: {  	_ =	swait.ge [sflag:s31], $0x2000  }
0x93: {  	s3 =	simm.s32 $0x0;
	[sflag:s31] =	ssyncset.done $0x0  }
0x94: {  	s11 =	smov.u32 s12;
	s17 =	smov.u32 s8;
	[sflag:s31] =	ssyncadd.s32 $0xFFFFE000  }
0x95: {  	s0 =	simm.s32 $0x4000;
	v0 =	vlaneseq.u32;
	v1 =	vimm.f32 $1.000000000e+00;
	s1 =	simm.s32 $0xC800;
	s2 =	simm.s32 $0x40;
	v2 =	vld [tilespmem:s3+$0x2000]  }
.LBB2_11:
0x96: {  	p0 =	sne.s32 s2, $0x7FC0;
	_ =	sdelay $0x3  }
0x97: {  	v2 =	vmul.u32 $0x11, v2;
	_ =	sdelay $0x1  }
0x98: {  	v3 =	vld [tilespmem:s3+$0x0];
	v2 =	vadd.s32 v0, v2;
	_ =	sdelay $0x2  }
.Ltmp5:
0x99: {  	(pc) =	sbr.rel @p0 .LBB2_11-.Ltmp5, $4  }
0x9a: {  	_ = 	snop  }
0x9b: {  	[tilespmem:v2+s0+$0x0] =	vst.idx.add.f32.msk $0xffff, v3  }
0x9c: {  	s3 =	sshra.s32 s2, $0x2;
	[tilespmem:v2+s1+$0x0] =	vst.idx.add.f32.msk $0xffff, v1  }
0x9d: {  	s2 =	sadd.s32 $0x40, s2;
	v2 =	vld [tilespmem:s3+$0x2000]  }
0x9e: {  	_ =	sdelay $0x3  }
0x9f: {  	v2 =	vmul.u32 $0x11, v2;
	_ =	sdelay $0x1  }
0xa0: {  	v3 =	vld [tilespmem:s3+$0x0];
	v0 =	vadd.s32 v0, v2;
	_ =	sdelay $0x4  }
0xa1: {  	[tilespmem:v0+s0+$0x0] =	vst.idx.add.f32.msk $0xffff, v3  }
0xa2: {  	s30 =	simm.s32 $0x0;
	s31 =	simm.s32 $0x1;
	[tilespmem:v0+s1+$0x0] =	vst.idx.add.f32.msk $0xffff, v1  }
0xa3: {  	[tilespmem:s30], [sflag:$0x1] =	stream.linear.gather [hbm4b:s23+s30], $0x2000, $0x38;
	[tilespmem:$0x1FAA0] =	vst v63  }
0xa4: {  	_ =	swait.ge [sflag:s31], $0x2000  }
0xa5: {  	[sflag:s31] =	ssyncset.done $0x0  }
0xa6: {  	s2 =	simm.s32 $0x2000;
	[sflag:s31] =	ssyncadd.s32 $0xFFFFE000  }
0xa7: {  	[tilespmem:s2], [sflag:$0x1] =	stream.linear.gather [hbm4b:s22+s30], $0x2000, $0x38;
	[tilespmem:$0x1FAA0] =	vst v63  }
0xa8: {  	_ =	swait.ge [sflag:s31], $0x2000  }
0xa9: {  	s3 =	simm.s32 $0x0;
	[sflag:s31] =	ssyncset.done $0x0  }
0xaa: {  	s12 =	smov.u32 s13;
	s8 =	smov.u32 s16;
	[sflag:s31] =	ssyncadd.s32 $0xFFFFE000  }
0xab: {  	s0 =	simm.s32 $0x4000;
	v0 =	vlaneseq.u32;
	v1 =	vimm.f32 $1.000000000e+00;
	s1 =	simm.s32 $0xC800;
	s2 =	simm.s32 $0x40;
	v2 =	vld [tilespmem:s3+$0x2000]  }
.LBB2_13:
0xac: {  	p0 =	sne.s32 s2, $0x7FC0;
	_ =	sdelay $0x3  }
0xad: {  	v2 =	vmul.u32 $0x11, v2;
	_ =	sdelay $0x1  }
0xae: {  	v3 =	vld [tilespmem:s3+$0x0];
	v2 =	vadd.s32 v0, v2;
	_ =	sdelay $0x2  }
.Ltmp6:
0xaf: {  	(pc) =	sbr.rel @p0 .LBB2_13-.Ltmp6, $4  }
0xb0: {  	_ = 	snop  }
0xb1: {  	[tilespmem:v2+s0+$0x0] =	vst.idx.add.f32.msk $0xffff, v3  }
0xb2: {  	s3 =	sshra.s32 s2, $0x2;
	[tilespmem:v2+s1+$0x0] =	vst.idx.add.f32.msk $0xffff, v1  }
0xb3: {  	s2 =	sadd.s32 $0x40, s2;
	v2 =	vld [tilespmem:s3+$0x2000]  }
0xb4: {  	_ =	sdelay $0x3  }
0xb5: {  	v2 =	vmul.u32 $0x11, v2;
	_ =	sdelay $0x1  }
0xb6: {  	v3 =	vld [tilespmem:s3+$0x0];
	v0 =	vadd.s32 v0, v2;
	_ =	sdelay $0x4  }
0xb7: {  	[tilespmem:v0+s0+$0x0] =	vst.idx.add.f32.msk $0xffff, v3  }
0xb8: {  	s28 =	simm.s32 $0x0;
	s29 =	rddreg [dreg:$0x8];
	s30 =	simm.s32 $0x1;
	[tilespmem:v0+s1+$0x0] =	vst.idx.add.f32.msk $0xffff, v1  }
0xb9: {  	[tilespmem:s28], [sflag:$0x1] =	stream.linear.gather [hbm4b:s29+s28], $0x2000, $0x38;
	[tilespmem:$0x1FAA0] =	vst v63  }
0xba: {  	_ =	swait.ge [sflag:s30], $0x2000  }
0xbb: {  	[sflag:s30] =	ssyncset.done $0x0  }
0xbc: {  	s2 =	simm.s32 $0x2000;
	s31 =	rddreg [dreg:$0x7];
	[sflag:s30] =	ssyncadd.s32 $0xFFFFE000  }
0xbd: {  	[tilespmem:s2], [sflag:$0x1] =	stream.linear.gather [hbm4b:s31+s28], $0x2000, $0x38;
	[tilespmem:$0x1FAA0] =	vst v63  }
0xbe: {  	_ =	swait.ge [sflag:s30], $0x2000  }
0xbf: {  	[sflag:s30] =	ssyncset.done $0x0  }
0xc0: {  	s3 =	simm.s32 $0x0;
	s13 =	smov.u32 s14;
	[sflag:s30] =	ssyncadd.s32 $0xFFFFE000  }
0xc1: {  	s0 =	simm.s32 $0x4000;
	v0 =	vlaneseq.u32;
	v1 =	vimm.f32 $1.000000000e+00;
	s1 =	simm.s32 $0xC800;
	s2 =	simm.s32 $0x40;
	v2 =	vld [tilespmem:s3+$0x2000]  }
.LBB2_15:
0xc2: {  	p0 =	sne.s32 s2, $0x7FC0;
	_ =	sdelay $0x3  }
0xc3: {  	v2 =	vmul.u32 $0x11, v2;
	_ =	sdelay $0x1  }
0xc4: {  	v3 =	vld [tilespmem:s3+$0x0];
	v2 =	vadd.s32 v0, v2;
	_ =	sdelay $0x2  }
.Ltmp7:
0xc5: {  	(pc) =	sbr.rel @p0 .LBB2_15-.Ltmp7, $4  }
0xc6: {  	_ = 	snop  }
0xc7: {  	[tilespmem:v2+s0+$0x0] =	vst.idx.add.f32.msk $0xffff, v3  }
0xc8: {  	s3 =	sshra.s32 s2, $0x2;
	[tilespmem:v2+s1+$0x0] =	vst.idx.add.f32.msk $0xffff, v1  }
0xc9: {  	s2 =	sadd.s32 $0x40, s2;
	v2 =	vld [tilespmem:s3+$0x2000]  }
0xca: {  	_ =	sdelay $0x3  }
0xcb: {  	v2 =	vmul.u32 $0x11, v2;
	_ =	sdelay $0x1  }
0xcc: {  	v3 =	vld [tilespmem:s3+$0x0];
	v0 =	vadd.s32 v0, v2;
	_ =	sdelay $0x4  }
0xcd: {  	[tilespmem:v0+s0+$0x0] =	vst.idx.add.f32.msk $0xffff, v3  }
0xce: {  	s28 =	simm.s32 $0x4000;
	s29 =	simm.s32 $0x1;
	[tilespmem:v0+s1+$0x0] =	vst.idx.add.f32.msk $0xffff, v1  }
0xcf: {  	[spmem:s21] =	stream.linear.scatter [tilespmem:s28], [sflag:$0x1], $0x8800, $0x38;
	[tilespmem:$0x1FAA0] =	vst v63  }
0xd0: {  	_ =	swait.ge [sflag:s29], $0x8800  }
0xd1: {  	[sflag:s29] =	ssyncset.done $0x0  }
0xd2: {  	[sflag:s29] =	ssyncadd.s32 $0xFFFF7800  }
0xd3: {  	s30 =	simm.s32 $0x1D800;
	[bflag:$0x0] =	sbarrier.arrive $0xFFFF  }
0xd4: {  	[tilespmem:s30], [sflag:$0x1] =	stream.linear.gather [spmem:s18], $0x880, $0x38;
	[tilespmem:$0x1FAA0] =	vst v63  }
0xd5: {  	_ =	swait.ge [sflag:s29], $0x880  }
0xd6: {  	[sflag:s29] =	ssyncset.done $0x0  }
0xd7: {  	s31 =	simm.s32 $0x1E900;
	[sflag:s29] =	ssyncadd.s32 $0xFFFFF780  }
0xd8: {  	[tilespmem:s31], [sflag:$0x1] =	stream.linear.gather [spmem:s19], $0x880, $0x38;
	[tilespmem:$0x1FAA0] =	vst v63  }
0xd9: {  	_ =	swait.ge [sflag:s29], $0x880  }
0xda: {  	[sflag:s29] =	ssyncset.done $0x0  }
0xdb: {  	s0 =	simm.s32 $0x1D820;
	[sflag:s29] =	ssyncadd.s32 $0xFFFFF780  }
0xdc: {  	s1 =	simm.s32 $0x1E920;
	v5 =	vld [tilespmem:s0+$0x10]  }
0xdd: {  	v6 =	vld [tilespmem:s1+$0x10]  }
0xde: {  	v2 =	vld [tilespmem:s1+$0xFFFFFFE0]  }
0xdf: {  	v0 =	vld [tilespmem:s0+$0xFFFFFFF0]  }
0xe0: {  	v4 =	vld [tilespmem:s1+$0xFFFFFFF0]  }
0xe1: {  	v1 =	vld [tilespmem:s0+$0x0]  }
0xe2: {  	v3 =	vld [tilespmem:s1+$0x0];
	v6 =	vadd.f32 v6, v5  }
0xe3: {  	s2 =	simm.s32 $0x0;
	s3 =	simm.s32 $0x1D860;
	s14 =	smov.u32 s7;
	v5 =	vld [tilespmem:s0+$0xFFFFFFE0]  }
.LBB2_17:
0xe4: {  	v7 =	vld [tilespmem:s3+$0x10];
	[tilespmem:s0+$0x10] =	vst v6;
	s1 =	sadd.s32 $0x40, s1  }
0xe5: {  	s2 =	sadd.s32 $0x4, s2;
	v6 =	vld [tilespmem:s1+$0x10];
	v4 =	vadd.f32 v4, v0  }
0xe6: {  	p0 =	slt.u32 s2, $0x84;
	v8 =	vld [tilespmem:s1+$0xFFFFFFE0]  }
.Ltmp8:
0xe7: {  	v0 =	vld [tilespmem:s3+$0xFFFFFFF0];
	[tilespmem:s0+$0xFFFFFFF0] =	vst v4;
	v3 =	vadd.f32 v3, v1;
	(pc) =	sbr.rel @p0 .LBB2_17-.Ltmp8, $4  }
0xe8: {  	v4 =	vld [tilespmem:s1+$0xFFFFFFF0];
	v9 =	vadd.f32 v2, v5  }
0xe9: {  	v1 =	vld [tilespmem:s3+$0x0];
	[tilespmem:s0+$0x0] =	vst v3  }
0xea: {  	v3 =	vld [tilespmem:s1+$0x0];
	v6 =	vadd.f32 v6, v7;
	[tilespmem:s0+$0xFFFFFFE0] =	vst v9;
	s0 =	smov.u32 s3  }
0xeb: {  	s3 =	sadd.s32 $0x40, s3;
	v5 =	vld [tilespmem:s0+$0xFFFFFFE0];
	v2 =	vmov v8  }
0xec: {  	_ =	sdelay $0x1  }
0xed: {  	v0 =	vadd.f32 v4, v0  }
0xee: {  	[tilespmem:s0+$0x10] =	vst v6;
	v1 =	vadd.f32 v3, v1  }
0xef: {  	[tilespmem:s0+$0xFFFFFFF0] =	vst v0;
	v0 =	vadd.f32 v2, v5  }
0xf0: {  	[tilespmem:s0+$0x0] =	vst v1  }
0xf1: {  	s30 =	simm.s32 $0x1E900;
	s31 =	simm.s32 $0x1;
	[tilespmem:s0+$0xFFFFFFE0] =	vst v0  }
0xf2: {  	[tilespmem:s30], [sflag:$0x1] =	stream.linear.gather [spmem:s8], $0x880, $0x38;
	[tilespmem:$0x1FAA0] =	vst v63  }
0xf3: {  	_ =	swait.ge [sflag:s31], $0x880  }
0xf4: {  	[sflag:s31] =	ssyncset.done $0x0  }
0xf5: {  	s0 =	simm.s32 $0x1D820;
	[sflag:s31] =	ssyncadd.s32 $0xFFFFF780  }
0xf6: {  	s1 =	simm.s32 $0x1E920;
	v5 =	vld [tilespmem:s0+$0x10]  }
0xf7: {  	v6 =	vld [tilespmem:s1+$0x10]  }
0xf8: {  	v2 =	vld [tilespmem:s1+$0xFFFFFFE0]  }
0xf9: {  	v0 =	vld [tilespmem:s0+$0xFFFFFFF0]  }
0xfa: {  	v4 =	vld [tilespmem:s1+$0xFFFFFFF0]  }
0xfb: {  	v1 =	vld [tilespmem:s0+$0x0]  }
0xfc: {  	v3 =	vld [tilespmem:s1+$0x0];
	v6 =	vadd.f32 v6, v5  }
0xfd: {  	s2 =	simm.s32 $0x0;
	s3 =	simm.s32 $0x1D860;
	s7 =	rddreg [dreg:$0x6];
	v5 =	vld [tilespmem:s0+$0xFFFFFFE0]  }
.LBB2_19:
0xfe: {  	v7 =	vld [tilespmem:s3+$0x10];
	[tilespmem:s0+$0x10] =	vst v6;
	s1 =	sadd.s32 $0x40, s1  }
0xff: {  	s2 =	sadd.s32 $0x4, s2;
	v6 =	vld [tilespmem:s1+$0x10];
	v4 =	vadd.f32 v4, v0  }
0x100: {  	p0 =	slt.u32 s2, $0x84;
	v8 =	vld [tilespmem:s1+$0xFFFFFFE0]  }
.Ltmp9:
0x101: {  	v0 =	vld [tilespmem:s3+$0xFFFFFFF0];
	[tilespmem:s0+$0xFFFFFFF0] =	vst v4;
	v3 =	vadd.f32 v3, v1;
	(pc) =	sbr.rel @p0 .LBB2_19-.Ltmp9, $4  }
0x102: {  	v4 =	vld [tilespmem:s1+$0xFFFFFFF0];
	v9 =	vadd.f32 v2, v5  }
0x103: {  	v1 =	vld [tilespmem:s3+$0x0];
	[tilespmem:s0+$0x0] =	vst v3  }
0x104: {  	v3 =	vld [tilespmem:s1+$0x0];
	v6 =	vadd.f32 v6, v7;
	[tilespmem:s0+$0xFFFFFFE0] =	vst v9;
	s0 =	smov.u32 s3  }
0x105: {  	s3 =	sadd.s32 $0x40, s3;
	v5 =	vld [tilespmem:s0+$0xFFFFFFE0];
	v2 =	vmov v8  }
0x106: {  	_ =	sdelay $0x1  }
0x107: {  	v0 =	vadd.f32 v4, v0  }
0x108: {  	[tilespmem:s0+$0x10] =	vst v6;
	v1 =	vadd.f32 v3, v1  }
0x109: {  	[tilespmem:s0+$0xFFFFFFF0] =	vst v0;
	v0 =	vadd.f32 v2, v5  }
0x10a: {  	[tilespmem:s0+$0x0] =	vst v1  }
0x10b: {  	s30 =	simm.s32 $0x1E900;
	s31 =	simm.s32 $0x1;
	[tilespmem:s0+$0xFFFFFFE0] =	vst v0  }
0x10c: {  	[tilespmem:s30], [sflag:$0x1] =	stream.linear.gather [spmem:s17], $0x880, $0x38;
	[tilespmem:$0x1FAA0] =	vst v63  }
0x10d: {  	_ =	swait.ge [sflag:s31], $0x880  }
0x10e: {  	[sflag:s31] =	ssyncset.done $0x0  }
0x10f: {  	s0 =	simm.s32 $0x1D820;
	[sflag:s31] =	ssyncadd.s32 $0xFFFFF780  }
0x110: {  	s1 =	simm.s32 $0x1E920;
	v5 =	vld [tilespmem:s0+$0x10]  }
0x111: {  	v6 =	vld [tilespmem:s1+$0x10]  }
0x112: {  	v2 =	vld [tilespmem:s1+$0xFFFFFFE0]  }
0x113: {  	v0 =	vld [tilespmem:s0+$0xFFFFFFF0]  }
0x114: {  	v4 =	vld [tilespmem:s1+$0xFFFFFFF0]  }
0x115: {  	v1 =	vld [tilespmem:s0+$0x0]  }
0x116: {  	v3 =	vld [tilespmem:s1+$0x0];
	v6 =	vadd.f32 v6, v5  }
0x117: {  	s2 =	simm.s32 $0x0;
	s3 =	simm.s32 $0x1D860;
	s16 =	rddreg [dreg:$0x5];
	v5 =	vld [tilespmem:s0+$0xFFFFFFE0]  }
.LBB2_21:
0x118: {  	v7 =	vld [tilespmem:s3+$0x10];
	[tilespmem:s0+$0x10] =	vst v6;
	s1 =	sadd.s32 $0x40, s1  }
0x119: {  	s2 =	sadd.s32 $0x4, s2;
	v6 =	vld [tilespmem:s1+$0x10];
	v4 =	vadd.f32 v4, v0  }
0x11a: {  	p0 =	slt.u32 s2, $0x84;
	v8 =	vld [tilespmem:s1+$0xFFFFFFE0]  }
.Ltmp10:
0x11b: {  	v0 =	vld [tilespmem:s3+$0xFFFFFFF0];
	[tilespmem:s0+$0xFFFFFFF0] =	vst v4;
	v3 =	vadd.f32 v3, v1;
	(pc) =	sbr.rel @p0 .LBB2_21-.Ltmp10, $4  }
0x11c: {  	v4 =	vld [tilespmem:s1+$0xFFFFFFF0];
	v9 =	vadd.f32 v2, v5  }
0x11d: {  	v1 =	vld [tilespmem:s3+$0x0];
	[tilespmem:s0+$0x0] =	vst v3  }
0x11e: {  	v3 =	vld [tilespmem:s1+$0x0];
	v6 =	vadd.f32 v6, v7;
	[tilespmem:s0+$0xFFFFFFE0] =	vst v9;
	s0 =	smov.u32 s3  }
0x11f: {  	s3 =	sadd.s32 $0x40, s3;
	v5 =	vld [tilespmem:s0+$0xFFFFFFE0];
	v2 =	vmov v8  }
0x120: {  	_ =	sdelay $0x1  }
0x121: {  	v0 =	vadd.f32 v4, v0  }
0x122: {  	[tilespmem:s0+$0x10] =	vst v6;
	v1 =	vadd.f32 v3, v1  }
0x123: {  	[tilespmem:s0+$0xFFFFFFF0] =	vst v0;
	v0 =	vadd.f32 v2, v5  }
0x124: {  	[tilespmem:s0+$0x0] =	vst v1  }
0x125: {  	s30 =	simm.s32 $0x1E900;
	s31 =	simm.s32 $0x1;
	[tilespmem:s0+$0xFFFFFFE0] =	vst v0  }
0x126: {  	[tilespmem:s30], [sflag:$0x1] =	stream.linear.gather [spmem:s16], $0x880, $0x38;
	[tilespmem:$0x1FAA0] =	vst v63  }
0x127: {  	_ =	swait.ge [sflag:s31], $0x880  }
0x128: {  	[sflag:s31] =	ssyncset.done $0x0  }
0x129: {  	s0 =	simm.s32 $0x1D820;
	[sflag:s31] =	ssyncadd.s32 $0xFFFFF780  }
0x12a: {  	s1 =	simm.s32 $0x1E920;
	v5 =	vld [tilespmem:s0+$0x10]  }
0x12b: {  	v6 =	vld [tilespmem:s1+$0x10]  }
0x12c: {  	v2 =	vld [tilespmem:s1+$0xFFFFFFE0]  }
0x12d: {  	v0 =	vld [tilespmem:s0+$0xFFFFFFF0]  }
0x12e: {  	v4 =	vld [tilespmem:s1+$0xFFFFFFF0]  }
0x12f: {  	v1 =	vld [tilespmem:s0+$0x0]  }
0x130: {  	v3 =	vld [tilespmem:s1+$0x0];
	v6 =	vadd.f32 v6, v5  }
0x131: {  	s2 =	simm.s32 $0x0;
	s3 =	simm.s32 $0x1D860;
	v5 =	vld [tilespmem:s0+$0xFFFFFFE0]  }
.LBB2_23:
0x132: {  	v7 =	vld [tilespmem:s3+$0x10];
	[tilespmem:s0+$0x10] =	vst v6;
	s1 =	sadd.s32 $0x40, s1  }
0x133: {  	s2 =	sadd.s32 $0x4, s2;
	v6 =	vld [tilespmem:s1+$0x10];
	v4 =	vadd.f32 v4, v0  }
0x134: {  	p0 =	slt.u32 s2, $0x84;
	v8 =	vld [tilespmem:s1+$0xFFFFFFE0]  }
.Ltmp11:
0x135: {  	v0 =	vld [tilespmem:s3+$0xFFFFFFF0];
	[tilespmem:s0+$0xFFFFFFF0] =	vst v4;
	v3 =	vadd.f32 v3, v1;
	(pc) =	sbr.rel @p0 .LBB2_23-.Ltmp11, $4  }
0x136: {  	v4 =	vld [tilespmem:s1+$0xFFFFFFF0];
	v9 =	vadd.f32 v2, v5  }
0x137: {  	v1 =	vld [tilespmem:s3+$0x0];
	[tilespmem:s0+$0x0] =	vst v3  }
0x138: {  	v3 =	vld [tilespmem:s1+$0x0];
	v6 =	vadd.f32 v6, v7;
	[tilespmem:s0+$0xFFFFFFE0] =	vst v9;
	s0 =	smov.u32 s3  }
0x139: {  	s3 =	sadd.s32 $0x40, s3;
	v5 =	vld [tilespmem:s0+$0xFFFFFFE0];
	v2 =	vmov v8  }
0x13a: {  	_ =	sdelay $0x1  }
0x13b: {  	v0 =	vadd.f32 v4, v0  }
0x13c: {  	[tilespmem:s0+$0x10] =	vst v6;
	v1 =	vadd.f32 v3, v1  }
0x13d: {  	[tilespmem:s0+$0xFFFFFFF0] =	vst v0;
	v0 =	vadd.f32 v2, v5  }
0x13e: {  	[tilespmem:s0+$0x0] =	vst v1  }
0x13f: {  	s30 =	simm.s32 $0x1E900;
	s31 =	simm.s32 $0x1;
	[tilespmem:s0+$0xFFFFFFE0] =	vst v0  }
0x140: {  	[tilespmem:s30], [sflag:$0x1] =	stream.linear.gather [spmem:s15], $0x880, $0x38;
	[tilespmem:$0x1FAA0] =	vst v63  }
0x141: {  	_ =	swait.ge [sflag:s31], $0x880  }
0x142: {  	[sflag:s31] =	ssyncset.done $0x0  }
0x143: {  	s0 =	simm.s32 $0x1D820;
	[sflag:s31] =	ssyncadd.s32 $0xFFFFF780  }
0x144: {  	s1 =	simm.s32 $0x1E920;
	v5 =	vld [tilespmem:s0+$0x10]  }
0x145: {  	v6 =	vld [tilespmem:s1+$0x10]  }
0x146: {  	v2 =	vld [tilespmem:s1+$0xFFFFFFE0]  }
0x147: {  	v0 =	vld [tilespmem:s0+$0xFFFFFFF0]  }
0x148: {  	v4 =	vld [tilespmem:s1+$0xFFFFFFF0]  }
0x149: {  	v1 =	vld [tilespmem:s0+$0x0]  }
0x14a: {  	v3 =	vld [tilespmem:s1+$0x0];
	v6 =	vadd.f32 v6, v5  }
0x14b: {  	s2 =	simm.s32 $0x0;
	s3 =	simm.s32 $0x1D860;
	v5 =	vld [tilespmem:s0+$0xFFFFFFE0]  }
.LBB2_25:
0x14c: {  	v7 =	vld [tilespmem:s3+$0x10];
	[tilespmem:s0+$0x10] =	vst v6;
	s1 =	sadd.s32 $0x40, s1  }
0x14d: {  	s2 =	sadd.s32 $0x4, s2;
	v6 =	vld [tilespmem:s1+$0x10];
	v4 =	vadd.f32 v4, v0  }
0x14e: {  	p0 =	slt.u32 s2, $0x84;
	v8 =	vld [tilespmem:s1+$0xFFFFFFE0]  }
.Ltmp12:
0x14f: {  	v0 =	vld [tilespmem:s3+$0xFFFFFFF0];
	[tilespmem:s0+$0xFFFFFFF0] =	vst v4;
	v3 =	vadd.f32 v3, v1;
	(pc) =	sbr.rel @p0 .LBB2_25-.Ltmp12, $4  }
0x150: {  	v4 =	vld [tilespmem:s1+$0xFFFFFFF0];
	v9 =	vadd.f32 v2, v5  }
0x151: {  	v1 =	vld [tilespmem:s3+$0x0];
	[tilespmem:s0+$0x0] =	vst v3  }
0x152: {  	v3 =	vld [tilespmem:s1+$0x0];
	v6 =	vadd.f32 v6, v7;
	[tilespmem:s0+$0xFFFFFFE0] =	vst v9;
	s0 =	smov.u32 s3  }
0x153: {  	s3 =	sadd.s32 $0x40, s3;
	v5 =	vld [tilespmem:s0+$0xFFFFFFE0];
	v2 =	vmov v8  }
0x154: {  	_ =	sdelay $0x1  }
0x155: {  	v0 =	vadd.f32 v4, v0  }
0x156: {  	[tilespmem:s0+$0x10] =	vst v6;
	v1 =	vadd.f32 v3, v1  }
0x157: {  	[tilespmem:s0+$0xFFFFFFF0] =	vst v0;
	v0 =	vadd.f32 v2, v5  }
0x158: {  	[tilespmem:s0+$0x0] =	vst v1  }
0x159: {  	s30 =	simm.s32 $0x1E900;
	s31 =	simm.s32 $0x1;
	[tilespmem:s0+$0xFFFFFFE0] =	vst v0  }
0x15a: {  	[tilespmem:s30], [sflag:$0x1] =	stream.linear.gather [spmem:s7], $0x880, $0x38;
	[tilespmem:$0x1FAA0] =	vst v63  }
0x15b: {  	_ =	swait.ge [sflag:s31], $0x880  }
0x15c: {  	[sflag:s31] =	ssyncset.done $0x0  }
0x15d: {  	s0 =	simm.s32 $0x1D820;
	[sflag:s31] =	ssyncadd.s32 $0xFFFFF780  }
0x15e: {  	s1 =	simm.s32 $0x1E920;
	v5 =	vld [tilespmem:s0+$0x10]  }
0x15f: {  	v6 =	vld [tilespmem:s1+$0x10]  }
0x160: {  	v2 =	vld [tilespmem:s1+$0xFFFFFFE0]  }
0x161: {  	v0 =	vld [tilespmem:s0+$0xFFFFFFF0]  }
0x162: {  	v4 =	vld [tilespmem:s1+$0xFFFFFFF0]  }
0x163: {  	v1 =	vld [tilespmem:s0+$0x0]  }
0x164: {  	v3 =	vld [tilespmem:s1+$0x0];
	v6 =	vadd.f32 v6, v5  }
0x165: {  	s2 =	simm.s32 $0x0;
	s3 =	simm.s32 $0x1D860;
	v5 =	vld [tilespmem:s0+$0xFFFFFFE0]  }
.LBB2_27:
0x166: {  	v7 =	vld [tilespmem:s3+$0x10];
	[tilespmem:s0+$0x10] =	vst v6;
	s1 =	sadd.s32 $0x40, s1  }
0x167: {  	s2 =	sadd.s32 $0x4, s2;
	v6 =	vld [tilespmem:s1+$0x10];
	v4 =	vadd.f32 v4, v0  }
0x168: {  	p0 =	slt.u32 s2, $0x84;
	v8 =	vld [tilespmem:s1+$0xFFFFFFE0]  }
.Ltmp13:
0x169: {  	v0 =	vld [tilespmem:s3+$0xFFFFFFF0];
	[tilespmem:s0+$0xFFFFFFF0] =	vst v4;
	v3 =	vadd.f32 v3, v1;
	(pc) =	sbr.rel @p0 .LBB2_27-.Ltmp13, $4  }
0x16a: {  	v4 =	vld [tilespmem:s1+$0xFFFFFFF0];
	v9 =	vadd.f32 v2, v5  }
0x16b: {  	v1 =	vld [tilespmem:s3+$0x0];
	[tilespmem:s0+$0x0] =	vst v3  }
0x16c: {  	v3 =	vld [tilespmem:s1+$0x0];
	v6 =	vadd.f32 v6, v7;
	[tilespmem:s0+$0xFFFFFFE0] =	vst v9;
	s0 =	smov.u32 s3  }
0x16d: {  	s3 =	sadd.s32 $0x40, s3;
	v5 =	vld [tilespmem:s0+$0xFFFFFFE0];
	v2 =	vmov v8  }
0x16e: {  	_ =	sdelay $0x1  }
0x16f: {  	v0 =	vadd.f32 v4, v0  }
0x170: {  	[tilespmem:s0+$0x10] =	vst v6;
	v1 =	vadd.f32 v3, v1  }
0x171: {  	[tilespmem:s0+$0xFFFFFFF0] =	vst v0;
	v0 =	vadd.f32 v2, v5  }
0x172: {  	[tilespmem:s0+$0x0] =	vst v1  }
0x173: {  	s30 =	simm.s32 $0x1E900;
	s31 =	simm.s32 $0x1;
	[tilespmem:s0+$0xFFFFFFE0] =	vst v0  }
0x174: {  	[tilespmem:s30], [sflag:$0x1] =	stream.linear.gather [spmem:s14], $0x880, $0x38;
	[tilespmem:$0x1FAA0] =	vst v63  }
0x175: {  	_ =	swait.ge [sflag:s31], $0x880  }
0x176: {  	[sflag:s31] =	ssyncset.done $0x0  }
0x177: {  	s0 =	simm.s32 $0x1D820;
	[sflag:s31] =	ssyncadd.s32 $0xFFFFF780  }
0x178: {  	s1 =	simm.s32 $0x1E920;
	v5 =	vld [tilespmem:s0+$0x10]  }
0x179: {  	v6 =	vld [tilespmem:s1+$0x10]  }
0x17a: {  	v2 =	vld [tilespmem:s1+$0xFFFFFFE0]  }
0x17b: {  	v0 =	vld [tilespmem:s0+$0xFFFFFFF0]  }
0x17c: {  	v4 =	vld [tilespmem:s1+$0xFFFFFFF0]  }
0x17d: {  	v1 =	vld [tilespmem:s0+$0x0]  }
0x17e: {  	v3 =	vld [tilespmem:s1+$0x0];
	v6 =	vadd.f32 v6, v5  }
0x17f: {  	s2 =	simm.s32 $0x0;
	s3 =	simm.s32 $0x1D860;
	v5 =	vld [tilespmem:s0+$0xFFFFFFE0]  }
.LBB2_29:
0x180: {  	v7 =	vld [tilespmem:s3+$0x10];
	[tilespmem:s0+$0x10] =	vst v6;
	s1 =	sadd.s32 $0x40, s1  }
0x181: {  	s2 =	sadd.s32 $0x4, s2;
	v6 =	vld [tilespmem:s1+$0x10];
	v4 =	vadd.f32 v4, v0  }
0x182: {  	p0 =	slt.u32 s2, $0x84;
	v8 =	vld [tilespmem:s1+$0xFFFFFFE0]  }
.Ltmp14:
0x183: {  	v0 =	vld [tilespmem:s3+$0xFFFFFFF0];
	[tilespmem:s0+$0xFFFFFFF0] =	vst v4;
	v3 =	vadd.f32 v3, v1;
	(pc) =	sbr.rel @p0 .LBB2_29-.Ltmp14, $4  }
0x184: {  	v4 =	vld [tilespmem:s1+$0xFFFFFFF0];
	v9 =	vadd.f32 v2, v5  }
0x185: {  	v1 =	vld [tilespmem:s3+$0x0];
	[tilespmem:s0+$0x0] =	vst v3  }
0x186: {  	v3 =	vld [tilespmem:s1+$0x0];
	v6 =	vadd.f32 v6, v7;
	[tilespmem:s0+$0xFFFFFFE0] =	vst v9;
	s0 =	smov.u32 s3  }
0x187: {  	s3 =	sadd.s32 $0x40, s3;
	v5 =	vld [tilespmem:s0+$0xFFFFFFE0];
	v2 =	vmov v8  }
0x188: {  	_ =	sdelay $0x1  }
0x189: {  	v0 =	vadd.f32 v4, v0  }
0x18a: {  	[tilespmem:s0+$0x10] =	vst v6;
	v1 =	vadd.f32 v3, v1  }
0x18b: {  	[tilespmem:s0+$0xFFFFFFF0] =	vst v0;
	v0 =	vadd.f32 v2, v5  }
0x18c: {  	[tilespmem:s0+$0x0] =	vst v1  }
0x18d: {  	s30 =	simm.s32 $0x1E900;
	s31 =	simm.s32 $0x1;
	[tilespmem:s0+$0xFFFFFFE0] =	vst v0  }
0x18e: {  	[tilespmem:s30], [sflag:$0x1] =	stream.linear.gather [spmem:s13], $0x880, $0x38;
	[tilespmem:$0x1FAA0] =	vst v63  }
0x18f: {  	_ =	swait.ge [sflag:s31], $0x880  }
0x190: {  	[sflag:s31] =	ssyncset.done $0x0  }
0x191: {  	s0 =	simm.s32 $0x1D820;
	[sflag:s31] =	ssyncadd.s32 $0xFFFFF780  }
0x192: {  	s1 =	simm.s32 $0x1E920;
	v5 =	vld [tilespmem:s0+$0x10]  }
0x193: {  	v6 =	vld [tilespmem:s1+$0x10]  }
0x194: {  	v2 =	vld [tilespmem:s1+$0xFFFFFFE0]  }
0x195: {  	v0 =	vld [tilespmem:s0+$0xFFFFFFF0]  }
0x196: {  	v4 =	vld [tilespmem:s1+$0xFFFFFFF0]  }
0x197: {  	v1 =	vld [tilespmem:s0+$0x0]  }
0x198: {  	v3 =	vld [tilespmem:s1+$0x0];
	v6 =	vadd.f32 v6, v5  }
0x199: {  	s2 =	simm.s32 $0x0;
	s3 =	simm.s32 $0x1D860;
	v5 =	vld [tilespmem:s0+$0xFFFFFFE0]  }
.LBB2_31:
0x19a: {  	v7 =	vld [tilespmem:s3+$0x10];
	[tilespmem:s0+$0x10] =	vst v6;
	s1 =	sadd.s32 $0x40, s1  }
0x19b: {  	s2 =	sadd.s32 $0x4, s2;
	v6 =	vld [tilespmem:s1+$0x10];
	v4 =	vadd.f32 v4, v0  }
0x19c: {  	p0 =	slt.u32 s2, $0x84;
	v8 =	vld [tilespmem:s1+$0xFFFFFFE0]  }
.Ltmp15:
0x19d: {  	v0 =	vld [tilespmem:s3+$0xFFFFFFF0];
	[tilespmem:s0+$0xFFFFFFF0] =	vst v4;
	v3 =	vadd.f32 v3, v1;
	(pc) =	sbr.rel @p0 .LBB2_31-.Ltmp15, $4  }
0x19e: {  	v4 =	vld [tilespmem:s1+$0xFFFFFFF0];
	v9 =	vadd.f32 v2, v5  }
0x19f: {  	v1 =	vld [tilespmem:s3+$0x0];
	[tilespmem:s0+$0x0] =	vst v3  }
0x1a0: {  	v3 =	vld [tilespmem:s1+$0x0];
	v6 =	vadd.f32 v6, v7;
	[tilespmem:s0+$0xFFFFFFE0] =	vst v9;
	s0 =	smov.u32 s3  }
0x1a1: {  	s3 =	sadd.s32 $0x40, s3;
	v5 =	vld [tilespmem:s0+$0xFFFFFFE0];
	v2 =	vmov v8  }
0x1a2: {  	_ =	sdelay $0x1  }
0x1a3: {  	v0 =	vadd.f32 v4, v0  }
0x1a4: {  	[tilespmem:s0+$0x10] =	vst v6;
	v1 =	vadd.f32 v3, v1  }
0x1a5: {  	[tilespmem:s0+$0xFFFFFFF0] =	vst v0;
	v0 =	vadd.f32 v2, v5  }
0x1a6: {  	[tilespmem:s0+$0x0] =	vst v1  }
0x1a7: {  	s30 =	simm.s32 $0x1E900;
	s31 =	simm.s32 $0x1;
	[tilespmem:s0+$0xFFFFFFE0] =	vst v0  }
0x1a8: {  	[tilespmem:s30], [sflag:$0x1] =	stream.linear.gather [spmem:s12], $0x880, $0x38;
	[tilespmem:$0x1FAA0] =	vst v63  }
0x1a9: {  	_ =	swait.ge [sflag:s31], $0x880  }
0x1aa: {  	[sflag:s31] =	ssyncset.done $0x0  }
0x1ab: {  	s0 =	simm.s32 $0x1D820;
	[sflag:s31] =	ssyncadd.s32 $0xFFFFF780  }
0x1ac: {  	s1 =	simm.s32 $0x1E920;
	v5 =	vld [tilespmem:s0+$0x10]  }
0x1ad: {  	v6 =	vld [tilespmem:s1+$0x10]  }
0x1ae: {  	v2 =	vld [tilespmem:s1+$0xFFFFFFE0]  }
0x1af: {  	v0 =	vld [tilespmem:s0+$0xFFFFFFF0]  }
0x1b0: {  	v4 =	vld [tilespmem:s1+$0xFFFFFFF0]  }
0x1b1: {  	v1 =	vld [tilespmem:s0+$0x0]  }
0x1b2: {  	v3 =	vld [tilespmem:s1+$0x0];
	v6 =	vadd.f32 v6, v5  }
0x1b3: {  	s2 =	simm.s32 $0x0;
	s3 =	simm.s32 $0x1D860;
	v5 =	vld [tilespmem:s0+$0xFFFFFFE0]  }
.LBB2_33:
0x1b4: {  	v7 =	vld [tilespmem:s3+$0x10];
	[tilespmem:s0+$0x10] =	vst v6;
	s1 =	sadd.s32 $0x40, s1  }
0x1b5: {  	s2 =	sadd.s32 $0x4, s2;
	v6 =	vld [tilespmem:s1+$0x10];
	v4 =	vadd.f32 v4, v0  }
0x1b6: {  	p0 =	slt.u32 s2, $0x84;
	v8 =	vld [tilespmem:s1+$0xFFFFFFE0]  }
.Ltmp16:
0x1b7: {  	v0 =	vld [tilespmem:s3+$0xFFFFFFF0];
	[tilespmem:s0+$0xFFFFFFF0] =	vst v4;
	v3 =	vadd.f32 v3, v1;
	(pc) =	sbr.rel @p0 .LBB2_33-.Ltmp16, $4  }
0x1b8: {  	v4 =	vld [tilespmem:s1+$0xFFFFFFF0];
	v9 =	vadd.f32 v2, v5  }
0x1b9: {  	v1 =	vld [tilespmem:s3+$0x0];
	[tilespmem:s0+$0x0] =	vst v3  }
0x1ba: {  	v3 =	vld [tilespmem:s1+$0x0];
	v6 =	vadd.f32 v6, v7;
	[tilespmem:s0+$0xFFFFFFE0] =	vst v9;
	s0 =	smov.u32 s3  }
0x1bb: {  	s3 =	sadd.s32 $0x40, s3;
	v5 =	vld [tilespmem:s0+$0xFFFFFFE0];
	v2 =	vmov v8  }
0x1bc: {  	_ =	sdelay $0x1  }
0x1bd: {  	v0 =	vadd.f32 v4, v0  }
0x1be: {  	[tilespmem:s0+$0x10] =	vst v6;
	v1 =	vadd.f32 v3, v1  }
0x1bf: {  	[tilespmem:s0+$0xFFFFFFF0] =	vst v0;
	v0 =	vadd.f32 v2, v5  }
0x1c0: {  	[tilespmem:s0+$0x0] =	vst v1  }
0x1c1: {  	s30 =	simm.s32 $0x1E900;
	s31 =	simm.s32 $0x1;
	[tilespmem:s0+$0xFFFFFFE0] =	vst v0  }
0x1c2: {  	[tilespmem:s30], [sflag:$0x1] =	stream.linear.gather [spmem:s11], $0x880, $0x38;
	[tilespmem:$0x1FAA0] =	vst v63  }
0x1c3: {  	_ =	swait.ge [sflag:s31], $0x880  }
0x1c4: {  	[sflag:s31] =	ssyncset.done $0x0  }
0x1c5: {  	s0 =	simm.s32 $0x1D820;
	[sflag:s31] =	ssyncadd.s32 $0xFFFFF780  }
0x1c6: {  	s1 =	simm.s32 $0x1E920;
	v5 =	vld [tilespmem:s0+$0x10]  }
0x1c7: {  	v6 =	vld [tilespmem:s1+$0x10]  }
0x1c8: {  	v2 =	vld [tilespmem:s1+$0xFFFFFFE0]  }
0x1c9: {  	v0 =	vld [tilespmem:s0+$0xFFFFFFF0]  }
0x1ca: {  	v4 =	vld [tilespmem:s1+$0xFFFFFFF0]  }
0x1cb: {  	v1 =	vld [tilespmem:s0+$0x0]  }
0x1cc: {  	v3 =	vld [tilespmem:s1+$0x0];
	v6 =	vadd.f32 v6, v5  }
0x1cd: {  	s2 =	simm.s32 $0x0;
	s3 =	simm.s32 $0x1D860;
	v5 =	vld [tilespmem:s0+$0xFFFFFFE0]  }
.LBB2_35:
0x1ce: {  	v7 =	vld [tilespmem:s3+$0x10];
	[tilespmem:s0+$0x10] =	vst v6;
	s1 =	sadd.s32 $0x40, s1  }
0x1cf: {  	s2 =	sadd.s32 $0x4, s2;
	v6 =	vld [tilespmem:s1+$0x10];
	v4 =	vadd.f32 v4, v0  }
0x1d0: {  	p0 =	slt.u32 s2, $0x84;
	v8 =	vld [tilespmem:s1+$0xFFFFFFE0]  }
.Ltmp17:
0x1d1: {  	v0 =	vld [tilespmem:s3+$0xFFFFFFF0];
	[tilespmem:s0+$0xFFFFFFF0] =	vst v4;
	v3 =	vadd.f32 v3, v1;
	(pc) =	sbr.rel @p0 .LBB2_35-.Ltmp17, $4  }
0x1d2: {  	v4 =	vld [tilespmem:s1+$0xFFFFFFF0];
	v9 =	vadd.f32 v2, v5  }
0x1d3: {  	v1 =	vld [tilespmem:s3+$0x0];
	[tilespmem:s0+$0x0] =	vst v3  }
0x1d4: {  	v3 =	vld [tilespmem:s1+$0x0];
	v6 =	vadd.f32 v6, v7;
	[tilespmem:s0+$0xFFFFFFE0] =	vst v9;
	s0 =	smov.u32 s3  }
0x1d5: {  	s3 =	sadd.s32 $0x40, s3;
	v5 =	vld [tilespmem:s0+$0xFFFFFFE0];
	v2 =	vmov v8  }
0x1d6: {  	_ =	sdelay $0x1  }
0x1d7: {  	v0 =	vadd.f32 v4, v0  }
0x1d8: {  	[tilespmem:s0+$0x10] =	vst v6;
	v1 =	vadd.f32 v3, v1  }
0x1d9: {  	[tilespmem:s0+$0xFFFFFFF0] =	vst v0;
	v0 =	vadd.f32 v2, v5  }
0x1da: {  	[tilespmem:s0+$0x0] =	vst v1  }
0x1db: {  	s30 =	simm.s32 $0x1E900;
	s31 =	simm.s32 $0x1;
	[tilespmem:s0+$0xFFFFFFE0] =	vst v0  }
0x1dc: {  	[tilespmem:s30], [sflag:$0x1] =	stream.linear.gather [spmem:s10], $0x880, $0x38;
	[tilespmem:$0x1FAA0] =	vst v63  }
0x1dd: {  	_ =	swait.ge [sflag:s31], $0x880  }
0x1de: {  	[sflag:s31] =	ssyncset.done $0x0  }
0x1df: {  	s0 =	simm.s32 $0x1D820;
	[sflag:s31] =	ssyncadd.s32 $0xFFFFF780  }
0x1e0: {  	s1 =	simm.s32 $0x1E920;
	v5 =	vld [tilespmem:s0+$0x10]  }
0x1e1: {  	v6 =	vld [tilespmem:s1+$0x10]  }
0x1e2: {  	v2 =	vld [tilespmem:s1+$0xFFFFFFE0]  }
0x1e3: {  	v0 =	vld [tilespmem:s0+$0xFFFFFFF0]  }
0x1e4: {  	v4 =	vld [tilespmem:s1+$0xFFFFFFF0]  }
0x1e5: {  	v1 =	vld [tilespmem:s0+$0x0]  }
0x1e6: {  	v3 =	vld [tilespmem:s1+$0x0];
	v6 =	vadd.f32 v6, v5  }
0x1e7: {  	s2 =	simm.s32 $0x0;
	s3 =	simm.s32 $0x1D860;
	v5 =	vld [tilespmem:s0+$0xFFFFFFE0]  }
.LBB2_37:
0x1e8: {  	v7 =	vld [tilespmem:s3+$0x10];
	[tilespmem:s0+$0x10] =	vst v6;
	s1 =	sadd.s32 $0x40, s1  }
0x1e9: {  	s2 =	sadd.s32 $0x4, s2;
	v6 =	vld [tilespmem:s1+$0x10];
	v4 =	vadd.f32 v4, v0  }
0x1ea: {  	p0 =	slt.u32 s2, $0x84;
	v8 =	vld [tilespmem:s1+$0xFFFFFFE0]  }
.Ltmp18:
0x1eb: {  	v0 =	vld [tilespmem:s3+$0xFFFFFFF0];
	[tilespmem:s0+$0xFFFFFFF0] =	vst v4;
	v3 =	vadd.f32 v3, v1;
	(pc) =	sbr.rel @p0 .LBB2_37-.Ltmp18, $4  }
0x1ec: {  	v4 =	vld [tilespmem:s1+$0xFFFFFFF0];
	v9 =	vadd.f32 v2, v5  }
0x1ed: {  	v1 =	vld [tilespmem:s3+$0x0];
	[tilespmem:s0+$0x0] =	vst v3  }
0x1ee: {  	v3 =	vld [tilespmem:s1+$0x0];
	v6 =	vadd.f32 v6, v7;
	[tilespmem:s0+$0xFFFFFFE0] =	vst v9;
	s0 =	smov.u32 s3  }
0x1ef: {  	s3 =	sadd.s32 $0x40, s3;
	v5 =	vld [tilespmem:s0+$0xFFFFFFE0];
	v2 =	vmov v8  }
0x1f0: {  	_ =	sdelay $0x1  }
0x1f1: {  	v0 =	vadd.f32 v4, v0  }
0x1f2: {  	[tilespmem:s0+$0x10] =	vst v6;
	v1 =	vadd.f32 v3, v1  }
0x1f3: {  	[tilespmem:s0+$0xFFFFFFF0] =	vst v0;
	v0 =	vadd.f32 v2, v5  }
0x1f4: {  	[tilespmem:s0+$0x0] =	vst v1  }
0x1f5: {  	s30 =	simm.s32 $0x1E900;
	s31 =	simm.s32 $0x1;
	[tilespmem:s0+$0xFFFFFFE0] =	vst v0  }
0x1f6: {  	[tilespmem:s30], [sflag:$0x1] =	stream.linear.gather [spmem:s9], $0x880, $0x38;
	[tilespmem:$0x1FAA0] =	vst v63  }
0x1f7: {  	_ =	swait.ge [sflag:s31], $0x880  }
0x1f8: {  	[sflag:s31] =	ssyncset.done $0x0  }
0x1f9: {  	s0 =	simm.s32 $0x1D820;
	[sflag:s31] =	ssyncadd.s32 $0xFFFFF780  }
0x1fa: {  	s1 =	simm.s32 $0x1E920;
	v5 =	vld [tilespmem:s0+$0x10]  }
0x1fb: {  	v6 =	vld [tilespmem:s1+$0x10]  }
0x1fc: {  	v2 =	vld [tilespmem:s1+$0xFFFFFFE0]  }
0x1fd: {  	v0 =	vld [tilespmem:s0+$0xFFFFFFF0]  }
0x1fe: {  	v4 =	vld [tilespmem:s1+$0xFFFFFFF0]  }
0x1ff: {  	v1 =	vld [tilespmem:s0+$0x0]  }
0x200: {  	v3 =	vld [tilespmem:s1+$0x0];
	v6 =	vadd.f32 v6, v5  }
0x201: {  	s2 =	simm.s32 $0x0;
	s3 =	simm.s32 $0x1D860;
	v5 =	vld [tilespmem:s0+$0xFFFFFFE0]  }
.LBB2_39:
0x202: {  	v7 =	vld [tilespmem:s3+$0x10];
	[tilespmem:s0+$0x10] =	vst v6;
	s1 =	sadd.s32 $0x40, s1  }
0x203: {  	s2 =	sadd.s32 $0x4, s2;
	v6 =	vld [tilespmem:s1+$0x10];
	v4 =	vadd.f32 v4, v0  }
0x204: {  	p0 =	slt.u32 s2, $0x84;
	v8 =	vld [tilespmem:s1+$0xFFFFFFE0]  }
.Ltmp19:
0x205: {  	v0 =	vld [tilespmem:s3+$0xFFFFFFF0];
	[tilespmem:s0+$0xFFFFFFF0] =	vst v4;
	v3 =	vadd.f32 v3, v1;
	(pc) =	sbr.rel @p0 .LBB2_39-.Ltmp19, $4  }
0x206: {  	v4 =	vld [tilespmem:s1+$0xFFFFFFF0];
	v9 =	vadd.f32 v2, v5  }
0x207: {  	v1 =	vld [tilespmem:s3+$0x0];
	[tilespmem:s0+$0x0] =	vst v3  }
0x208: {  	v3 =	vld [tilespmem:s1+$0x0];
	v6 =	vadd.f32 v6, v7;
	[tilespmem:s0+$0xFFFFFFE0] =	vst v9;
	s0 =	smov.u32 s3  }
0x209: {  	s3 =	sadd.s32 $0x40, s3;
	v5 =	vld [tilespmem:s0+$0xFFFFFFE0];
	v2 =	vmov v8  }
0x20a: {  	_ =	sdelay $0x1  }
0x20b: {  	v0 =	vadd.f32 v4, v0  }
0x20c: {  	[tilespmem:s0+$0x10] =	vst v6;
	v1 =	vadd.f32 v3, v1  }
0x20d: {  	[tilespmem:s0+$0xFFFFFFF0] =	vst v0;
	v0 =	vadd.f32 v2, v5  }
0x20e: {  	[tilespmem:s0+$0x0] =	vst v1  }
0x20f: {  	s30 =	simm.s32 $0x1E900;
	s31 =	simm.s32 $0x1;
	[tilespmem:s0+$0xFFFFFFE0] =	vst v0  }
0x210: {  	[tilespmem:s30], [sflag:$0x1] =	stream.linear.gather [spmem:s6], $0x880, $0x38;
	[tilespmem:$0x1FAA0] =	vst v63  }
0x211: {  	_ =	swait.ge [sflag:s31], $0x880  }
0x212: {  	[sflag:s31] =	ssyncset.done $0x0  }
0x213: {  	s0 =	simm.s32 $0x1D820;
	[sflag:s31] =	ssyncadd.s32 $0xFFFFF780  }
0x214: {  	s1 =	simm.s32 $0x1E920;
	v5 =	vld [tilespmem:s0+$0x10]  }
0x215: {  	v6 =	vld [tilespmem:s1+$0x10]  }
0x216: {  	v2 =	vld [tilespmem:s1+$0xFFFFFFE0]  }
0x217: {  	v0 =	vld [tilespmem:s0+$0xFFFFFFF0]  }
0x218: {  	v4 =	vld [tilespmem:s1+$0xFFFFFFF0]  }
0x219: {  	v1 =	vld [tilespmem:s0+$0x0]  }
0x21a: {  	v3 =	vld [tilespmem:s1+$0x0];
	v6 =	vadd.f32 v6, v5  }
0x21b: {  	s2 =	simm.s32 $0x0;
	s3 =	simm.s32 $0x1D860;
	v5 =	vld [tilespmem:s0+$0xFFFFFFE0]  }
.LBB2_41:
0x21c: {  	v7 =	vld [tilespmem:s3+$0x10];
	[tilespmem:s0+$0x10] =	vst v6;
	s1 =	sadd.s32 $0x40, s1  }
0x21d: {  	s2 =	sadd.s32 $0x4, s2;
	v6 =	vld [tilespmem:s1+$0x10];
	v4 =	vadd.f32 v4, v0  }
0x21e: {  	p0 =	slt.u32 s2, $0x84;
	v8 =	vld [tilespmem:s1+$0xFFFFFFE0]  }
.Ltmp20:
0x21f: {  	v0 =	vld [tilespmem:s3+$0xFFFFFFF0];
	[tilespmem:s0+$0xFFFFFFF0] =	vst v4;
	v3 =	vadd.f32 v3, v1;
	(pc) =	sbr.rel @p0 .LBB2_41-.Ltmp20, $4  }
0x220: {  	v4 =	vld [tilespmem:s1+$0xFFFFFFF0];
	v9 =	vadd.f32 v2, v5  }
0x221: {  	v1 =	vld [tilespmem:s3+$0x0];
	[tilespmem:s0+$0x0] =	vst v3  }
0x222: {  	v3 =	vld [tilespmem:s1+$0x0];
	v6 =	vadd.f32 v6, v7;
	[tilespmem:s0+$0xFFFFFFE0] =	vst v9;
	s0 =	smov.u32 s3  }
0x223: {  	s3 =	sadd.s32 $0x40, s3;
	v5 =	vld [tilespmem:s0+$0xFFFFFFE0];
	v2 =	vmov v8  }
0x224: {  	_ =	sdelay $0x1  }
0x225: {  	v0 =	vadd.f32 v4, v0  }
0x226: {  	[tilespmem:s0+$0x10] =	vst v6;
	v1 =	vadd.f32 v3, v1  }
0x227: {  	[tilespmem:s0+$0xFFFFFFF0] =	vst v0;
	v0 =	vadd.f32 v2, v5  }
0x228: {  	[tilespmem:s0+$0x0] =	vst v1  }
0x229: {  	s30 =	simm.s32 $0x1E900;
	s31 =	simm.s32 $0x1;
	[tilespmem:s0+$0xFFFFFFE0] =	vst v0  }
0x22a: {  	[tilespmem:s30], [sflag:$0x1] =	stream.linear.gather [spmem:s5], $0x880, $0x38;
	[tilespmem:$0x1FAA0] =	vst v63  }
0x22b: {  	_ =	swait.ge [sflag:s31], $0x880  }
0x22c: {  	[sflag:s31] =	ssyncset.done $0x0  }
0x22d: {  	s0 =	simm.s32 $0x1D820;
	[sflag:s31] =	ssyncadd.s32 $0xFFFFF780  }
0x22e: {  	s1 =	simm.s32 $0x1E920;
	v5 =	vld [tilespmem:s0+$0x10]  }
0x22f: {  	v6 =	vld [tilespmem:s1+$0x10]  }
0x230: {  	v2 =	vld [tilespmem:s1+$0xFFFFFFE0]  }
0x231: {  	v0 =	vld [tilespmem:s0+$0xFFFFFFF0]  }
0x232: {  	v4 =	vld [tilespmem:s1+$0xFFFFFFF0]  }
0x233: {  	v1 =	vld [tilespmem:s0+$0x0]  }
0x234: {  	v3 =	vld [tilespmem:s1+$0x0];
	v6 =	vadd.f32 v6, v5  }
0x235: {  	s2 =	simm.s32 $0x0;
	s3 =	simm.s32 $0x1D860;
	v5 =	vld [tilespmem:s0+$0xFFFFFFE0]  }
.LBB2_43:
0x236: {  	v7 =	vld [tilespmem:s3+$0x10];
	[tilespmem:s0+$0x10] =	vst v6;
	s1 =	sadd.s32 $0x40, s1  }
0x237: {  	s2 =	sadd.s32 $0x4, s2;
	v6 =	vld [tilespmem:s1+$0x10];
	v4 =	vadd.f32 v4, v0  }
0x238: {  	p0 =	slt.u32 s2, $0x84;
	v8 =	vld [tilespmem:s1+$0xFFFFFFE0]  }
.Ltmp21:
0x239: {  	v0 =	vld [tilespmem:s3+$0xFFFFFFF0];
	[tilespmem:s0+$0xFFFFFFF0] =	vst v4;
	v3 =	vadd.f32 v3, v1;
	(pc) =	sbr.rel @p0 .LBB2_43-.Ltmp21, $4  }
0x23a: {  	v4 =	vld [tilespmem:s1+$0xFFFFFFF0];
	v9 =	vadd.f32 v2, v5  }
0x23b: {  	v1 =	vld [tilespmem:s3+$0x0];
	[tilespmem:s0+$0x0] =	vst v3  }
0x23c: {  	v3 =	vld [tilespmem:s1+$0x0];
	v6 =	vadd.f32 v6, v7;
	[tilespmem:s0+$0xFFFFFFE0] =	vst v9;
	s0 =	smov.u32 s3  }
0x23d: {  	s3 =	sadd.s32 $0x40, s3;
	v5 =	vld [tilespmem:s0+$0xFFFFFFE0];
	v2 =	vmov v8  }
0x23e: {  	_ =	sdelay $0x1  }
0x23f: {  	v0 =	vadd.f32 v4, v0  }
0x240: {  	[tilespmem:s0+$0x10] =	vst v6;
	v1 =	vadd.f32 v3, v1  }
0x241: {  	[tilespmem:s0+$0xFFFFFFF0] =	vst v0;
	v0 =	vadd.f32 v2, v5  }
0x242: {  	[tilespmem:s0+$0x0] =	vst v1  }
0x243: {  	s30 =	simm.s32 $0x1E900;
	s31 =	simm.s32 $0x1;
	[tilespmem:s0+$0xFFFFFFE0] =	vst v0  }
0x244: {  	[tilespmem:s30], [sflag:$0x1] =	stream.linear.gather [spmem:s4], $0x880, $0x38;
	[tilespmem:$0x1FAA0] =	vst v63  }
0x245: {  	_ =	swait.ge [sflag:s31], $0x880  }
0x246: {  	[sflag:s31] =	ssyncset.done $0x0  }
0x247: {  	s0 =	simm.s32 $0x1D820;
	[sflag:s31] =	ssyncadd.s32 $0xFFFFF780  }
0x248: {  	s1 =	simm.s32 $0x1E920;
	v5 =	vld [tilespmem:s0+$0x10]  }
0x249: {  	v6 =	vld [tilespmem:s1+$0x10]  }
0x24a: {  	v2 =	vld [tilespmem:s1+$0xFFFFFFE0]  }
0x24b: {  	v0 =	vld [tilespmem:s0+$0xFFFFFFF0]  }
0x24c: {  	v4 =	vld [tilespmem:s1+$0xFFFFFFF0]  }
0x24d: {  	v1 =	vld [tilespmem:s0+$0x0]  }
0x24e: {  	v3 =	vld [tilespmem:s1+$0x0];
	v6 =	vadd.f32 v6, v5  }
0x24f: {  	s2 =	simm.s32 $0x0;
	s3 =	simm.s32 $0x1D860;
	v5 =	vld [tilespmem:s0+$0xFFFFFFE0]  }
.LBB2_45:
0x250: {  	v7 =	vld [tilespmem:s3+$0x10];
	[tilespmem:s0+$0x10] =	vst v6;
	s1 =	sadd.s32 $0x40, s1  }
0x251: {  	s2 =	sadd.s32 $0x4, s2;
	v6 =	vld [tilespmem:s1+$0x10];
	v4 =	vadd.f32 v4, v0  }
0x252: {  	p0 =	slt.u32 s2, $0x84;
	v8 =	vld [tilespmem:s1+$0xFFFFFFE0]  }
.Ltmp22:
0x253: {  	v0 =	vld [tilespmem:s3+$0xFFFFFFF0];
	[tilespmem:s0+$0xFFFFFFF0] =	vst v4;
	v3 =	vadd.f32 v3, v1;
	(pc) =	sbr.rel @p0 .LBB2_45-.Ltmp22, $4  }
0x254: {  	v4 =	vld [tilespmem:s1+$0xFFFFFFF0];
	v9 =	vadd.f32 v2, v5  }
0x255: {  	v1 =	vld [tilespmem:s3+$0x0];
	[tilespmem:s0+$0x0] =	vst v3  }
0x256: {  	v3 =	vld [tilespmem:s1+$0x0];
	v6 =	vadd.f32 v6, v7;
	[tilespmem:s0+$0xFFFFFFE0] =	vst v9;
	s0 =	smov.u32 s3  }
0x257: {  	s3 =	sadd.s32 $0x40, s3;
	v5 =	vld [tilespmem:s0+$0xFFFFFFE0];
	v2 =	vmov v8  }
0x258: {  	_ =	sdelay $0x1  }
0x259: {  	v0 =	vadd.f32 v4, v0  }
0x25a: {  	[tilespmem:s0+$0x10] =	vst v6;
	v1 =	vadd.f32 v3, v1  }
0x25b: {  	[tilespmem:s0+$0xFFFFFFF0] =	vst v0;
	v0 =	vadd.f32 v2, v5  }
0x25c: {  	[tilespmem:s0+$0x0] =	vst v1  }
0x25d: {  	[tilespmem:s0+$0xFFFFFFE0] =	vst v0  }
0x25e: {  	s29 =	simm.s32 $0xC800;
	s30 =	simm.s32 $0x1;
	[bflag:$0x0] =	sbarrier.arrive $0xFFFF  }
0x25f: {  	[spmem:s21] =	stream.linear.scatter [tilespmem:s29], [sflag:$0x1], $0x8800, $0x38;
	[tilespmem:$0x1FAA0] =	vst v63  }
0x260: {  	_ =	swait.ge [sflag:s30], $0x8800  }
0x261: {  	[sflag:s30] =	ssyncset.done $0x0  }
0x262: {  	[sflag:s30] =	ssyncadd.s32 $0xFFFF7800  }
0x263: {  	s1 =	simm.s32 $0x1E080;
	[bflag:$0x0] =	sbarrier.arrive $0xFFFF  }
0x264: {  	[tilespmem:s1], [sflag:$0x1] =	stream.linear.gather [spmem:s18], $0x880, $0x38;
	[tilespmem:$0x1FAA0] =	vst v63  }
0x265: {  	_ =	swait.ge [sflag:s30], $0x880  }
0x266: {  	[sflag:s30] =	ssyncset.done $0x0  }
0x267: {  	s31 =	simm.s32 $0x1F180;
	[sflag:s30] =	ssyncadd.s32 $0xFFFFF780  }
0x268: {  	[tilespmem:s31], [sflag:$0x1] =	stream.linear.gather [spmem:s19], $0x880, $0x38;
	[tilespmem:$0x1FAA0] =	vst v63  }
0x269: {  	_ =	swait.ge [sflag:s30], $0x880  }
0x26a: {  	[sflag:s30] =	ssyncset.done $0x0  }
0x26b: {  	s0 =	simm.s32 $0x1E0A0;
	[sflag:s30] =	ssyncadd.s32 $0xFFFFF780  }
0x26c: {  	s1 =	simm.s32 $0x1F1A0;
	v5 =	vld [tilespmem:s0+$0x10]  }
0x26d: {  	v6 =	vld [tilespmem:s1+$0x10]  }
0x26e: {  	v2 =	vld [tilespmem:s1+$0xFFFFFFE0]  }
0x26f: {  	v0 =	vld [tilespmem:s0+$0xFFFFFFF0]  }
0x270: {  	v4 =	vld [tilespmem:s1+$0xFFFFFFF0]  }
0x271: {  	v1 =	vld [tilespmem:s0+$0x0]  }
0x272: {  	v3 =	vld [tilespmem:s1+$0x0];
	v6 =	vadd.f32 v6, v5  }
0x273: {  	s2 =	simm.s32 $0x0;
	s3 =	simm.s32 $0x1E0E0;
	v5 =	vld [tilespmem:s0+$0xFFFFFFE0]  }
.LBB2_47:
0x274: {  	v7 =	vld [tilespmem:s3+$0x10];
	[tilespmem:s0+$0x10] =	vst v6;
	s1 =	sadd.s32 $0x40, s1  }
0x275: {  	s2 =	sadd.s32 $0x4, s2;
	v6 =	vld [tilespmem:s1+$0x10];
	v4 =	vadd.f32 v4, v0  }
0x276: {  	p0 =	slt.u32 s2, $0x84;
	v8 =	vld [tilespmem:s1+$0xFFFFFFE0]  }
.Ltmp23:
0x277: {  	v0 =	vld [tilespmem:s3+$0xFFFFFFF0];
	[tilespmem:s0+$0xFFFFFFF0] =	vst v4;
	v3 =	vadd.f32 v3, v1;
	(pc) =	sbr.rel @p0 .LBB2_47-.Ltmp23, $4  }
0x278: {  	v4 =	vld [tilespmem:s1+$0xFFFFFFF0];
	v9 =	vadd.f32 v2, v5  }
0x279: {  	v1 =	vld [tilespmem:s3+$0x0];
	[tilespmem:s0+$0x0] =	vst v3  }
0x27a: {  	v3 =	vld [tilespmem:s1+$0x0];
	v6 =	vadd.f32 v6, v7;
	[tilespmem:s0+$0xFFFFFFE0] =	vst v9;
	s0 =	smov.u32 s3  }
0x27b: {  	s3 =	sadd.s32 $0x40, s3;
	v5 =	vld [tilespmem:s0+$0xFFFFFFE0];
	v2 =	vmov v8  }
0x27c: {  	_ =	sdelay $0x1  }
0x27d: {  	v0 =	vadd.f32 v4, v0  }
0x27e: {  	[tilespmem:s0+$0x10] =	vst v6;
	v1 =	vadd.f32 v3, v1  }
0x27f: {  	[tilespmem:s0+$0xFFFFFFF0] =	vst v0;
	v0 =	vadd.f32 v2, v5  }
0x280: {  	[tilespmem:s0+$0x0] =	vst v1  }
0x281: {  	s30 =	simm.s32 $0x1F180;
	s31 =	simm.s32 $0x1;
	[tilespmem:s0+$0xFFFFFFE0] =	vst v0  }
0x282: {  	[tilespmem:s30], [sflag:$0x1] =	stream.linear.gather [spmem:s8], $0x880, $0x38;
	[tilespmem:$0x1FAA0] =	vst v63  }
0x283: {  	_ =	swait.ge [sflag:s31], $0x880  }
0x284: {  	[sflag:s31] =	ssyncset.done $0x0  }
0x285: {  	s0 =	simm.s32 $0x1E0A0;
	[sflag:s31] =	ssyncadd.s32 $0xFFFFF780  }
0x286: {  	s1 =	simm.s32 $0x1F1A0;
	v5 =	vld [tilespmem:s0+$0x10]  }
0x287: {  	v6 =	vld [tilespmem:s1+$0x10]  }
0x288: {  	v2 =	vld [tilespmem:s1+$0xFFFFFFE0]  }
0x289: {  	v0 =	vld [tilespmem:s0+$0xFFFFFFF0]  }
0x28a: {  	v4 =	vld [tilespmem:s1+$0xFFFFFFF0]  }
0x28b: {  	v1 =	vld [tilespmem:s0+$0x0]  }
0x28c: {  	v3 =	vld [tilespmem:s1+$0x0];
	v6 =	vadd.f32 v6, v5  }
0x28d: {  	s2 =	simm.s32 $0x0;
	s3 =	simm.s32 $0x1E0E0;
	v5 =	vld [tilespmem:s0+$0xFFFFFFE0]  }
.LBB2_49:
0x28e: {  	v7 =	vld [tilespmem:s3+$0x10];
	[tilespmem:s0+$0x10] =	vst v6;
	s1 =	sadd.s32 $0x40, s1  }
0x28f: {  	s2 =	sadd.s32 $0x4, s2;
	v6 =	vld [tilespmem:s1+$0x10];
	v4 =	vadd.f32 v4, v0  }
0x290: {  	p0 =	slt.u32 s2, $0x84;
	v8 =	vld [tilespmem:s1+$0xFFFFFFE0]  }
.Ltmp24:
0x291: {  	v0 =	vld [tilespmem:s3+$0xFFFFFFF0];
	[tilespmem:s0+$0xFFFFFFF0] =	vst v4;
	v3 =	vadd.f32 v3, v1;
	(pc) =	sbr.rel @p0 .LBB2_49-.Ltmp24, $4  }
0x292: {  	v4 =	vld [tilespmem:s1+$0xFFFFFFF0];
	v9 =	vadd.f32 v2, v5  }
0x293: {  	v1 =	vld [tilespmem:s3+$0x0];
	[tilespmem:s0+$0x0] =	vst v3  }
0x294: {  	v3 =	vld [tilespmem:s1+$0x0];
	v6 =	vadd.f32 v6, v7;
	[tilespmem:s0+$0xFFFFFFE0] =	vst v9;
	s0 =	smov.u32 s3  }
0x295: {  	s3 =	sadd.s32 $0x40, s3;
	v5 =	vld [tilespmem:s0+$0xFFFFFFE0];
	v2 =	vmov v8  }
0x296: {  	_ =	sdelay $0x1  }
0x297: {  	v0 =	vadd.f32 v4, v0  }
0x298: {  	[tilespmem:s0+$0x10] =	vst v6;
	v1 =	vadd.f32 v3, v1  }
0x299: {  	[tilespmem:s0+$0xFFFFFFF0] =	vst v0;
	v0 =	vadd.f32 v2, v5  }
0x29a: {  	[tilespmem:s0+$0x0] =	vst v1  }
0x29b: {  	s30 =	simm.s32 $0x1F180;
	s31 =	simm.s32 $0x1;
	[tilespmem:s0+$0xFFFFFFE0] =	vst v0  }
0x29c: {  	[tilespmem:s30], [sflag:$0x1] =	stream.linear.gather [spmem:s17], $0x880, $0x38;
	[tilespmem:$0x1FAA0] =	vst v63  }
0x29d: {  	_ =	swait.ge [sflag:s31], $0x880  }
0x29e: {  	[sflag:s31] =	ssyncset.done $0x0  }
0x29f: {  	s0 =	simm.s32 $0x1E0A0;
	[sflag:s31] =	ssyncadd.s32 $0xFFFFF780  }
0x2a0: {  	s1 =	simm.s32 $0x1F1A0;
	v5 =	vld [tilespmem:s0+$0x10]  }
0x2a1: {  	v6 =	vld [tilespmem:s1+$0x10]  }
0x2a2: {  	v2 =	vld [tilespmem:s1+$0xFFFFFFE0]  }
0x2a3: {  	v0 =	vld [tilespmem:s0+$0xFFFFFFF0]  }
0x2a4: {  	v4 =	vld [tilespmem:s1+$0xFFFFFFF0]  }
0x2a5: {  	v1 =	vld [tilespmem:s0+$0x0]  }
0x2a6: {  	v3 =	vld [tilespmem:s1+$0x0];
	v6 =	vadd.f32 v6, v5  }
0x2a7: {  	s2 =	simm.s32 $0x0;
	s3 =	simm.s32 $0x1E0E0;
	v5 =	vld [tilespmem:s0+$0xFFFFFFE0]  }
.LBB2_51:
0x2a8: {  	v7 =	vld [tilespmem:s3+$0x10];
	[tilespmem:s0+$0x10] =	vst v6;
	s1 =	sadd.s32 $0x40, s1  }
0x2a9: {  	s2 =	sadd.s32 $0x4, s2;
	v6 =	vld [tilespmem:s1+$0x10];
	v4 =	vadd.f32 v4, v0  }
0x2aa: {  	p0 =	slt.u32 s2, $0x84;
	v8 =	vld [tilespmem:s1+$0xFFFFFFE0]  }
.Ltmp25:
0x2ab: {  	v0 =	vld [tilespmem:s3+$0xFFFFFFF0];
	[tilespmem:s0+$0xFFFFFFF0] =	vst v4;
	v3 =	vadd.f32 v3, v1;
	(pc) =	sbr.rel @p0 .LBB2_51-.Ltmp25, $4  }
0x2ac: {  	v4 =	vld [tilespmem:s1+$0xFFFFFFF0];
	v9 =	vadd.f32 v2, v5  }
0x2ad: {  	v1 =	vld [tilespmem:s3+$0x0];
	[tilespmem:s0+$0x0] =	vst v3  }
0x2ae: {  	v3 =	vld [tilespmem:s1+$0x0];
	v6 =	vadd.f32 v6, v7;
	[tilespmem:s0+$0xFFFFFFE0] =	vst v9;
	s0 =	smov.u32 s3  }
0x2af: {  	s3 =	sadd.s32 $0x40, s3;
	v5 =	vld [tilespmem:s0+$0xFFFFFFE0];
	v2 =	vmov v8  }
0x2b0: {  	_ =	sdelay $0x1  }
0x2b1: {  	v0 =	vadd.f32 v4, v0  }
0x2b2: {  	[tilespmem:s0+$0x10] =	vst v6;
	v1 =	vadd.f32 v3, v1  }
0x2b3: {  	[tilespmem:s0+$0xFFFFFFF0] =	vst v0;
	v0 =	vadd.f32 v2, v5  }
0x2b4: {  	[tilespmem:s0+$0x0] =	vst v1  }
0x2b5: {  	s30 =	simm.s32 $0x1F180;
	s31 =	simm.s32 $0x1;
	[tilespmem:s0+$0xFFFFFFE0] =	vst v0  }
0x2b6: {  	[tilespmem:s30], [sflag:$0x1] =	stream.linear.gather [spmem:s16], $0x880, $0x38;
	[tilespmem:$0x1FAA0] =	vst v63  }
0x2b7: {  	_ =	swait.ge [sflag:s31], $0x880  }
0x2b8: {  	[sflag:s31] =	ssyncset.done $0x0  }
0x2b9: {  	s0 =	simm.s32 $0x1E0A0;
	[sflag:s31] =	ssyncadd.s32 $0xFFFFF780  }
0x2ba: {  	s1 =	simm.s32 $0x1F1A0;
	v5 =	vld [tilespmem:s0+$0x10]  }
0x2bb: {  	v6 =	vld [tilespmem:s1+$0x10]  }
0x2bc: {  	v2 =	vld [tilespmem:s1+$0xFFFFFFE0]  }
0x2bd: {  	v0 =	vld [tilespmem:s0+$0xFFFFFFF0]  }
0x2be: {  	v4 =	vld [tilespmem:s1+$0xFFFFFFF0]  }
0x2bf: {  	v1 =	vld [tilespmem:s0+$0x0]  }
0x2c0: {  	v3 =	vld [tilespmem:s1+$0x0];
	v6 =	vadd.f32 v6, v5  }
0x2c1: {  	s2 =	simm.s32 $0x0;
	s3 =	simm.s32 $0x1E0E0;
	v5 =	vld [tilespmem:s0+$0xFFFFFFE0]  }
.LBB2_53:
0x2c2: {  	v7 =	vld [tilespmem:s3+$0x10];
	[tilespmem:s0+$0x10] =	vst v6;
	s1 =	sadd.s32 $0x40, s1  }
0x2c3: {  	s2 =	sadd.s32 $0x4, s2;
	v6 =	vld [tilespmem:s1+$0x10];
	v4 =	vadd.f32 v4, v0  }
0x2c4: {  	p0 =	slt.u32 s2, $0x84;
	v8 =	vld [tilespmem:s1+$0xFFFFFFE0]  }
.Ltmp26:
0x2c5: {  	v0 =	vld [tilespmem:s3+$0xFFFFFFF0];
	[tilespmem:s0+$0xFFFFFFF0] =	vst v4;
	v3 =	vadd.f32 v3, v1;
	(pc) =	sbr.rel @p0 .LBB2_53-.Ltmp26, $4  }
0x2c6: {  	v4 =	vld [tilespmem:s1+$0xFFFFFFF0];
	v9 =	vadd.f32 v2, v5  }
0x2c7: {  	v1 =	vld [tilespmem:s3+$0x0];
	[tilespmem:s0+$0x0] =	vst v3  }
0x2c8: {  	v3 =	vld [tilespmem:s1+$0x0];
	v6 =	vadd.f32 v6, v7;
	[tilespmem:s0+$0xFFFFFFE0] =	vst v9;
	s0 =	smov.u32 s3  }
0x2c9: {  	s3 =	sadd.s32 $0x40, s3;
	v5 =	vld [tilespmem:s0+$0xFFFFFFE0];
	v2 =	vmov v8  }
0x2ca: {  	_ =	sdelay $0x1  }
0x2cb: {  	v0 =	vadd.f32 v4, v0  }
0x2cc: {  	[tilespmem:s0+$0x10] =	vst v6;
	v1 =	vadd.f32 v3, v1  }
0x2cd: {  	[tilespmem:s0+$0xFFFFFFF0] =	vst v0;
	v0 =	vadd.f32 v2, v5  }
0x2ce: {  	[tilespmem:s0+$0x0] =	vst v1  }
0x2cf: {  	s30 =	simm.s32 $0x1F180;
	s31 =	simm.s32 $0x1;
	[tilespmem:s0+$0xFFFFFFE0] =	vst v0  }
0x2d0: {  	[tilespmem:s30], [sflag:$0x1] =	stream.linear.gather [spmem:s15], $0x880, $0x38;
	[tilespmem:$0x1FAA0] =	vst v63  }
0x2d1: {  	_ =	swait.ge [sflag:s31], $0x880  }
0x2d2: {  	[sflag:s31] =	ssyncset.done $0x0  }
0x2d3: {  	s0 =	simm.s32 $0x1E0A0;
	[sflag:s31] =	ssyncadd.s32 $0xFFFFF780  }
0x2d4: {  	s1 =	simm.s32 $0x1F1A0;
	v5 =	vld [tilespmem:s0+$0x10]  }
0x2d5: {  	v6 =	vld [tilespmem:s1+$0x10]  }
0x2d6: {  	v2 =	vld [tilespmem:s1+$0xFFFFFFE0]  }
0x2d7: {  	v0 =	vld [tilespmem:s0+$0xFFFFFFF0]  }
0x2d8: {  	v4 =	vld [tilespmem:s1+$0xFFFFFFF0]  }
0x2d9: {  	v1 =	vld [tilespmem:s0+$0x0]  }
0x2da: {  	v3 =	vld [tilespmem:s1+$0x0];
	v6 =	vadd.f32 v6, v5  }
0x2db: {  	s2 =	simm.s32 $0x0;
	s3 =	simm.s32 $0x1E0E0;
	v5 =	vld [tilespmem:s0+$0xFFFFFFE0]  }
.LBB2_55:
0x2dc: {  	v7 =	vld [tilespmem:s3+$0x10];
	[tilespmem:s0+$0x10] =	vst v6;
	s1 =	sadd.s32 $0x40, s1  }
0x2dd: {  	s2 =	sadd.s32 $0x4, s2;
	v6 =	vld [tilespmem:s1+$0x10];
	v4 =	vadd.f32 v4, v0  }
0x2de: {  	p0 =	slt.u32 s2, $0x84;
	v8 =	vld [tilespmem:s1+$0xFFFFFFE0]  }
.Ltmp27:
0x2df: {  	v0 =	vld [tilespmem:s3+$0xFFFFFFF0];
	[tilespmem:s0+$0xFFFFFFF0] =	vst v4;
	v3 =	vadd.f32 v3, v1;
	(pc) =	sbr.rel @p0 .LBB2_55-.Ltmp27, $4  }
0x2e0: {  	v4 =	vld [tilespmem:s1+$0xFFFFFFF0];
	v9 =	vadd.f32 v2, v5  }
0x2e1: {  	v1 =	vld [tilespmem:s3+$0x0];
	[tilespmem:s0+$0x0] =	vst v3  }
0x2e2: {  	v3 =	vld [tilespmem:s1+$0x0];
	v6 =	vadd.f32 v6, v7;
	[tilespmem:s0+$0xFFFFFFE0] =	vst v9;
	s0 =	smov.u32 s3  }
0x2e3: {  	s3 =	sadd.s32 $0x40, s3;
	v5 =	vld [tilespmem:s0+$0xFFFFFFE0];
	v2 =	vmov v8  }
0x2e4: {  	_ =	sdelay $0x1  }
0x2e5: {  	v0 =	vadd.f32 v4, v0  }
0x2e6: {  	[tilespmem:s0+$0x10] =	vst v6;
	v1 =	vadd.f32 v3, v1  }
0x2e7: {  	[tilespmem:s0+$0xFFFFFFF0] =	vst v0;
	v0 =	vadd.f32 v2, v5  }
0x2e8: {  	[tilespmem:s0+$0x0] =	vst v1  }
0x2e9: {  	s30 =	simm.s32 $0x1F180;
	s31 =	simm.s32 $0x1;
	[tilespmem:s0+$0xFFFFFFE0] =	vst v0  }
0x2ea: {  	[tilespmem:s30], [sflag:$0x1] =	stream.linear.gather [spmem:s7], $0x880, $0x38;
	[tilespmem:$0x1FAA0] =	vst v63  }
0x2eb: {  	_ =	swait.ge [sflag:s31], $0x880  }
0x2ec: {  	[sflag:s31] =	ssyncset.done $0x0  }
0x2ed: {  	s0 =	simm.s32 $0x1E0A0;
	[sflag:s31] =	ssyncadd.s32 $0xFFFFF780  }
0x2ee: {  	s1 =	simm.s32 $0x1F1A0;
	v5 =	vld [tilespmem:s0+$0x10]  }
0x2ef: {  	v6 =	vld [tilespmem:s1+$0x10]  }
0x2f0: {  	v2 =	vld [tilespmem:s1+$0xFFFFFFE0]  }
0x2f1: {  	v0 =	vld [tilespmem:s0+$0xFFFFFFF0]  }
0x2f2: {  	v4 =	vld [tilespmem:s1+$0xFFFFFFF0]  }
0x2f3: {  	v1 =	vld [tilespmem:s0+$0x0]  }
0x2f4: {  	v3 =	vld [tilespmem:s1+$0x0];
	v6 =	vadd.f32 v6, v5  }
0x2f5: {  	s2 =	simm.s32 $0x0;
	s3 =	simm.s32 $0x1E0E0;
	v5 =	vld [tilespmem:s0+$0xFFFFFFE0]  }
.LBB2_57:
0x2f6: {  	v7 =	vld [tilespmem:s3+$0x10];
	[tilespmem:s0+$0x10] =	vst v6;
	s1 =	sadd.s32 $0x40, s1  }
0x2f7: {  	s2 =	sadd.s32 $0x4, s2;
	v6 =	vld [tilespmem:s1+$0x10];
	v4 =	vadd.f32 v4, v0  }
0x2f8: {  	p0 =	slt.u32 s2, $0x84;
	v8 =	vld [tilespmem:s1+$0xFFFFFFE0]  }
.Ltmp28:
0x2f9: {  	v0 =	vld [tilespmem:s3+$0xFFFFFFF0];
	[tilespmem:s0+$0xFFFFFFF0] =	vst v4;
	v3 =	vadd.f32 v3, v1;
	(pc) =	sbr.rel @p0 .LBB2_57-.Ltmp28, $4  }
0x2fa: {  	v4 =	vld [tilespmem:s1+$0xFFFFFFF0];
	v9 =	vadd.f32 v2, v5  }
0x2fb: {  	v1 =	vld [tilespmem:s3+$0x0];
	[tilespmem:s0+$0x0] =	vst v3  }
0x2fc: {  	v3 =	vld [tilespmem:s1+$0x0];
	v6 =	vadd.f32 v6, v7;
	[tilespmem:s0+$0xFFFFFFE0] =	vst v9;
	s0 =	smov.u32 s3  }
0x2fd: {  	s3 =	sadd.s32 $0x40, s3;
	v5 =	vld [tilespmem:s0+$0xFFFFFFE0];
	v2 =	vmov v8  }
0x2fe: {  	_ =	sdelay $0x1  }
0x2ff: {  	v0 =	vadd.f32 v4, v0  }
0x300: {  	[tilespmem:s0+$0x10] =	vst v6;
	v1 =	vadd.f32 v3, v1  }
0x301: {  	[tilespmem:s0+$0xFFFFFFF0] =	vst v0;
	v0 =	vadd.f32 v2, v5  }
0x302: {  	[tilespmem:s0+$0x0] =	vst v1  }
0x303: {  	s30 =	simm.s32 $0x1F180;
	s31 =	simm.s32 $0x1;
	[tilespmem:s0+$0xFFFFFFE0] =	vst v0  }
0x304: {  	[tilespmem:s30], [sflag:$0x1] =	stream.linear.gather [spmem:s14], $0x880, $0x38;
	[tilespmem:$0x1FAA0] =	vst v63  }
0x305: {  	_ =	swait.ge [sflag:s31], $0x880  }
0x306: {  	[sflag:s31] =	ssyncset.done $0x0  }
0x307: {  	s0 =	simm.s32 $0x1E0A0;
	[sflag:s31] =	ssyncadd.s32 $0xFFFFF780  }
0x308: {  	s1 =	simm.s32 $0x1F1A0;
	v5 =	vld [tilespmem:s0+$0x10]  }
0x309: {  	v6 =	vld [tilespmem:s1+$0x10]  }
0x30a: {  	v2 =	vld [tilespmem:s1+$0xFFFFFFE0]  }
0x30b: {  	v0 =	vld [tilespmem:s0+$0xFFFFFFF0]  }
0x30c: {  	v4 =	vld [tilespmem:s1+$0xFFFFFFF0]  }
0x30d: {  	v1 =	vld [tilespmem:s0+$0x0]  }
0x30e: {  	v3 =	vld [tilespmem:s1+$0x0];
	v6 =	vadd.f32 v6, v5  }
0x30f: {  	s2 =	simm.s32 $0x0;
	s3 =	simm.s32 $0x1E0E0;
	v5 =	vld [tilespmem:s0+$0xFFFFFFE0]  }
.LBB2_59:
0x310: {  	v7 =	vld [tilespmem:s3+$0x10];
	[tilespmem:s0+$0x10] =	vst v6;
	s1 =	sadd.s32 $0x40, s1  }
0x311: {  	s2 =	sadd.s32 $0x4, s2;
	v6 =	vld [tilespmem:s1+$0x10];
	v4 =	vadd.f32 v4, v0  }
0x312: {  	p0 =	slt.u32 s2, $0x84;
	v8 =	vld [tilespmem:s1+$0xFFFFFFE0]  }
.Ltmp29:
0x313: {  	v0 =	vld [tilespmem:s3+$0xFFFFFFF0];
	[tilespmem:s0+$0xFFFFFFF0] =	vst v4;
	v3 =	vadd.f32 v3, v1;
	(pc) =	sbr.rel @p0 .LBB2_59-.Ltmp29, $4  }
0x314: {  	v4 =	vld [tilespmem:s1+$0xFFFFFFF0];
	v9 =	vadd.f32 v2, v5  }
0x315: {  	v1 =	vld [tilespmem:s3+$0x0];
	[tilespmem:s0+$0x0] =	vst v3  }
0x316: {  	v3 =	vld [tilespmem:s1+$0x0];
	v6 =	vadd.f32 v6, v7;
	[tilespmem:s0+$0xFFFFFFE0] =	vst v9;
	s0 =	smov.u32 s3  }
0x317: {  	s3 =	sadd.s32 $0x40, s3;
	v5 =	vld [tilespmem:s0+$0xFFFFFFE0];
	v2 =	vmov v8  }
0x318: {  	_ =	sdelay $0x1  }
0x319: {  	v0 =	vadd.f32 v4, v0  }
0x31a: {  	[tilespmem:s0+$0x10] =	vst v6;
	v1 =	vadd.f32 v3, v1  }
0x31b: {  	[tilespmem:s0+$0xFFFFFFF0] =	vst v0;
	v0 =	vadd.f32 v2, v5  }
0x31c: {  	[tilespmem:s0+$0x0] =	vst v1  }
0x31d: {  	s30 =	simm.s32 $0x1F180;
	s31 =	simm.s32 $0x1;
	[tilespmem:s0+$0xFFFFFFE0] =	vst v0  }
0x31e: {  	[tilespmem:s30], [sflag:$0x1] =	stream.linear.gather [spmem:s13], $0x880, $0x38;
	[tilespmem:$0x1FAA0] =	vst v63  }
0x31f: {  	_ =	swait.ge [sflag:s31], $0x880  }
0x320: {  	[sflag:s31] =	ssyncset.done $0x0  }
0x321: {  	s0 =	simm.s32 $0x1E0A0;
	[sflag:s31] =	ssyncadd.s32 $0xFFFFF780  }
0x322: {  	s1 =	simm.s32 $0x1F1A0;
	v5 =	vld [tilespmem:s0+$0x10]  }
0x323: {  	v6 =	vld [tilespmem:s1+$0x10]  }
0x324: {  	v2 =	vld [tilespmem:s1+$0xFFFFFFE0]  }
0x325: {  	v0 =	vld [tilespmem:s0+$0xFFFFFFF0]  }
0x326: {  	v4 =	vld [tilespmem:s1+$0xFFFFFFF0]  }
0x327: {  	v1 =	vld [tilespmem:s0+$0x0]  }
0x328: {  	v3 =	vld [tilespmem:s1+$0x0];
	v6 =	vadd.f32 v6, v5  }
0x329: {  	s2 =	simm.s32 $0x0;
	s3 =	simm.s32 $0x1E0E0;
	v5 =	vld [tilespmem:s0+$0xFFFFFFE0]  }
.LBB2_61:
0x32a: {  	v7 =	vld [tilespmem:s3+$0x10];
	[tilespmem:s0+$0x10] =	vst v6;
	s1 =	sadd.s32 $0x40, s1  }
0x32b: {  	s2 =	sadd.s32 $0x4, s2;
	v6 =	vld [tilespmem:s1+$0x10];
	v4 =	vadd.f32 v4, v0  }
0x32c: {  	p0 =	slt.u32 s2, $0x84;
	v8 =	vld [tilespmem:s1+$0xFFFFFFE0]  }
.Ltmp30:
0x32d: {  	v0 =	vld [tilespmem:s3+$0xFFFFFFF0];
	[tilespmem:s0+$0xFFFFFFF0] =	vst v4;
	v3 =	vadd.f32 v3, v1;
	(pc) =	sbr.rel @p0 .LBB2_61-.Ltmp30, $4  }
0x32e: {  	v4 =	vld [tilespmem:s1+$0xFFFFFFF0];
	v9 =	vadd.f32 v2, v5  }
0x32f: {  	v1 =	vld [tilespmem:s3+$0x0];
	[tilespmem:s0+$0x0] =	vst v3  }
0x330: {  	v3 =	vld [tilespmem:s1+$0x0];
	v6 =	vadd.f32 v6, v7;
	[tilespmem:s0+$0xFFFFFFE0] =	vst v9;
	s0 =	smov.u32 s3  }
0x331: {  	s3 =	sadd.s32 $0x40, s3;
	v5 =	vld [tilespmem:s0+$0xFFFFFFE0];
	v2 =	vmov v8  }
0x332: {  	_ =	sdelay $0x1  }
0x333: {  	v0 =	vadd.f32 v4, v0  }
0x334: {  	[tilespmem:s0+$0x10] =	vst v6;
	v1 =	vadd.f32 v3, v1  }
0x335: {  	[tilespmem:s0+$0xFFFFFFF0] =	vst v0;
	v0 =	vadd.f32 v2, v5  }
0x336: {  	[tilespmem:s0+$0x0] =	vst v1  }
0x337: {  	s30 =	simm.s32 $0x1F180;
	s31 =	simm.s32 $0x1;
	[tilespmem:s0+$0xFFFFFFE0] =	vst v0  }
0x338: {  	[tilespmem:s30], [sflag:$0x1] =	stream.linear.gather [spmem:s12], $0x880, $0x38;
	[tilespmem:$0x1FAA0] =	vst v63  }
0x339: {  	_ =	swait.ge [sflag:s31], $0x880  }
0x33a: {  	[sflag:s31] =	ssyncset.done $0x0  }
0x33b: {  	s0 =	simm.s32 $0x1E0A0;
	[sflag:s31] =	ssyncadd.s32 $0xFFFFF780  }
0x33c: {  	s1 =	simm.s32 $0x1F1A0;
	v5 =	vld [tilespmem:s0+$0x10]  }
0x33d: {  	v6 =	vld [tilespmem:s1+$0x10]  }
0x33e: {  	v2 =	vld [tilespmem:s1+$0xFFFFFFE0]  }
0x33f: {  	v0 =	vld [tilespmem:s0+$0xFFFFFFF0]  }
0x340: {  	v4 =	vld [tilespmem:s1+$0xFFFFFFF0]  }
0x341: {  	v1 =	vld [tilespmem:s0+$0x0]  }
0x342: {  	v3 =	vld [tilespmem:s1+$0x0];
	v6 =	vadd.f32 v6, v5  }
0x343: {  	s2 =	simm.s32 $0x0;
	s3 =	simm.s32 $0x1E0E0;
	v5 =	vld [tilespmem:s0+$0xFFFFFFE0]  }
.LBB2_63:
0x344: {  	v7 =	vld [tilespmem:s3+$0x10];
	[tilespmem:s0+$0x10] =	vst v6;
	s1 =	sadd.s32 $0x40, s1  }
0x345: {  	s2 =	sadd.s32 $0x4, s2;
	v6 =	vld [tilespmem:s1+$0x10];
	v4 =	vadd.f32 v4, v0  }
0x346: {  	p0 =	slt.u32 s2, $0x84;
	v8 =	vld [tilespmem:s1+$0xFFFFFFE0]  }
.Ltmp31:
0x347: {  	v0 =	vld [tilespmem:s3+$0xFFFFFFF0];
	[tilespmem:s0+$0xFFFFFFF0] =	vst v4;
	v3 =	vadd.f32 v3, v1;
	(pc) =	sbr.rel @p0 .LBB2_63-.Ltmp31, $4  }
0x348: {  	v4 =	vld [tilespmem:s1+$0xFFFFFFF0];
	v9 =	vadd.f32 v2, v5  }
0x349: {  	v1 =	vld [tilespmem:s3+$0x0];
	[tilespmem:s0+$0x0] =	vst v3  }
0x34a: {  	v3 =	vld [tilespmem:s1+$0x0];
	v6 =	vadd.f32 v6, v7;
	[tilespmem:s0+$0xFFFFFFE0] =	vst v9;
	s0 =	smov.u32 s3  }
0x34b: {  	s3 =	sadd.s32 $0x40, s3;
	v5 =	vld [tilespmem:s0+$0xFFFFFFE0];
	v2 =	vmov v8  }
0x34c: {  	_ =	sdelay $0x1  }
0x34d: {  	v0 =	vadd.f32 v4, v0  }
0x34e: {  	[tilespmem:s0+$0x10] =	vst v6;
	v1 =	vadd.f32 v3, v1  }
0x34f: {  	[tilespmem:s0+$0xFFFFFFF0] =	vst v0;
	v0 =	vadd.f32 v2, v5  }
0x350: {  	[tilespmem:s0+$0x0] =	vst v1  }
0x351: {  	s30 =	simm.s32 $0x1F180;
	s31 =	simm.s32 $0x1;
	[tilespmem:s0+$0xFFFFFFE0] =	vst v0  }
0x352: {  	[tilespmem:s30], [sflag:$0x1] =	stream.linear.gather [spmem:s11], $0x880, $0x38;
	[tilespmem:$0x1FAA0] =	vst v63  }
0x353: {  	_ =	swait.ge [sflag:s31], $0x880  }
0x354: {  	[sflag:s31] =	ssyncset.done $0x0  }
0x355: {  	s0 =	simm.s32 $0x1E0A0;
	[sflag:s31] =	ssyncadd.s32 $0xFFFFF780  }
0x356: {  	s1 =	simm.s32 $0x1F1A0;
	v5 =	vld [tilespmem:s0+$0x10]  }
0x357: {  	v6 =	vld [tilespmem:s1+$0x10]  }
0x358: {  	v2 =	vld [tilespmem:s1+$0xFFFFFFE0]  }
0x359: {  	v0 =	vld [tilespmem:s0+$0xFFFFFFF0]  }
0x35a: {  	v4 =	vld [tilespmem:s1+$0xFFFFFFF0]  }
0x35b: {  	v1 =	vld [tilespmem:s0+$0x0]  }
0x35c: {  	v3 =	vld [tilespmem:s1+$0x0];
	v6 =	vadd.f32 v6, v5  }
0x35d: {  	s2 =	simm.s32 $0x0;
	s3 =	simm.s32 $0x1E0E0;
	v5 =	vld [tilespmem:s0+$0xFFFFFFE0]  }
.LBB2_65:
0x35e: {  	v7 =	vld [tilespmem:s3+$0x10];
	[tilespmem:s0+$0x10] =	vst v6;
	s1 =	sadd.s32 $0x40, s1  }
0x35f: {  	s2 =	sadd.s32 $0x4, s2;
	v6 =	vld [tilespmem:s1+$0x10];
	v4 =	vadd.f32 v4, v0  }
0x360: {  	p0 =	slt.u32 s2, $0x84;
	v8 =	vld [tilespmem:s1+$0xFFFFFFE0]  }
.Ltmp32:
0x361: {  	v0 =	vld [tilespmem:s3+$0xFFFFFFF0];
	[tilespmem:s0+$0xFFFFFFF0] =	vst v4;
	v3 =	vadd.f32 v3, v1;
	(pc) =	sbr.rel @p0 .LBB2_65-.Ltmp32, $4  }
0x362: {  	v4 =	vld [tilespmem:s1+$0xFFFFFFF0];
	v9 =	vadd.f32 v2, v5  }
0x363: {  	v1 =	vld [tilespmem:s3+$0x0];
	[tilespmem:s0+$0x0] =	vst v3  }
0x364: {  	v3 =	vld [tilespmem:s1+$0x0];
	v6 =	vadd.f32 v6, v7;
	[tilespmem:s0+$0xFFFFFFE0] =	vst v9;
	s0 =	smov.u32 s3  }
0x365: {  	s3 =	sadd.s32 $0x40, s3;
	v5 =	vld [tilespmem:s0+$0xFFFFFFE0];
	v2 =	vmov v8  }
0x366: {  	_ =	sdelay $0x1  }
0x367: {  	v0 =	vadd.f32 v4, v0  }
0x368: {  	[tilespmem:s0+$0x10] =	vst v6;
	v1 =	vadd.f32 v3, v1  }
0x369: {  	[tilespmem:s0+$0xFFFFFFF0] =	vst v0;
	v0 =	vadd.f32 v2, v5  }
0x36a: {  	[tilespmem:s0+$0x0] =	vst v1  }
0x36b: {  	s30 =	simm.s32 $0x1F180;
	s31 =	simm.s32 $0x1;
	[tilespmem:s0+$0xFFFFFFE0] =	vst v0  }
0x36c: {  	[tilespmem:s30], [sflag:$0x1] =	stream.linear.gather [spmem:s10], $0x880, $0x38;
	[tilespmem:$0x1FAA0] =	vst v63  }
0x36d: {  	_ =	swait.ge [sflag:s31], $0x880  }
0x36e: {  	[sflag:s31] =	ssyncset.done $0x0  }
0x36f: {  	s0 =	simm.s32 $0x1E0A0;
	[sflag:s31] =	ssyncadd.s32 $0xFFFFF780  }
0x370: {  	s1 =	simm.s32 $0x1F1A0;
	v5 =	vld [tilespmem:s0+$0x10]  }
0x371: {  	v6 =	vld [tilespmem:s1+$0x10]  }
0x372: {  	v2 =	vld [tilespmem:s1+$0xFFFFFFE0]  }
0x373: {  	v0 =	vld [tilespmem:s0+$0xFFFFFFF0]  }
0x374: {  	v4 =	vld [tilespmem:s1+$0xFFFFFFF0]  }
0x375: {  	v1 =	vld [tilespmem:s0+$0x0]  }
0x376: {  	v3 =	vld [tilespmem:s1+$0x0];
	v6 =	vadd.f32 v6, v5  }
0x377: {  	s2 =	simm.s32 $0x0;
	s3 =	simm.s32 $0x1E0E0;
	v5 =	vld [tilespmem:s0+$0xFFFFFFE0]  }
.LBB2_67:
0x378: {  	v7 =	vld [tilespmem:s3+$0x10];
	[tilespmem:s0+$0x10] =	vst v6;
	s1 =	sadd.s32 $0x40, s1  }
0x379: {  	s2 =	sadd.s32 $0x4, s2;
	v6 =	vld [tilespmem:s1+$0x10];
	v4 =	vadd.f32 v4, v0  }
0x37a: {  	p0 =	slt.u32 s2, $0x84;
	v8 =	vld [tilespmem:s1+$0xFFFFFFE0]  }
.Ltmp33:
0x37b: {  	v0 =	vld [tilespmem:s3+$0xFFFFFFF0];
	[tilespmem:s0+$0xFFFFFFF0] =	vst v4;
	v3 =	vadd.f32 v3, v1;
	(pc) =	sbr.rel @p0 .LBB2_67-.Ltmp33, $4  }
0x37c: {  	v4 =	vld [tilespmem:s1+$0xFFFFFFF0];
	v9 =	vadd.f32 v2, v5  }
0x37d: {  	v1 =	vld [tilespmem:s3+$0x0];
	[tilespmem:s0+$0x0] =	vst v3  }
0x37e: {  	v3 =	vld [tilespmem:s1+$0x0];
	v6 =	vadd.f32 v6, v7;
	[tilespmem:s0+$0xFFFFFFE0] =	vst v9;
	s0 =	smov.u32 s3  }
0x37f: {  	s3 =	sadd.s32 $0x40, s3;
	v5 =	vld [tilespmem:s0+$0xFFFFFFE0];
	v2 =	vmov v8  }
0x380: {  	_ =	sdelay $0x1  }
0x381: {  	v0 =	vadd.f32 v4, v0  }
0x382: {  	[tilespmem:s0+$0x10] =	vst v6;
	v1 =	vadd.f32 v3, v1  }
0x383: {  	[tilespmem:s0+$0xFFFFFFF0] =	vst v0;
	v0 =	vadd.f32 v2, v5  }
0x384: {  	[tilespmem:s0+$0x0] =	vst v1  }
0x385: {  	s30 =	simm.s32 $0x1F180;
	s31 =	simm.s32 $0x1;
	[tilespmem:s0+$0xFFFFFFE0] =	vst v0  }
0x386: {  	[tilespmem:s30], [sflag:$0x1] =	stream.linear.gather [spmem:s9], $0x880, $0x38;
	[tilespmem:$0x1FAA0] =	vst v63  }
0x387: {  	_ =	swait.ge [sflag:s31], $0x880  }
0x388: {  	[sflag:s31] =	ssyncset.done $0x0  }
0x389: {  	s0 =	simm.s32 $0x1E0A0;
	[sflag:s31] =	ssyncadd.s32 $0xFFFFF780  }
0x38a: {  	s1 =	simm.s32 $0x1F1A0;
	v5 =	vld [tilespmem:s0+$0x10]  }
0x38b: {  	v6 =	vld [tilespmem:s1+$0x10]  }
0x38c: {  	v2 =	vld [tilespmem:s1+$0xFFFFFFE0]  }
0x38d: {  	v0 =	vld [tilespmem:s0+$0xFFFFFFF0]  }
0x38e: {  	v4 =	vld [tilespmem:s1+$0xFFFFFFF0]  }
0x38f: {  	v1 =	vld [tilespmem:s0+$0x0]  }
0x390: {  	v3 =	vld [tilespmem:s1+$0x0];
	v6 =	vadd.f32 v6, v5  }
0x391: {  	s2 =	simm.s32 $0x0;
	s3 =	simm.s32 $0x1E0E0;
	v5 =	vld [tilespmem:s0+$0xFFFFFFE0]  }
.LBB2_69:
0x392: {  	v7 =	vld [tilespmem:s3+$0x10];
	[tilespmem:s0+$0x10] =	vst v6;
	s1 =	sadd.s32 $0x40, s1  }
0x393: {  	s2 =	sadd.s32 $0x4, s2;
	v6 =	vld [tilespmem:s1+$0x10];
	v4 =	vadd.f32 v4, v0  }
0x394: {  	p0 =	slt.u32 s2, $0x84;
	v8 =	vld [tilespmem:s1+$0xFFFFFFE0]  }
.Ltmp34:
0x395: {  	v0 =	vld [tilespmem:s3+$0xFFFFFFF0];
	[tilespmem:s0+$0xFFFFFFF0] =	vst v4;
	v3 =	vadd.f32 v3, v1;
	(pc) =	sbr.rel @p0 .LBB2_69-.Ltmp34, $4  }
0x396: {  	v4 =	vld [tilespmem:s1+$0xFFFFFFF0];
	v9 =	vadd.f32 v2, v5  }
0x397: {  	v1 =	vld [tilespmem:s3+$0x0];
	[tilespmem:s0+$0x0] =	vst v3  }
0x398: {  	v3 =	vld [tilespmem:s1+$0x0];
	v6 =	vadd.f32 v6, v7;
	[tilespmem:s0+$0xFFFFFFE0] =	vst v9;
	s0 =	smov.u32 s3  }
0x399: {  	s3 =	sadd.s32 $0x40, s3;
	v5 =	vld [tilespmem:s0+$0xFFFFFFE0];
	v2 =	vmov v8  }
0x39a: {  	_ =	sdelay $0x1  }
0x39b: {  	v0 =	vadd.f32 v4, v0  }
0x39c: {  	[tilespmem:s0+$0x10] =	vst v6;
	v1 =	vadd.f32 v3, v1  }
0x39d: {  	[tilespmem:s0+$0xFFFFFFF0] =	vst v0;
	v0 =	vadd.f32 v2, v5  }
0x39e: {  	[tilespmem:s0+$0x0] =	vst v1  }
0x39f: {  	s30 =	simm.s32 $0x1F180;
	s31 =	simm.s32 $0x1;
	[tilespmem:s0+$0xFFFFFFE0] =	vst v0  }
0x3a0: {  	[tilespmem:s30], [sflag:$0x1] =	stream.linear.gather [spmem:s6], $0x880, $0x38;
	[tilespmem:$0x1FAA0] =	vst v63  }
0x3a1: {  	_ =	swait.ge [sflag:s31], $0x880  }
0x3a2: {  	[sflag:s31] =	ssyncset.done $0x0  }
0x3a3: {  	s0 =	simm.s32 $0x1E0A0;
	[sflag:s31] =	ssyncadd.s32 $0xFFFFF780  }
0x3a4: {  	s1 =	simm.s32 $0x1F1A0;
	v5 =	vld [tilespmem:s0+$0x10]  }
0x3a5: {  	v6 =	vld [tilespmem:s1+$0x10]  }
0x3a6: {  	v2 =	vld [tilespmem:s1+$0xFFFFFFE0]  }
0x3a7: {  	v0 =	vld [tilespmem:s0+$0xFFFFFFF0]  }
0x3a8: {  	v4 =	vld [tilespmem:s1+$0xFFFFFFF0]  }
0x3a9: {  	v1 =	vld [tilespmem:s0+$0x0]  }
0x3aa: {  	v3 =	vld [tilespmem:s1+$0x0];
	v6 =	vadd.f32 v6, v5  }
0x3ab: {  	s2 =	simm.s32 $0x0;
	s3 =	simm.s32 $0x1E0E0;
	v5 =	vld [tilespmem:s0+$0xFFFFFFE0]  }
.LBB2_71:
0x3ac: {  	v7 =	vld [tilespmem:s3+$0x10];
	[tilespmem:s0+$0x10] =	vst v6;
	s1 =	sadd.s32 $0x40, s1  }
0x3ad: {  	s2 =	sadd.s32 $0x4, s2;
	v6 =	vld [tilespmem:s1+$0x10];
	v4 =	vadd.f32 v4, v0  }
0x3ae: {  	p0 =	slt.u32 s2, $0x84;
	v8 =	vld [tilespmem:s1+$0xFFFFFFE0]  }
.Ltmp35:
0x3af: {  	v0 =	vld [tilespmem:s3+$0xFFFFFFF0];
	[tilespmem:s0+$0xFFFFFFF0] =	vst v4;
	v3 =	vadd.f32 v3, v1;
	(pc) =	sbr.rel @p0 .LBB2_71-.Ltmp35, $4  }
0x3b0: {  	v4 =	vld [tilespmem:s1+$0xFFFFFFF0];
	v9 =	vadd.f32 v2, v5  }
0x3b1: {  	v1 =	vld [tilespmem:s3+$0x0];
	[tilespmem:s0+$0x0] =	vst v3  }
0x3b2: {  	v3 =	vld [tilespmem:s1+$0x0];
	v6 =	vadd.f32 v6, v7;
	[tilespmem:s0+$0xFFFFFFE0] =	vst v9;
	s0 =	smov.u32 s3  }
0x3b3: {  	s3 =	sadd.s32 $0x40, s3;
	v5 =	vld [tilespmem:s0+$0xFFFFFFE0];
	v2 =	vmov v8  }
0x3b4: {  	_ =	sdelay $0x1  }
0x3b5: {  	v0 =	vadd.f32 v4, v0  }
0x3b6: {  	[tilespmem:s0+$0x10] =	vst v6;
	v1 =	vadd.f32 v3, v1  }
0x3b7: {  	[tilespmem:s0+$0xFFFFFFF0] =	vst v0;
	v0 =	vadd.f32 v2, v5  }
0x3b8: {  	[tilespmem:s0+$0x0] =	vst v1  }
0x3b9: {  	s30 =	simm.s32 $0x1F180;
	s31 =	simm.s32 $0x1;
	[tilespmem:s0+$0xFFFFFFE0] =	vst v0  }
0x3ba: {  	[tilespmem:s30], [sflag:$0x1] =	stream.linear.gather [spmem:s5], $0x880, $0x38;
	[tilespmem:$0x1FAA0] =	vst v63  }
0x3bb: {  	_ =	swait.ge [sflag:s31], $0x880  }
0x3bc: {  	[sflag:s31] =	ssyncset.done $0x0  }
0x3bd: {  	s0 =	simm.s32 $0x1E0A0;
	[sflag:s31] =	ssyncadd.s32 $0xFFFFF780  }
0x3be: {  	s1 =	simm.s32 $0x1F1A0;
	v5 =	vld [tilespmem:s0+$0x10]  }
0x3bf: {  	v6 =	vld [tilespmem:s1+$0x10]  }
0x3c0: {  	v2 =	vld [tilespmem:s1+$0xFFFFFFE0]  }
0x3c1: {  	v0 =	vld [tilespmem:s0+$0xFFFFFFF0]  }
0x3c2: {  	v4 =	vld [tilespmem:s1+$0xFFFFFFF0]  }
0x3c3: {  	v1 =	vld [tilespmem:s0+$0x0]  }
0x3c4: {  	v3 =	vld [tilespmem:s1+$0x0];
	v6 =	vadd.f32 v6, v5  }
0x3c5: {  	s2 =	simm.s32 $0x0;
	s3 =	simm.s32 $0x1E0E0;
	v5 =	vld [tilespmem:s0+$0xFFFFFFE0]  }
.LBB2_73:
0x3c6: {  	v7 =	vld [tilespmem:s3+$0x10];
	[tilespmem:s0+$0x10] =	vst v6;
	s1 =	sadd.s32 $0x40, s1  }
0x3c7: {  	s2 =	sadd.s32 $0x4, s2;
	v6 =	vld [tilespmem:s1+$0x10];
	v4 =	vadd.f32 v4, v0  }
0x3c8: {  	p0 =	slt.u32 s2, $0x84;
	v8 =	vld [tilespmem:s1+$0xFFFFFFE0]  }
.Ltmp36:
0x3c9: {  	v0 =	vld [tilespmem:s3+$0xFFFFFFF0];
	[tilespmem:s0+$0xFFFFFFF0] =	vst v4;
	v3 =	vadd.f32 v3, v1;
	(pc) =	sbr.rel @p0 .LBB2_73-.Ltmp36, $4  }
0x3ca: {  	v4 =	vld [tilespmem:s1+$0xFFFFFFF0];
	v9 =	vadd.f32 v2, v5  }
0x3cb: {  	v1 =	vld [tilespmem:s3+$0x0];
	[tilespmem:s0+$0x0] =	vst v3  }
0x3cc: {  	v3 =	vld [tilespmem:s1+$0x0];
	v6 =	vadd.f32 v6, v7;
	[tilespmem:s0+$0xFFFFFFE0] =	vst v9;
	s0 =	smov.u32 s3  }
0x3cd: {  	s3 =	sadd.s32 $0x40, s3;
	v5 =	vld [tilespmem:s0+$0xFFFFFFE0];
	v2 =	vmov v8  }
0x3ce: {  	_ =	sdelay $0x1  }
0x3cf: {  	v0 =	vadd.f32 v4, v0  }
0x3d0: {  	[tilespmem:s0+$0x10] =	vst v6;
	v1 =	vadd.f32 v3, v1  }
0x3d1: {  	[tilespmem:s0+$0xFFFFFFF0] =	vst v0;
	v0 =	vadd.f32 v2, v5  }
0x3d2: {  	[tilespmem:s0+$0x0] =	vst v1  }
0x3d3: {  	s30 =	simm.s32 $0x1F180;
	s31 =	simm.s32 $0x1;
	[tilespmem:s0+$0xFFFFFFE0] =	vst v0  }
0x3d4: {  	[tilespmem:s30], [sflag:$0x1] =	stream.linear.gather [spmem:s4], $0x880, $0x38;
	[tilespmem:$0x1FAA0] =	vst v63  }
0x3d5: {  	_ =	swait.ge [sflag:s31], $0x880  }
0x3d6: {  	[sflag:s31] =	ssyncset.done $0x0  }
0x3d7: {  	s0 =	simm.s32 $0x1E0A0;
	[sflag:s31] =	ssyncadd.s32 $0xFFFFF780  }
0x3d8: {  	s1 =	simm.s32 $0x1F1A0;
	v5 =	vld [tilespmem:s0+$0x10]  }
0x3d9: {  	v6 =	vld [tilespmem:s1+$0x10]  }
0x3da: {  	v2 =	vld [tilespmem:s1+$0xFFFFFFE0]  }
0x3db: {  	v0 =	vld [tilespmem:s0+$0xFFFFFFF0]  }
0x3dc: {  	v4 =	vld [tilespmem:s1+$0xFFFFFFF0]  }
0x3dd: {  	v1 =	vld [tilespmem:s0+$0x0]  }
0x3de: {  	v3 =	vld [tilespmem:s1+$0x0];
	v6 =	vadd.f32 v6, v5  }
0x3df: {  	s2 =	simm.s32 $0x0;
	s3 =	simm.s32 $0x1E0E0;
	v5 =	vld [tilespmem:s0+$0xFFFFFFE0]  }
.LBB2_75:
0x3e0: {  	v7 =	vld [tilespmem:s3+$0x10];
	[tilespmem:s0+$0x10] =	vst v6;
	s1 =	sadd.s32 $0x40, s1  }
0x3e1: {  	s2 =	sadd.s32 $0x4, s2;
	v6 =	vld [tilespmem:s1+$0x10];
	v4 =	vadd.f32 v4, v0  }
0x3e2: {  	p0 =	slt.u32 s2, $0x84;
	v8 =	vld [tilespmem:s1+$0xFFFFFFE0]  }
.Ltmp37:
0x3e3: {  	v0 =	vld [tilespmem:s3+$0xFFFFFFF0];
	[tilespmem:s0+$0xFFFFFFF0] =	vst v4;
	v3 =	vadd.f32 v3, v1;
	(pc) =	sbr.rel @p0 .LBB2_75-.Ltmp37, $4  }
0x3e4: {  	v4 =	vld [tilespmem:s1+$0xFFFFFFF0];
	v9 =	vadd.f32 v2, v5  }
0x3e5: {  	v1 =	vld [tilespmem:s3+$0x0];
	[tilespmem:s0+$0x0] =	vst v3  }
0x3e6: {  	v3 =	vld [tilespmem:s1+$0x0];
	v6 =	vadd.f32 v6, v7;
	[tilespmem:s0+$0xFFFFFFE0] =	vst v9;
	s0 =	smov.u32 s3  }
0x3e7: {  	s3 =	sadd.s32 $0x40, s3;
	v5 =	vld [tilespmem:s0+$0xFFFFFFE0];
	v2 =	vmov v8  }
0x3e8: {  	_ = 	snop  }
0x3e9: {  	v7 =	vlaneseq.u32  }
0x3ea: {  	v4 =	vadd.f32 v4, v0;
	v0 =	vmul.u32 $0x11, v7  }
0x3eb: {  	[tilespmem:s0+$0x10] =	vst v6;
	v1 =	vadd.f32 v3, v1  }
0x3ec: {  	[tilespmem:s0+$0xFFFFFFF0] =	vst v4;
	v2 =	vadd.f32 v2, v5  }
0x3ed: {  	v36 =	vadd.s32 $0x1, v0;
	[tilespmem:s0+$0x0] =	vst v1  }
0x3ee: {  	[tilespmem:s0+$0xFFFFFFE0] =	vst v2  }
0x3ef: {  	s4 =	simm.s32 $0x1E080;
	v37 =	vadd.s32 $0x2, v0;
	[bflag:$0x0] =	sbarrier.arrive $0xFFFF  }
0x3f0: {  	v38 =	vld.idx.msk [tilespmem:v0+s4+$0x0], $0xffff  }
0x3f1: {  	v39 =	vadd.s32 $0x3, v0  }
0x3f2: {  	v40 =	vld.idx.msk [tilespmem:v36+s4+$0x0], $0xffff  }
0x3f3: {  	v41 =	vadd.s32 $0x4, v0  }
0x3f4: {  	v42 =	vld.idx.msk [tilespmem:v37+s4+$0x0], $0xffff  }
0x3f5: {  	v8 =	vadd.s32 $0x5, v0;
	v3 =	vadd.f32 $0.0e+00, v38  }
0x3f6: {  	v9 =	vld.idx.msk [tilespmem:v39+s4+$0x0], $0xffff  }
0x3f7: {  	v43 =	vadd.s32 $0x6, v0;
	v3 =	vadd.f32 v40, v3  }
0x3f8: {  	v10 =	vld.idx.msk [tilespmem:v41+s4+$0x0], $0xffff  }
0x3f9: {  	v44 =	vadd.s32 $0x7, v0;
	v11 =	vld [tilespmem:$0x1FA90];
	v3 =	vadd.f32 v42, v3  }
0x3fa: {  	s3 =	simm.s32 $0x1D800;
	v12 =	vld.idx.msk [tilespmem:v8+s4+$0x0], $0xffff  }
0x3fb: {  	v45 =	vadd.s32 $0x8, v0;
	v13 =	vld.idx.msk [tilespmem:v0+s3+$0x0], $0xffff;
	v3 =	vadd.f32 v9, v3  }
0x3fc: {  	v14 =	vld.idx.msk [tilespmem:v43+s4+$0x0], $0xffff  }
0x3fd: {  	v46 =	vadd.s32 $0x9, v0;
	v1 =	vld.idx.msk [tilespmem:v36+s3+$0x0], $0xffff;
	v3 =	vadd.f32 v10, v3  }
0x3fe: {  	v15 =	vld.idx.msk [tilespmem:v44+s4+$0x0], $0xffff  }
0x3ff: {  	v47 =	vadd.s32 $0xA, v0;
	v2 =	vld.idx.msk [tilespmem:v37+s3+$0x0], $0xffff;
	v3 =	vadd.f32 v12, v3  }
0x400: {  	v16 =	vld.idx.msk [tilespmem:v45+s4+$0x0], $0xffff;
	v13 =	vadd.f32 $0.0e+00, v13  }
0x401: {  	v48 =	vadd.s32 $0xB, v0;
	v4 =	vld.idx.msk [tilespmem:v39+s3+$0x0], $0xffff;
	v3 =	vadd.f32 v14, v3  }
0x402: {  	v49 =	vld.idx.msk [tilespmem:v46+s4+$0x0], $0xffff;
	v1 =	vadd.f32 v1, v13  }
0x403: {  	v50 =	vadd.s32 $0xC, v0;
	v6 =	vld.idx.msk [tilespmem:v41+s3+$0x0], $0xffff;
	v3 =	vadd.f32 v15, v3  }
0x404: {  	v51 =	vld.idx.msk [tilespmem:v47+s4+$0x0], $0xffff;
	v1 =	vadd.f32 v2, v1  }
0x405: {  	v52 =	vadd.s32 $0xD, v0;
	v8 =	vld.idx.msk [tilespmem:v8+s3+$0x0], $0xffff;
	v3 =	vadd.f32 v16, v3  }
0x406: {  	v53 =	vld.idx.msk [tilespmem:v48+s4+$0x0], $0xffff;
	v1 =	vadd.f32 v4, v1  }
0x407: {  	v54 =	vadd.s32 $0xE, v0;
	v5 =	vld.idx.msk [tilespmem:v43+s3+$0x0], $0xffff;
	v3 =	vadd.f32 v49, v3  }
0x408: {  	v55 =	vld.idx.msk [tilespmem:v50+s4+$0x0], $0xffff;
	v1 =	vadd.f32 v6, v1  }
0x409: {  	v56 =	vadd.s32 $0xF, v0;
	v7 =	vld.idx.msk [tilespmem:v44+s3+$0x0], $0xffff;
	v2 =	vadd.f32 v51, v3  }
0x40a: {  	v57 =	vld.idx.msk [tilespmem:v52+s4+$0x0], $0xffff;
	v1 =	vadd.f32 v8, v1  }
0x40b: {  	v9 =	vld.idx.msk [tilespmem:v45+s3+$0x0], $0xffff;
	v2 =	vadd.f32 v53, v2  }
0x40c: {  	v58 =	vld.idx.msk [tilespmem:v54+s4+$0x0], $0xffff;
	v1 =	vadd.f32 v5, v1  }
0x40d: {  	v59 =	vld.idx.msk [tilespmem:v46+s3+$0x0], $0xffff;
	v2 =	vadd.f32 v55, v2  }
0x40e: {  	v60 =	vld.idx.msk [tilespmem:v56+s4+$0x0], $0xffff;
	v1 =	vadd.f32 v7, v1  }
0x40f: {  	v61 =	vld.idx.msk [tilespmem:v47+s3+$0x0], $0xffff;
	v2 =	vadd.f32 v57, v2  }
0x410: {  	v1 =	vadd.f32 v9, v1  }
0x411: {  	v62 =	vld.idx.msk [tilespmem:v48+s3+$0x0], $0xffff;
	v2 =	vadd.f32 v58, v2  }
0x412: {  	v1 =	vadd.f32 v59, v1  }
0x413: {  	v63 =	vld.idx.msk [tilespmem:v50+s3+$0x0], $0xffff;
	v2 =	vadd.f32 v60, v2  }
0x414: {  	v9 =	vmax.f32 v11, $1.000000000e+00;
	v1 =	vadd.f32 v61, v1  }
0x415: {  	v10 =	vld.idx.msk [tilespmem:v52+s3+$0x0], $0xffff;
	(erf) = vrcp.f32 v9;
	v2 =	vmax.f32 v2, $1.000000000e+00  }
0x416: {  	v1 =	vadd.f32 v62, v1;
	(erf) = vrcp.f32 v2  }
0x417: {  	v11 =	vld.idx.msk [tilespmem:v54+s3+$0x0], $0xffff  }
0x418: {  	v1 =	vadd.f32 v63, v1  }
0x419: {  	v3 =	vld.idx.msk [tilespmem:v56+s3+$0x0], $0xffff  }
0x41a: {  	v1 =	vadd.f32 v10, v1;
	_ =	sdelay $0x1  }
0x41b: {  	v1 =	vadd.f32 v11, v1  }
0x41c: {  	v12 =	vld [tilespmem:$0x1FA80]  }
0x41d: {  	v13 =	vpop (erf);
	v1 =	vadd.f32 v3, v1  }
0x41e: {  	v14 =	vpop (erf)  }
0x41f: {  	v3 =	vmul.f32 v14, v1;
	_ =	sdelay $0x1  }
0x420: {  	v16 =	vadd.s32 $0x110, v0;
	v1 =	vmul.f32 v13, v12;
	v15 =	vmul.f32 $3.333333430e-01, v3;
	_ =	sdelay $0x1  }
0x421: {  	v17 =	vadd.s32 $0x111, v0;
	v2 =	vadd.f32 v15, v1;
	_ =	sdelay $0x1  }
0x422: {  	v18 =	vadd.s32 $0x112, v0;
	[tilespmem:$0x1FA00] =	vst v2  }
0x423: {  	v19 =	vld.idx.msk [tilespmem:v16+s4+$0x0], $0xffff  }
0x424: {  	v20 =	vadd.s32 $0x113, v0  }
0x425: {  	v21 =	vld.idx.msk [tilespmem:v17+s4+$0x0], $0xffff  }
0x426: {  	v22 =	vadd.s32 $0x114, v0  }
0x427: {  	v23 =	vld.idx.msk [tilespmem:v18+s4+$0x0], $0xffff  }
0x428: {  	v24 =	vadd.s32 $0x115, v0;
	v5 =	vadd.f32 $0.0e+00, v19  }
0x429: {  	v25 =	vld.idx.msk [tilespmem:v20+s4+$0x0], $0xffff  }
0x42a: {  	v26 =	vadd.s32 $0x116, v0;
	v5 =	vadd.f32 v21, v5  }
0x42b: {  	v27 =	vld.idx.msk [tilespmem:v22+s4+$0x0], $0xffff  }
0x42c: {  	v28 =	vadd.s32 $0x117, v0;
	v5 =	vadd.f32 v23, v5  }
0x42d: {  	v29 =	vld.idx.msk [tilespmem:v24+s4+$0x0], $0xffff  }
0x42e: {  	v30 =	vadd.s32 $0x118, v0;
	v3 =	vld.idx.msk [tilespmem:v16+s3+$0x0], $0xffff;
	v5 =	vadd.f32 v25, v5  }
0x42f: {  	v31 =	vld.idx.msk [tilespmem:v26+s4+$0x0], $0xffff  }
0x430: {  	v32 =	vadd.s32 $0x119, v0;
	v4 =	vld.idx.msk [tilespmem:v17+s3+$0x0], $0xffff;
	v5 =	vadd.f32 v27, v5  }
0x431: {  	v33 =	vld.idx.msk [tilespmem:v28+s4+$0x0], $0xffff  }
0x432: {  	v34 =	vadd.s32 $0x11A, v0;
	v2 =	vld.idx.msk [tilespmem:v18+s3+$0x0], $0xffff;
	v5 =	vadd.f32 v29, v5  }
0x433: {  	v35 =	vld.idx.msk [tilespmem:v30+s4+$0x0], $0xffff;
	v3 =	vadd.f32 $0.0e+00, v3  }
0x434: {  	v36 =	vadd.s32 $0x11B, v0;
	v6 =	vld.idx.msk [tilespmem:v20+s3+$0x0], $0xffff;
	v5 =	vadd.f32 v31, v5  }
0x435: {  	v37 =	vld.idx.msk [tilespmem:v32+s4+$0x0], $0xffff;
	v3 =	vadd.f32 v4, v3  }
0x436: {  	v38 =	vadd.s32 $0x11C, v0;
	v8 =	vld.idx.msk [tilespmem:v22+s3+$0x0], $0xffff;
	v5 =	vadd.f32 v33, v5  }
0x437: {  	v39 =	vld.idx.msk [tilespmem:v34+s4+$0x0], $0xffff;
	v2 =	vadd.f32 v2, v3  }
0x438: {  	v40 =	vadd.s32 $0x11D, v0;
	v10 =	vld.idx.msk [tilespmem:v24+s3+$0x0], $0xffff;
	v5 =	vadd.f32 v35, v5  }
0x439: {  	v41 =	vld.idx.msk [tilespmem:v36+s4+$0x0], $0xffff;
	v2 =	vadd.f32 v6, v2  }
0x43a: {  	v42 =	vadd.s32 $0x11E, v0;
	v7 =	vld.idx.msk [tilespmem:v26+s3+$0x0], $0xffff;
	v4 =	vadd.f32 v37, v5  }
0x43b: {  	v43 =	vld.idx.msk [tilespmem:v38+s4+$0x0], $0xffff;
	v2 =	vadd.f32 v8, v2  }
0x43c: {  	v44 =	vadd.s32 $0x11F, v0;
	v9 =	vld.idx.msk [tilespmem:v28+s3+$0x0], $0xffff;
	v3 =	vadd.f32 v39, v4  }
0x43d: {  	v45 =	vld.idx.msk [tilespmem:v40+s4+$0x0], $0xffff;
	v2 =	vadd.f32 v10, v2  }
0x43e: {  	v11 =	vld.idx.msk [tilespmem:v30+s3+$0x0], $0xffff;
	v3 =	vadd.f32 v41, v3  }
0x43f: {  	v46 =	vld.idx.msk [tilespmem:v42+s4+$0x0], $0xffff;
	v2 =	vadd.f32 v7, v2  }
0x440: {  	v47 =	vld.idx.msk [tilespmem:v32+s3+$0x0], $0xffff;
	v3 =	vadd.f32 v43, v3  }
0x441: {  	v48 =	vld.idx.msk [tilespmem:v44+s4+$0x0], $0xffff;
	v2 =	vadd.f32 v9, v2  }
0x442: {  	v49 =	vld.idx.msk [tilespmem:v34+s3+$0x0], $0xffff;
	v3 =	vadd.f32 v45, v3  }
0x443: {  	v2 =	vadd.f32 v11, v2  }
0x444: {  	v50 =	vld.idx.msk [tilespmem:v36+s3+$0x0], $0xffff;
	v3 =	vadd.f32 v46, v3  }
0x445: {  	v2 =	vadd.f32 v47, v2  }
0x446: {  	v51 =	vld.idx.msk [tilespmem:v38+s3+$0x0], $0xffff;
	v3 =	vadd.f32 v48, v3  }
0x447: {  	v2 =	vadd.f32 v49, v2  }
0x448: {  	v52 =	vld.idx.msk [tilespmem:v40+s3+$0x0], $0xffff;
	v3 =	vmax.f32 v3, $1.000000000e+00  }
0x449: {  	v2 =	vadd.f32 v50, v2;
	(erf) = vrcp.f32 v3  }
0x44a: {  	v53 =	vld.idx.msk [tilespmem:v42+s3+$0x0], $0xffff  }
0x44b: {  	v2 =	vadd.f32 v51, v2  }
0x44c: {  	v4 =	vld.idx.msk [tilespmem:v44+s3+$0x0], $0xffff  }
0x44d: {  	v2 =	vadd.f32 v52, v2;
	_ =	sdelay $0x1  }
0x44e: {  	v2 =	vadd.f32 v53, v2;
	_ =	sdelay $0x1  }
0x44f: {  	v2 =	vadd.f32 v4, v2  }
0x450: {  	v54 =	vpop (erf)  }
0x451: {  	v2 =	vmul.f32 v54, v2;
	_ =	sdelay $0x1  }
0x452: {  	v55 =	vadd.s32 $0x220, v0;
	v2 =	vmul.f32 $3.333333430e-01, v2;
	_ =	sdelay $0x1  }
0x453: {  	v56 =	vadd.s32 $0x221, v0;
	v2 =	vadd.f32 v2, v1;
	_ =	sdelay $0x1  }
0x454: {  	v57 =	vadd.s32 $0x222, v0;
	[tilespmem:$0x1FA10] =	vst v2  }
0x455: {  	v58 =	vld.idx.msk [tilespmem:v55+s4+$0x0], $0xffff  }
0x456: {  	v59 =	vadd.s32 $0x223, v0  }
0x457: {  	v60 =	vld.idx.msk [tilespmem:v56+s4+$0x0], $0xffff  }
0x458: {  	v61 =	vadd.s32 $0x224, v0  }
0x459: {  	v62 =	vld.idx.msk [tilespmem:v57+s4+$0x0], $0xffff  }
0x45a: {  	v63 =	vadd.s32 $0x225, v0;
	v5 =	vadd.f32 $0.0e+00, v58  }
0x45b: {  	v19 =	vld.idx.msk [tilespmem:v59+s4+$0x0], $0xffff  }
0x45c: {  	v20 =	vadd.s32 $0x226, v0;
	v5 =	vadd.f32 v60, v5  }
0x45d: {  	v21 =	vld.idx.msk [tilespmem:v61+s4+$0x0], $0xffff  }
0x45e: {  	v22 =	vadd.s32 $0x227, v0;
	v5 =	vadd.f32 v62, v5  }
0x45f: {  	v23 =	vld.idx.msk [tilespmem:v63+s4+$0x0], $0xffff  }
0x460: {  	v24 =	vadd.s32 $0x228, v0;
	v3 =	vld.idx.msk [tilespmem:v55+s3+$0x0], $0xffff;
	v5 =	vadd.f32 v19, v5  }
0x461: {  	v25 =	vld.idx.msk [tilespmem:v20+s4+$0x0], $0xffff  }
0x462: {  	v26 =	vadd.s32 $0x229, v0;
	v4 =	vld.idx.msk [tilespmem:v56+s3+$0x0], $0xffff;
	v5 =	vadd.f32 v21, v5  }
0x463: {  	v27 =	vld.idx.msk [tilespmem:v22+s4+$0x0], $0xffff  }
0x464: {  	v28 =	vadd.s32 $0x22A, v0;
	v2 =	vld.idx.msk [tilespmem:v57+s3+$0x0], $0xffff;
	v5 =	vadd.f32 v23, v5  }
0x465: {  	v29 =	vld.idx.msk [tilespmem:v24+s4+$0x0], $0xffff;
	v3 =	vadd.f32 $0.0e+00, v3  }
0x466: {  	v30 =	vadd.s32 $0x22B, v0;
	v6 =	vld.idx.msk [tilespmem:v59+s3+$0x0], $0xffff;
	v5 =	vadd.f32 v25, v5  }
0x467: {  	v31 =	vld.idx.msk [tilespmem:v26+s4+$0x0], $0xffff;
	v3 =	vadd.f32 v4, v3  }
0x468: {  	v32 =	vadd.s32 $0x22C, v0;
	v8 =	vld.idx.msk [tilespmem:v61+s3+$0x0], $0xffff;
	v5 =	vadd.f32 v27, v5  }
0x469: {  	v33 =	vld.idx.msk [tilespmem:v28+s4+$0x0], $0xffff;
	v2 =	vadd.f32 v2, v3  }
0x46a: {  	v34 =	vadd.s32 $0x22D, v0;
	v10 =	vld.idx.msk [tilespmem:v63+s3+$0x0], $0xffff;
	v5 =	vadd.f32 v29, v5  }
0x46b: {  	v35 =	vld.idx.msk [tilespmem:v30+s4+$0x0], $0xffff;
	v2 =	vadd.f32 v6, v2  }
0x46c: {  	v36 =	vadd.s32 $0x22E, v0;
	v7 =	vld.idx.msk [tilespmem:v20+s3+$0x0], $0xffff;
	v4 =	vadd.f32 v31, v5  }
0x46d: {  	v37 =	vld.idx.msk [tilespmem:v32+s4+$0x0], $0xffff;
	v2 =	vadd.f32 v8, v2  }
0x46e: {  	v38 =	vadd.s32 $0x22F, v0;
	v9 =	vld.idx.msk [tilespmem:v22+s3+$0x0], $0xffff;
	v3 =	vadd.f32 v33, v4  }
0x46f: {  	v39 =	vld.idx.msk [tilespmem:v34+s4+$0x0], $0xffff;
	v2 =	vadd.f32 v10, v2  }
0x470: {  	v11 =	vld.idx.msk [tilespmem:v24+s3+$0x0], $0xffff;
	v3 =	vadd.f32 v35, v3  }
0x471: {  	v40 =	vld.idx.msk [tilespmem:v36+s4+$0x0], $0xffff;
	v2 =	vadd.f32 v7, v2  }
0x472: {  	v41 =	vld.idx.msk [tilespmem:v26+s3+$0x0], $0xffff;
	v3 =	vadd.f32 v37, v3  }
0x473: {  	v42 =	vld.idx.msk [tilespmem:v38+s4+$0x0], $0xffff;
	v2 =	vadd.f32 v9, v2  }
0x474: {  	v43 =	vld.idx.msk [tilespmem:v28+s3+$0x0], $0xffff;
	v3 =	vadd.f32 v39, v3  }
0x475: {  	v2 =	vadd.f32 v11, v2  }
0x476: {  	v44 =	vld.idx.msk [tilespmem:v30+s3+$0x0], $0xffff;
	v3 =	vadd.f32 v40, v3  }
0x477: {  	v2 =	vadd.f32 v41, v2  }
0x478: {  	v45 =	vld.idx.msk [tilespmem:v32+s3+$0x0], $0xffff;
	v3 =	vadd.f32 v42, v3  }
0x479: {  	v2 =	vadd.f32 v43, v2  }
0x47a: {  	v46 =	vld.idx.msk [tilespmem:v34+s3+$0x0], $0xffff;
	v3 =	vmax.f32 v3, $1.000000000e+00  }
0x47b: {  	v2 =	vadd.f32 v44, v2;
	(erf) = vrcp.f32 v3  }
0x47c: {  	v47 =	vld.idx.msk [tilespmem:v36+s3+$0x0], $0xffff  }
0x47d: {  	v2 =	vadd.f32 v45, v2  }
0x47e: {  	v4 =	vld.idx.msk [tilespmem:v38+s3+$0x0], $0xffff  }
0x47f: {  	v2 =	vadd.f32 v46, v2;
	_ =	sdelay $0x1  }
0x480: {  	v2 =	vadd.f32 v47, v2;
	_ =	sdelay $0x1  }
0x481: {  	v2 =	vadd.f32 v4, v2  }
0x482: {  	v48 =	vpop (erf)  }
0x483: {  	v2 =	vmul.f32 v48, v2;
	_ =	sdelay $0x1  }
0x484: {  	v49 =	vadd.s32 $0x330, v0;
	v2 =	vmul.f32 $3.333333430e-01, v2;
	_ =	sdelay $0x1  }
0x485: {  	v50 =	vadd.s32 $0x331, v0;
	v2 =	vadd.f32 v2, v1;
	_ =	sdelay $0x1  }
0x486: {  	v51 =	vadd.s32 $0x332, v0;
	[tilespmem:$0x1FA20] =	vst v2  }
0x487: {  	v52 =	vld.idx.msk [tilespmem:v49+s4+$0x0], $0xffff  }
0x488: {  	v53 =	vadd.s32 $0x333, v0  }
0x489: {  	v54 =	vld.idx.msk [tilespmem:v50+s4+$0x0], $0xffff  }
0x48a: {  	v55 =	vadd.s32 $0x334, v0  }
0x48b: {  	v56 =	vld.idx.msk [tilespmem:v51+s4+$0x0], $0xffff  }
0x48c: {  	v57 =	vadd.s32 $0x335, v0;
	v5 =	vadd.f32 $0.0e+00, v52  }
0x48d: {  	v58 =	vld.idx.msk [tilespmem:v53+s4+$0x0], $0xffff  }
0x48e: {  	v59 =	vadd.s32 $0x336, v0;
	v5 =	vadd.f32 v54, v5  }
0x48f: {  	v60 =	vld.idx.msk [tilespmem:v55+s4+$0x0], $0xffff  }
0x490: {  	v61 =	vadd.s32 $0x337, v0;
	v5 =	vadd.f32 v56, v5  }
0x491: {  	v62 =	vld.idx.msk [tilespmem:v57+s4+$0x0], $0xffff  }
0x492: {  	v63 =	vadd.s32 $0x338, v0;
	v3 =	vld.idx.msk [tilespmem:v49+s3+$0x0], $0xffff;
	v5 =	vadd.f32 v58, v5  }
0x493: {  	v20 =	vld.idx.msk [tilespmem:v59+s4+$0x0], $0xffff  }
0x494: {  	v21 =	vadd.s32 $0x339, v0;
	v4 =	vld.idx.msk [tilespmem:v50+s3+$0x0], $0xffff;
	v5 =	vadd.f32 v60, v5  }
0x495: {  	v22 =	vld.idx.msk [tilespmem:v61+s4+$0x0], $0xffff  }
0x496: {  	v23 =	vadd.s32 $0x33A, v0;
	v2 =	vld.idx.msk [tilespmem:v51+s3+$0x0], $0xffff;
	v5 =	vadd.f32 v62, v5  }
0x497: {  	v24 =	vld.idx.msk [tilespmem:v63+s4+$0x0], $0xffff;
	v3 =	vadd.f32 $0.0e+00, v3  }
0x498: {  	v25 =	vadd.s32 $0x33B, v0;
	v6 =	vld.idx.msk [tilespmem:v53+s3+$0x0], $0xffff;
	v5 =	vadd.f32 v20, v5  }
0x499: {  	v26 =	vld.idx.msk [tilespmem:v21+s4+$0x0], $0xffff;
	v3 =	vadd.f32 v4, v3  }
0x49a: {  	v27 =	vadd.s32 $0x33C, v0;
	v8 =	vld.idx.msk [tilespmem:v55+s3+$0x0], $0xffff;
	v5 =	vadd.f32 v22, v5  }
0x49b: {  	v28 =	vld.idx.msk [tilespmem:v23+s4+$0x0], $0xffff;
	v2 =	vadd.f32 v2, v3  }
0x49c: {  	v29 =	vadd.s32 $0x33D, v0;
	v10 =	vld.idx.msk [tilespmem:v57+s3+$0x0], $0xffff;
	v5 =	vadd.f32 v24, v5  }
0x49d: {  	v30 =	vld.idx.msk [tilespmem:v25+s4+$0x0], $0xffff;
	v2 =	vadd.f32 v6, v2  }
0x49e: {  	v31 =	vadd.s32 $0x33E, v0;
	v7 =	vld.idx.msk [tilespmem:v59+s3+$0x0], $0xffff;
	v4 =	vadd.f32 v26, v5  }
0x49f: {  	v32 =	vld.idx.msk [tilespmem:v27+s4+$0x0], $0xffff;
	v2 =	vadd.f32 v8, v2  }
0x4a0: {  	v33 =	vadd.s32 $0x33F, v0;
	v9 =	vld.idx.msk [tilespmem:v61+s3+$0x0], $0xffff;
	v3 =	vadd.f32 v28, v4  }
0x4a1: {  	v34 =	vld.idx.msk [tilespmem:v29+s4+$0x0], $0xffff;
	v2 =	vadd.f32 v10, v2  }
0x4a2: {  	v11 =	vld.idx.msk [tilespmem:v63+s3+$0x0], $0xffff;
	v3 =	vadd.f32 v30, v3  }
0x4a3: {  	v35 =	vld.idx.msk [tilespmem:v31+s4+$0x0], $0xffff;
	v2 =	vadd.f32 v7, v2  }
0x4a4: {  	v36 =	vld.idx.msk [tilespmem:v21+s3+$0x0], $0xffff;
	v3 =	vadd.f32 v32, v3  }
0x4a5: {  	v37 =	vld.idx.msk [tilespmem:v33+s4+$0x0], $0xffff;
	v2 =	vadd.f32 v9, v2  }
0x4a6: {  	v38 =	vld.idx.msk [tilespmem:v23+s3+$0x0], $0xffff;
	v3 =	vadd.f32 v34, v3  }
0x4a7: {  	v2 =	vadd.f32 v11, v2  }
0x4a8: {  	v39 =	vld.idx.msk [tilespmem:v25+s3+$0x0], $0xffff;
	v3 =	vadd.f32 v35, v3  }
0x4a9: {  	v2 =	vadd.f32 v36, v2  }
0x4aa: {  	v40 =	vld.idx.msk [tilespmem:v27+s3+$0x0], $0xffff;
	v3 =	vadd.f32 v37, v3  }
0x4ab: {  	v2 =	vadd.f32 v38, v2  }
0x4ac: {  	v41 =	vld.idx.msk [tilespmem:v29+s3+$0x0], $0xffff;
	v3 =	vmax.f32 v3, $1.000000000e+00  }
0x4ad: {  	v2 =	vadd.f32 v39, v2;
	(erf) = vrcp.f32 v3  }
0x4ae: {  	v42 =	vld.idx.msk [tilespmem:v31+s3+$0x0], $0xffff  }
0x4af: {  	v2 =	vadd.f32 v40, v2  }
0x4b0: {  	v4 =	vld.idx.msk [tilespmem:v33+s3+$0x0], $0xffff  }
0x4b1: {  	v2 =	vadd.f32 v41, v2;
	_ =	sdelay $0x1  }
0x4b2: {  	v2 =	vadd.f32 v42, v2;
	_ =	sdelay $0x1  }
0x4b3: {  	v2 =	vadd.f32 v4, v2  }
0x4b4: {  	v43 =	vpop (erf)  }
0x4b5: {  	v2 =	vmul.f32 v43, v2;
	_ =	sdelay $0x1  }
0x4b6: {  	v44 =	vadd.s32 $0x440, v0;
	v2 =	vmul.f32 $3.333333430e-01, v2;
	_ =	sdelay $0x1  }
0x4b7: {  	v45 =	vadd.s32 $0x441, v0;
	v2 =	vadd.f32 v2, v1;
	_ =	sdelay $0x1  }
0x4b8: {  	v46 =	vadd.s32 $0x442, v0;
	[tilespmem:$0x1FA30] =	vst v2  }
0x4b9: {  	v47 =	vld.idx.msk [tilespmem:v44+s4+$0x0], $0xffff  }
0x4ba: {  	v48 =	vadd.s32 $0x443, v0  }
0x4bb: {  	v49 =	vld.idx.msk [tilespmem:v45+s4+$0x0], $0xffff  }
0x4bc: {  	v50 =	vadd.s32 $0x444, v0  }
0x4bd: {  	v51 =	vld.idx.msk [tilespmem:v46+s4+$0x0], $0xffff  }
0x4be: {  	v52 =	vadd.s32 $0x445, v0;
	v5 =	vadd.f32 $0.0e+00, v47  }
0x4bf: {  	v53 =	vld.idx.msk [tilespmem:v48+s4+$0x0], $0xffff  }
0x4c0: {  	v54 =	vadd.s32 $0x446, v0;
	v5 =	vadd.f32 v49, v5  }
0x4c1: {  	v55 =	vld.idx.msk [tilespmem:v50+s4+$0x0], $0xffff  }
0x4c2: {  	v56 =	vadd.s32 $0x447, v0;
	v5 =	vadd.f32 v51, v5  }
0x4c3: {  	v57 =	vld.idx.msk [tilespmem:v52+s4+$0x0], $0xffff  }
0x4c4: {  	v58 =	vadd.s32 $0x448, v0;
	v3 =	vld.idx.msk [tilespmem:v44+s3+$0x0], $0xffff;
	v5 =	vadd.f32 v53, v5  }
0x4c5: {  	v59 =	vld.idx.msk [tilespmem:v54+s4+$0x0], $0xffff  }
0x4c6: {  	v60 =	vadd.s32 $0x449, v0;
	v4 =	vld.idx.msk [tilespmem:v45+s3+$0x0], $0xffff;
	v5 =	vadd.f32 v55, v5  }
0x4c7: {  	v61 =	vld.idx.msk [tilespmem:v56+s4+$0x0], $0xffff  }
0x4c8: {  	v62 =	vadd.s32 $0x44A, v0;
	v2 =	vld.idx.msk [tilespmem:v46+s3+$0x0], $0xffff;
	v5 =	vadd.f32 v57, v5  }
0x4c9: {  	v63 =	vld.idx.msk [tilespmem:v58+s4+$0x0], $0xffff;
	v3 =	vadd.f32 $0.0e+00, v3  }
0x4ca: {  	v20 =	vadd.s32 $0x44B, v0;
	v6 =	vld.idx.msk [tilespmem:v48+s3+$0x0], $0xffff;
	v5 =	vadd.f32 v59, v5  }
0x4cb: {  	v21 =	vld.idx.msk [tilespmem:v60+s4+$0x0], $0xffff;
	v3 =	vadd.f32 v4, v3  }
0x4cc: {  	v22 =	vadd.s32 $0x44C, v0;
	v8 =	vld.idx.msk [tilespmem:v50+s3+$0x0], $0xffff;
	v5 =	vadd.f32 v61, v5  }
0x4cd: {  	v23 =	vld.idx.msk [tilespmem:v62+s4+$0x0], $0xffff;
	v2 =	vadd.f32 v2, v3  }
0x4ce: {  	v24 =	vadd.s32 $0x44D, v0;
	v10 =	vld.idx.msk [tilespmem:v52+s3+$0x0], $0xffff;
	v5 =	vadd.f32 v63, v5  }
0x4cf: {  	v25 =	vld.idx.msk [tilespmem:v20+s4+$0x0], $0xffff;
	v2 =	vadd.f32 v6, v2  }
0x4d0: {  	v26 =	vadd.s32 $0x44E, v0;
	v7 =	vld.idx.msk [tilespmem:v54+s3+$0x0], $0xffff;
	v4 =	vadd.f32 v21, v5  }
0x4d1: {  	v27 =	vld.idx.msk [tilespmem:v22+s4+$0x0], $0xffff;
	v2 =	vadd.f32 v8, v2  }
0x4d2: {  	v28 =	vadd.s32 $0x44F, v0;
	v9 =	vld.idx.msk [tilespmem:v56+s3+$0x0], $0xffff;
	v3 =	vadd.f32 v23, v4  }
0x4d3: {  	v29 =	vld.idx.msk [tilespmem:v24+s4+$0x0], $0xffff;
	v2 =	vadd.f32 v10, v2  }
0x4d4: {  	v11 =	vld.idx.msk [tilespmem:v58+s3+$0x0], $0xffff;
	v3 =	vadd.f32 v25, v3  }
0x4d5: {  	v30 =	vld.idx.msk [tilespmem:v26+s4+$0x0], $0xffff;
	v2 =	vadd.f32 v7, v2  }
0x4d6: {  	v31 =	vld.idx.msk [tilespmem:v60+s3+$0x0], $0xffff;
	v3 =	vadd.f32 v27, v3  }
0x4d7: {  	v32 =	vld.idx.msk [tilespmem:v28+s4+$0x0], $0xffff;
	v2 =	vadd.f32 v9, v2  }
0x4d8: {  	v33 =	vld.idx.msk [tilespmem:v62+s3+$0x0], $0xffff;
	v3 =	vadd.f32 v29, v3  }
0x4d9: {  	v2 =	vadd.f32 v11, v2  }
0x4da: {  	v34 =	vld.idx.msk [tilespmem:v20+s3+$0x0], $0xffff;
	v3 =	vadd.f32 v30, v3  }
0x4db: {  	v2 =	vadd.f32 v31, v2  }
0x4dc: {  	v35 =	vld.idx.msk [tilespmem:v22+s3+$0x0], $0xffff;
	v3 =	vadd.f32 v32, v3  }
0x4dd: {  	v2 =	vadd.f32 v33, v2  }
0x4de: {  	v36 =	vld.idx.msk [tilespmem:v24+s3+$0x0], $0xffff;
	v3 =	vmax.f32 v3, $1.000000000e+00  }
0x4df: {  	v2 =	vadd.f32 v34, v2;
	(erf) = vrcp.f32 v3  }
0x4e0: {  	v37 =	vld.idx.msk [tilespmem:v26+s3+$0x0], $0xffff  }
0x4e1: {  	v2 =	vadd.f32 v35, v2  }
0x4e2: {  	v4 =	vld.idx.msk [tilespmem:v28+s3+$0x0], $0xffff  }
0x4e3: {  	v2 =	vadd.f32 v36, v2;
	_ =	sdelay $0x1  }
0x4e4: {  	v2 =	vadd.f32 v37, v2;
	_ =	sdelay $0x1  }
0x4e5: {  	v2 =	vadd.f32 v4, v2  }
0x4e6: {  	v38 =	vpop (erf)  }
0x4e7: {  	v2 =	vmul.f32 v38, v2;
	_ =	sdelay $0x1  }
0x4e8: {  	v39 =	vadd.s32 $0x550, v0;
	v2 =	vmul.f32 $3.333333430e-01, v2;
	_ =	sdelay $0x1  }
0x4e9: {  	v40 =	vadd.s32 $0x551, v0;
	v2 =	vadd.f32 v2, v1;
	_ =	sdelay $0x1  }
0x4ea: {  	v41 =	vadd.s32 $0x552, v0;
	[tilespmem:$0x1FA40] =	vst v2  }
0x4eb: {  	v42 =	vld.idx.msk [tilespmem:v39+s4+$0x0], $0xffff  }
0x4ec: {  	v43 =	vadd.s32 $0x553, v0  }
0x4ed: {  	v44 =	vld.idx.msk [tilespmem:v40+s4+$0x0], $0xffff  }
0x4ee: {  	v45 =	vadd.s32 $0x554, v0  }
0x4ef: {  	v46 =	vld.idx.msk [tilespmem:v41+s4+$0x0], $0xffff  }
0x4f0: {  	v47 =	vadd.s32 $0x555, v0;
	v5 =	vadd.f32 $0.0e+00, v42  }
0x4f1: {  	v48 =	vld.idx.msk [tilespmem:v43+s4+$0x0], $0xffff  }
0x4f2: {  	v49 =	vadd.s32 $0x556, v0;
	v5 =	vadd.f32 v44, v5  }
0x4f3: {  	v50 =	vld.idx.msk [tilespmem:v45+s4+$0x0], $0xffff  }
0x4f4: {  	v51 =	vadd.s32 $0x557, v0;
	v5 =	vadd.f32 v46, v5  }
0x4f5: {  	v52 =	vld.idx.msk [tilespmem:v47+s4+$0x0], $0xffff  }
0x4f6: {  	v53 =	vadd.s32 $0x558, v0;
	v3 =	vld.idx.msk [tilespmem:v39+s3+$0x0], $0xffff;
	v5 =	vadd.f32 v48, v5  }
0x4f7: {  	v54 =	vld.idx.msk [tilespmem:v49+s4+$0x0], $0xffff  }
0x4f8: {  	v55 =	vadd.s32 $0x559, v0;
	v4 =	vld.idx.msk [tilespmem:v40+s3+$0x0], $0xffff;
	v5 =	vadd.f32 v50, v5  }
0x4f9: {  	v56 =	vld.idx.msk [tilespmem:v51+s4+$0x0], $0xffff  }
0x4fa: {  	v57 =	vadd.s32 $0x55A, v0;
	v2 =	vld.idx.msk [tilespmem:v41+s3+$0x0], $0xffff;
	v5 =	vadd.f32 v52, v5  }
0x4fb: {  	v58 =	vld.idx.msk [tilespmem:v53+s4+$0x0], $0xffff;
	v3 =	vadd.f32 $0.0e+00, v3  }
0x4fc: {  	v59 =	vadd.s32 $0x55B, v0;
	v6 =	vld.idx.msk [tilespmem:v43+s3+$0x0], $0xffff;
	v5 =	vadd.f32 v54, v5  }
0x4fd: {  	v60 =	vld.idx.msk [tilespmem:v55+s4+$0x0], $0xffff;
	v3 =	vadd.f32 v4, v3  }
0x4fe: {  	v61 =	vadd.s32 $0x55C, v0;
	v8 =	vld.idx.msk [tilespmem:v45+s3+$0x0], $0xffff;
	v5 =	vadd.f32 v56, v5  }
0x4ff: {  	v62 =	vld.idx.msk [tilespmem:v57+s4+$0x0], $0xffff;
	v2 =	vadd.f32 v2, v3  }
0x500: {  	v63 =	vadd.s32 $0x55D, v0;
	v10 =	vld.idx.msk [tilespmem:v47+s3+$0x0], $0xffff;
	v5 =	vadd.f32 v58, v5  }
0x501: {  	v19 =	vld.idx.msk [tilespmem:v59+s4+$0x0], $0xffff;
	v2 =	vadd.f32 v6, v2  }
0x502: {  	v20 =	vadd.s32 $0x55E, v0;
	v7 =	vld.idx.msk [tilespmem:v49+s3+$0x0], $0xffff;
	v4 =	vadd.f32 v60, v5  }
0x503: {  	v21 =	vld.idx.msk [tilespmem:v61+s4+$0x0], $0xffff;
	v2 =	vadd.f32 v8, v2  }
0x504: {  	v22 =	vadd.s32 $0x55F, v0;
	v9 =	vld.idx.msk [tilespmem:v51+s3+$0x0], $0xffff;
	v3 =	vadd.f32 v62, v4  }
0x505: {  	v23 =	vld.idx.msk [tilespmem:v63+s4+$0x0], $0xffff;
	v2 =	vadd.f32 v10, v2  }
0x506: {  	v11 =	vld.idx.msk [tilespmem:v53+s3+$0x0], $0xffff;
	v3 =	vadd.f32 v19, v3  }
0x507: {  	v24 =	vld.idx.msk [tilespmem:v20+s4+$0x0], $0xffff;
	v2 =	vadd.f32 v7, v2  }
0x508: {  	v25 =	vld.idx.msk [tilespmem:v55+s3+$0x0], $0xffff;
	v3 =	vadd.f32 v21, v3  }
0x509: {  	v26 =	vld.idx.msk [tilespmem:v22+s4+$0x0], $0xffff;
	v2 =	vadd.f32 v9, v2  }
0x50a: {  	v27 =	vld.idx.msk [tilespmem:v57+s3+$0x0], $0xffff;
	v3 =	vadd.f32 v23, v3  }
0x50b: {  	v2 =	vadd.f32 v11, v2  }
0x50c: {  	v28 =	vld.idx.msk [tilespmem:v59+s3+$0x0], $0xffff;
	v3 =	vadd.f32 v24, v3  }
0x50d: {  	v2 =	vadd.f32 v25, v2  }
0x50e: {  	v29 =	vld.idx.msk [tilespmem:v61+s3+$0x0], $0xffff;
	v3 =	vadd.f32 v26, v3  }
0x50f: {  	v2 =	vadd.f32 v27, v2  }
0x510: {  	v30 =	vld.idx.msk [tilespmem:v63+s3+$0x0], $0xffff;
	v3 =	vmax.f32 v3, $1.000000000e+00  }
0x511: {  	v2 =	vadd.f32 v28, v2;
	(erf) = vrcp.f32 v3  }
0x512: {  	v31 =	vld.idx.msk [tilespmem:v20+s3+$0x0], $0xffff  }
0x513: {  	v2 =	vadd.f32 v29, v2  }
0x514: {  	v4 =	vld.idx.msk [tilespmem:v22+s3+$0x0], $0xffff  }
0x515: {  	v2 =	vadd.f32 v30, v2;
	_ =	sdelay $0x1  }
0x516: {  	v2 =	vadd.f32 v31, v2;
	_ =	sdelay $0x1  }
0x517: {  	v2 =	vadd.f32 v4, v2  }
0x518: {  	v32 =	vpop (erf)  }
0x519: {  	v2 =	vmul.f32 v32, v2;
	_ =	sdelay $0x1  }
0x51a: {  	v33 =	vadd.s32 $0x660, v0;
	v2 =	vmul.f32 $3.333333430e-01, v2;
	_ =	sdelay $0x1  }
0x51b: {  	v34 =	vadd.s32 $0x661, v0;
	v2 =	vadd.f32 v2, v1;
	_ =	sdelay $0x1  }
0x51c: {  	v35 =	vadd.s32 $0x662, v0;
	[tilespmem:$0x1FA50] =	vst v2  }
0x51d: {  	v36 =	vld.idx.msk [tilespmem:v33+s4+$0x0], $0xffff  }
0x51e: {  	v37 =	vadd.s32 $0x663, v0  }
0x51f: {  	v38 =	vld.idx.msk [tilespmem:v34+s4+$0x0], $0xffff  }
0x520: {  	v39 =	vadd.s32 $0x664, v0  }
0x521: {  	v40 =	vld.idx.msk [tilespmem:v35+s4+$0x0], $0xffff  }
0x522: {  	v41 =	vadd.s32 $0x665, v0;
	v5 =	vadd.f32 $0.0e+00, v36  }
0x523: {  	v42 =	vld.idx.msk [tilespmem:v37+s4+$0x0], $0xffff  }
0x524: {  	v43 =	vadd.s32 $0x666, v0;
	v5 =	vadd.f32 v38, v5  }
0x525: {  	v44 =	vld.idx.msk [tilespmem:v39+s4+$0x0], $0xffff  }
0x526: {  	v45 =	vadd.s32 $0x667, v0;
	v5 =	vadd.f32 v40, v5  }
0x527: {  	v46 =	vld.idx.msk [tilespmem:v41+s4+$0x0], $0xffff  }
0x528: {  	v47 =	vadd.s32 $0x668, v0;
	v3 =	vld.idx.msk [tilespmem:v33+s3+$0x0], $0xffff;
	v5 =	vadd.f32 v42, v5  }
0x529: {  	v48 =	vld.idx.msk [tilespmem:v43+s4+$0x0], $0xffff  }
0x52a: {  	v49 =	vadd.s32 $0x669, v0;
	v4 =	vld.idx.msk [tilespmem:v34+s3+$0x0], $0xffff;
	v5 =	vadd.f32 v44, v5  }
0x52b: {  	v50 =	vld.idx.msk [tilespmem:v45+s4+$0x0], $0xffff  }
0x52c: {  	v51 =	vadd.s32 $0x66A, v0;
	v2 =	vld.idx.msk [tilespmem:v35+s3+$0x0], $0xffff;
	v5 =	vadd.f32 v46, v5  }
0x52d: {  	v52 =	vld.idx.msk [tilespmem:v47+s4+$0x0], $0xffff;
	v3 =	vadd.f32 $0.0e+00, v3  }
0x52e: {  	v53 =	vadd.s32 $0x66B, v0;
	v6 =	vld.idx.msk [tilespmem:v37+s3+$0x0], $0xffff;
	v5 =	vadd.f32 v48, v5  }
0x52f: {  	v54 =	vld.idx.msk [tilespmem:v49+s4+$0x0], $0xffff;
	v3 =	vadd.f32 v4, v3  }
0x530: {  	v55 =	vadd.s32 $0x66C, v0;
	v8 =	vld.idx.msk [tilespmem:v39+s3+$0x0], $0xffff;
	v5 =	vadd.f32 v50, v5  }
0x531: {  	v56 =	vld.idx.msk [tilespmem:v51+s4+$0x0], $0xffff;
	v2 =	vadd.f32 v2, v3  }
0x532: {  	v57 =	vadd.s32 $0x66D, v0;
	v10 =	vld.idx.msk [tilespmem:v41+s3+$0x0], $0xffff;
	v5 =	vadd.f32 v52, v5  }
0x533: {  	v58 =	vld.idx.msk [tilespmem:v53+s4+$0x0], $0xffff;
	v2 =	vadd.f32 v6, v2  }
0x534: {  	v59 =	vadd.s32 $0x66E, v0;
	v7 =	vld.idx.msk [tilespmem:v43+s3+$0x0], $0xffff;
	v4 =	vadd.f32 v54, v5  }
0x535: {  	v60 =	vld.idx.msk [tilespmem:v55+s4+$0x0], $0xffff;
	v2 =	vadd.f32 v8, v2  }
0x536: {  	v61 =	vadd.s32 $0x66F, v0;
	v9 =	vld.idx.msk [tilespmem:v45+s3+$0x0], $0xffff;
	v3 =	vadd.f32 v56, v4  }
0x537: {  	v62 =	vld.idx.msk [tilespmem:v57+s4+$0x0], $0xffff;
	v2 =	vadd.f32 v10, v2  }
0x538: {  	v11 =	vld.idx.msk [tilespmem:v47+s3+$0x0], $0xffff;
	v3 =	vadd.f32 v58, v3  }
0x539: {  	v63 =	vld.idx.msk [tilespmem:v59+s4+$0x0], $0xffff;
	v2 =	vadd.f32 v7, v2  }
0x53a: {  	v12 =	vld.idx.msk [tilespmem:v49+s3+$0x0], $0xffff;
	v3 =	vadd.f32 v60, v3  }
0x53b: {  	v17 =	vld.idx.msk [tilespmem:v61+s4+$0x0], $0xffff;
	v2 =	vadd.f32 v9, v2  }
0x53c: {  	v18 =	vld.idx.msk [tilespmem:v51+s3+$0x0], $0xffff;
	v3 =	vadd.f32 v62, v3  }
0x53d: {  	v2 =	vadd.f32 v11, v2  }
0x53e: {  	v19 =	vld.idx.msk [tilespmem:v53+s3+$0x0], $0xffff;
	v3 =	vadd.f32 v63, v3  }
0x53f: {  	v2 =	vadd.f32 v12, v2  }
0x540: {  	v20 =	vld.idx.msk [tilespmem:v55+s3+$0x0], $0xffff;
	v3 =	vadd.f32 v17, v3  }
0x541: {  	v2 =	vadd.f32 v18, v2  }
0x542: {  	v21 =	vld.idx.msk [tilespmem:v57+s3+$0x0], $0xffff;
	v3 =	vmax.f32 v3, $1.000000000e+00  }
0x543: {  	v2 =	vadd.f32 v19, v2;
	(erf) = vrcp.f32 v3  }
0x544: {  	v22 =	vld.idx.msk [tilespmem:v59+s3+$0x0], $0xffff  }
0x545: {  	v2 =	vadd.f32 v20, v2  }
0x546: {  	v4 =	vld.idx.msk [tilespmem:v61+s3+$0x0], $0xffff  }
0x547: {  	v2 =	vadd.f32 v21, v2;
	_ =	sdelay $0x1  }
0x548: {  	v2 =	vadd.f32 v22, v2;
	_ =	sdelay $0x1  }
0x549: {  	v2 =	vadd.f32 v4, v2  }
0x54a: {  	v23 =	vpop (erf)  }
0x54b: {  	v2 =	vmul.f32 v23, v2;
	_ =	sdelay $0x1  }
0x54c: {  	v24 =	vadd.s32 $0x770, v0;
	v2 =	vmul.f32 $3.333333430e-01, v2;
	_ =	sdelay $0x1  }
0x54d: {  	v25 =	vadd.s32 $0x771, v0;
	v2 =	vadd.f32 v2, v1;
	_ =	sdelay $0x1  }
0x54e: {  	v26 =	vadd.s32 $0x772, v0;
	[tilespmem:$0x1FA60] =	vst v2  }
0x54f: {  	v27 =	vld.idx.msk [tilespmem:v24+s4+$0x0], $0xffff  }
0x550: {  	v28 =	vadd.s32 $0x773, v0  }
0x551: {  	v29 =	vld.idx.msk [tilespmem:v25+s4+$0x0], $0xffff  }
0x552: {  	v30 =	vadd.s32 $0x774, v0  }
0x553: {  	v31 =	vld.idx.msk [tilespmem:v26+s4+$0x0], $0xffff  }
0x554: {  	v32 =	vadd.s32 $0x775, v0;
	v5 =	vadd.f32 $0.0e+00, v27  }
0x555: {  	v33 =	vld.idx.msk [tilespmem:v28+s4+$0x0], $0xffff  }
0x556: {  	v34 =	vadd.s32 $0x776, v0;
	v5 =	vadd.f32 v29, v5  }
0x557: {  	v35 =	vld.idx.msk [tilespmem:v30+s4+$0x0], $0xffff  }
0x558: {  	v36 =	vadd.s32 $0x777, v0;
	v5 =	vadd.f32 v31, v5  }
0x559: {  	v37 =	vld.idx.msk [tilespmem:v32+s4+$0x0], $0xffff  }
0x55a: {  	v38 =	vadd.s32 $0x778, v0;
	v3 =	vld.idx.msk [tilespmem:v24+s3+$0x0], $0xffff;
	v5 =	vadd.f32 v33, v5  }
0x55b: {  	v39 =	vld.idx.msk [tilespmem:v34+s4+$0x0], $0xffff  }
0x55c: {  	v40 =	vadd.s32 $0x779, v0;
	v4 =	vld.idx.msk [tilespmem:v25+s3+$0x0], $0xffff;
	v5 =	vadd.f32 v35, v5  }
0x55d: {  	v41 =	vld.idx.msk [tilespmem:v36+s4+$0x0], $0xffff  }
0x55e: {  	v42 =	vadd.s32 $0x77A, v0;
	v2 =	vld.idx.msk [tilespmem:v26+s3+$0x0], $0xffff;
	v5 =	vadd.f32 v37, v5  }
0x55f: {  	v43 =	vld.idx.msk [tilespmem:v38+s4+$0x0], $0xffff;
	v3 =	vadd.f32 $0.0e+00, v3  }
0x560: {  	v44 =	vadd.s32 $0x77B, v0;
	v6 =	vld.idx.msk [tilespmem:v28+s3+$0x0], $0xffff;
	v5 =	vadd.f32 v39, v5  }
0x561: {  	v45 =	vld.idx.msk [tilespmem:v40+s4+$0x0], $0xffff;
	v3 =	vadd.f32 v4, v3  }
0x562: {  	v46 =	vadd.s32 $0x77C, v0;
	v8 =	vld.idx.msk [tilespmem:v30+s3+$0x0], $0xffff;
	v5 =	vadd.f32 v41, v5  }
0x563: {  	v47 =	vld.idx.msk [tilespmem:v42+s4+$0x0], $0xffff;
	v2 =	vadd.f32 v2, v3  }
0x564: {  	v48 =	vadd.s32 $0x77D, v0;
	v10 =	vld.idx.msk [tilespmem:v32+s3+$0x0], $0xffff;
	v5 =	vadd.f32 v43, v5  }
0x565: {  	v49 =	vld.idx.msk [tilespmem:v44+s4+$0x0], $0xffff;
	v2 =	vadd.f32 v6, v2  }
0x566: {  	v50 =	vadd.s32 $0x77E, v0;
	v7 =	vld.idx.msk [tilespmem:v34+s3+$0x0], $0xffff;
	v4 =	vadd.f32 v45, v5  }
0x567: {  	v51 =	vld.idx.msk [tilespmem:v46+s4+$0x0], $0xffff;
	v2 =	vadd.f32 v8, v2  }
0x568: {  	v0 =	vadd.s32 $0x77F, v0;
	v52 =	vld.idx.msk [tilespmem:v36+s3+$0x0], $0xffff;
	v3 =	vadd.f32 v47, v4  }
0x569: {  	v53 =	vld.idx.msk [tilespmem:v48+s4+$0x0], $0xffff;
	v2 =	vadd.f32 v10, v2  }
0x56a: {  	v54 =	vld.idx.msk [tilespmem:v38+s3+$0x0], $0xffff;
	v3 =	vadd.f32 v49, v3  }
0x56b: {  	v55 =	vld.idx.msk [tilespmem:v50+s4+$0x0], $0xffff;
	v2 =	vadd.f32 v7, v2  }
0x56c: {  	v56 =	vld.idx.msk [tilespmem:v40+s3+$0x0], $0xffff;
	v3 =	vadd.f32 v51, v3  }
0x56d: {  	v57 =	vld.idx.msk [tilespmem:v0+s4+$0x0], $0xffff;
	v2 =	vadd.f32 v52, v2  }
0x56e: {  	v58 =	vld.idx.msk [tilespmem:v42+s3+$0x0], $0xffff;
	v3 =	vadd.f32 v53, v3  }
0x56f: {  	v2 =	vadd.f32 v54, v2  }
0x570: {  	v59 =	vld.idx.msk [tilespmem:v44+s3+$0x0], $0xffff;
	v3 =	vadd.f32 v55, v3  }
0x571: {  	v2 =	vadd.f32 v56, v2  }
0x572: {  	v60 =	vld.idx.msk [tilespmem:v46+s3+$0x0], $0xffff;
	v3 =	vadd.f32 v57, v3  }
0x573: {  	v2 =	vadd.f32 v58, v2  }
0x574: {  	v61 =	vld.idx.msk [tilespmem:v48+s3+$0x0], $0xffff;
	v3 =	vmax.f32 v3, $1.000000000e+00  }
0x575: {  	v2 =	vadd.f32 v59, v2;
	(erf) = vrcp.f32 v3  }
0x576: {  	v62 =	vld.idx.msk [tilespmem:v50+s3+$0x0], $0xffff  }
0x577: {  	v2 =	vadd.f32 v60, v2  }
0x578: {  	v0 =	vld.idx.msk [tilespmem:v0+s3+$0x0], $0xffff  }
0x579: {  	v2 =	vadd.f32 v61, v2;
	_ =	sdelay $0x1  }
0x57a: {  	v2 =	vadd.f32 v62, v2;
	_ =	sdelay $0x1  }
0x57b: {  	v0 =	vadd.f32 v0, v2  }
0x57c: {  	v63 =	vpop (erf)  }
0x57d: {  	v0 =	vmul.f32 v63, v0;
	_ =	sdelay $0x1  }
0x57e: {  	v0 =	vmul.f32 $3.333333430e-01, v0;
	_ =	sdelay $0x1  }
0x57f: {  	v0 =	vadd.f32 v0, v1  }
0x580: {  	s29 =	simm.s32 $0x0  }
0x581: {  	s1 =	simm.s32 $0x1FA00;
	s30 =	simm.s32 $0x1;
	s2 =	rddreg [dreg:$0x4];
	[tilespmem:$0x1FA70] =	vst v0  }
0x582: {  	[hbm4b:s2+s29] =	stream.linear.scatter [tilespmem:s1], [sflag:$0x1], $0x80, $0x38;
	[tilespmem:$0x1FAA0] =	vst v63  }
0x583: {  	_ =	swait.ge [sflag:s30], $0x80  }
0x584: {  	[sflag:s30] =	ssyncset.done $0x0  }
0x585: {  	[sflag:s30] =	ssyncadd.s32 $0xFFFFFF80  }
0x586: {  	_ =	sfence.sel $0x180000  }
0x587: {  	[bflag:$0x0] =	sbarrier.arrive $0xFFFF  }
0x588: {  	_ =	strace $0x90000047  }
0x589: {  	s31 =	stileid.u32;
	[bflag:$0x2] =	sbarrier.arrive $0xFFFF  }
0x58a: {  	p0 =	sne.s32 s31, $0x0;
	s0 =	rddreg [dreg:$0x3]  }
0x58b: {  	s0 =	sadd.s32 @!p0 $0x100000, s0  }
0x58c: {  	[sflag:s0] =	ssyncadd.tile.s32 @!p0 $0x1;
	_ =	shalt  }
.Lfunc_end2:
_tile_overlayer_lowered:
.L_overlay_start_2:
0x58d: {  	(tag) =	ssettag $0x2  }
0x58e: {  	s0 =	rddreg [dreg:$0x0];
	s2 =	stileid.u32  }
0x58f: {  	s1 =	rddreg [dreg:$0x1];
	p0 =	sne.s32 s2, $0x0  }
0x590: {  	s3 =	rddreg [dreg:$0x2];
	[bflag:$0x3] =	sbarrier.arrive $0xFFFF;
	s2 =	simm.s32 @!p0 $0x1C01  }
0x591: {  	[timem:s3], [sflag:s2] =	dma.local @!p0 [hbm:s0], s1  }
0x592: {  	s0 =	simm.s32 @!p0 $0x1  }
0x593: {  	_ =	swait.ge @!p0 [sflag:s0], s1  }
0x594: {  	s1 =	ssub.s32 @!p0 $0x0, s1;
	[sflag:s0] =	ssyncset.done @!p0 $0x0  }
0x595: {  	[sflag:s0] =	ssyncadd.s32 @!p0 s1  }
0x596: {  	[bflag:$0x3] =	sbarrier.arrive $0xFFFF  }
0x597: {  	_ =	shalt  }

</sc_bundles>
